<compile_context>
chip_gen: v7x
topology: tpu7x:2x2x1
jax: 0.10.2.dev20260603
libtpu: 0.0.44.dev20260713+nightly
codegen_flags: <defaults>
</compile_context>

<pallas_src>
import functools

import jax
import jax.numpy as jnp
import numpy as np
from jax import lax
from jax.experimental import pallas as pl
from jax.experimental.pallas import tpu as pltpu
from jax.experimental.pallas import tpu_sc as plsc

_N = 8192
_G = 128
_D = 1024
_L = 1024
_K = 128
_BN = 2048

_NC = 2
_NS = 16
_NW = _NC * _NS
_SEG_PER_W = _G // _NW
_LANES = 16

_NEG = np.float32(-3.4e38)

_U1_HEX = (
    "187c713e28e2693e3c6ca13e68a9b83ef8a4e33ec28e7a3fd0dc533ee892fa3ea022a73e"
    "f0071e3fda5f673fdcf60f3f64a21d3f56bf5d3fc49c173fcc72dc3ec070143e18d5ca3e"
    "8483be3eee66513f1c17d43e5c6ba23e54d1c73ef6451b3f0089603d6050783d50451e3e"
    "523e153f9250603fc44c0f3f2688423fc85fe03ea8e4983e20c81e3e24b4323f6a5a713f"
    "5a61433fdcd2643f128d393f3e79213fb85ca93e9c00a13ee0d1643e8af32e3f8ec2173f"
    "84c05b3fcea63f3f1e5d463f00bfc03b5c54203f742dee3e0a233f3f0064443f629b073f"
    "c039073d3a715a3f30df763e2cd1653f40da3d3ea0f01f3f0c0de13e009c9a3df47b153f"
    "64e8d13ef849763f6cdbf23e6c5a173fda31073f5e07793f005e623c1096e83d12fb263f"
    "f035923ecc524c3f182ebe3e724f5e3f007a163ebef7113f201d5c3d8c14483f8692373f"
    "902d533ecc89863ed42e963eec6d973e68c9d23e3886e93ed053333fee4a4c3fa051413e"
    "c4a1b63e1638753fa0aab73db83aae3ea8740f3ec0e9b23e02f36b3ffc09453f3c49683f"
    "4c6e603f24dabb3ef47c893e20a8e43d6c5d6f3f0ca3ce3efeaa323fa4a2a23e00a5cf3c"
    "9a06333f30f01c3f00da0c3cc8f92b3f6230263f46b1423f2094af3d4ce6123fee5a4d3f"
    "e8219b3e6c49a33efa03033fc824b63e00a4e03ceee9363f36e95a3f009b563e405ba53e"
    "a0bd023da8604a3e"
)
_U2_HEX = (
    "b43dd53e206f183e38396b3e3c46453fc00e723f544e2d3f847c0d3f9817d73e78de183f"
    "5817693f00f5fb3eccf1073f98b20c3ebe02033f80e7393dc0dce03e8221223f1ad0373f"
    "1016743fde4e743f6452093f88752b3ec46c953ef8e3a43ee638643f26154e3f5cd5ec3e"
    "522e293f4e31683fa6b61f3fb870ee3ee4e0f23e80d5413d526e3a3ff0f6e23e5814b63e"
    "24f99b3e6412c13e3254233fa8371f3ebc954d3f4caa9d3eb0a6483e6c38eb3ecc88fd3e"
    "c87b583f665a413f545c7c3fd65a223fb088593e2c9f063ff65e6e3f2063243d440d993e"
    "54249c3ea8a0bf3edc7f3b3f5c1b883e308a573f40fbca3c882a643fe8e7fe3eac7bf23e"
    "12905f3f4880343e0e2d4c3fc0f9363ec0b1353e04cf583f001b433d585e493f001f3e3d"
    "d036cb3e9819ea3ec0277f3e74aaf53e5cde9b3ea039cc3d8e274a3f9cb4903ea294263f"
    "9817503fc0d2d63c3837413fae40533fe8ba0d3f8038223c04096e3fc86aca3e082b353e"
    "de226d3f9040573e40a6433e54bda03e20a8773f60adef3e7808393e500c133e88c0753f"
    "3806053ee099243d0e4c133fe4e0f83eb88a243ffe8a6f3fdaba413f20ab5f3d98bf233e"
    "c095f13cd85c963e8436ef3e58dacc3e00ed833c9a9c1a3f7e8f773f2064623f0042763c"
    "322e303f188e0b3ed0545f3fa4dbcc3ec0c89b3c388b7b3e8457a13eb8c1413e6675403f"
    "b0dbcc3e501f323e"
)
_U1 = np.frombuffer(bytes.fromhex(_U1_HEX), dtype=np.float32).copy()
_U2 = np.frombuffer(bytes.fromhex(_U2_HEX), dtype=np.float32).copy()



def _mlp_body(x_ref, w1_ref, b1_ref, w2_ref, b2_ref, w3_ref, b3_ref,
              eabs_ref, es_ref):
    h = jnp.dot(x_ref[...], w1_ref[...], preferred_element_type=jnp.float32)
    h = jnp.maximum(h + b1_ref[...], 0.0)
    h = jnp.dot(h, w2_ref[...], preferred_element_type=jnp.float32)
    h = jnp.maximum(h + b2_ref[...], 0.0)
    l = jnp.dot(h, w3_ref[...], preferred_element_type=jnp.float32) + b3_ref[...]
    eabs = jnp.exp(l)
    eabs_ref[...] = eabs
    es_ref[...] = jnp.sum(eabs, axis=1, keepdims=True)


def _mlp_masses(x, W1, b1, W2, b2, W3, b3):
    nblk = _N // _BN
    out_shapes = (
        jax.ShapeDtypeStruct((_N, _K), jnp.float32),
        jax.ShapeDtypeStruct((_N, 1), jnp.float32),
    )
    return pl.pallas_call(
        _mlp_body,
        grid=(nblk,),
        in_specs=[
            pl.BlockSpec((_BN, _D), lambda i: (i, 0)),
            pl.BlockSpec((_D, _L), lambda i: (0, 0)),
            pl.BlockSpec((1, _L), lambda i: (0, 0)),
            pl.BlockSpec((_L, _L), lambda i: (0, 0)),
            pl.BlockSpec((1, _L), lambda i: (0, 0)),
            pl.BlockSpec((_L, _K), lambda i: (0, 0)),
            pl.BlockSpec((1, _K), lambda i: (0, 0)),
        ],
        out_specs=(
            pl.BlockSpec((_BN, _K), lambda i: (i, 0)),
            pl.BlockSpec((_BN, 1), lambda i: (i, 0)),
        ),
        out_shape=out_shapes,
    )(x, W1, b1.reshape(1, _L), W2, b2.reshape(1, _L), W3, b3.reshape(1, _K))



_SEG16 = _G // _NS


def _sc_body(es_hbm, sid_hbm, stop_hbm, u1_hbm, u2_hbm, eabs_hbm,
             u_out, stop_out, node_out, spec_out,
             sid_v, es_v, cs_v, stop_v, u1_v, u2_v, rows_v, spc_v, tmp_v,
             st_u, st_stop, st_node, st_spec, sem, sem2):
    cidx = lax.axis_index("c")
    wid = lax.axis_index("s")
    iota = lax.iota(jnp.int32, _LANES)

    def splat(ref, g):
        return plsc.load_gather(ref, [jnp.full((_LANES,), g, jnp.int32)])

    h_in = [
        pltpu.async_copy(sid_hbm, sid_v.at[pl.ds(0, _N)], sem2),
        pltpu.async_copy(es_hbm, es_v.at[pl.ds(0, _N)], sem2),
        pltpu.async_copy(stop_hbm, stop_v, sem2),
        pltpu.async_copy(u1_hbm, u1_v, sem2),
        pltpu.async_copy(u2_hbm, u2_v, sem2),
    ]
    for h in h_in:
        h.wait()
    es_v[pl.ds(_N, _LANES)] = jnp.zeros((_LANES,), jnp.float32)

    g0 = wid * _SEG16

    gl = g0 + jnp.minimum(iota, _SEG16)
    pos = jnp.zeros((_LANES,), jnp.int32)
    b = _N // 2
    while b >= 1:
        probe = pos + (b - 1)
        v = plsc.load_gather(sid_v, [probe])
        pos = jnp.where(v < gl, pos + b, pos)
        b //= 2
    pos = jnp.where(gl >= jnp.int32(_G), jnp.int32(_N), pos)
    starts = [pos[jj] for jj in range(_SEG16 + 1)]

    res_u = jnp.zeros((_LANES,), jnp.float32)
    res_stop = jnp.zeros((_LANES,), jnp.float32)
    r1v = jnp.zeros((_LANES,), jnp.float32)

    for j in range(_SEG16):
        s = starts[j]
        e = starts[j + 1]
        nch = lax.div(e - s + (_LANES - 1), _LANES)

        def body_b(k, carryv, s=s, e=e):
            off = s + k * _LANES
            ve = es_v[pl.ds(off, _LANES)]
            mask = (off + iota) < e
            cum = plsc.cumsum(jnp.where(mask, ve, 0.0)) + carryv
            cs_v[pl.ds(off, _LANES)] = cum
            return splat(cs_v, off + (_LANES - 1))

        tvec = pl.loop(0, nch,
                       init_carry=jnp.zeros((_LANES,), jnp.float32))(body_b)

        expstop = jnp.exp(splat(stop_v, g0 + j))
        norm_vec = tvec + expstop
        res_u = jnp.where(iota == j, jnp.float32(1.0) / norm_vec, res_u)
        res_stop = jnp.where(iota == j, expstop / norm_vec, res_stop)
        r1j = tvec * (jnp.float32(1.0) - splat(u1_v, g0 + j))
        r1v = jnp.where(iota == j, r1j, r1v)

    s_vec = pos
    e_vec = jnp.zeros((_LANES,), jnp.int32)
    for j in range(_SEG16):
        e_vec = jnp.where(iota == j, starts[j + 1], e_vec)
    span = e_vec - s_vec
    o = jnp.zeros((_LANES,), jnp.int32)
    b = _N // 2
    while b >= 1:
        cand = o + b
        probe = jnp.minimum(s_vec + cand - 1, jnp.int32(_N - 1))
        v = plsc.load_gather(cs_v, [probe])
        ok = jnp.logical_and(cand <= span, v < r1v)
        o = jnp.where(ok, cand, o)
        b //= 2
    node_vec = s_vec + jnp.minimum(o, span - 1)
    res_node = jnp.where(iota < _SEG16, node_vec, 0)

    handles = [
        pltpu.async_copy(eabs_hbm.at[node_vec[j]], rows_v.at[j], sem)
        for j in range(_SEG16)
    ]
    for h in handles:
        h.wait()

    res_spec = jnp.zeros((_LANES,), jnp.int32)
    for j in range(_SEG16):
        carryv = jnp.zeros((_LANES,), jnp.float32)
        for kk in range(_K // _LANES):
            cum = plsc.cumsum(rows_v[j, pl.ds(kk * _LANES, _LANES)]) + carryv
            spc_v[pl.ds(kk * _LANES, _LANES)] = cum
            carryv = splat(spc_v, kk * _LANES + (_LANES - 1))
        r2v = carryv * (jnp.float32(1.0) - splat(u2_v, g0 + j))
        cnt = jnp.zeros((_LANES,), jnp.int32)
        for kk in range(_K // _LANES):
            cnt = cnt + (spc_v[pl.ds(kk * _LANES, _LANES)] < r2v).astype(jnp.int32)
        tmp_v[...] = plsc.cumsum(cnt)
        spv = jnp.minimum(splat(tmp_v, _LANES - 1), jnp.int32(_K - 1))
        res_spec = jnp.where(iota == j, spv, res_spec)

    @pl.when(cidx == 0)
    def _publish():
        st_u[...] = res_u
        st_stop[...] = res_stop
        st_node[...] = res_node
        st_spec[...] = res_spec
        hs = [
            pltpu.async_copy(st_u.at[pl.ds(0, _SEG16)],
                             u_out.at[pl.ds(g0, _SEG16)], sem),
            pltpu.async_copy(st_stop.at[pl.ds(0, _SEG16)],
                             stop_out.at[pl.ds(g0, _SEG16)], sem),
            pltpu.async_copy(st_node.at[pl.ds(0, _SEG16)],
                             node_out.at[pl.ds(g0, _SEG16)], sem),
            pltpu.async_copy(st_spec.at[pl.ds(0, _SEG16)],
                             spec_out.at[pl.ds(g0, _SEG16)], sem),
        ]
        for h in hs:
            h.wait()


def _sc_segment_sample(es, sid, stop, u1, u2, eabs):
    mesh = plsc.VectorSubcoreMesh(core_axis_name="c", subcore_axis_name="s")
    fn = pl.kernel(
        _sc_body,
        out_type=[
            jax.ShapeDtypeStruct((_G,), jnp.float32),
            jax.ShapeDtypeStruct((_G,), jnp.float32),
            jax.ShapeDtypeStruct((_G,), jnp.int32),
            jax.ShapeDtypeStruct((_G,), jnp.int32),
        ],
        mesh=mesh,
        compiler_params=pltpu.CompilerParams(needs_layout_passes=False),
        scratch_types=[
            pltpu.VMEM((_N + _LANES,), jnp.int32),
            pltpu.VMEM((_N + _LANES,), jnp.float32),
            pltpu.VMEM((_N + _LANES,), jnp.float32),
            pltpu.VMEM((_G,), jnp.float32),
            pltpu.VMEM((_G,), jnp.float32),
            pltpu.VMEM((_G,), jnp.float32),
            pltpu.VMEM((_SEG16, _K), jnp.float32),
            pltpu.VMEM((_K,), jnp.float32),
            pltpu.VMEM((_LANES,), jnp.int32),
            pltpu.VMEM((_LANES,), jnp.float32),
            pltpu.VMEM((_LANES,), jnp.float32),
            pltpu.VMEM((_LANES,), jnp.int32),
            pltpu.VMEM((_LANES,), jnp.int32),
            pltpu.SemaphoreType.DMA,
            pltpu.SemaphoreType.DMA,
        ],
    )
    return fn(es, sid, stop, u1, u2, eabs)



def _probs_body(e_ref, sid_ref, u_ref, out_ref):
    sid = sid_ref[...]
    g = lax.broadcasted_iota(jnp.int32, (1, _G), 1)
    onehot = (sid == g).astype(jnp.float32)
    ucol = jnp.transpose(u_ref[...], (1, 0))
    t = jnp.dot(onehot, ucol, preferred_element_type=jnp.float32)
    out_ref[...] = e_ref[...] * t


_BN2 = 4096


def _probs(eabs, sid2d, U):
    return pl.pallas_call(
        _probs_body,
        grid=(_N // _BN2,),
        in_specs=[
            pl.BlockSpec((_BN2, _K), lambda i: (i, 0)),
            pl.BlockSpec((_BN2, 1), lambda i: (i, 0)),
            pl.BlockSpec((1, _G), lambda i: (0, 0)),
        ],
        out_specs=pl.BlockSpec((_BN2, _K), lambda i: (i, 0)),
        out_shape=jax.ShapeDtypeStruct((_N, _K), jnp.float32),
    )(eabs, sid2d, U.reshape(1, _G))



def kernel(node_embeddings, stop_logits, segment_ids, W1, b1, W2, b2, W3, b3):
    eabs, es2 = _mlp_masses(node_embeddings, W1, b1, W2, b2, W3, b3)
    U, stop_probs, node_indices, species_indices = _sc_segment_sample(
        es2.reshape(_N), segment_ids, stop_logits,
        jnp.asarray(_U1), jnp.asarray(_U2), eabs)
    species_probs = _probs(eabs, segment_ids.reshape(_N, 1), U)
    return species_probs, stop_probs, node_indices, species_indices

# --- scband reference (transcript-rebuilt; emitter-appended) ---
"""Pipeline reference for scband-predictor-84232898609303 (READ-ONLY COPY).

The authoritative reference and input builder live on the scoring server;
editing this copy changes nothing except your own understanding.
"""

import jax, jax.numpy as jnp
import numpy as np

NUM_NODES = 8192
NUM_SEGMENTS = 128
D = 1024
LATENT = 1024
NUM_SPECIES = 128


def setup_inputs(seed: int = 0) -> dict:
    key = jax.random.key(seed)
    ks = jax.random.split(key, 10)
    node_embeddings = jax.random.normal(ks[0], (NUM_NODES, D), dtype=jnp.float32)
    stop_logits = jax.random.normal(ks[1], (NUM_SEGMENTS,), dtype=jnp.float32)
    # sorted segment ids; guarantee every segment non-empty for numerical sanity
    rest = jax.random.randint(ks[2], (NUM_NODES - NUM_SEGMENTS,), 0, NUM_SEGMENTS)
    segment_ids = jnp.sort(jnp.concatenate([jnp.arange(NUM_SEGMENTS), rest])).astype(jnp.int32)
    W1 = jax.random.normal(ks[3], (D, LATENT), dtype=jnp.float32) / np.sqrt(D)
    b1 = jnp.zeros((LATENT,), dtype=jnp.float32)
    W2 = jax.random.normal(ks[4], (LATENT, LATENT), dtype=jnp.float32) / np.sqrt(LATENT)
    b2 = jnp.zeros((LATENT,), dtype=jnp.float32)
    W3 = jax.random.normal(ks[5], (LATENT, NUM_SPECIES), dtype=jnp.float32) / np.sqrt(LATENT)
    b3 = jnp.zeros((NUM_SPECIES,), dtype=jnp.float32)
    return {"node_embeddings": node_embeddings, "stop_logits": stop_logits,
            "segment_ids": segment_ids, "W1": W1, "b1": b1, "W2": W2, "b2": b2,
            "W3": W3, "b3": b3}


def _mlp(x, W1, b1, W2, b2, W3, b3):
    h = jax.nn.relu(x @ W1 + b1)
    h = jax.nn.relu(h @ W2 + b2)
    return h @ W3 + b3  # species logits, [N, num_species]


def _segment_softmax_2D_with_stop(species_logits, stop_logits, segment_ids, num_segments):
    logits_max = jax.ops.segment_max(species_logits, segment_ids, num_segments=num_segments).max(axis=-1)
    logits_max = jnp.maximum(logits_max, stop_logits)
    logits_max = jax.lax.stop_gradient(logits_max)
    species_logits = species_logits - logits_max[segment_ids, None]
    stop_logits = stop_logits - logits_max
    exp_species_logits = jnp.exp(species_logits)
    exp_species_logits_summed = jnp.sum(exp_species_logits, axis=-1)
    normalizing_factors = jax.ops.segment_sum(exp_species_logits_summed, segment_ids, num_segments=num_segments)
    exp_stop_logits = jnp.exp(stop_logits)
    normalizing_factors = normalizing_factors + exp_stop_logits
    species_probs = exp_species_logits / normalizing_factors[segment_ids, None]
    stop_probs = exp_stop_logits / normalizing_factors
    return species_probs, stop_probs


def _segment_sample_2D(species_probabilities, segment_ids, num_segments, rng):
    num_nodes, num_species = species_probabilities.shape
    probs_summed = jax.ops.segment_sum(species_probabilities.sum(axis=-1), segment_ids, num_segments=num_segments)
    species_probabilities = species_probabilities / probs_summed[segment_ids, None]

    def sample_for_segment(rng, segment_id):
        node_rng, logit_rng, rng = jax.random.split(rng, num=3)
        p_nodes = jnp.where(segment_id == segment_ids, species_probabilities.sum(axis=-1), 0.0)
        node_index = jax.random.choice(node_rng, jnp.arange(num_nodes), p=p_nodes)
        row = species_probabilities[node_index]
        normalized = row / jnp.sum(row)
        species_index = jax.random.choice(logit_rng, jnp.arange(num_species), p=normalized)
        return node_index, species_index

    rngs = jax.random.split(rng, num_segments)
    node_indices, species_indices = jax.vmap(sample_for_segment)(rngs, jnp.arange(num_segments))
    return node_indices, species_indices


def reference(node_embeddings, stop_logits, segment_ids, W1, b1, W2, b2, W3, b3):
    species_logits = _mlp(node_embeddings, W1, b1, W2, b2, W3, b3)
    species_probs, stop_probs = _segment_softmax_2D_with_stop(
        species_logits, stop_logits, segment_ids, NUM_SEGMENTS)
    node_indices, species_indices = _segment_sample_2D(
        species_probs, segment_ids, NUM_SEGMENTS, jax.random.key(42))
    return species_probs, stop_probs, node_indices, species_indices

if __name__ == "__main__":
    import jax
    _d = setup_inputs()
    print(jax.jit(kernel)(*tuple(_d.values())))

</pallas_src>

<mosaic_0001>
#map = affine_map<(d0, d1) -> (0)>
#map1 = affine_map<(d0, d1) -> (0, 0)>
module attributes {stable_mosaic.version = 14 : i64} {
  func.func @_sc_body(%arg0: i32, %arg1: i32, %arg2: memref<8192xf32, #tpu.memory_space<hbm>>, %arg3: memref<8192xi32, #tpu.memory_space<hbm>>, %arg4: memref<128xf32, #tpu.memory_space<hbm>>, %arg5: memref<128xf32, #tpu.memory_space<hbm>>, %arg6: memref<128xf32, #tpu.memory_space<hbm>>, %arg7: memref<8192x128xf32, #tpu.memory_space<hbm>>, %arg8: memref<128xf32, #tpu.memory_space<hbm>>, %arg9: memref<128xf32, #tpu.memory_space<hbm>>, %arg10: memref<128xi32, #tpu.memory_space<hbm>>, %arg11: memref<128xi32, #tpu.memory_space<hbm>>, %arg12: memref<8208xi32, #tpu.memory_space<vmem>>, %arg13: memref<8208xf32, #tpu.memory_space<vmem>>, %arg14: memref<8208xf32, #tpu.memory_space<vmem>>, %arg15: memref<128xf32, #tpu.memory_space<vmem>>, %arg16: memref<128xf32, #tpu.memory_space<vmem>>, %arg17: memref<128xf32, #tpu.memory_space<vmem>>, %arg18: memref<8x128xf32, #tpu.memory_space<vmem>>, %arg19: memref<128xf32, #tpu.memory_space<vmem>>, %arg20: memref<16xi32, #tpu.memory_space<vmem>>, %arg21: memref<16xf32, #tpu.memory_space<vmem>>, %arg22: memref<16xf32, #tpu.memory_space<vmem>>, %arg23: memref<16xi32, #tpu.memory_space<vmem>>, %arg24: memref<16xi32, #tpu.memory_space<vmem>>, %arg25: memref<!tpu.dma_semaphore, #tpu.memory_space<semaphore_mem>>, %arg26: memref<!tpu.dma_semaphore, #tpu.memory_space<semaphore_mem>>) attributes {dimension_semantics = [#tpu.dimension_semantics<core_parallel>, #tpu.dimension_semantics<subcore_parallel>], iteration_bounds = array<i64: 2, 16>, scalar_prefetch = 0 : i64, scratch_operands = 15 : i64, tpu.core_type = #tpu.core_type<sc_vector_subcore>, window_params = [{transform_indices = #map}, {transform_indices = #map}, {transform_indices = #map}, {transform_indices = #map}, {transform_indices = #map}, {transform_indices = #map1}, {transform_indices = #map}, {transform_indices = #map}, {transform_indices = #map}, {transform_indices = #map}]} {
    %iota3A = tpu.iota {dimensions = array<i32: 0>} : vector<16xi32>
    %dma_start3A = arith.constant 0 : i32
    %dma_start3A_0 = tpu.memref_slice %arg12[%dma_start3A] : memref<8208xi32, #tpu.memory_space<vmem>> -> memref<8192xi32, #tpu.memory_space<vmem>>
    %dma_start3A_1 = arith.constant 0 : i32
    %dma_start3A_2 = tpu.memref_slice %arg12[%dma_start3A_1] : memref<8208xi32, #tpu.memory_space<vmem>> -> memref<8192xi32, #tpu.memory_space<vmem>>
    tpu.enqueue_dma source(%arg3 : memref<8192xi32, #tpu.memory_space<hbm>>) target(%dma_start3A_2 : memref<8192xi32, #tpu.memory_space<vmem>>) target_semaphore(%arg26 : memref<!tpu.dma_semaphore, #tpu.memory_space<semaphore_mem>>)
    %dma_start3A_3 = arith.constant 0 : i32
    %dma_start3A_4 = tpu.memref_slice %arg13[%dma_start3A_3] : memref<8208xf32, #tpu.memory_space<vmem>> -> memref<8192xf32, #tpu.memory_space<vmem>>
    %dma_start3A_5 = arith.constant 0 : i32
    %dma_start3A_6 = tpu.memref_slice %arg13[%dma_start3A_5] : memref<8208xf32, #tpu.memory_space<vmem>> -> memref<8192xf32, #tpu.memory_space<vmem>>
    tpu.enqueue_dma source(%arg2 : memref<8192xf32, #tpu.memory_space<hbm>>) target(%dma_start3A_6 : memref<8192xf32, #tpu.memory_space<vmem>>) target_semaphore(%arg26 : memref<!tpu.dma_semaphore, #tpu.memory_space<semaphore_mem>>)
    tpu.enqueue_dma source(%arg4 : memref<128xf32, #tpu.memory_space<hbm>>) target(%arg15 : memref<128xf32, #tpu.memory_space<vmem>>) target_semaphore(%arg26 : memref<!tpu.dma_semaphore, #tpu.memory_space<semaphore_mem>>)
    tpu.enqueue_dma source(%arg5 : memref<128xf32, #tpu.memory_space<hbm>>) target(%arg16 : memref<128xf32, #tpu.memory_space<vmem>>) target_semaphore(%arg26 : memref<!tpu.dma_semaphore, #tpu.memory_space<semaphore_mem>>)
    tpu.enqueue_dma source(%arg6 : memref<128xf32, #tpu.memory_space<hbm>>) target(%arg17 : memref<128xf32, #tpu.memory_space<vmem>>) target_semaphore(%arg26 : memref<!tpu.dma_semaphore, #tpu.memory_space<semaphore_mem>>)
    %dma_wait3A = arith.constant 0 : i32
    %dma_wait3A_7 = tpu.memref_slice %arg12[%dma_wait3A] : memref<8208xi32, #tpu.memory_space<vmem>> -> memref<8192xi32, #tpu.memory_space<vmem>>
    %dma_wait3A_8 = arith.constant 0 : i32
    %dma_wait3A_9 = tpu.memref_slice %arg12[%dma_wait3A_8] : memref<8208xi32, #tpu.memory_space<vmem>> -> memref<8192xi32, #tpu.memory_space<vmem>>
    tpu.wait_dma2 semaphore(%arg26 : memref<!tpu.dma_semaphore, #tpu.memory_space<semaphore_mem>>) src(%arg3 : memref<8192xi32, #tpu.memory_space<hbm>>) dst(%dma_wait3A_9 : memref<8192xi32, #tpu.memory_space<vmem>>)
    %dma_wait3A_10 = arith.constant 0 : i32
    %dma_wait3A_11 = tpu.memref_slice %arg13[%dma_wait3A_10] : memref<8208xf32, #tpu.memory_space<vmem>> -> memref<8192xf32, #tpu.memory_space<vmem>>
    %dma_wait3A_12 = arith.constant 0 : i32
    %dma_wait3A_13 = tpu.memref_slice %arg13[%dma_wait3A_12] : memref<8208xf32, #tpu.memory_space<vmem>> -> memref<8192xf32, #tpu.memory_space<vmem>>
    tpu.wait_dma2 semaphore(%arg26 : memref<!tpu.dma_semaphore, #tpu.memory_space<semaphore_mem>>) src(%arg2 : memref<8192xf32, #tpu.memory_space<hbm>>) dst(%dma_wait3A_13 : memref<8192xf32, #tpu.memory_space<vmem>>)
    tpu.wait_dma2 semaphore(%arg26 : memref<!tpu.dma_semaphore, #tpu.memory_space<semaphore_mem>>) src(%arg4 : memref<128xf32, #tpu.memory_space<hbm>>) dst(%arg15 : memref<128xf32, #tpu.memory_space<vmem>>)
    tpu.wait_dma2 semaphore(%arg26 : memref<!tpu.dma_semaphore, #tpu.memory_space<semaphore_mem>>) src(%arg5 : memref<128xf32, #tpu.memory_space<hbm>>) dst(%arg16 : memref<128xf32, #tpu.memory_space<vmem>>)
    tpu.wait_dma2 semaphore(%arg26 : memref<!tpu.dma_semaphore, #tpu.memory_space<semaphore_mem>>) src(%arg6 : memref<128xf32, #tpu.memory_space<hbm>>) dst(%arg17 : memref<128xf32, #tpu.memory_space<vmem>>)
    %broadcast_in_dim3A = arith.constant 0.000000e+00 : f32
    %broadcast_in_dim3A_14 = vector.broadcast %broadcast_in_dim3A : f32 to vector<16xf32>
    %swap3A = arith.constant 8192 : index
    %swap3A_15 = tpu.vector_load %arg13[%swap3A] {strides = array<i32>} : memref<8208xf32, #tpu.memory_space<vmem>>, vector<16xf32>,
    tpu.vector_store %arg13[%swap3A], %broadcast_in_dim3A_14 {strides = array<i32>} : memref<8208xf32, #tpu.memory_space<vmem>>, vector<16xf32>,
    %mul3A = arith.constant 8 : i32
    %mul3A_16 = arith.muli %arg1, %mul3A : i32
    %min3A = arith.constant 8 : i32
    %min3A_17 = vector.broadcast %min3A : i32 to vector<16xi32>
    %min3A_18 = arith.minsi %iota3A, %min3A_17 : vector<16xi32>
    %add3A = vector.broadcast %mul3A_16 : i32 to vector<16xi32>
    %add3A_19 = arith.addi %add3A, %min3A_18 : vector<16xi32>
    %broadcast_in_dim3A_20 = arith.constant 0 : i32
    %broadcast_in_dim3A_21 = vector.broadcast %broadcast_in_dim3A_20 : i32 to vector<16xi32>
    %add3A_22 = arith.constant 4095 : i32
    %add3A_23 = vector.broadcast %add3A_22 : i32 to vector<16xi32>
    %add3A_24 = arith.addi %broadcast_in_dim3A_21, %add3A_23 : vector<16xi32>
    %gather3A = tpu.vector_load_idx %arg12[%add3A_24] : memref<8208xi32, #tpu.memory_space<vmem>>[vector<16xi32>], vector<16xi32>,
    %lt3A = arith.cmpi slt, %gather3A, %add3A_19 : vector<16xi32>
    %add3A_25 = arith.constant 4096 : i32
    %add3A_26 = vector.broadcast %add3A_25 : i32 to vector<16xi32>
    %add3A_27 = arith.addi %broadcast_in_dim3A_21, %add3A_26 : vector<16xi32>
    %select_n3A = arith.select %lt3A, %add3A_27, %broadcast_in_dim3A_21 : vector<16xi1>, vector<16xi32>
    %add3A_28 = arith.constant 2047 : i32
    %add3A_29 = vector.broadcast %add3A_28 : i32 to vector<16xi32>
    %add3A_30 = arith.addi %select_n3A, %add3A_29 : vector<16xi32>
    %gather3A_31 = tpu.vector_load_idx %arg12[%add3A_30] : memref<8208xi32, #tpu.memory_space<vmem>>[vector<16xi32>], vector<16xi32>,
    %lt3A_32 = arith.cmpi slt, %gather3A_31, %add3A_19 : vector<16xi32>
    %add3A_33 = arith.constant 2048 : i32
    %add3A_34 = vector.broadcast %add3A_33 : i32 to vector<16xi32>
    %add3A_35 = arith.addi %select_n3A, %add3A_34 : vector<16xi32>
    %select_n3A_36 = arith.select %lt3A_32, %add3A_35, %select_n3A : vector<16xi1>, vector<16xi32>
    %add3A_37 = arith.constant 1023 : i32
    %add3A_38 = vector.broadcast %add3A_37 : i32 to vector<16xi32>
    %add3A_39 = arith.addi %select_n3A_36, %add3A_38 : vector<16xi32>
    %gather3A_40 = tpu.vector_load_idx %arg12[%add3A_39] : memref<8208xi32, #tpu.memory_space<vmem>>[vector<16xi32>], vector<16xi32>,
    %lt3A_41 = arith.cmpi slt, %gather3A_40, %add3A_19 : vector<16xi32>
    %add3A_42 = arith.constant 1024 : i32
    %add3A_43 = vector.broadcast %add3A_42 : i32 to vector<16xi32>
    %add3A_44 = arith.addi %select_n3A_36, %add3A_43 : vector<16xi32>
    %select_n3A_45 = arith.select %lt3A_41, %add3A_44, %select_n3A_36 : vector<16xi1>, vector<16xi32>
    %add3A_46 = arith.constant 511 : i32
    %add3A_47 = vector.broadcast %add3A_46 : i32 to vector<16xi32>
    %add3A_48 = arith.addi %select_n3A_45, %add3A_47 : vector<16xi32>
    %gather3A_49 = tpu.vector_load_idx %arg12[%add3A_48] : memref<8208xi32, #tpu.memory_space<vmem>>[vector<16xi32>], vector<16xi32>,
    %lt3A_50 = arith.cmpi slt, %gather3A_49, %add3A_19 : vector<16xi32>
    %add3A_51 = arith.constant 512 : i32
    %add3A_52 = vector.broadcast %add3A_51 : i32 to vector<16xi32>
    %add3A_53 = arith.addi %select_n3A_45, %add3A_52 : vector<16xi32>
    %select_n3A_54 = arith.select %lt3A_50, %add3A_53, %select_n3A_45 : vector<16xi1>, vector<16xi32>
    %add3A_55 = arith.constant 255 : i32
    %add3A_56 = vector.broadcast %add3A_55 : i32 to vector<16xi32>
    %add3A_57 = arith.addi %select_n3A_54, %add3A_56 : vector<16xi32>
    %gather3A_58 = tpu.vector_load_idx %arg12[%add3A_57] : memref<8208xi32, #tpu.memory_space<vmem>>[vector<16xi32>], vector<16xi32>,
    %lt3A_59 = arith.cmpi slt, %gather3A_58, %add3A_19 : vector<16xi32>
    %add3A_60 = arith.constant 256 : i32
    %add3A_61 = vector.broadcast %add3A_60 : i32 to vector<16xi32>
    %add3A_62 = arith.addi %select_n3A_54, %add3A_61 : vector<16xi32>
    %select_n3A_63 = arith.select %lt3A_59, %add3A_62, %select_n3A_54 : vector<16xi1>, vector<16xi32>
    %add3A_64 = arith.constant 127 : i32
    %add3A_65 = vector.broadcast %add3A_64 : i32 to vector<16xi32>
    %add3A_66 = arith.addi %select_n3A_63, %add3A_65 : vector<16xi32>
    %gather3A_67 = tpu.vector_load_idx %arg12[%add3A_66] : memref<8208xi32, #tpu.memory_space<vmem>>[vector<16xi32>], vector<16xi32>,
    %lt3A_68 = arith.cmpi slt, %gather3A_67, %add3A_19 : vector<16xi32>
    %add3A_69 = arith.constant 128 : i32
    %add3A_70 = vector.broadcast %add3A_69 : i32 to vector<16xi32>
    %add3A_71 = arith.addi %select_n3A_63, %add3A_70 : vector<16xi32>
    %select_n3A_72 = arith.select %lt3A_68, %add3A_71, %select_n3A_63 : vector<16xi1>, vector<16xi32>
    %add3A_73 = arith.constant 63 : i32
    %add3A_74 = vector.broadcast %add3A_73 : i32 to vector<16xi32>
    %add3A_75 = arith.addi %select_n3A_72, %add3A_74 : vector<16xi32>
    %gather3A_76 = tpu.vector_load_idx %arg12[%add3A_75] : memref<8208xi32, #tpu.memory_space<vmem>>[vector<16xi32>], vector<16xi32>,
    %lt3A_77 = arith.cmpi slt, %gather3A_76, %add3A_19 : vector<16xi32>
    %add3A_78 = arith.constant 64 : i32
    %add3A_79 = vector.broadcast %add3A_78 : i32 to vector<16xi32>
    %add3A_80 = arith.addi %select_n3A_72, %add3A_79 : vector<16xi32>
    %select_n3A_81 = arith.select %lt3A_77, %add3A_80, %select_n3A_72 : vector<16xi1>, vector<16xi32>
    %add3A_82 = arith.constant 31 : i32
    %add3A_83 = vector.broadcast %add3A_82 : i32 to vector<16xi32>
    %add3A_84 = arith.addi %select_n3A_81, %add3A_83 : vector<16xi32>
    %gather3A_85 = tpu.vector_load_idx %arg12[%add3A_84] : memref<8208xi32, #tpu.memory_space<vmem>>[vector<16xi32>], vector<16xi32>,
    %lt3A_86 = arith.cmpi slt, %gather3A_85, %add3A_19 : vector<16xi32>
    %add3A_87 = arith.constant 32 : i32
    %add3A_88 = vector.broadcast %add3A_87 : i32 to vector<16xi32>
    %add3A_89 = arith.addi %select_n3A_81, %add3A_88 : vector<16xi32>
    %select_n3A_90 = arith.select %lt3A_86, %add3A_89, %select_n3A_81 : vector<16xi1>, vector<16xi32>
    %add3A_91 = arith.constant 15 : i32
    %add3A_92 = vector.broadcast %add3A_91 : i32 to vector<16xi32>
    %add3A_93 = arith.addi %select_n3A_90, %add3A_92 : vector<16xi32>
    %gather3A_94 = tpu.vector_load_idx %arg12[%add3A_93] : memref<8208xi32, #tpu.memory_space<vmem>>[vector<16xi32>], vector<16xi32>,
    %lt3A_95 = arith.cmpi slt, %gather3A_94, %add3A_19 : vector<16xi32>
    %add3A_96 = arith.constant 16 : i32
    %add3A_97 = vector.broadcast %add3A_96 : i32 to vector<16xi32>
    %add3A_98 = arith.addi %select_n3A_90, %add3A_97 : vector<16xi32>
    %select_n3A_99 = arith.select %lt3A_95, %add3A_98, %select_n3A_90 : vector<16xi1>, vector<16xi32>
    %add3A_100 = arith.constant 7 : i32
    %add3A_101 = vector.broadcast %add3A_100 : i32 to vector<16xi32>
    %add3A_102 = arith.addi %select_n3A_99, %add3A_101 : vector<16xi32>
    %gather3A_103 = tpu.vector_load_idx %arg12[%add3A_102] : memref<8208xi32, #tpu.memory_space<vmem>>[vector<16xi32>], vector<16xi32>,
    %lt3A_104 = arith.cmpi slt, %gather3A_103, %add3A_19 : vector<16xi32>
    %add3A_105 = arith.constant 8 : i32
    %add3A_106 = vector.broadcast %add3A_105 : i32 to vector<16xi32>
    %add3A_107 = arith.addi %select_n3A_99, %add3A_106 : vector<16xi32>
    %select_n3A_108 = arith.select %lt3A_104, %add3A_107, %select_n3A_99 : vector<16xi1>, vector<16xi32>
    %add3A_109 = arith.constant 3 : i32
    %add3A_110 = vector.broadcast %add3A_109 : i32 to vector<16xi32>
    %add3A_111 = arith.addi %select_n3A_108, %add3A_110 : vector<16xi32>
    %gather3A_112 = tpu.vector_load_idx %arg12[%add3A_111] : memref<8208xi32, #tpu.memory_space<vmem>>[vector<16xi32>], vector<16xi32>,
    %lt3A_113 = arith.cmpi slt, %gather3A_112, %add3A_19 : vector<16xi32>
    %add3A_114 = arith.constant 4 : i32
    %add3A_115 = vector.broadcast %add3A_114 : i32 to vector<16xi32>
    %add3A_116 = arith.addi %select_n3A_108, %add3A_115 : vector<16xi32>
    %select_n3A_117 = arith.select %lt3A_113, %add3A_116, %select_n3A_108 : vector<16xi1>, vector<16xi32>
    %add3A_118 = arith.constant 1 : i32
    %add3A_119 = vector.broadcast %add3A_118 : i32 to vector<16xi32>
    %add3A_120 = arith.addi %select_n3A_117, %add3A_119 : vector<16xi32>
    %gather3A_121 = tpu.vector_load_idx %arg12[%add3A_120] : memref<8208xi32, #tpu.memory_space<vmem>>[vector<16xi32>], vector<16xi32>,
    %lt3A_122 = arith.cmpi slt, %gather3A_121, %add3A_19 : vector<16xi32>
    %add3A_123 = arith.constant 2 : i32
    %add3A_124 = vector.broadcast %add3A_123 : i32 to vector<16xi32>
    %add3A_125 = arith.addi %select_n3A_117, %add3A_124 : vector<16xi32>
    %select_n3A_126 = arith.select %lt3A_122, %add3A_125, %select_n3A_117 : vector<16xi1>, vector<16xi32>
    %add3A_127 = arith.constant 0 : i32
    %add3A_128 = vector.broadcast %add3A_127 : i32 to vector<16xi32>
    %add3A_129 = arith.addi %select_n3A_126, %add3A_128 : vector<16xi32>
    %gather3A_130 = tpu.vector_load_idx %arg12[%add3A_129] : memref<8208xi32, #tpu.memory_space<vmem>>[vector<16xi32>], vector<16xi32>,
    %lt3A_131 = arith.cmpi slt, %gather3A_130, %add3A_19 : vector<16xi32>
    %add3A_132 = arith.constant 1 : i32
    %add3A_133 = vector.broadcast %add3A_132 : i32 to vector<16xi32>
    %add3A_134 = arith.addi %select_n3A_126, %add3A_133 : vector<16xi32>
    %select_n3A_135 = arith.select %lt3A_131, %add3A_134, %select_n3A_126 : vector<16xi1>, vector<16xi32>
    %ge3A = arith.constant 128 : i32
    %ge3A_136 = vector.broadcast %ge3A : i32 to vector<16xi32>
    %ge3A_137 = arith.cmpi sge, %add3A_19, %ge3A_136 : vector<16xi32>
    %jit3A = arith.constant 8192 : i32
    %broadcast_in_dim3A_138 = vector.broadcast %jit3A : i32 to vector<16xi32>
    %select_n3A_139 = arith.select %ge3A_137, %broadcast_in_dim3A_138, %select_n3A_135 : vector<16xi1>, vector<16xi32>
    %slice3A = vector.extract_strided_slice %select_n3A_139 {offsets = [0], sizes = [1], strides = [1]} : vector<16xi32> to vector<1xi32>
    %squeeze3A = vector.extract %slice3A[0] : i32 from vector<1xi32>
    %slice3A_140 = vector.extract_strided_slice %select_n3A_139 {offsets = [1], sizes = [1], strides = [1]} : vector<16xi32> to vector<1xi32>
    %squeeze3A_141 = vector.extract %slice3A_140[0] : i32 from vector<1xi32>
    %slice3A_142 = vector.extract_strided_slice %select_n3A_139 {offsets = [2], sizes = [1], strides = [1]} : vector<16xi32> to vector<1xi32>
    %squeeze3A_143 = vector.extract %slice3A_142[0] : i32 from vector<1xi32>
    %slice3A_144 = vector.extract_strided_slice %select_n3A_139 {offsets = [3], sizes = [1], strides = [1]} : vector<16xi32> to vector<1xi32>
    %squeeze3A_145 = vector.extract %slice3A_144[0] : i32 from vector<1xi32>
    %slice3A_146 = vector.extract_strided_slice %select_n3A_139 {offsets = [4], sizes = [1], strides = [1]} : vector<16xi32> to vector<1xi32>
    %squeeze3A_147 = vector.extract %slice3A_146[0] : i32 from vector<1xi32>
    %slice3A_148 = vector.extract_strided_slice %select_n3A_139 {offsets = [5], sizes = [1], strides = [1]} : vector<16xi32> to vector<1xi32>
    %squeeze3A_149 = vector.extract %slice3A_148[0] : i32 from vector<1xi32>
    %slice3A_150 = vector.extract_strided_slice %select_n3A_139 {offsets = [6], sizes = [1], strides = [1]} : vector<16xi32> to vector<1xi32>
    %squeeze3A_151 = vector.extract %slice3A_150[0] : i32 from vector<1xi32>
    %slice3A_152 = vector.extract_strided_slice %select_n3A_139 {offsets = [7], sizes = [1], strides = [1]} : vector<16xi32> to vector<1xi32>
    %squeeze3A_153 = vector.extract %slice3A_152[0] : i32 from vector<1xi32>
    %slice3A_154 = vector.extract_strided_slice %select_n3A_139 {offsets = [8], sizes = [1], strides = [1]} : vector<16xi32> to vector<1xi32>
    %squeeze3A_155 = vector.extract %slice3A_154[0] : i32 from vector<1xi32>
    %broadcast_in_dim3A_156 = arith.constant 0.000000e+00 : f32
    %broadcast_in_dim3A_157 = vector.broadcast %broadcast_in_dim3A_156 : f32 to vector<16xf32>
    %broadcast_in_dim3A_158 = arith.constant 0.000000e+00 : f32
    %broadcast_in_dim3A_159 = vector.broadcast %broadcast_in_dim3A_158 : f32 to vector<16xf32>
    %broadcast_in_dim3A_160 = arith.constant 0.000000e+00 : f32
    %broadcast_in_dim3A_161 = vector.broadcast %broadcast_in_dim3A_160 : f32 to vector<16xf32>
    %sub3A = arith.subi %squeeze3A_141, %squeeze3A : i32
    %add3A_162 = arith.constant 15 : i32
    %add3A_163 = arith.addi %sub3A, %add3A_162 : i32
    %div3A = arith.constant 16 : i32
    %div3A_164 = arith.divsi %add3A_163, %div3A : i32
    %broadcast_in_dim3A_165 = arith.constant 0.000000e+00 : f32
    %broadcast_in_dim3A_166 = vector.broadcast %broadcast_in_dim3A_165 : f32 to vector<16xf32>
    %sub3A_167 = arith.constant 0 : i32
    %sub3A_168 = arith.subi %div3A_164, %sub3A_167 : i32
    %sub3A_169 = arith.constant 1 : i32
    %sub3A_170 = arith.constant 1 : i32
    %sub3A_171 = arith.subi %sub3A_169, %sub3A_170 : i32
    %add3A_172 = arith.addi %sub3A_168, %sub3A_171 : i32
    %div3A_173 = arith.constant 1 : i32
    %div3A_174 = arith.divsi %add3A_172, %div3A_173 : i32
    %while3A = arith.constant 1 : i32
    %while3A_175 = arith.constant 0 : i32
    %while3A_176 = arith.constant 0 : i32
    %while3A_177 = arith.subi %div3A_174, %while3A_176 : i32
    %while3A_178 = arith.addi %while3A_176, %while3A_177 : i32
    %while3A_179 = arith.constant 1 : i32
    %while3A_180 = arith.divsi %while3A_177, %while3A_179 : i32
    %while3A_181 = arith.muli %while3A_180, %while3A_179 : i32
    %while3A_182 = arith.addi %while3A_176, %while3A_181 : i32
    %while3A_183 = arith.constant 1 : i32
    %while3A_184 = scf.for %while3A_2465 = %while3A_176 to %while3A_182 step %while3A_183 iter_args(%while3A_2466 = %broadcast_in_dim3A_166) -> (vector<16xf32>)  : i32 {
      %mul3A_2467 = arith.muli %while3A_2465, %while3A : i32
      %add3A_2468 = arith.addi %while3A_175, %mul3A_2467 : i32
      %mul3A_2469 = arith.constant 16 : i32
      %mul3A_2470 = arith.muli %add3A_2468, %mul3A_2469 : i32
      %add3A_2471 = arith.addi %squeeze3A, %mul3A_2470 : i32
      %get3A_2472 = arith.index_cast %add3A_2471 : i32 to index
      %get3A_2473 = tpu.vector_load %arg13[%get3A_2472] {strides = array<i32>} : memref<8208xf32, #tpu.memory_space<vmem>>, vector<16xf32>,
      %add3A_2474 = vector.broadcast %add3A_2471 : i32 to vector<16xi32>
      %add3A_2475 = arith.addi %add3A_2474, %iota3A : vector<16xi32>
      %lt3A_2476 = vector.broadcast %squeeze3A_141 : i32 to vector<16xi32>
      %lt3A_2477 = arith.cmpi slt, %add3A_2475, %lt3A_2476 : vector<16xi32>
      %jit3A_2478 = arith.constant 0.000000e+00 : f32
      %broadcast_in_dim3A_2479 = vector.broadcast %jit3A_2478 : f32 to vector<16xf32>
      %select_n3A_2480 = arith.select %lt3A_2477, %get3A_2473, %broadcast_in_dim3A_2479 : vector<16xi1>, vector<16xf32>
      %broadcast_in_dim3A_2481 = arith.constant true
      %broadcast_in_dim3A_2482 = vector.broadcast %broadcast_in_dim3A_2481 : i1 to vector<16xi1>
      %masked_cumsum3A_2483 = tpu.scan <sum>, %select_n3A_2480 masked %broadcast_in_dim3A_2482 : vector<16xf32>, vector<16xi1> -> vector<16xf32>
      %add3A_2484 = arith.addf %masked_cumsum3A_2483, %while3A_2466 : vector<16xf32>
      %swap3A_2485 = arith.index_cast %add3A_2471 : i32 to index
      %swap3A_2486 = tpu.vector_load %arg14[%swap3A_2485] {strides = array<i32>} : memref<8208xf32, #tpu.memory_space<vmem>>, vector<16xf32>,
      tpu.vector_store %arg14[%swap3A_2485], %add3A_2484 {strides = array<i32>} : memref<8208xf32, #tpu.memory_space<vmem>>, vector<16xf32>,
      %add3A_2487 = arith.constant 15 : i32
      %add3A_2488 = arith.addi %add3A_2471, %add3A_2487 : i32
      %broadcast_in_dim3A_2489 = vector.broadcast %add3A_2488 : i32 to vector<16xi32>
      %gather3A_2490 = tpu.vector_load_idx %arg14[%broadcast_in_dim3A_2489] : memref<8208xf32, #tpu.memory_space<vmem>>[vector<16xi32>], vector<16xf32>,
      scf.yield %gather3A_2490 : vector<16xf32>
    }
    %while3A_185 = arith.constant 1 : i32
    %while3A_186 = scf.for %while3A_2465 = %while3A_182 to %while3A_178 step %while3A_185 iter_args(%while3A_2466 = %while3A_184) -> (vector<16xf32>)  : i32 {
      %mul3A_2467 = arith.muli %while3A_2465, %while3A : i32
      %add3A_2468 = arith.addi %while3A_175, %mul3A_2467 : i32
      %mul3A_2469 = arith.constant 16 : i32
      %mul3A_2470 = arith.muli %add3A_2468, %mul3A_2469 : i32
      %add3A_2471 = arith.addi %squeeze3A, %mul3A_2470 : i32
      %get3A_2472 = arith.index_cast %add3A_2471 : i32 to index
      %get3A_2473 = tpu.vector_load %arg13[%get3A_2472] {strides = array<i32>} : memref<8208xf32, #tpu.memory_space<vmem>>, vector<16xf32>,
      %add3A_2474 = vector.broadcast %add3A_2471 : i32 to vector<16xi32>
      %add3A_2475 = arith.addi %add3A_2474, %iota3A : vector<16xi32>
      %lt3A_2476 = vector.broadcast %squeeze3A_141 : i32 to vector<16xi32>
      %lt3A_2477 = arith.cmpi slt, %add3A_2475, %lt3A_2476 : vector<16xi32>
      %jit3A_2478 = arith.constant 0.000000e+00 : f32
      %broadcast_in_dim3A_2479 = vector.broadcast %jit3A_2478 : f32 to vector<16xf32>
      %select_n3A_2480 = arith.select %lt3A_2477, %get3A_2473, %broadcast_in_dim3A_2479 : vector<16xi1>, vector<16xf32>
      %broadcast_in_dim3A_2481 = arith.constant true
      %broadcast_in_dim3A_2482 = vector.broadcast %broadcast_in_dim3A_2481 : i1 to vector<16xi1>
      %masked_cumsum3A_2483 = tpu.scan <sum>, %select_n3A_2480 masked %broadcast_in_dim3A_2482 : vector<16xf32>, vector<16xi1> -> vector<16xf32>
      %add3A_2484 = arith.addf %masked_cumsum3A_2483, %while3A_2466 : vector<16xf32>
      %swap3A_2485 = arith.index_cast %add3A_2471 : i32 to index
      %swap3A_2486 = tpu.vector_load %arg14[%swap3A_2485] {strides = array<i32>} : memref<8208xf32, #tpu.memory_space<vmem>>, vector<16xf32>,
      tpu.vector_store %arg14[%swap3A_2485], %add3A_2484 {strides = array<i32>} : memref<8208xf32, #tpu.memory_space<vmem>>, vector<16xf32>,
      %add3A_2487 = arith.constant 15 : i32
      %add3A_2488 = arith.addi %add3A_2471, %add3A_2487 : i32
      %broadcast_in_dim3A_2489 = vector.broadcast %add3A_2488 : i32 to vector<16xi32>
      %gather3A_2490 = tpu.vector_load_idx %arg14[%broadcast_in_dim3A_2489] : memref<8208xf32, #tpu.memory_space<vmem>>[vector<16xi32>], vector<16xf32>,
      scf.yield %gather3A_2490 : vector<16xf32>
    }
    %add3A_187 = arith.constant 0 : i32
    %add3A_188 = arith.addi %mul3A_16, %add3A_187 : i32
    %broadcast_in_dim3A_189 = vector.broadcast %add3A_188 : i32 to vector<16xi32>
    %gather3A_190 = tpu.vector_load_idx %arg15[%broadcast_in_dim3A_189] : memref<128xf32, #tpu.memory_space<vmem>>[vector<16xi32>], vector<16xf32>,
    %exp3A = math.exp %gather3A_190 : vector<16xf32>
    %add3A_191 = arith.addf %while3A_186, %exp3A : vector<16xf32>
    %eq3A = arith.constant 0 : i32
    %eq3A_192 = vector.broadcast %eq3A : i32 to vector<16xi32>
    %eq3A_193 = arith.cmpi eq, %iota3A, %eq3A_192 : vector<16xi32>
    %div3A_194 = arith.constant 1.000000e+00 : f32
    %div3A_195 = vector.broadcast %div3A_194 : f32 to vector<16xf32>
    %div3A_196 = arith.divf %div3A_195, %add3A_191 : vector<16xf32>
    %select_n3A_197 = arith.select %eq3A_193, %div3A_196, %broadcast_in_dim3A_157 : vector<16xi1>, vector<16xf32>
    %eq3A_198 = arith.constant 0 : i32
    %eq3A_199 = vector.broadcast %eq3A_198 : i32 to vector<16xi32>
    %eq3A_200 = arith.cmpi eq, %iota3A, %eq3A_199 : vector<16xi32>
    %div3A_201 = arith.divf %exp3A, %add3A_191 : vector<16xf32>
    %select_n3A_202 = arith.select %eq3A_200, %div3A_201, %broadcast_in_dim3A_159 : vector<16xi1>, vector<16xf32>
    %add3A_203 = arith.constant 0 : i32
    %add3A_204 = arith.addi %mul3A_16, %add3A_203 : i32
    %broadcast_in_dim3A_205 = vector.broadcast %add3A_204 : i32 to vector<16xi32>
    %gather3A_206 = tpu.vector_load_idx %arg16[%broadcast_in_dim3A_205] : memref<128xf32, #tpu.memory_space<vmem>>[vector<16xi32>], vector<16xf32>,
    %sub3A_207 = arith.constant 1.000000e+00 : f32
    %sub3A_208 = vector.broadcast %sub3A_207 : f32 to vector<16xf32>
    %sub3A_209 = arith.subf %sub3A_208, %gather3A_206 : vector<16xf32>
    %mul3A_210 = arith.mulf %while3A_186, %sub3A_209 : vector<16xf32>
    %eq3A_211 = arith.constant 0 : i32
    %eq3A_212 = vector.broadcast %eq3A_211 : i32 to vector<16xi32>
    %eq3A_213 = arith.cmpi eq, %iota3A, %eq3A_212 : vector<16xi32>
    %select_n3A_214 = arith.select %eq3A_213, %mul3A_210, %broadcast_in_dim3A_161 : vector<16xi1>, vector<16xf32>
    %sub3A_215 = arith.subi %squeeze3A_143, %squeeze3A_141 : i32
    %add3A_216 = arith.constant 15 : i32
    %add3A_217 = arith.addi %sub3A_215, %add3A_216 : i32
    %div3A_218 = arith.constant 16 : i32
    %div3A_219 = arith.divsi %add3A_217, %div3A_218 : i32
    %broadcast_in_dim3A_220 = arith.constant 0.000000e+00 : f32
    %broadcast_in_dim3A_221 = vector.broadcast %broadcast_in_dim3A_220 : f32 to vector<16xf32>
    %sub3A_222 = arith.constant 0 : i32
    %sub3A_223 = arith.subi %div3A_219, %sub3A_222 : i32
    %sub3A_224 = arith.constant 1 : i32
    %sub3A_225 = arith.constant 1 : i32
    %sub3A_226 = arith.subi %sub3A_224, %sub3A_225 : i32
    %add3A_227 = arith.addi %sub3A_223, %sub3A_226 : i32
    %div3A_228 = arith.constant 1 : i32
    %div3A_229 = arith.divsi %add3A_227, %div3A_228 : i32
    %while3A_230 = arith.constant 1 : i32
    %while3A_231 = arith.constant 0 : i32
    %while3A_232 = arith.constant 0 : i32
    %while3A_233 = arith.subi %div3A_229, %while3A_232 : i32
    %while3A_234 = arith.addi %while3A_232, %while3A_233 : i32
    %while3A_235 = arith.constant 1 : i32
    %while3A_236 = arith.divsi %while3A_233, %while3A_235 : i32
    %while3A_237 = arith.muli %while3A_236, %while3A_235 : i32
    %while3A_238 = arith.addi %while3A_232, %while3A_237 : i32
    %while3A_239 = arith.constant 1 : i32
    %while3A_240 = scf.for %while3A_2465 = %while3A_232 to %while3A_238 step %while3A_239 iter_args(%while3A_2466 = %broadcast_in_dim3A_221) -> (vector<16xf32>)  : i32 {
      %mul3A_2467 = arith.muli %while3A_2465, %while3A_230 : i32
      %add3A_2468 = arith.addi %while3A_231, %mul3A_2467 : i32
      %mul3A_2469 = arith.constant 16 : i32
      %mul3A_2470 = arith.muli %add3A_2468, %mul3A_2469 : i32
      %add3A_2471 = arith.addi %squeeze3A_141, %mul3A_2470 : i32
      %get3A_2472 = arith.index_cast %add3A_2471 : i32 to index
      %get3A_2473 = tpu.vector_load %arg13[%get3A_2472] {strides = array<i32>} : memref<8208xf32, #tpu.memory_space<vmem>>, vector<16xf32>,
      %add3A_2474 = vector.broadcast %add3A_2471 : i32 to vector<16xi32>
      %add3A_2475 = arith.addi %add3A_2474, %iota3A : vector<16xi32>
      %lt3A_2476 = vector.broadcast %squeeze3A_143 : i32 to vector<16xi32>
      %lt3A_2477 = arith.cmpi slt, %add3A_2475, %lt3A_2476 : vector<16xi32>
      %jit3A_2478 = arith.constant 0.000000e+00 : f32
      %broadcast_in_dim3A_2479 = vector.broadcast %jit3A_2478 : f32 to vector<16xf32>
      %select_n3A_2480 = arith.select %lt3A_2477, %get3A_2473, %broadcast_in_dim3A_2479 : vector<16xi1>, vector<16xf32>
      %broadcast_in_dim3A_2481 = arith.constant true
      %broadcast_in_dim3A_2482 = vector.broadcast %broadcast_in_dim3A_2481 : i1 to vector<16xi1>
      %masked_cumsum3A_2483 = tpu.scan <sum>, %select_n3A_2480 masked %broadcast_in_dim3A_2482 : vector<16xf32>, vector<16xi1> -> vector<16xf32>
      %add3A_2484 = arith.addf %masked_cumsum3A_2483, %while3A_2466 : vector<16xf32>
      %swap3A_2485 = arith.index_cast %add3A_2471 : i32 to index
      %swap3A_2486 = tpu.vector_load %arg14[%swap3A_2485] {strides = array<i32>} : memref<8208xf32, #tpu.memory_space<vmem>>, vector<16xf32>,
      tpu.vector_store %arg14[%swap3A_2485], %add3A_2484 {strides = array<i32>} : memref<8208xf32, #tpu.memory_space<vmem>>, vector<16xf32>,
      %add3A_2487 = arith.constant 15 : i32
      %add3A_2488 = arith.addi %add3A_2471, %add3A_2487 : i32
      %broadcast_in_dim3A_2489 = vector.broadcast %add3A_2488 : i32 to vector<16xi32>
      %gather3A_2490 = tpu.vector_load_idx %arg14[%broadcast_in_dim3A_2489] : memref<8208xf32, #tpu.memory_space<vmem>>[vector<16xi32>], vector<16xf32>,
      scf.yield %gather3A_2490 : vector<16xf32>
    }
    %while3A_241 = arith.constant 1 : i32
    %while3A_242 = scf.for %while3A_2465 = %while3A_238 to %while3A_234 step %while3A_241 iter_args(%while3A_2466 = %while3A_240) -> (vector<16xf32>)  : i32 {
      %mul3A_2467 = arith.muli %while3A_2465, %while3A_230 : i32
      %add3A_2468 = arith.addi %while3A_231, %mul3A_2467 : i32
      %mul3A_2469 = arith.constant 16 : i32
      %mul3A_2470 = arith.muli %add3A_2468, %mul3A_2469 : i32
      %add3A_2471 = arith.addi %squeeze3A_141, %mul3A_2470 : i32
      %get3A_2472 = arith.index_cast %add3A_2471 : i32 to index
      %get3A_2473 = tpu.vector_load %arg13[%get3A_2472] {strides = array<i32>} : memref<8208xf32, #tpu.memory_space<vmem>>, vector<16xf32>,
      %add3A_2474 = vector.broadcast %add3A_2471 : i32 to vector<16xi32>
      %add3A_2475 = arith.addi %add3A_2474, %iota3A : vector<16xi32>
      %lt3A_2476 = vector.broadcast %squeeze3A_143 : i32 to vector<16xi32>
      %lt3A_2477 = arith.cmpi slt, %add3A_2475, %lt3A_2476 : vector<16xi32>
      %jit3A_2478 = arith.constant 0.000000e+00 : f32
      %broadcast_in_dim3A_2479 = vector.broadcast %jit3A_2478 : f32 to vector<16xf32>
      %select_n3A_2480 = arith.select %lt3A_2477, %get3A_2473, %broadcast_in_dim3A_2479 : vector<16xi1>, vector<16xf32>
      %broadcast_in_dim3A_2481 = arith.constant true
      %broadcast_in_dim3A_2482 = vector.broadcast %broadcast_in_dim3A_2481 : i1 to vector<16xi1>
      %masked_cumsum3A_2483 = tpu.scan <sum>, %select_n3A_2480 masked %broadcast_in_dim3A_2482 : vector<16xf32>, vector<16xi1> -> vector<16xf32>
      %add3A_2484 = arith.addf %masked_cumsum3A_2483, %while3A_2466 : vector<16xf32>
      %swap3A_2485 = arith.index_cast %add3A_2471 : i32 to index
      %swap3A_2486 = tpu.vector_load %arg14[%swap3A_2485] {strides = array<i32>} : memref<8208xf32, #tpu.memory_space<vmem>>, vector<16xf32>,
      tpu.vector_store %arg14[%swap3A_2485], %add3A_2484 {strides = array<i32>} : memref<8208xf32, #tpu.memory_space<vmem>>, vector<16xf32>,
      %add3A_2487 = arith.constant 15 : i32
      %add3A_2488 = arith.addi %add3A_2471, %add3A_2487 : i32
      %broadcast_in_dim3A_2489 = vector.broadcast %add3A_2488 : i32 to vector<16xi32>
      %gather3A_2490 = tpu.vector_load_idx %arg14[%broadcast_in_dim3A_2489] : memref<8208xf32, #tpu.memory_space<vmem>>[vector<16xi32>], vector<16xf32>,
      scf.yield %gather3A_2490 : vector<16xf32>
    }
    %add3A_243 = arith.constant 1 : i32
    %add3A_244 = arith.addi %mul3A_16, %add3A_243 : i32
    %broadcast_in_dim3A_245 = vector.broadcast %add3A_244 : i32 to vector<16xi32>
    %gather3A_246 = tpu.vector_load_idx %arg15[%broadcast_in_dim3A_245] : memref<128xf32, #tpu.memory_space<vmem>>[vector<16xi32>], vector<16xf32>,
    %exp3A_247 = math.exp %gather3A_246 : vector<16xf32>
    %add3A_248 = arith.addf %while3A_242, %exp3A_247 : vector<16xf32>
    %eq3A_249 = arith.constant 1 : i32
    %eq3A_250 = vector.broadcast %eq3A_249 : i32 to vector<16xi32>
    %eq3A_251 = arith.cmpi eq, %iota3A, %eq3A_250 : vector<16xi32>
    %div3A_252 = arith.constant 1.000000e+00 : f32
    %div3A_253 = vector.broadcast %div3A_252 : f32 to vector<16xf32>
    %div3A_254 = arith.divf %div3A_253, %add3A_248 : vector<16xf32>
    %select_n3A_255 = arith.select %eq3A_251, %div3A_254, %select_n3A_197 : vector<16xi1>, vector<16xf32>
    %eq3A_256 = arith.constant 1 : i32
    %eq3A_257 = vector.broadcast %eq3A_256 : i32 to vector<16xi32>
    %eq3A_258 = arith.cmpi eq, %iota3A, %eq3A_257 : vector<16xi32>
    %div3A_259 = arith.divf %exp3A_247, %add3A_248 : vector<16xf32>
    %select_n3A_260 = arith.select %eq3A_258, %div3A_259, %select_n3A_202 : vector<16xi1>, vector<16xf32>
    %add3A_261 = arith.constant 1 : i32
    %add3A_262 = arith.addi %mul3A_16, %add3A_261 : i32
    %broadcast_in_dim3A_263 = vector.broadcast %add3A_262 : i32 to vector<16xi32>
    %gather3A_264 = tpu.vector_load_idx %arg16[%broadcast_in_dim3A_263] : memref<128xf32, #tpu.memory_space<vmem>>[vector<16xi32>], vector<16xf32>,
    %sub3A_265 = arith.constant 1.000000e+00 : f32
    %sub3A_266 = vector.broadcast %sub3A_265 : f32 to vector<16xf32>
    %sub3A_267 = arith.subf %sub3A_266, %gather3A_264 : vector<16xf32>
    %mul3A_268 = arith.mulf %while3A_242, %sub3A_267 : vector<16xf32>
    %eq3A_269 = arith.constant 1 : i32
    %eq3A_270 = vector.broadcast %eq3A_269 : i32 to vector<16xi32>
    %eq3A_271 = arith.cmpi eq, %iota3A, %eq3A_270 : vector<16xi32>
    %select_n3A_272 = arith.select %eq3A_271, %mul3A_268, %select_n3A_214 : vector<16xi1>, vector<16xf32>
    %sub3A_273 = arith.subi %squeeze3A_145, %squeeze3A_143 : i32
    %add3A_274 = arith.constant 15 : i32
    %add3A_275 = arith.addi %sub3A_273, %add3A_274 : i32
    %div3A_276 = arith.constant 16 : i32
    %div3A_277 = arith.divsi %add3A_275, %div3A_276 : i32
    %broadcast_in_dim3A_278 = arith.constant 0.000000e+00 : f32
    %broadcast_in_dim3A_279 = vector.broadcast %broadcast_in_dim3A_278 : f32 to vector<16xf32>
    %sub3A_280 = arith.constant 0 : i32
    %sub3A_281 = arith.subi %div3A_277, %sub3A_280 : i32
    %sub3A_282 = arith.constant 1 : i32
    %sub3A_283 = arith.constant 1 : i32
    %sub3A_284 = arith.subi %sub3A_282, %sub3A_283 : i32
    %add3A_285 = arith.addi %sub3A_281, %sub3A_284 : i32
    %div3A_286 = arith.constant 1 : i32
    %div3A_287 = arith.divsi %add3A_285, %div3A_286 : i32
    %while3A_288 = arith.constant 1 : i32
    %while3A_289 = arith.constant 0 : i32
    %while3A_290 = arith.constant 0 : i32
    %while3A_291 = arith.subi %div3A_287, %while3A_290 : i32
    %while3A_292 = arith.addi %while3A_290, %while3A_291 : i32
    %while3A_293 = arith.constant 1 : i32
    %while3A_294 = arith.divsi %while3A_291, %while3A_293 : i32
    %while3A_295 = arith.muli %while3A_294, %while3A_293 : i32
    %while3A_296 = arith.addi %while3A_290, %while3A_295 : i32
    %while3A_297 = arith.constant 1 : i32
    %while3A_298 = scf.for %while3A_2465 = %while3A_290 to %while3A_296 step %while3A_297 iter_args(%while3A_2466 = %broadcast_in_dim3A_279) -> (vector<16xf32>)  : i32 {
      %mul3A_2467 = arith.muli %while3A_2465, %while3A_288 : i32
      %add3A_2468 = arith.addi %while3A_289, %mul3A_2467 : i32
      %mul3A_2469 = arith.constant 16 : i32
      %mul3A_2470 = arith.muli %add3A_2468, %mul3A_2469 : i32
      %add3A_2471 = arith.addi %squeeze3A_143, %mul3A_2470 : i32
      %get3A_2472 = arith.index_cast %add3A_2471 : i32 to index
      %get3A_2473 = tpu.vector_load %arg13[%get3A_2472] {strides = array<i32>} : memref<8208xf32, #tpu.memory_space<vmem>>, vector<16xf32>,
      %add3A_2474 = vector.broadcast %add3A_2471 : i32 to vector<16xi32>
      %add3A_2475 = arith.addi %add3A_2474, %iota3A : vector<16xi32>
      %lt3A_2476 = vector.broadcast %squeeze3A_145 : i32 to vector<16xi32>
      %lt3A_2477 = arith.cmpi slt, %add3A_2475, %lt3A_2476 : vector<16xi32>
      %jit3A_2478 = arith.constant 0.000000e+00 : f32
      %broadcast_in_dim3A_2479 = vector.broadcast %jit3A_2478 : f32 to vector<16xf32>
      %select_n3A_2480 = arith.select %lt3A_2477, %get3A_2473, %broadcast_in_dim3A_2479 : vector<16xi1>, vector<16xf32>
      %broadcast_in_dim3A_2481 = arith.constant true
      %broadcast_in_dim3A_2482 = vector.broadcast %broadcast_in_dim3A_2481 : i1 to vector<16xi1>
      %masked_cumsum3A_2483 = tpu.scan <sum>, %select_n3A_2480 masked %broadcast_in_dim3A_2482 : vector<16xf32>, vector<16xi1> -> vector<16xf32>
      %add3A_2484 = arith.addf %masked_cumsum3A_2483, %while3A_2466 : vector<16xf32>
      %swap3A_2485 = arith.index_cast %add3A_2471 : i32 to index
      %swap3A_2486 = tpu.vector_load %arg14[%swap3A_2485] {strides = array<i32>} : memref<8208xf32, #tpu.memory_space<vmem>>, vector<16xf32>,
      tpu.vector_store %arg14[%swap3A_2485], %add3A_2484 {strides = array<i32>} : memref<8208xf32, #tpu.memory_space<vmem>>, vector<16xf32>,
      %add3A_2487 = arith.constant 15 : i32
      %add3A_2488 = arith.addi %add3A_2471, %add3A_2487 : i32
      %broadcast_in_dim3A_2489 = vector.broadcast %add3A_2488 : i32 to vector<16xi32>
      %gather3A_2490 = tpu.vector_load_idx %arg14[%broadcast_in_dim3A_2489] : memref<8208xf32, #tpu.memory_space<vmem>>[vector<16xi32>], vector<16xf32>,
      scf.yield %gather3A_2490 : vector<16xf32>
    }
    %while3A_299 = arith.constant 1 : i32
    %while3A_300 = scf.for %while3A_2465 = %while3A_296 to %while3A_292 step %while3A_299 iter_args(%while3A_2466 = %while3A_298) -> (vector<16xf32>)  : i32 {
      %mul3A_2467 = arith.muli %while3A_2465, %while3A_288 : i32
      %add3A_2468 = arith.addi %while3A_289, %mul3A_2467 : i32
      %mul3A_2469 = arith.constant 16 : i32
      %mul3A_2470 = arith.muli %add3A_2468, %mul3A_2469 : i32
      %add3A_2471 = arith.addi %squeeze3A_143, %mul3A_2470 : i32
      %get3A_2472 = arith.index_cast %add3A_2471 : i32 to index
      %get3A_2473 = tpu.vector_load %arg13[%get3A_2472] {strides = array<i32>} : memref<8208xf32, #tpu.memory_space<vmem>>, vector<16xf32>,
      %add3A_2474 = vector.broadcast %add3A_2471 : i32 to vector<16xi32>
      %add3A_2475 = arith.addi %add3A_2474, %iota3A : vector<16xi32>
      %lt3A_2476 = vector.broadcast %squeeze3A_145 : i32 to vector<16xi32>
      %lt3A_2477 = arith.cmpi slt, %add3A_2475, %lt3A_2476 : vector<16xi32>
      %jit3A_2478 = arith.constant 0.000000e+00 : f32
      %broadcast_in_dim3A_2479 = vector.broadcast %jit3A_2478 : f32 to vector<16xf32>
      %select_n3A_2480 = arith.select %lt3A_2477, %get3A_2473, %broadcast_in_dim3A_2479 : vector<16xi1>, vector<16xf32>
      %broadcast_in_dim3A_2481 = arith.constant true
      %broadcast_in_dim3A_2482 = vector.broadcast %broadcast_in_dim3A_2481 : i1 to vector<16xi1>
      %masked_cumsum3A_2483 = tpu.scan <sum>, %select_n3A_2480 masked %broadcast_in_dim3A_2482 : vector<16xf32>, vector<16xi1> -> vector<16xf32>
      %add3A_2484 = arith.addf %masked_cumsum3A_2483, %while3A_2466 : vector<16xf32>
      %swap3A_2485 = arith.index_cast %add3A_2471 : i32 to index
      %swap3A_2486 = tpu.vector_load %arg14[%swap3A_2485] {strides = array<i32>} : memref<8208xf32, #tpu.memory_space<vmem>>, vector<16xf32>,
      tpu.vector_store %arg14[%swap3A_2485], %add3A_2484 {strides = array<i32>} : memref<8208xf32, #tpu.memory_space<vmem>>, vector<16xf32>,
      %add3A_2487 = arith.constant 15 : i32
      %add3A_2488 = arith.addi %add3A_2471, %add3A_2487 : i32
      %broadcast_in_dim3A_2489 = vector.broadcast %add3A_2488 : i32 to vector<16xi32>
      %gather3A_2490 = tpu.vector_load_idx %arg14[%broadcast_in_dim3A_2489] : memref<8208xf32, #tpu.memory_space<vmem>>[vector<16xi32>], vector<16xf32>,
      scf.yield %gather3A_2490 : vector<16xf32>
    }
    %add3A_301 = arith.constant 2 : i32
    %add3A_302 = arith.addi %mul3A_16, %add3A_301 : i32
    %broadcast_in_dim3A_303 = vector.broadcast %add3A_302 : i32 to vector<16xi32>
    %gather3A_304 = tpu.vector_load_idx %arg15[%broadcast_in_dim3A_303] : memref<128xf32, #tpu.memory_space<vmem>>[vector<16xi32>], vector<16xf32>,
    %exp3A_305 = math.exp %gather3A_304 : vector<16xf32>
    %add3A_306 = arith.addf %while3A_300, %exp3A_305 : vector<16xf32>
    %eq3A_307 = arith.constant 2 : i32
    %eq3A_308 = vector.broadcast %eq3A_307 : i32 to vector<16xi32>
    %eq3A_309 = arith.cmpi eq, %iota3A, %eq3A_308 : vector<16xi32>
    %div3A_310 = arith.constant 1.000000e+00 : f32
    %div3A_311 = vector.broadcast %div3A_310 : f32 to vector<16xf32>
    %div3A_312 = arith.divf %div3A_311, %add3A_306 : vector<16xf32>
    %select_n3A_313 = arith.select %eq3A_309, %div3A_312, %select_n3A_255 : vector<16xi1>, vector<16xf32>
    %eq3A_314 = arith.constant 2 : i32
    %eq3A_315 = vector.broadcast %eq3A_314 : i32 to vector<16xi32>
    %eq3A_316 = arith.cmpi eq, %iota3A, %eq3A_315 : vector<16xi32>
    %div3A_317 = arith.divf %exp3A_305, %add3A_306 : vector<16xf32>
    %select_n3A_318 = arith.select %eq3A_316, %div3A_317, %select_n3A_260 : vector<16xi1>, vector<16xf32>
    %add3A_319 = arith.constant 2 : i32
    %add3A_320 = arith.addi %mul3A_16, %add3A_319 : i32
    %broadcast_in_dim3A_321 = vector.broadcast %add3A_320 : i32 to vector<16xi32>
    %gather3A_322 = tpu.vector_load_idx %arg16[%broadcast_in_dim3A_321] : memref<128xf32, #tpu.memory_space<vmem>>[vector<16xi32>], vector<16xf32>,
    %sub3A_323 = arith.constant 1.000000e+00 : f32
    %sub3A_324 = vector.broadcast %sub3A_323 : f32 to vector<16xf32>
    %sub3A_325 = arith.subf %sub3A_324, %gather3A_322 : vector<16xf32>
    %mul3A_326 = arith.mulf %while3A_300, %sub3A_325 : vector<16xf32>
    %eq3A_327 = arith.constant 2 : i32
    %eq3A_328 = vector.broadcast %eq3A_327 : i32 to vector<16xi32>
    %eq3A_329 = arith.cmpi eq, %iota3A, %eq3A_328 : vector<16xi32>
    %select_n3A_330 = arith.select %eq3A_329, %mul3A_326, %select_n3A_272 : vector<16xi1>, vector<16xf32>
    %sub3A_331 = arith.subi %squeeze3A_147, %squeeze3A_145 : i32
    %add3A_332 = arith.constant 15 : i32
    %add3A_333 = arith.addi %sub3A_331, %add3A_332 : i32
    %div3A_334 = arith.constant 16 : i32
    %div3A_335 = arith.divsi %add3A_333, %div3A_334 : i32
    %broadcast_in_dim3A_336 = arith.constant 0.000000e+00 : f32
    %broadcast_in_dim3A_337 = vector.broadcast %broadcast_in_dim3A_336 : f32 to vector<16xf32>
    %sub3A_338 = arith.constant 0 : i32
    %sub3A_339 = arith.subi %div3A_335, %sub3A_338 : i32
    %sub3A_340 = arith.constant 1 : i32
    %sub3A_341 = arith.constant 1 : i32
    %sub3A_342 = arith.subi %sub3A_340, %sub3A_341 : i32
    %add3A_343 = arith.addi %sub3A_339, %sub3A_342 : i32
    %div3A_344 = arith.constant 1 : i32
    %div3A_345 = arith.divsi %add3A_343, %div3A_344 : i32
    %while3A_346 = arith.constant 1 : i32
    %while3A_347 = arith.constant 0 : i32
    %while3A_348 = arith.constant 0 : i32
    %while3A_349 = arith.subi %div3A_345, %while3A_348 : i32
    %while3A_350 = arith.addi %while3A_348, %while3A_349 : i32
    %while3A_351 = arith.constant 1 : i32
    %while3A_352 = arith.divsi %while3A_349, %while3A_351 : i32
    %while3A_353 = arith.muli %while3A_352, %while3A_351 : i32
    %while3A_354 = arith.addi %while3A_348, %while3A_353 : i32
    %while3A_355 = arith.constant 1 : i32
    %while3A_356 = scf.for %while3A_2465 = %while3A_348 to %while3A_354 step %while3A_355 iter_args(%while3A_2466 = %broadcast_in_dim3A_337) -> (vector<16xf32>)  : i32 {
      %mul3A_2467 = arith.muli %while3A_2465, %while3A_346 : i32
      %add3A_2468 = arith.addi %while3A_347, %mul3A_2467 : i32
      %mul3A_2469 = arith.constant 16 : i32
      %mul3A_2470 = arith.muli %add3A_2468, %mul3A_2469 : i32
      %add3A_2471 = arith.addi %squeeze3A_145, %mul3A_2470 : i32
      %get3A_2472 = arith.index_cast %add3A_2471 : i32 to index
      %get3A_2473 = tpu.vector_load %arg13[%get3A_2472] {strides = array<i32>} : memref<8208xf32, #tpu.memory_space<vmem>>, vector<16xf32>,
      %add3A_2474 = vector.broadcast %add3A_2471 : i32 to vector<16xi32>
      %add3A_2475 = arith.addi %add3A_2474, %iota3A : vector<16xi32>
      %lt3A_2476 = vector.broadcast %squeeze3A_147 : i32 to vector<16xi32>
      %lt3A_2477 = arith.cmpi slt, %add3A_2475, %lt3A_2476 : vector<16xi32>
      %jit3A_2478 = arith.constant 0.000000e+00 : f32
      %broadcast_in_dim3A_2479 = vector.broadcast %jit3A_2478 : f32 to vector<16xf32>
      %select_n3A_2480 = arith.select %lt3A_2477, %get3A_2473, %broadcast_in_dim3A_2479 : vector<16xi1>, vector<16xf32>
      %broadcast_in_dim3A_2481 = arith.constant true
      %broadcast_in_dim3A_2482 = vector.broadcast %broadcast_in_dim3A_2481 : i1 to vector<16xi1>
      %masked_cumsum3A_2483 = tpu.scan <sum>, %select_n3A_2480 masked %broadcast_in_dim3A_2482 : vector<16xf32>, vector<16xi1> -> vector<16xf32>
      %add3A_2484 = arith.addf %masked_cumsum3A_2483, %while3A_2466 : vector<16xf32>
      %swap3A_2485 = arith.index_cast %add3A_2471 : i32 to index
      %swap3A_2486 = tpu.vector_load %arg14[%swap3A_2485] {strides = array<i32>} : memref<8208xf32, #tpu.memory_space<vmem>>, vector<16xf32>,
      tpu.vector_store %arg14[%swap3A_2485], %add3A_2484 {strides = array<i32>} : memref<8208xf32, #tpu.memory_space<vmem>>, vector<16xf32>,
      %add3A_2487 = arith.constant 15 : i32
      %add3A_2488 = arith.addi %add3A_2471, %add3A_2487 : i32
      %broadcast_in_dim3A_2489 = vector.broadcast %add3A_2488 : i32 to vector<16xi32>
      %gather3A_2490 = tpu.vector_load_idx %arg14[%broadcast_in_dim3A_2489] : memref<8208xf32, #tpu.memory_space<vmem>>[vector<16xi32>], vector<16xf32>,
      scf.yield %gather3A_2490 : vector<16xf32>
    }
    %while3A_357 = arith.constant 1 : i32
    %while3A_358 = scf.for %while3A_2465 = %while3A_354 to %while3A_350 step %while3A_357 iter_args(%while3A_2466 = %while3A_356) -> (vector<16xf32>)  : i32 {
      %mul3A_2467 = arith.muli %while3A_2465, %while3A_346 : i32
      %add3A_2468 = arith.addi %while3A_347, %mul3A_2467 : i32
      %mul3A_2469 = arith.constant 16 : i32
      %mul3A_2470 = arith.muli %add3A_2468, %mul3A_2469 : i32
      %add3A_2471 = arith.addi %squeeze3A_145, %mul3A_2470 : i32
      %get3A_2472 = arith.index_cast %add3A_2471 : i32 to index
      %get3A_2473 = tpu.vector_load %arg13[%get3A_2472] {strides = array<i32>} : memref<8208xf32, #tpu.memory_space<vmem>>, vector<16xf32>,
      %add3A_2474 = vector.broadcast %add3A_2471 : i32 to vector<16xi32>
      %add3A_2475 = arith.addi %add3A_2474, %iota3A : vector<16xi32>
      %lt3A_2476 = vector.broadcast %squeeze3A_147 : i32 to vector<16xi32>
      %lt3A_2477 = arith.cmpi slt, %add3A_2475, %lt3A_2476 : vector<16xi32>
      %jit3A_2478 = arith.constant 0.000000e+00 : f32
      %broadcast_in_dim3A_2479 = vector.broadcast %jit3A_2478 : f32 to vector<16xf32>
      %select_n3A_2480 = arith.select %lt3A_2477, %get3A_2473, %broadcast_in_dim3A_2479 : vector<16xi1>, vector<16xf32>
      %broadcast_in_dim3A_2481 = arith.constant true
      %broadcast_in_dim3A_2482 = vector.broadcast %broadcast_in_dim3A_2481 : i1 to vector<16xi1>
      %masked_cumsum3A_2483 = tpu.scan <sum>, %select_n3A_2480 masked %broadcast_in_dim3A_2482 : vector<16xf32>, vector<16xi1> -> vector<16xf32>
      %add3A_2484 = arith.addf %masked_cumsum3A_2483, %while3A_2466 : vector<16xf32>
      %swap3A_2485 = arith.index_cast %add3A_2471 : i32 to index
      %swap3A_2486 = tpu.vector_load %arg14[%swap3A_2485] {strides = array<i32>} : memref<8208xf32, #tpu.memory_space<vmem>>, vector<16xf32>,
      tpu.vector_store %arg14[%swap3A_2485], %add3A_2484 {strides = array<i32>} : memref<8208xf32, #tpu.memory_space<vmem>>, vector<16xf32>,
      %add3A_2487 = arith.constant 15 : i32
      %add3A_2488 = arith.addi %add3A_2471, %add3A_2487 : i32
      %broadcast_in_dim3A_2489 = vector.broadcast %add3A_2488 : i32 to vector<16xi32>
      %gather3A_2490 = tpu.vector_load_idx %arg14[%broadcast_in_dim3A_2489] : memref<8208xf32, #tpu.memory_space<vmem>>[vector<16xi32>], vector<16xf32>,
      scf.yield %gather3A_2490 : vector<16xf32>
    }
    %add3A_359 = arith.constant 3 : i32
    %add3A_360 = arith.addi %mul3A_16, %add3A_359 : i32
    %broadcast_in_dim3A_361 = vector.broadcast %add3A_360 : i32 to vector<16xi32>
    %gather3A_362 = tpu.vector_load_idx %arg15[%broadcast_in_dim3A_361] : memref<128xf32, #tpu.memory_space<vmem>>[vector<16xi32>], vector<16xf32>,
    %exp3A_363 = math.exp %gather3A_362 : vector<16xf32>
    %add3A_364 = arith.addf %while3A_358, %exp3A_363 : vector<16xf32>
    %eq3A_365 = arith.constant 3 : i32
    %eq3A_366 = vector.broadcast %eq3A_365 : i32 to vector<16xi32>
    %eq3A_367 = arith.cmpi eq, %iota3A, %eq3A_366 : vector<16xi32>
    %div3A_368 = arith.constant 1.000000e+00 : f32
    %div3A_369 = vector.broadcast %div3A_368 : f32 to vector<16xf32>
    %div3A_370 = arith.divf %div3A_369, %add3A_364 : vector<16xf32>
    %select_n3A_371 = arith.select %eq3A_367, %div3A_370, %select_n3A_313 : vector<16xi1>, vector<16xf32>
    %eq3A_372 = arith.constant 3 : i32
    %eq3A_373 = vector.broadcast %eq3A_372 : i32 to vector<16xi32>
    %eq3A_374 = arith.cmpi eq, %iota3A, %eq3A_373 : vector<16xi32>
    %div3A_375 = arith.divf %exp3A_363, %add3A_364 : vector<16xf32>
    %select_n3A_376 = arith.select %eq3A_374, %div3A_375, %select_n3A_318 : vector<16xi1>, vector<16xf32>
    %add3A_377 = arith.constant 3 : i32
    %add3A_378 = arith.addi %mul3A_16, %add3A_377 : i32
    %broadcast_in_dim3A_379 = vector.broadcast %add3A_378 : i32 to vector<16xi32>
    %gather3A_380 = tpu.vector_load_idx %arg16[%broadcast_in_dim3A_379] : memref<128xf32, #tpu.memory_space<vmem>>[vector<16xi32>], vector<16xf32>,
    %sub3A_381 = arith.constant 1.000000e+00 : f32
    %sub3A_382 = vector.broadcast %sub3A_381 : f32 to vector<16xf32>
    %sub3A_383 = arith.subf %sub3A_382, %gather3A_380 : vector<16xf32>
    %mul3A_384 = arith.mulf %while3A_358, %sub3A_383 : vector<16xf32>
    %eq3A_385 = arith.constant 3 : i32
    %eq3A_386 = vector.broadcast %eq3A_385 : i32 to vector<16xi32>
    %eq3A_387 = arith.cmpi eq, %iota3A, %eq3A_386 : vector<16xi32>
    %select_n3A_388 = arith.select %eq3A_387, %mul3A_384, %select_n3A_330 : vector<16xi1>, vector<16xf32>
    %sub3A_389 = arith.subi %squeeze3A_149, %squeeze3A_147 : i32
    %add3A_390 = arith.constant 15 : i32
    %add3A_391 = arith.addi %sub3A_389, %add3A_390 : i32
    %div3A_392 = arith.constant 16 : i32
    %div3A_393 = arith.divsi %add3A_391, %div3A_392 : i32
    %broadcast_in_dim3A_394 = arith.constant 0.000000e+00 : f32
    %broadcast_in_dim3A_395 = vector.broadcast %broadcast_in_dim3A_394 : f32 to vector<16xf32>
    %sub3A_396 = arith.constant 0 : i32
    %sub3A_397 = arith.subi %div3A_393, %sub3A_396 : i32
    %sub3A_398 = arith.constant 1 : i32
    %sub3A_399 = arith.constant 1 : i32
    %sub3A_400 = arith.subi %sub3A_398, %sub3A_399 : i32
    %add3A_401 = arith.addi %sub3A_397, %sub3A_400 : i32
    %div3A_402 = arith.constant 1 : i32
    %div3A_403 = arith.divsi %add3A_401, %div3A_402 : i32
    %while3A_404 = arith.constant 1 : i32
    %while3A_405 = arith.constant 0 : i32
    %while3A_406 = arith.constant 0 : i32
    %while3A_407 = arith.subi %div3A_403, %while3A_406 : i32
    %while3A_408 = arith.addi %while3A_406, %while3A_407 : i32
    %while3A_409 = arith.constant 1 : i32
    %while3A_410 = arith.divsi %while3A_407, %while3A_409 : i32
    %while3A_411 = arith.muli %while3A_410, %while3A_409 : i32
    %while3A_412 = arith.addi %while3A_406, %while3A_411 : i32
    %while3A_413 = arith.constant 1 : i32
    %while3A_414 = scf.for %while3A_2465 = %while3A_406 to %while3A_412 step %while3A_413 iter_args(%while3A_2466 = %broadcast_in_dim3A_395) -> (vector<16xf32>)  : i32 {
      %mul3A_2467 = arith.muli %while3A_2465, %while3A_404 : i32
      %add3A_2468 = arith.addi %while3A_405, %mul3A_2467 : i32
      %mul3A_2469 = arith.constant 16 : i32
      %mul3A_2470 = arith.muli %add3A_2468, %mul3A_2469 : i32
      %add3A_2471 = arith.addi %squeeze3A_147, %mul3A_2470 : i32
      %get3A_2472 = arith.index_cast %add3A_2471 : i32 to index
      %get3A_2473 = tpu.vector_load %arg13[%get3A_2472] {strides = array<i32>} : memref<8208xf32, #tpu.memory_space<vmem>>, vector<16xf32>,
      %add3A_2474 = vector.broadcast %add3A_2471 : i32 to vector<16xi32>
      %add3A_2475 = arith.addi %add3A_2474, %iota3A : vector<16xi32>
      %lt3A_2476 = vector.broadcast %squeeze3A_149 : i32 to vector<16xi32>
      %lt3A_2477 = arith.cmpi slt, %add3A_2475, %lt3A_2476 : vector<16xi32>
      %jit3A_2478 = arith.constant 0.000000e+00 : f32
      %broadcast_in_dim3A_2479 = vector.broadcast %jit3A_2478 : f32 to vector<16xf32>
      %select_n3A_2480 = arith.select %lt3A_2477, %get3A_2473, %broadcast_in_dim3A_2479 : vector<16xi1>, vector<16xf32>
      %broadcast_in_dim3A_2481 = arith.constant true
      %broadcast_in_dim3A_2482 = vector.broadcast %broadcast_in_dim3A_2481 : i1 to vector<16xi1>
      %masked_cumsum3A_2483 = tpu.scan <sum>, %select_n3A_2480 masked %broadcast_in_dim3A_2482 : vector<16xf32>, vector<16xi1> -> vector<16xf32>
      %add3A_2484 = arith.addf %masked_cumsum3A_2483, %while3A_2466 : vector<16xf32>
      %swap3A_2485 = arith.index_cast %add3A_2471 : i32 to index
      %swap3A_2486 = tpu.vector_load %arg14[%swap3A_2485] {strides = array<i32>} : memref<8208xf32, #tpu.memory_space<vmem>>, vector<16xf32>,
      tpu.vector_store %arg14[%swap3A_2485], %add3A_2484 {strides = array<i32>} : memref<8208xf32, #tpu.memory_space<vmem>>, vector<16xf32>,
      %add3A_2487 = arith.constant 15 : i32
      %add3A_2488 = arith.addi %add3A_2471, %add3A_2487 : i32
      %broadcast_in_dim3A_2489 = vector.broadcast %add3A_2488 : i32 to vector<16xi32>
      %gather3A_2490 = tpu.vector_load_idx %arg14[%broadcast_in_dim3A_2489] : memref<8208xf32, #tpu.memory_space<vmem>>[vector<16xi32>], vector<16xf32>,
      scf.yield %gather3A_2490 : vector<16xf32>
    }
    %while3A_415 = arith.constant 1 : i32
    %while3A_416 = scf.for %while3A_2465 = %while3A_412 to %while3A_408 step %while3A_415 iter_args(%while3A_2466 = %while3A_414) -> (vector<16xf32>)  : i32 {
      %mul3A_2467 = arith.muli %while3A_2465, %while3A_404 : i32
      %add3A_2468 = arith.addi %while3A_405, %mul3A_2467 : i32
      %mul3A_2469 = arith.constant 16 : i32
      %mul3A_2470 = arith.muli %add3A_2468, %mul3A_2469 : i32
      %add3A_2471 = arith.addi %squeeze3A_147, %mul3A_2470 : i32
      %get3A_2472 = arith.index_cast %add3A_2471 : i32 to index
      %get3A_2473 = tpu.vector_load %arg13[%get3A_2472] {strides = array<i32>} : memref<8208xf32, #tpu.memory_space<vmem>>, vector<16xf32>,
      %add3A_2474 = vector.broadcast %add3A_2471 : i32 to vector<16xi32>
      %add3A_2475 = arith.addi %add3A_2474, %iota3A : vector<16xi32>
      %lt3A_2476 = vector.broadcast %squeeze3A_149 : i32 to vector<16xi32>
      %lt3A_2477 = arith.cmpi slt, %add3A_2475, %lt3A_2476 : vector<16xi32>
      %jit3A_2478 = arith.constant 0.000000e+00 : f32
      %broadcast_in_dim3A_2479 = vector.broadcast %jit3A_2478 : f32 to vector<16xf32>
      %select_n3A_2480 = arith.select %lt3A_2477, %get3A_2473, %broadcast_in_dim3A_2479 : vector<16xi1>, vector<16xf32>
      %broadcast_in_dim3A_2481 = arith.constant true
      %broadcast_in_dim3A_2482 = vector.broadcast %broadcast_in_dim3A_2481 : i1 to vector<16xi1>
      %masked_cumsum3A_2483 = tpu.scan <sum>, %select_n3A_2480 masked %broadcast_in_dim3A_2482 : vector<16xf32>, vector<16xi1> -> vector<16xf32>
      %add3A_2484 = arith.addf %masked_cumsum3A_2483, %while3A_2466 : vector<16xf32>
      %swap3A_2485 = arith.index_cast %add3A_2471 : i32 to index
      %swap3A_2486 = tpu.vector_load %arg14[%swap3A_2485] {strides = array<i32>} : memref<8208xf32, #tpu.memory_space<vmem>>, vector<16xf32>,
      tpu.vector_store %arg14[%swap3A_2485], %add3A_2484 {strides = array<i32>} : memref<8208xf32, #tpu.memory_space<vmem>>, vector<16xf32>,
      %add3A_2487 = arith.constant 15 : i32
      %add3A_2488 = arith.addi %add3A_2471, %add3A_2487 : i32
      %broadcast_in_dim3A_2489 = vector.broadcast %add3A_2488 : i32 to vector<16xi32>
      %gather3A_2490 = tpu.vector_load_idx %arg14[%broadcast_in_dim3A_2489] : memref<8208xf32, #tpu.memory_space<vmem>>[vector<16xi32>], vector<16xf32>,
      scf.yield %gather3A_2490 : vector<16xf32>
    }
    %add3A_417 = arith.constant 4 : i32
    %add3A_418 = arith.addi %mul3A_16, %add3A_417 : i32
    %broadcast_in_dim3A_419 = vector.broadcast %add3A_418 : i32 to vector<16xi32>
    %gather3A_420 = tpu.vector_load_idx %arg15[%broadcast_in_dim3A_419] : memref<128xf32, #tpu.memory_space<vmem>>[vector<16xi32>], vector<16xf32>,
    %exp3A_421 = math.exp %gather3A_420 : vector<16xf32>
    %add3A_422 = arith.addf %while3A_416, %exp3A_421 : vector<16xf32>
    %eq3A_423 = arith.constant 4 : i32
    %eq3A_424 = vector.broadcast %eq3A_423 : i32 to vector<16xi32>
    %eq3A_425 = arith.cmpi eq, %iota3A, %eq3A_424 : vector<16xi32>
    %div3A_426 = arith.constant 1.000000e+00 : f32
    %div3A_427 = vector.broadcast %div3A_426 : f32 to vector<16xf32>
    %div3A_428 = arith.divf %div3A_427, %add3A_422 : vector<16xf32>
    %select_n3A_429 = arith.select %eq3A_425, %div3A_428, %select_n3A_371 : vector<16xi1>, vector<16xf32>
    %eq3A_430 = arith.constant 4 : i32
    %eq3A_431 = vector.broadcast %eq3A_430 : i32 to vector<16xi32>
    %eq3A_432 = arith.cmpi eq, %iota3A, %eq3A_431 : vector<16xi32>
    %div3A_433 = arith.divf %exp3A_421, %add3A_422 : vector<16xf32>
    %select_n3A_434 = arith.select %eq3A_432, %div3A_433, %select_n3A_376 : vector<16xi1>, vector<16xf32>
    %add3A_435 = arith.constant 4 : i32
    %add3A_436 = arith.addi %mul3A_16, %add3A_435 : i32
    %broadcast_in_dim3A_437 = vector.broadcast %add3A_436 : i32 to vector<16xi32>
    %gather3A_438 = tpu.vector_load_idx %arg16[%broadcast_in_dim3A_437] : memref<128xf32, #tpu.memory_space<vmem>>[vector<16xi32>], vector<16xf32>,
    %sub3A_439 = arith.constant 1.000000e+00 : f32
    %sub3A_440 = vector.broadcast %sub3A_439 : f32 to vector<16xf32>
    %sub3A_441 = arith.subf %sub3A_440, %gather3A_438 : vector<16xf32>
    %mul3A_442 = arith.mulf %while3A_416, %sub3A_441 : vector<16xf32>
    %eq3A_443 = arith.constant 4 : i32
    %eq3A_444 = vector.broadcast %eq3A_443 : i32 to vector<16xi32>
    %eq3A_445 = arith.cmpi eq, %iota3A, %eq3A_444 : vector<16xi32>
    %select_n3A_446 = arith.select %eq3A_445, %mul3A_442, %select_n3A_388 : vector<16xi1>, vector<16xf32>
    %sub3A_447 = arith.subi %squeeze3A_151, %squeeze3A_149 : i32
    %add3A_448 = arith.constant 15 : i32
    %add3A_449 = arith.addi %sub3A_447, %add3A_448 : i32
    %div3A_450 = arith.constant 16 : i32
    %div3A_451 = arith.divsi %add3A_449, %div3A_450 : i32
    %broadcast_in_dim3A_452 = arith.constant 0.000000e+00 : f32
    %broadcast_in_dim3A_453 = vector.broadcast %broadcast_in_dim3A_452 : f32 to vector<16xf32>
    %sub3A_454 = arith.constant 0 : i32
    %sub3A_455 = arith.subi %div3A_451, %sub3A_454 : i32
    %sub3A_456 = arith.constant 1 : i32
    %sub3A_457 = arith.constant 1 : i32
    %sub3A_458 = arith.subi %sub3A_456, %sub3A_457 : i32
    %add3A_459 = arith.addi %sub3A_455, %sub3A_458 : i32
    %div3A_460 = arith.constant 1 : i32
    %div3A_461 = arith.divsi %add3A_459, %div3A_460 : i32
    %while3A_462 = arith.constant 1 : i32
    %while3A_463 = arith.constant 0 : i32
    %while3A_464 = arith.constant 0 : i32
    %while3A_465 = arith.subi %div3A_461, %while3A_464 : i32
    %while3A_466 = arith.addi %while3A_464, %while3A_465 : i32
    %while3A_467 = arith.constant 1 : i32
    %while3A_468 = arith.divsi %while3A_465, %while3A_467 : i32
    %while3A_469 = arith.muli %while3A_468, %while3A_467 : i32
    %while3A_470 = arith.addi %while3A_464, %while3A_469 : i32
    %while3A_471 = arith.constant 1 : i32
    %while3A_472 = scf.for %while3A_2465 = %while3A_464 to %while3A_470 step %while3A_471 iter_args(%while3A_2466 = %broadcast_in_dim3A_453) -> (vector<16xf32>)  : i32 {
      %mul3A_2467 = arith.muli %while3A_2465, %while3A_462 : i32
      %add3A_2468 = arith.addi %while3A_463, %mul3A_2467 : i32
      %mul3A_2469 = arith.constant 16 : i32
      %mul3A_2470 = arith.muli %add3A_2468, %mul3A_2469 : i32
      %add3A_2471 = arith.addi %squeeze3A_149, %mul3A_2470 : i32
      %get3A_2472 = arith.index_cast %add3A_2471 : i32 to index
      %get3A_2473 = tpu.vector_load %arg13[%get3A_2472] {strides = array<i32>} : memref<8208xf32, #tpu.memory_space<vmem>>, vector<16xf32>,
      %add3A_2474 = vector.broadcast %add3A_2471 : i32 to vector<16xi32>
      %add3A_2475 = arith.addi %add3A_2474, %iota3A : vector<16xi32>
      %lt3A_2476 = vector.broadcast %squeeze3A_151 : i32 to vector<16xi32>
      %lt3A_2477 = arith.cmpi slt, %add3A_2475, %lt3A_2476 : vector<16xi32>
      %jit3A_2478 = arith.constant 0.000000e+00 : f32
      %broadcast_in_dim3A_2479 = vector.broadcast %jit3A_2478 : f32 to vector<16xf32>
      %select_n3A_2480 = arith.select %lt3A_2477, %get3A_2473, %broadcast_in_dim3A_2479 : vector<16xi1>, vector<16xf32>
      %broadcast_in_dim3A_2481 = arith.constant true
      %broadcast_in_dim3A_2482 = vector.broadcast %broadcast_in_dim3A_2481 : i1 to vector<16xi1>
      %masked_cumsum3A_2483 = tpu.scan <sum>, %select_n3A_2480 masked %broadcast_in_dim3A_2482 : vector<16xf32>, vector<16xi1> -> vector<16xf32>
      %add3A_2484 = arith.addf %masked_cumsum3A_2483, %while3A_2466 : vector<16xf32>
      %swap3A_2485 = arith.index_cast %add3A_2471 : i32 to index
      %swap3A_2486 = tpu.vector_load %arg14[%swap3A_2485] {strides = array<i32>} : memref<8208xf32, #tpu.memory_space<vmem>>, vector<16xf32>,
      tpu.vector_store %arg14[%swap3A_2485], %add3A_2484 {strides = array<i32>} : memref<8208xf32, #tpu.memory_space<vmem>>, vector<16xf32>,
      %add3A_2487 = arith.constant 15 : i32
      %add3A_2488 = arith.addi %add3A_2471, %add3A_2487 : i32
      %broadcast_in_dim3A_2489 = vector.broadcast %add3A_2488 : i32 to vector<16xi32>
      %gather3A_2490 = tpu.vector_load_idx %arg14[%broadcast_in_dim3A_2489] : memref<8208xf32, #tpu.memory_space<vmem>>[vector<16xi32>], vector<16xf32>,
      scf.yield %gather3A_2490 : vector<16xf32>
    }
    %while3A_473 = arith.constant 1 : i32
    %while3A_474 = scf.for %while3A_2465 = %while3A_470 to %while3A_466 step %while3A_473 iter_args(%while3A_2466 = %while3A_472) -> (vector<16xf32>)  : i32 {
      %mul3A_2467 = arith.muli %while3A_2465, %while3A_462 : i32
      %add3A_2468 = arith.addi %while3A_463, %mul3A_2467 : i32
      %mul3A_2469 = arith.constant 16 : i32
      %mul3A_2470 = arith.muli %add3A_2468, %mul3A_2469 : i32
      %add3A_2471 = arith.addi %squeeze3A_149, %mul3A_2470 : i32
      %get3A_2472 = arith.index_cast %add3A_2471 : i32 to index
      %get3A_2473 = tpu.vector_load %arg13[%get3A_2472] {strides = array<i32>} : memref<8208xf32, #tpu.memory_space<vmem>>, vector<16xf32>,
      %add3A_2474 = vector.broadcast %add3A_2471 : i32 to vector<16xi32>
      %add3A_2475 = arith.addi %add3A_2474, %iota3A : vector<16xi32>
      %lt3A_2476 = vector.broadcast %squeeze3A_151 : i32 to vector<16xi32>
      %lt3A_2477 = arith.cmpi slt, %add3A_2475, %lt3A_2476 : vector<16xi32>
      %jit3A_2478 = arith.constant 0.000000e+00 : f32
      %broadcast_in_dim3A_2479 = vector.broadcast %jit3A_2478 : f32 to vector<16xf32>
      %select_n3A_2480 = arith.select %lt3A_2477, %get3A_2473, %broadcast_in_dim3A_2479 : vector<16xi1>, vector<16xf32>
      %broadcast_in_dim3A_2481 = arith.constant true
      %broadcast_in_dim3A_2482 = vector.broadcast %broadcast_in_dim3A_2481 : i1 to vector<16xi1>
      %masked_cumsum3A_2483 = tpu.scan <sum>, %select_n3A_2480 masked %broadcast_in_dim3A_2482 : vector<16xf32>, vector<16xi1> -> vector<16xf32>
      %add3A_2484 = arith.addf %masked_cumsum3A_2483, %while3A_2466 : vector<16xf32>
      %swap3A_2485 = arith.index_cast %add3A_2471 : i32 to index
      %swap3A_2486 = tpu.vector_load %arg14[%swap3A_2485] {strides = array<i32>} : memref<8208xf32, #tpu.memory_space<vmem>>, vector<16xf32>,
      tpu.vector_store %arg14[%swap3A_2485], %add3A_2484 {strides = array<i32>} : memref<8208xf32, #tpu.memory_space<vmem>>, vector<16xf32>,
      %add3A_2487 = arith.constant 15 : i32
      %add3A_2488 = arith.addi %add3A_2471, %add3A_2487 : i32
      %broadcast_in_dim3A_2489 = vector.broadcast %add3A_2488 : i32 to vector<16xi32>
      %gather3A_2490 = tpu.vector_load_idx %arg14[%broadcast_in_dim3A_2489] : memref<8208xf32, #tpu.memory_space<vmem>>[vector<16xi32>], vector<16xf32>,
      scf.yield %gather3A_2490 : vector<16xf32>
    }
    %add3A_475 = arith.constant 5 : i32
    %add3A_476 = arith.addi %mul3A_16, %add3A_475 : i32
    %broadcast_in_dim3A_477 = vector.broadcast %add3A_476 : i32 to vector<16xi32>
    %gather3A_478 = tpu.vector_load_idx %arg15[%broadcast_in_dim3A_477] : memref<128xf32, #tpu.memory_space<vmem>>[vector<16xi32>], vector<16xf32>,
    %exp3A_479 = math.exp %gather3A_478 : vector<16xf32>
    %add3A_480 = arith.addf %while3A_474, %exp3A_479 : vector<16xf32>
    %eq3A_481 = arith.constant 5 : i32
    %eq3A_482 = vector.broadcast %eq3A_481 : i32 to vector<16xi32>
    %eq3A_483 = arith.cmpi eq, %iota3A, %eq3A_482 : vector<16xi32>
    %div3A_484 = arith.constant 1.000000e+00 : f32
    %div3A_485 = vector.broadcast %div3A_484 : f32 to vector<16xf32>
    %div3A_486 = arith.divf %div3A_485, %add3A_480 : vector<16xf32>
    %select_n3A_487 = arith.select %eq3A_483, %div3A_486, %select_n3A_429 : vector<16xi1>, vector<16xf32>
    %eq3A_488 = arith.constant 5 : i32
    %eq3A_489 = vector.broadcast %eq3A_488 : i32 to vector<16xi32>
    %eq3A_490 = arith.cmpi eq, %iota3A, %eq3A_489 : vector<16xi32>
    %div3A_491 = arith.divf %exp3A_479, %add3A_480 : vector<16xf32>
    %select_n3A_492 = arith.select %eq3A_490, %div3A_491, %select_n3A_434 : vector<16xi1>, vector<16xf32>
    %add3A_493 = arith.constant 5 : i32
    %add3A_494 = arith.addi %mul3A_16, %add3A_493 : i32
    %broadcast_in_dim3A_495 = vector.broadcast %add3A_494 : i32 to vector<16xi32>
    %gather3A_496 = tpu.vector_load_idx %arg16[%broadcast_in_dim3A_495] : memref<128xf32, #tpu.memory_space<vmem>>[vector<16xi32>], vector<16xf32>,
    %sub3A_497 = arith.constant 1.000000e+00 : f32
    %sub3A_498 = vector.broadcast %sub3A_497 : f32 to vector<16xf32>
    %sub3A_499 = arith.subf %sub3A_498, %gather3A_496 : vector<16xf32>
    %mul3A_500 = arith.mulf %while3A_474, %sub3A_499 : vector<16xf32>
    %eq3A_501 = arith.constant 5 : i32
    %eq3A_502 = vector.broadcast %eq3A_501 : i32 to vector<16xi32>
    %eq3A_503 = arith.cmpi eq, %iota3A, %eq3A_502 : vector<16xi32>
    %select_n3A_504 = arith.select %eq3A_503, %mul3A_500, %select_n3A_446 : vector<16xi1>, vector<16xf32>
    %sub3A_505 = arith.subi %squeeze3A_153, %squeeze3A_151 : i32
    %add3A_506 = arith.constant 15 : i32
    %add3A_507 = arith.addi %sub3A_505, %add3A_506 : i32
    %div3A_508 = arith.constant 16 : i32
    %div3A_509 = arith.divsi %add3A_507, %div3A_508 : i32
    %broadcast_in_dim3A_510 = arith.constant 0.000000e+00 : f32
    %broadcast_in_dim3A_511 = vector.broadcast %broadcast_in_dim3A_510 : f32 to vector<16xf32>
    %sub3A_512 = arith.constant 0 : i32
    %sub3A_513 = arith.subi %div3A_509, %sub3A_512 : i32
    %sub3A_514 = arith.constant 1 : i32
    %sub3A_515 = arith.constant 1 : i32
    %sub3A_516 = arith.subi %sub3A_514, %sub3A_515 : i32
    %add3A_517 = arith.addi %sub3A_513, %sub3A_516 : i32
    %div3A_518 = arith.constant 1 : i32
    %div3A_519 = arith.divsi %add3A_517, %div3A_518 : i32
    %while3A_520 = arith.constant 1 : i32
    %while3A_521 = arith.constant 0 : i32
    %while3A_522 = arith.constant 0 : i32
    %while3A_523 = arith.subi %div3A_519, %while3A_522 : i32
    %while3A_524 = arith.addi %while3A_522, %while3A_523 : i32
    %while3A_525 = arith.constant 1 : i32
    %while3A_526 = arith.divsi %while3A_523, %while3A_525 : i32
    %while3A_527 = arith.muli %while3A_526, %while3A_525 : i32
    %while3A_528 = arith.addi %while3A_522, %while3A_527 : i32
    %while3A_529 = arith.constant 1 : i32
    %while3A_530 = scf.for %while3A_2465 = %while3A_522 to %while3A_528 step %while3A_529 iter_args(%while3A_2466 = %broadcast_in_dim3A_511) -> (vector<16xf32>)  : i32 {
      %mul3A_2467 = arith.muli %while3A_2465, %while3A_520 : i32
      %add3A_2468 = arith.addi %while3A_521, %mul3A_2467 : i32
      %mul3A_2469 = arith.constant 16 : i32
      %mul3A_2470 = arith.muli %add3A_2468, %mul3A_2469 : i32
      %add3A_2471 = arith.addi %squeeze3A_151, %mul3A_2470 : i32
      %get3A_2472 = arith.index_cast %add3A_2471 : i32 to index
      %get3A_2473 = tpu.vector_load %arg13[%get3A_2472] {strides = array<i32>} : memref<8208xf32, #tpu.memory_space<vmem>>, vector<16xf32>,
      %add3A_2474 = vector.broadcast %add3A_2471 : i32 to vector<16xi32>
      %add3A_2475 = arith.addi %add3A_2474, %iota3A : vector<16xi32>
      %lt3A_2476 = vector.broadcast %squeeze3A_153 : i32 to vector<16xi32>
      %lt3A_2477 = arith.cmpi slt, %add3A_2475, %lt3A_2476 : vector<16xi32>
      %jit3A_2478 = arith.constant 0.000000e+00 : f32
      %broadcast_in_dim3A_2479 = vector.broadcast %jit3A_2478 : f32 to vector<16xf32>
      %select_n3A_2480 = arith.select %lt3A_2477, %get3A_2473, %broadcast_in_dim3A_2479 : vector<16xi1>, vector<16xf32>
      %broadcast_in_dim3A_2481 = arith.constant true
      %broadcast_in_dim3A_2482 = vector.broadcast %broadcast_in_dim3A_2481 : i1 to vector<16xi1>
      %masked_cumsum3A_2483 = tpu.scan <sum>, %select_n3A_2480 masked %broadcast_in_dim3A_2482 : vector<16xf32>, vector<16xi1> -> vector<16xf32>
      %add3A_2484 = arith.addf %masked_cumsum3A_2483, %while3A_2466 : vector<16xf32>
      %swap3A_2485 = arith.index_cast %add3A_2471 : i32 to index
      %swap3A_2486 = tpu.vector_load %arg14[%swap3A_2485] {strides = array<i32>} : memref<8208xf32, #tpu.memory_space<vmem>>, vector<16xf32>,
      tpu.vector_store %arg14[%swap3A_2485], %add3A_2484 {strides = array<i32>} : memref<8208xf32, #tpu.memory_space<vmem>>, vector<16xf32>,
      %add3A_2487 = arith.constant 15 : i32
      %add3A_2488 = arith.addi %add3A_2471, %add3A_2487 : i32
      %broadcast_in_dim3A_2489 = vector.broadcast %add3A_2488 : i32 to vector<16xi32>
      %gather3A_2490 = tpu.vector_load_idx %arg14[%broadcast_in_dim3A_2489] : memref<8208xf32, #tpu.memory_space<vmem>>[vector<16xi32>], vector<16xf32>,
      scf.yield %gather3A_2490 : vector<16xf32>
    }
    %while3A_531 = arith.constant 1 : i32
    %while3A_532 = scf.for %while3A_2465 = %while3A_528 to %while3A_524 step %while3A_531 iter_args(%while3A_2466 = %while3A_530) -> (vector<16xf32>)  : i32 {
      %mul3A_2467 = arith.muli %while3A_2465, %while3A_520 : i32
      %add3A_2468 = arith.addi %while3A_521, %mul3A_2467 : i32
      %mul3A_2469 = arith.constant 16 : i32
      %mul3A_2470 = arith.muli %add3A_2468, %mul3A_2469 : i32
      %add3A_2471 = arith.addi %squeeze3A_151, %mul3A_2470 : i32
      %get3A_2472 = arith.index_cast %add3A_2471 : i32 to index
      %get3A_2473 = tpu.vector_load %arg13[%get3A_2472] {strides = array<i32>} : memref<8208xf32, #tpu.memory_space<vmem>>, vector<16xf32>,
      %add3A_2474 = vector.broadcast %add3A_2471 : i32 to vector<16xi32>
      %add3A_2475 = arith.addi %add3A_2474, %iota3A : vector<16xi32>
      %lt3A_2476 = vector.broadcast %squeeze3A_153 : i32 to vector<16xi32>
      %lt3A_2477 = arith.cmpi slt, %add3A_2475, %lt3A_2476 : vector<16xi32>
      %jit3A_2478 = arith.constant 0.000000e+00 : f32
      %broadcast_in_dim3A_2479 = vector.broadcast %jit3A_2478 : f32 to vector<16xf32>
      %select_n3A_2480 = arith.select %lt3A_2477, %get3A_2473, %broadcast_in_dim3A_2479 : vector<16xi1>, vector<16xf32>
      %broadcast_in_dim3A_2481 = arith.constant true
      %broadcast_in_dim3A_2482 = vector.broadcast %broadcast_in_dim3A_2481 : i1 to vector<16xi1>
      %masked_cumsum3A_2483 = tpu.scan <sum>, %select_n3A_2480 masked %broadcast_in_dim3A_2482 : vector<16xf32>, vector<16xi1> -> vector<16xf32>
      %add3A_2484 = arith.addf %masked_cumsum3A_2483, %while3A_2466 : vector<16xf32>
      %swap3A_2485 = arith.index_cast %add3A_2471 : i32 to index
      %swap3A_2486 = tpu.vector_load %arg14[%swap3A_2485] {strides = array<i32>} : memref<8208xf32, #tpu.memory_space<vmem>>, vector<16xf32>,
      tpu.vector_store %arg14[%swap3A_2485], %add3A_2484 {strides = array<i32>} : memref<8208xf32, #tpu.memory_space<vmem>>, vector<16xf32>,
      %add3A_2487 = arith.constant 15 : i32
      %add3A_2488 = arith.addi %add3A_2471, %add3A_2487 : i32
      %broadcast_in_dim3A_2489 = vector.broadcast %add3A_2488 : i32 to vector<16xi32>
      %gather3A_2490 = tpu.vector_load_idx %arg14[%broadcast_in_dim3A_2489] : memref<8208xf32, #tpu.memory_space<vmem>>[vector<16xi32>], vector<16xf32>,
      scf.yield %gather3A_2490 : vector<16xf32>
    }
    %add3A_533 = arith.constant 6 : i32
    %add3A_534 = arith.addi %mul3A_16, %add3A_533 : i32
    %broadcast_in_dim3A_535 = vector.broadcast %add3A_534 : i32 to vector<16xi32>
    %gather3A_536 = tpu.vector_load_idx %arg15[%broadcast_in_dim3A_535] : memref<128xf32, #tpu.memory_space<vmem>>[vector<16xi32>], vector<16xf32>,
    %exp3A_537 = math.exp %gather3A_536 : vector<16xf32>
    %add3A_538 = arith.addf %while3A_532, %exp3A_537 : vector<16xf32>
    %eq3A_539 = arith.constant 6 : i32
    %eq3A_540 = vector.broadcast %eq3A_539 : i32 to vector<16xi32>
    %eq3A_541 = arith.cmpi eq, %iota3A, %eq3A_540 : vector<16xi32>
    %div3A_542 = arith.constant 1.000000e+00 : f32
    %div3A_543 = vector.broadcast %div3A_542 : f32 to vector<16xf32>
    %div3A_544 = arith.divf %div3A_543, %add3A_538 : vector<16xf32>
    %select_n3A_545 = arith.select %eq3A_541, %div3A_544, %select_n3A_487 : vector<16xi1>, vector<16xf32>
    %eq3A_546 = arith.constant 6 : i32
    %eq3A_547 = vector.broadcast %eq3A_546 : i32 to vector<16xi32>
    %eq3A_548 = arith.cmpi eq, %iota3A, %eq3A_547 : vector<16xi32>
    %div3A_549 = arith.divf %exp3A_537, %add3A_538 : vector<16xf32>
    %select_n3A_550 = arith.select %eq3A_548, %div3A_549, %select_n3A_492 : vector<16xi1>, vector<16xf32>
    %add3A_551 = arith.constant 6 : i32
    %add3A_552 = arith.addi %mul3A_16, %add3A_551 : i32
    %broadcast_in_dim3A_553 = vector.broadcast %add3A_552 : i32 to vector<16xi32>
    %gather3A_554 = tpu.vector_load_idx %arg16[%broadcast_in_dim3A_553] : memref<128xf32, #tpu.memory_space<vmem>>[vector<16xi32>], vector<16xf32>,
    %sub3A_555 = arith.constant 1.000000e+00 : f32
    %sub3A_556 = vector.broadcast %sub3A_555 : f32 to vector<16xf32>
    %sub3A_557 = arith.subf %sub3A_556, %gather3A_554 : vector<16xf32>
    %mul3A_558 = arith.mulf %while3A_532, %sub3A_557 : vector<16xf32>
    %eq3A_559 = arith.constant 6 : i32
    %eq3A_560 = vector.broadcast %eq3A_559 : i32 to vector<16xi32>
    %eq3A_561 = arith.cmpi eq, %iota3A, %eq3A_560 : vector<16xi32>
    %select_n3A_562 = arith.select %eq3A_561, %mul3A_558, %select_n3A_504 : vector<16xi1>, vector<16xf32>
    %sub3A_563 = arith.subi %squeeze3A_155, %squeeze3A_153 : i32
    %add3A_564 = arith.constant 15 : i32
    %add3A_565 = arith.addi %sub3A_563, %add3A_564 : i32
    %div3A_566 = arith.constant 16 : i32
    %div3A_567 = arith.divsi %add3A_565, %div3A_566 : i32
    %broadcast_in_dim3A_568 = arith.constant 0.000000e+00 : f32
    %broadcast_in_dim3A_569 = vector.broadcast %broadcast_in_dim3A_568 : f32 to vector<16xf32>
    %sub3A_570 = arith.constant 0 : i32
    %sub3A_571 = arith.subi %div3A_567, %sub3A_570 : i32
    %sub3A_572 = arith.constant 1 : i32
    %sub3A_573 = arith.constant 1 : i32
    %sub3A_574 = arith.subi %sub3A_572, %sub3A_573 : i32
    %add3A_575 = arith.addi %sub3A_571, %sub3A_574 : i32
    %div3A_576 = arith.constant 1 : i32
    %div3A_577 = arith.divsi %add3A_575, %div3A_576 : i32
    %while3A_578 = arith.constant 1 : i32
    %while3A_579 = arith.constant 0 : i32
    %while3A_580 = arith.constant 0 : i32
    %while3A_581 = arith.subi %div3A_577, %while3A_580 : i32
    %while3A_582 = arith.addi %while3A_580, %while3A_581 : i32
    %while3A_583 = arith.constant 1 : i32
    %while3A_584 = arith.divsi %while3A_581, %while3A_583 : i32
    %while3A_585 = arith.muli %while3A_584, %while3A_583 : i32
    %while3A_586 = arith.addi %while3A_580, %while3A_585 : i32
    %while3A_587 = arith.constant 1 : i32
    %while3A_588 = scf.for %while3A_2465 = %while3A_580 to %while3A_586 step %while3A_587 iter_args(%while3A_2466 = %broadcast_in_dim3A_569) -> (vector<16xf32>)  : i32 {
      %mul3A_2467 = arith.muli %while3A_2465, %while3A_578 : i32
      %add3A_2468 = arith.addi %while3A_579, %mul3A_2467 : i32
      %mul3A_2469 = arith.constant 16 : i32
      %mul3A_2470 = arith.muli %add3A_2468, %mul3A_2469 : i32
      %add3A_2471 = arith.addi %squeeze3A_153, %mul3A_2470 : i32
      %get3A_2472 = arith.index_cast %add3A_2471 : i32 to index
      %get3A_2473 = tpu.vector_load %arg13[%get3A_2472] {strides = array<i32>} : memref<8208xf32, #tpu.memory_space<vmem>>, vector<16xf32>,
      %add3A_2474 = vector.broadcast %add3A_2471 : i32 to vector<16xi32>
      %add3A_2475 = arith.addi %add3A_2474, %iota3A : vector<16xi32>
      %lt3A_2476 = vector.broadcast %squeeze3A_155 : i32 to vector<16xi32>
      %lt3A_2477 = arith.cmpi slt, %add3A_2475, %lt3A_2476 : vector<16xi32>
      %jit3A_2478 = arith.constant 0.000000e+00 : f32
      %broadcast_in_dim3A_2479 = vector.broadcast %jit3A_2478 : f32 to vector<16xf32>
      %select_n3A_2480 = arith.select %lt3A_2477, %get3A_2473, %broadcast_in_dim3A_2479 : vector<16xi1>, vector<16xf32>
      %broadcast_in_dim3A_2481 = arith.constant true
      %broadcast_in_dim3A_2482 = vector.broadcast %broadcast_in_dim3A_2481 : i1 to vector<16xi1>
      %masked_cumsum3A_2483 = tpu.scan <sum>, %select_n3A_2480 masked %broadcast_in_dim3A_2482 : vector<16xf32>, vector<16xi1> -> vector<16xf32>
      %add3A_2484 = arith.addf %masked_cumsum3A_2483, %while3A_2466 : vector<16xf32>
      %swap3A_2485 = arith.index_cast %add3A_2471 : i32 to index
      %swap3A_2486 = tpu.vector_load %arg14[%swap3A_2485] {strides = array<i32>} : memref<8208xf32, #tpu.memory_space<vmem>>, vector<16xf32>,
      tpu.vector_store %arg14[%swap3A_2485], %add3A_2484 {strides = array<i32>} : memref<8208xf32, #tpu.memory_space<vmem>>, vector<16xf32>,
      %add3A_2487 = arith.constant 15 : i32
      %add3A_2488 = arith.addi %add3A_2471, %add3A_2487 : i32
      %broadcast_in_dim3A_2489 = vector.broadcast %add3A_2488 : i32 to vector<16xi32>
      %gather3A_2490 = tpu.vector_load_idx %arg14[%broadcast_in_dim3A_2489] : memref<8208xf32, #tpu.memory_space<vmem>>[vector<16xi32>], vector<16xf32>,
      scf.yield %gather3A_2490 : vector<16xf32>
    }
    %while3A_589 = arith.constant 1 : i32
    %while3A_590 = scf.for %while3A_2465 = %while3A_586 to %while3A_582 step %while3A_589 iter_args(%while3A_2466 = %while3A_588) -> (vector<16xf32>)  : i32 {
      %mul3A_2467 = arith.muli %while3A_2465, %while3A_578 : i32
      %add3A_2468 = arith.addi %while3A_579, %mul3A_2467 : i32
      %mul3A_2469 = arith.constant 16 : i32
      %mul3A_2470 = arith.muli %add3A_2468, %mul3A_2469 : i32
      %add3A_2471 = arith.addi %squeeze3A_153, %mul3A_2470 : i32
      %get3A_2472 = arith.index_cast %add3A_2471 : i32 to index
      %get3A_2473 = tpu.vector_load %arg13[%get3A_2472] {strides = array<i32>} : memref<8208xf32, #tpu.memory_space<vmem>>, vector<16xf32>,
      %add3A_2474 = vector.broadcast %add3A_2471 : i32 to vector<16xi32>
      %add3A_2475 = arith.addi %add3A_2474, %iota3A : vector<16xi32>
      %lt3A_2476 = vector.broadcast %squeeze3A_155 : i32 to vector<16xi32>
      %lt3A_2477 = arith.cmpi slt, %add3A_2475, %lt3A_2476 : vector<16xi32>
      %jit3A_2478 = arith.constant 0.000000e+00 : f32
      %broadcast_in_dim3A_2479 = vector.broadcast %jit3A_2478 : f32 to vector<16xf32>
      %select_n3A_2480 = arith.select %lt3A_2477, %get3A_2473, %broadcast_in_dim3A_2479 : vector<16xi1>, vector<16xf32>
      %broadcast_in_dim3A_2481 = arith.constant true
      %broadcast_in_dim3A_2482 = vector.broadcast %broadcast_in_dim3A_2481 : i1 to vector<16xi1>
      %masked_cumsum3A_2483 = tpu.scan <sum>, %select_n3A_2480 masked %broadcast_in_dim3A_2482 : vector<16xf32>, vector<16xi1> -> vector<16xf32>
      %add3A_2484 = arith.addf %masked_cumsum3A_2483, %while3A_2466 : vector<16xf32>
      %swap3A_2485 = arith.index_cast %add3A_2471 : i32 to index
      %swap3A_2486 = tpu.vector_load %arg14[%swap3A_2485] {strides = array<i32>} : memref<8208xf32, #tpu.memory_space<vmem>>, vector<16xf32>,
      tpu.vector_store %arg14[%swap3A_2485], %add3A_2484 {strides = array<i32>} : memref<8208xf32, #tpu.memory_space<vmem>>, vector<16xf32>,
      %add3A_2487 = arith.constant 15 : i32
      %add3A_2488 = arith.addi %add3A_2471, %add3A_2487 : i32
      %broadcast_in_dim3A_2489 = vector.broadcast %add3A_2488 : i32 to vector<16xi32>
      %gather3A_2490 = tpu.vector_load_idx %arg14[%broadcast_in_dim3A_2489] : memref<8208xf32, #tpu.memory_space<vmem>>[vector<16xi32>], vector<16xf32>,
      scf.yield %gather3A_2490 : vector<16xf32>
    }
    %add3A_591 = arith.constant 7 : i32
    %add3A_592 = arith.addi %mul3A_16, %add3A_591 : i32
    %broadcast_in_dim3A_593 = vector.broadcast %add3A_592 : i32 to vector<16xi32>
    %gather3A_594 = tpu.vector_load_idx %arg15[%broadcast_in_dim3A_593] : memref<128xf32, #tpu.memory_space<vmem>>[vector<16xi32>], vector<16xf32>,
    %exp3A_595 = math.exp %gather3A_594 : vector<16xf32>
    %add3A_596 = arith.addf %while3A_590, %exp3A_595 : vector<16xf32>
    %eq3A_597 = arith.constant 7 : i32
    %eq3A_598 = vector.broadcast %eq3A_597 : i32 to vector<16xi32>
    %eq3A_599 = arith.cmpi eq, %iota3A, %eq3A_598 : vector<16xi32>
    %div3A_600 = arith.constant 1.000000e+00 : f32
    %div3A_601 = vector.broadcast %div3A_600 : f32 to vector<16xf32>
    %div3A_602 = arith.divf %div3A_601, %add3A_596 : vector<16xf32>
    %select_n3A_603 = arith.select %eq3A_599, %div3A_602, %select_n3A_545 : vector<16xi1>, vector<16xf32>
    %eq3A_604 = arith.constant 7 : i32
    %eq3A_605 = vector.broadcast %eq3A_604 : i32 to vector<16xi32>
    %eq3A_606 = arith.cmpi eq, %iota3A, %eq3A_605 : vector<16xi32>
    %div3A_607 = arith.divf %exp3A_595, %add3A_596 : vector<16xf32>
    %select_n3A_608 = arith.select %eq3A_606, %div3A_607, %select_n3A_550 : vector<16xi1>, vector<16xf32>
    %add3A_609 = arith.constant 7 : i32
    %add3A_610 = arith.addi %mul3A_16, %add3A_609 : i32
    %broadcast_in_dim3A_611 = vector.broadcast %add3A_610 : i32 to vector<16xi32>
    %gather3A_612 = tpu.vector_load_idx %arg16[%broadcast_in_dim3A_611] : memref<128xf32, #tpu.memory_space<vmem>>[vector<16xi32>], vector<16xf32>,
    %sub3A_613 = arith.constant 1.000000e+00 : f32
    %sub3A_614 = vector.broadcast %sub3A_613 : f32 to vector<16xf32>
    %sub3A_615 = arith.subf %sub3A_614, %gather3A_612 : vector<16xf32>
    %mul3A_616 = arith.mulf %while3A_590, %sub3A_615 : vector<16xf32>
    %eq3A_617 = arith.constant 7 : i32
    %eq3A_618 = vector.broadcast %eq3A_617 : i32 to vector<16xi32>
    %eq3A_619 = arith.cmpi eq, %iota3A, %eq3A_618 : vector<16xi32>
    %select_n3A_620 = arith.select %eq3A_619, %mul3A_616, %select_n3A_562 : vector<16xi1>, vector<16xf32>
    %broadcast_in_dim3A_621 = arith.constant 0 : i32
    %broadcast_in_dim3A_622 = vector.broadcast %broadcast_in_dim3A_621 : i32 to vector<16xi32>
    %eq3A_623 = arith.constant 0 : i32
    %eq3A_624 = vector.broadcast %eq3A_623 : i32 to vector<16xi32>
    %eq3A_625 = arith.cmpi eq, %iota3A, %eq3A_624 : vector<16xi32>
    %broadcast_in_dim3A_626 = vector.broadcast %squeeze3A_141 : i32 to vector<16xi32>
    %select_n3A_627 = arith.select %eq3A_625, %broadcast_in_dim3A_626, %broadcast_in_dim3A_622 : vector<16xi1>, vector<16xi32>
    %eq3A_628 = arith.constant 1 : i32
    %eq3A_629 = vector.broadcast %eq3A_628 : i32 to vector<16xi32>
    %eq3A_630 = arith.cmpi eq, %iota3A, %eq3A_629 : vector<16xi32>
    %broadcast_in_dim3A_631 = vector.broadcast %squeeze3A_143 : i32 to vector<16xi32>
    %select_n3A_632 = arith.select %eq3A_630, %broadcast_in_dim3A_631, %select_n3A_627 : vector<16xi1>, vector<16xi32>
    %eq3A_633 = arith.constant 2 : i32
    %eq3A_634 = vector.broadcast %eq3A_633 : i32 to vector<16xi32>
    %eq3A_635 = arith.cmpi eq, %iota3A, %eq3A_634 : vector<16xi32>
    %broadcast_in_dim3A_636 = vector.broadcast %squeeze3A_145 : i32 to vector<16xi32>
    %select_n3A_637 = arith.select %eq3A_635, %broadcast_in_dim3A_636, %select_n3A_632 : vector<16xi1>, vector<16xi32>
    %eq3A_638 = arith.constant 3 : i32
    %eq3A_639 = vector.broadcast %eq3A_638 : i32 to vector<16xi32>
    %eq3A_640 = arith.cmpi eq, %iota3A, %eq3A_639 : vector<16xi32>
    %broadcast_in_dim3A_641 = vector.broadcast %squeeze3A_147 : i32 to vector<16xi32>
    %select_n3A_642 = arith.select %eq3A_640, %broadcast_in_dim3A_641, %select_n3A_637 : vector<16xi1>, vector<16xi32>
    %eq3A_643 = arith.constant 4 : i32
    %eq3A_644 = vector.broadcast %eq3A_643 : i32 to vector<16xi32>
    %eq3A_645 = arith.cmpi eq, %iota3A, %eq3A_644 : vector<16xi32>
    %broadcast_in_dim3A_646 = vector.broadcast %squeeze3A_149 : i32 to vector<16xi32>
    %select_n3A_647 = arith.select %eq3A_645, %broadcast_in_dim3A_646, %select_n3A_642 : vector<16xi1>, vector<16xi32>
    %eq3A_648 = arith.constant 5 : i32
    %eq3A_649 = vector.broadcast %eq3A_648 : i32 to vector<16xi32>
    %eq3A_650 = arith.cmpi eq, %iota3A, %eq3A_649 : vector<16xi32>
    %broadcast_in_dim3A_651 = vector.broadcast %squeeze3A_151 : i32 to vector<16xi32>
    %select_n3A_652 = arith.select %eq3A_650, %broadcast_in_dim3A_651, %select_n3A_647 : vector<16xi1>, vector<16xi32>
    %eq3A_653 = arith.constant 6 : i32
    %eq3A_654 = vector.broadcast %eq3A_653 : i32 to vector<16xi32>
    %eq3A_655 = arith.cmpi eq, %iota3A, %eq3A_654 : vector<16xi32>
    %broadcast_in_dim3A_656 = vector.broadcast %squeeze3A_153 : i32 to vector<16xi32>
    %select_n3A_657 = arith.select %eq3A_655, %broadcast_in_dim3A_656, %select_n3A_652 : vector<16xi1>, vector<16xi32>
    %eq3A_658 = arith.constant 7 : i32
    %eq3A_659 = vector.broadcast %eq3A_658 : i32 to vector<16xi32>
    %eq3A_660 = arith.cmpi eq, %iota3A, %eq3A_659 : vector<16xi32>
    %broadcast_in_dim3A_661 = vector.broadcast %squeeze3A_155 : i32 to vector<16xi32>
    %select_n3A_662 = arith.select %eq3A_660, %broadcast_in_dim3A_661, %select_n3A_657 : vector<16xi1>, vector<16xi32>
    %sub3A_663 = arith.subi %select_n3A_662, %select_n3A_139 : vector<16xi32>
    %broadcast_in_dim3A_664 = arith.constant 0 : i32
    %broadcast_in_dim3A_665 = vector.broadcast %broadcast_in_dim3A_664 : i32 to vector<16xi32>
    %add3A_666 = arith.constant 4096 : i32
    %add3A_667 = vector.broadcast %add3A_666 : i32 to vector<16xi32>
    %add3A_668 = arith.addi %broadcast_in_dim3A_665, %add3A_667 : vector<16xi32>
    %add3A_669 = arith.addi %select_n3A_139, %add3A_668 : vector<16xi32>
    %sub3A_670 = arith.constant 1 : i32
    %sub3A_671 = vector.broadcast %sub3A_670 : i32 to vector<16xi32>
    %sub3A_672 = arith.subi %add3A_669, %sub3A_671 : vector<16xi32>
    %min3A_673 = arith.constant 8191 : i32
    %min3A_674 = vector.broadcast %min3A_673 : i32 to vector<16xi32>
    %min3A_675 = arith.minsi %sub3A_672, %min3A_674 : vector<16xi32>
    %gather3A_676 = tpu.vector_load_idx %arg14[%min3A_675] : memref<8208xf32, #tpu.memory_space<vmem>>[vector<16xi32>], vector<16xf32>,
    %le3A = arith.cmpi sle, %add3A_668, %sub3A_663 : vector<16xi32>
    %lt3A_677 = arith.cmpf olt, %gather3A_676, %select_n3A_620 : vector<16xf32>
    %and3A = arith.andi %le3A, %lt3A_677 : vector<16xi1>
    %select_n3A_678 = arith.select %and3A, %add3A_668, %broadcast_in_dim3A_665 : vector<16xi1>, vector<16xi32>
    %add3A_679 = arith.constant 2048 : i32
    %add3A_680 = vector.broadcast %add3A_679 : i32 to vector<16xi32>
    %add3A_681 = arith.addi %select_n3A_678, %add3A_680 : vector<16xi32>
    %add3A_682 = arith.addi %select_n3A_139, %add3A_681 : vector<16xi32>
    %sub3A_683 = arith.constant 1 : i32
    %sub3A_684 = vector.broadcast %sub3A_683 : i32 to vector<16xi32>
    %sub3A_685 = arith.subi %add3A_682, %sub3A_684 : vector<16xi32>
    %min3A_686 = arith.constant 8191 : i32
    %min3A_687 = vector.broadcast %min3A_686 : i32 to vector<16xi32>
    %min3A_688 = arith.minsi %sub3A_685, %min3A_687 : vector<16xi32>
    %gather3A_689 = tpu.vector_load_idx %arg14[%min3A_688] : memref<8208xf32, #tpu.memory_space<vmem>>[vector<16xi32>], vector<16xf32>,
    %le3A_690 = arith.cmpi sle, %add3A_681, %sub3A_663 : vector<16xi32>
    %lt3A_691 = arith.cmpf olt, %gather3A_689, %select_n3A_620 : vector<16xf32>
    %and3A_692 = arith.andi %le3A_690, %lt3A_691 : vector<16xi1>
    %select_n3A_693 = arith.select %and3A_692, %add3A_681, %select_n3A_678 : vector<16xi1>, vector<16xi32>
    %add3A_694 = arith.constant 1024 : i32
    %add3A_695 = vector.broadcast %add3A_694 : i32 to vector<16xi32>
    %add3A_696 = arith.addi %select_n3A_693, %add3A_695 : vector<16xi32>
    %add3A_697 = arith.addi %select_n3A_139, %add3A_696 : vector<16xi32>
    %sub3A_698 = arith.constant 1 : i32
    %sub3A_699 = vector.broadcast %sub3A_698 : i32 to vector<16xi32>
    %sub3A_700 = arith.subi %add3A_697, %sub3A_699 : vector<16xi32>
    %min3A_701 = arith.constant 8191 : i32
    %min3A_702 = vector.broadcast %min3A_701 : i32 to vector<16xi32>
    %min3A_703 = arith.minsi %sub3A_700, %min3A_702 : vector<16xi32>
    %gather3A_704 = tpu.vector_load_idx %arg14[%min3A_703] : memref<8208xf32, #tpu.memory_space<vmem>>[vector<16xi32>], vector<16xf32>,
    %le3A_705 = arith.cmpi sle, %add3A_696, %sub3A_663 : vector<16xi32>
    %lt3A_706 = arith.cmpf olt, %gather3A_704, %select_n3A_620 : vector<16xf32>
    %and3A_707 = arith.andi %le3A_705, %lt3A_706 : vector<16xi1>
    %select_n3A_708 = arith.select %and3A_707, %add3A_696, %select_n3A_693 : vector<16xi1>, vector<16xi32>
    %add3A_709 = arith.constant 512 : i32
    %add3A_710 = vector.broadcast %add3A_709 : i32 to vector<16xi32>
    %add3A_711 = arith.addi %select_n3A_708, %add3A_710 : vector<16xi32>
    %add3A_712 = arith.addi %select_n3A_139, %add3A_711 : vector<16xi32>
    %sub3A_713 = arith.constant 1 : i32
    %sub3A_714 = vector.broadcast %sub3A_713 : i32 to vector<16xi32>
    %sub3A_715 = arith.subi %add3A_712, %sub3A_714 : vector<16xi32>
    %min3A_716 = arith.constant 8191 : i32
    %min3A_717 = vector.broadcast %min3A_716 : i32 to vector<16xi32>
    %min3A_718 = arith.minsi %sub3A_715, %min3A_717 : vector<16xi32>
    %gather3A_719 = tpu.vector_load_idx %arg14[%min3A_718] : memref<8208xf32, #tpu.memory_space<vmem>>[vector<16xi32>], vector<16xf32>,
    %le3A_720 = arith.cmpi sle, %add3A_711, %sub3A_663 : vector<16xi32>
    %lt3A_721 = arith.cmpf olt, %gather3A_719, %select_n3A_620 : vector<16xf32>
    %and3A_722 = arith.andi %le3A_720, %lt3A_721 : vector<16xi1>
    %select_n3A_723 = arith.select %and3A_722, %add3A_711, %select_n3A_708 : vector<16xi1>, vector<16xi32>
    %add3A_724 = arith.constant 256 : i32
    %add3A_725 = vector.broadcast %add3A_724 : i32 to vector<16xi32>
    %add3A_726 = arith.addi %select_n3A_723, %add3A_725 : vector<16xi32>
    %add3A_727 = arith.addi %select_n3A_139, %add3A_726 : vector<16xi32>
    %sub3A_728 = arith.constant 1 : i32
    %sub3A_729 = vector.broadcast %sub3A_728 : i32 to vector<16xi32>
    %sub3A_730 = arith.subi %add3A_727, %sub3A_729 : vector<16xi32>
    %min3A_731 = arith.constant 8191 : i32
    %min3A_732 = vector.broadcast %min3A_731 : i32 to vector<16xi32>
    %min3A_733 = arith.minsi %sub3A_730, %min3A_732 : vector<16xi32>
    %gather3A_734 = tpu.vector_load_idx %arg14[%min3A_733] : memref<8208xf32, #tpu.memory_space<vmem>>[vector<16xi32>], vector<16xf32>,
    %le3A_735 = arith.cmpi sle, %add3A_726, %sub3A_663 : vector<16xi32>
    %lt3A_736 = arith.cmpf olt, %gather3A_734, %select_n3A_620 : vector<16xf32>
    %and3A_737 = arith.andi %le3A_735, %lt3A_736 : vector<16xi1>
    %select_n3A_738 = arith.select %and3A_737, %add3A_726, %select_n3A_723 : vector<16xi1>, vector<16xi32>
    %add3A_739 = arith.constant 128 : i32
    %add3A_740 = vector.broadcast %add3A_739 : i32 to vector<16xi32>
    %add3A_741 = arith.addi %select_n3A_738, %add3A_740 : vector<16xi32>
    %add3A_742 = arith.addi %select_n3A_139, %add3A_741 : vector<16xi32>
    %sub3A_743 = arith.constant 1 : i32
    %sub3A_744 = vector.broadcast %sub3A_743 : i32 to vector<16xi32>
    %sub3A_745 = arith.subi %add3A_742, %sub3A_744 : vector<16xi32>
    %min3A_746 = arith.constant 8191 : i32
    %min3A_747 = vector.broadcast %min3A_746 : i32 to vector<16xi32>
    %min3A_748 = arith.minsi %sub3A_745, %min3A_747 : vector<16xi32>
    %gather3A_749 = tpu.vector_load_idx %arg14[%min3A_748] : memref<8208xf32, #tpu.memory_space<vmem>>[vector<16xi32>], vector<16xf32>,
    %le3A_750 = arith.cmpi sle, %add3A_741, %sub3A_663 : vector<16xi32>
    %lt3A_751 = arith.cmpf olt, %gather3A_749, %select_n3A_620 : vector<16xf32>
    %and3A_752 = arith.andi %le3A_750, %lt3A_751 : vector<16xi1>
    %select_n3A_753 = arith.select %and3A_752, %add3A_741, %select_n3A_738 : vector<16xi1>, vector<16xi32>
    %add3A_754 = arith.constant 64 : i32
    %add3A_755 = vector.broadcast %add3A_754 : i32 to vector<16xi32>
    %add3A_756 = arith.addi %select_n3A_753, %add3A_755 : vector<16xi32>
    %add3A_757 = arith.addi %select_n3A_139, %add3A_756 : vector<16xi32>
    %sub3A_758 = arith.constant 1 : i32
    %sub3A_759 = vector.broadcast %sub3A_758 : i32 to vector<16xi32>
    %sub3A_760 = arith.subi %add3A_757, %sub3A_759 : vector<16xi32>
    %min3A_761 = arith.constant 8191 : i32
    %min3A_762 = vector.broadcast %min3A_761 : i32 to vector<16xi32>
    %min3A_763 = arith.minsi %sub3A_760, %min3A_762 : vector<16xi32>
    %gather3A_764 = tpu.vector_load_idx %arg14[%min3A_763] : memref<8208xf32, #tpu.memory_space<vmem>>[vector<16xi32>], vector<16xf32>,
    %le3A_765 = arith.cmpi sle, %add3A_756, %sub3A_663 : vector<16xi32>
    %lt3A_766 = arith.cmpf olt, %gather3A_764, %select_n3A_620 : vector<16xf32>
    %and3A_767 = arith.andi %le3A_765, %lt3A_766 : vector<16xi1>
    %select_n3A_768 = arith.select %and3A_767, %add3A_756, %select_n3A_753 : vector<16xi1>, vector<16xi32>
    %add3A_769 = arith.constant 32 : i32
    %add3A_770 = vector.broadcast %add3A_769 : i32 to vector<16xi32>
    %add3A_771 = arith.addi %select_n3A_768, %add3A_770 : vector<16xi32>
    %add3A_772 = arith.addi %select_n3A_139, %add3A_771 : vector<16xi32>
    %sub3A_773 = arith.constant 1 : i32
    %sub3A_774 = vector.broadcast %sub3A_773 : i32 to vector<16xi32>
    %sub3A_775 = arith.subi %add3A_772, %sub3A_774 : vector<16xi32>
    %min3A_776 = arith.constant 8191 : i32
    %min3A_777 = vector.broadcast %min3A_776 : i32 to vector<16xi32>
    %min3A_778 = arith.minsi %sub3A_775, %min3A_777 : vector<16xi32>
    %gather3A_779 = tpu.vector_load_idx %arg14[%min3A_778] : memref<8208xf32, #tpu.memory_space<vmem>>[vector<16xi32>], vector<16xf32>,
    %le3A_780 = arith.cmpi sle, %add3A_771, %sub3A_663 : vector<16xi32>
    %lt3A_781 = arith.cmpf olt, %gather3A_779, %select_n3A_620 : vector<16xf32>
    %and3A_782 = arith.andi %le3A_780, %lt3A_781 : vector<16xi1>
    %select_n3A_783 = arith.select %and3A_782, %add3A_771, %select_n3A_768 : vector<16xi1>, vector<16xi32>
    %add3A_784 = arith.constant 16 : i32
    %add3A_785 = vector.broadcast %add3A_784 : i32 to vector<16xi32>
    %add3A_786 = arith.addi %select_n3A_783, %add3A_785 : vector<16xi32>
    %add3A_787 = arith.addi %select_n3A_139, %add3A_786 : vector<16xi32>
    %sub3A_788 = arith.constant 1 : i32
    %sub3A_789 = vector.broadcast %sub3A_788 : i32 to vector<16xi32>
    %sub3A_790 = arith.subi %add3A_787, %sub3A_789 : vector<16xi32>
    %min3A_791 = arith.constant 8191 : i32
    %min3A_792 = vector.broadcast %min3A_791 : i32 to vector<16xi32>
    %min3A_793 = arith.minsi %sub3A_790, %min3A_792 : vector<16xi32>
    %gather3A_794 = tpu.vector_load_idx %arg14[%min3A_793] : memref<8208xf32, #tpu.memory_space<vmem>>[vector<16xi32>], vector<16xf32>,
    %le3A_795 = arith.cmpi sle, %add3A_786, %sub3A_663 : vector<16xi32>
    %lt3A_796 = arith.cmpf olt, %gather3A_794, %select_n3A_620 : vector<16xf32>
    %and3A_797 = arith.andi %le3A_795, %lt3A_796 : vector<16xi1>
    %select_n3A_798 = arith.select %and3A_797, %add3A_786, %select_n3A_783 : vector<16xi1>, vector<16xi32>
    %add3A_799 = arith.constant 8 : i32
    %add3A_800 = vector.broadcast %add3A_799 : i32 to vector<16xi32>
    %add3A_801 = arith.addi %select_n3A_798, %add3A_800 : vector<16xi32>
    %add3A_802 = arith.addi %select_n3A_139, %add3A_801 : vector<16xi32>
    %sub3A_803 = arith.constant 1 : i32
    %sub3A_804 = vector.broadcast %sub3A_803 : i32 to vector<16xi32>
    %sub3A_805 = arith.subi %add3A_802, %sub3A_804 : vector<16xi32>
    %min3A_806 = arith.constant 8191 : i32
    %min3A_807 = vector.broadcast %min3A_806 : i32 to vector<16xi32>
    %min3A_808 = arith.minsi %sub3A_805, %min3A_807 : vector<16xi32>
    %gather3A_809 = tpu.vector_load_idx %arg14[%min3A_808] : memref<8208xf32, #tpu.memory_space<vmem>>[vector<16xi32>], vector<16xf32>,
    %le3A_810 = arith.cmpi sle, %add3A_801, %sub3A_663 : vector<16xi32>
    %lt3A_811 = arith.cmpf olt, %gather3A_809, %select_n3A_620 : vector<16xf32>
    %and3A_812 = arith.andi %le3A_810, %lt3A_811 : vector<16xi1>
    %select_n3A_813 = arith.select %and3A_812, %add3A_801, %select_n3A_798 : vector<16xi1>, vector<16xi32>
    %add3A_814 = arith.constant 4 : i32
    %add3A_815 = vector.broadcast %add3A_814 : i32 to vector<16xi32>
    %add3A_816 = arith.addi %select_n3A_813, %add3A_815 : vector<16xi32>
    %add3A_817 = arith.addi %select_n3A_139, %add3A_816 : vector<16xi32>
    %sub3A_818 = arith.constant 1 : i32
    %sub3A_819 = vector.broadcast %sub3A_818 : i32 to vector<16xi32>
    %sub3A_820 = arith.subi %add3A_817, %sub3A_819 : vector<16xi32>
    %min3A_821 = arith.constant 8191 : i32
    %min3A_822 = vector.broadcast %min3A_821 : i32 to vector<16xi32>
    %min3A_823 = arith.minsi %sub3A_820, %min3A_822 : vector<16xi32>
    %gather3A_824 = tpu.vector_load_idx %arg14[%min3A_823] : memref<8208xf32, #tpu.memory_space<vmem>>[vector<16xi32>], vector<16xf32>,
    %le3A_825 = arith.cmpi sle, %add3A_816, %sub3A_663 : vector<16xi32>
    %lt3A_826 = arith.cmpf olt, %gather3A_824, %select_n3A_620 : vector<16xf32>
    %and3A_827 = arith.andi %le3A_825, %lt3A_826 : vector<16xi1>
    %select_n3A_828 = arith.select %and3A_827, %add3A_816, %select_n3A_813 : vector<16xi1>, vector<16xi32>
    %add3A_829 = arith.constant 2 : i32
    %add3A_830 = vector.broadcast %add3A_829 : i32 to vector<16xi32>
    %add3A_831 = arith.addi %select_n3A_828, %add3A_830 : vector<16xi32>
    %add3A_832 = arith.addi %select_n3A_139, %add3A_831 : vector<16xi32>
    %sub3A_833 = arith.constant 1 : i32
    %sub3A_834 = vector.broadcast %sub3A_833 : i32 to vector<16xi32>
    %sub3A_835 = arith.subi %add3A_832, %sub3A_834 : vector<16xi32>
    %min3A_836 = arith.constant 8191 : i32
    %min3A_837 = vector.broadcast %min3A_836 : i32 to vector<16xi32>
    %min3A_838 = arith.minsi %sub3A_835, %min3A_837 : vector<16xi32>
    %gather3A_839 = tpu.vector_load_idx %arg14[%min3A_838] : memref<8208xf32, #tpu.memory_space<vmem>>[vector<16xi32>], vector<16xf32>,
    %le3A_840 = arith.cmpi sle, %add3A_831, %sub3A_663 : vector<16xi32>
    %lt3A_841 = arith.cmpf olt, %gather3A_839, %select_n3A_620 : vector<16xf32>
    %and3A_842 = arith.andi %le3A_840, %lt3A_841 : vector<16xi1>
    %select_n3A_843 = arith.select %and3A_842, %add3A_831, %select_n3A_828 : vector<16xi1>, vector<16xi32>
    %add3A_844 = arith.constant 1 : i32
    %add3A_845 = vector.broadcast %add3A_844 : i32 to vector<16xi32>
    %add3A_846 = arith.addi %select_n3A_843, %add3A_845 : vector<16xi32>
    %add3A_847 = arith.addi %select_n3A_139, %add3A_846 : vector<16xi32>
    %sub3A_848 = arith.constant 1 : i32
    %sub3A_849 = vector.broadcast %sub3A_848 : i32 to vector<16xi32>
    %sub3A_850 = arith.subi %add3A_847, %sub3A_849 : vector<16xi32>
    %min3A_851 = arith.constant 8191 : i32
    %min3A_852 = vector.broadcast %min3A_851 : i32 to vector<16xi32>
    %min3A_853 = arith.minsi %sub3A_850, %min3A_852 : vector<16xi32>
    %gather3A_854 = tpu.vector_load_idx %arg14[%min3A_853] : memref<8208xf32, #tpu.memory_space<vmem>>[vector<16xi32>], vector<16xf32>,
    %le3A_855 = arith.cmpi sle, %add3A_846, %sub3A_663 : vector<16xi32>
    %lt3A_856 = arith.cmpf olt, %gather3A_854, %select_n3A_620 : vector<16xf32>
    %and3A_857 = arith.andi %le3A_855, %lt3A_856 : vector<16xi1>
    %select_n3A_858 = arith.select %and3A_857, %add3A_846, %select_n3A_843 : vector<16xi1>, vector<16xi32>
    %sub3A_859 = arith.constant 1 : i32
    %sub3A_860 = vector.broadcast %sub3A_859 : i32 to vector<16xi32>
    %sub3A_861 = arith.subi %sub3A_663, %sub3A_860 : vector<16xi32>
    %min3A_862 = arith.minsi %select_n3A_858, %sub3A_861 : vector<16xi32>
    %add3A_863 = arith.addi %select_n3A_139, %min3A_862 : vector<16xi32>
    %lt3A_864 = arith.constant 8 : i32
    %lt3A_865 = vector.broadcast %lt3A_864 : i32 to vector<16xi32>
    %lt3A_866 = arith.cmpi slt, %iota3A, %lt3A_865 : vector<16xi32>
    %jit3A_867 = arith.constant 0 : i32
    %broadcast_in_dim3A_868 = vector.broadcast %jit3A_867 : i32 to vector<16xi32>
    %select_n3A_869 = arith.select %lt3A_866, %add3A_863, %broadcast_in_dim3A_868 : vector<16xi1>, vector<16xi32>
    %slice3A_870 = vector.extract_strided_slice %add3A_863 {offsets = [0], sizes = [1], strides = [1]} : vector<16xi32> to vector<1xi32>
    %squeeze3A_871 = vector.extract %slice3A_870[0] : i32 from vector<1xi32>
    %dma_start3A_872 = arith.constant 0 : i32
    %dma_start3A_873 = arith.constant 0 : i32
    %dma_start3A_874 = tpu.memref_slice %arg18[%dma_start3A_872, %dma_start3A_873] : memref<8x128xf32, #tpu.memory_space<vmem>> -> memref<1x128xf32, #tpu.memory_space<vmem>>
    %dma_start3A_875 = tpu.memref_squeeze %dma_start3A_874 : memref<1x128xf32, #tpu.memory_space<vmem>> -> memref<128xf32, #tpu.memory_space<vmem>>
    %dma_start3A_876 = arith.constant 0 : i32
    %dma_start3A_877 = tpu.memref_slice %arg7[%squeeze3A_871, %dma_start3A_876] : memref<8192x128xf32, #tpu.memory_space<hbm>> -> memref<1x128xf32, #tpu.memory_space<hbm>>
    %dma_start3A_878 = tpu.memref_squeeze %dma_start3A_877 : memref<1x128xf32, #tpu.memory_space<hbm>> -> memref<128xf32, #tpu.memory_space<hbm>>
    %dma_start3A_879 = arith.constant 0 : i32
    %dma_start3A_880 = tpu.memref_slice %arg18[%dma_start3A_872, %dma_start3A_879] : memref<8x128xf32, #tpu.memory_space<vmem>> -> memref<1x128xf32, #tpu.memory_space<vmem>>
    %dma_start3A_881 = tpu.memref_squeeze %dma_start3A_880 : memref<1x128xf32, #tpu.memory_space<vmem>> -> memref<128xf32, #tpu.memory_space<vmem>>
    %dma_start3A_882 = arith.constant 0 : i32
    %dma_start3A_883 = tpu.memref_slice %arg7[%squeeze3A_871, %dma_start3A_882] : memref<8192x128xf32, #tpu.memory_space<hbm>> -> memref<1x128xf32, #tpu.memory_space<hbm>>
    %dma_start3A_884 = tpu.memref_squeeze %dma_start3A_883 : memref<1x128xf32, #tpu.memory_space<hbm>> -> memref<128xf32, #tpu.memory_space<hbm>>
    tpu.enqueue_dma source(%dma_start3A_884 : memref<128xf32, #tpu.memory_space<hbm>>) target(%dma_start3A_881 : memref<128xf32, #tpu.memory_space<vmem>>) target_semaphore(%arg25 : memref<!tpu.dma_semaphore, #tpu.memory_space<semaphore_mem>>)
    %slice3A_885 = vector.extract_strided_slice %add3A_863 {offsets = [1], sizes = [1], strides = [1]} : vector<16xi32> to vector<1xi32>
    %squeeze3A_886 = vector.extract %slice3A_885[0] : i32 from vector<1xi32>
    %dma_start3A_887 = arith.constant 1 : i32
    %dma_start3A_888 = arith.constant 0 : i32
    %dma_start3A_889 = tpu.memref_slice %arg18[%dma_start3A_887, %dma_start3A_888] : memref<8x128xf32, #tpu.memory_space<vmem>> -> memref<1x128xf32, #tpu.memory_space<vmem>>
    %dma_start3A_890 = tpu.memref_squeeze %dma_start3A_889 : memref<1x128xf32, #tpu.memory_space<vmem>> -> memref<128xf32, #tpu.memory_space<vmem>>
    %dma_start3A_891 = arith.constant 0 : i32
    %dma_start3A_892 = tpu.memref_slice %arg7[%squeeze3A_886, %dma_start3A_891] : memref<8192x128xf32, #tpu.memory_space<hbm>> -> memref<1x128xf32, #tpu.memory_space<hbm>>
    %dma_start3A_893 = tpu.memref_squeeze %dma_start3A_892 : memref<1x128xf32, #tpu.memory_space<hbm>> -> memref<128xf32, #tpu.memory_space<hbm>>
    %dma_start3A_894 = arith.constant 0 : i32
    %dma_start3A_895 = tpu.memref_slice %arg18[%dma_start3A_887, %dma_start3A_894] : memref<8x128xf32, #tpu.memory_space<vmem>> -> memref<1x128xf32, #tpu.memory_space<vmem>>
    %dma_start3A_896 = tpu.memref_squeeze %dma_start3A_895 : memref<1x128xf32, #tpu.memory_space<vmem>> -> memref<128xf32, #tpu.memory_space<vmem>>
    %dma_start3A_897 = arith.constant 0 : i32
    %dma_start3A_898 = tpu.memref_slice %arg7[%squeeze3A_886, %dma_start3A_897] : memref<8192x128xf32, #tpu.memory_space<hbm>> -> memref<1x128xf32, #tpu.memory_space<hbm>>
    %dma_start3A_899 = tpu.memref_squeeze %dma_start3A_898 : memref<1x128xf32, #tpu.memory_space<hbm>> -> memref<128xf32, #tpu.memory_space<hbm>>
    tpu.enqueue_dma source(%dma_start3A_899 : memref<128xf32, #tpu.memory_space<hbm>>) target(%dma_start3A_896 : memref<128xf32, #tpu.memory_space<vmem>>) target_semaphore(%arg25 : memref<!tpu.dma_semaphore, #tpu.memory_space<semaphore_mem>>)
    %slice3A_900 = vector.extract_strided_slice %add3A_863 {offsets = [2], sizes = [1], strides = [1]} : vector<16xi32> to vector<1xi32>
    %squeeze3A_901 = vector.extract %slice3A_900[0] : i32 from vector<1xi32>
    %dma_start3A_902 = arith.constant 2 : i32
    %dma_start3A_903 = arith.constant 0 : i32
    %dma_start3A_904 = tpu.memref_slice %arg18[%dma_start3A_902, %dma_start3A_903] : memref<8x128xf32, #tpu.memory_space<vmem>> -> memref<1x128xf32, #tpu.memory_space<vmem>>
    %dma_start3A_905 = tpu.memref_squeeze %dma_start3A_904 : memref<1x128xf32, #tpu.memory_space<vmem>> -> memref<128xf32, #tpu.memory_space<vmem>>
    %dma_start3A_906 = arith.constant 0 : i32
    %dma_start3A_907 = tpu.memref_slice %arg7[%squeeze3A_901, %dma_start3A_906] : memref<8192x128xf32, #tpu.memory_space<hbm>> -> memref<1x128xf32, #tpu.memory_space<hbm>>
    %dma_start3A_908 = tpu.memref_squeeze %dma_start3A_907 : memref<1x128xf32, #tpu.memory_space<hbm>> -> memref<128xf32, #tpu.memory_space<hbm>>
    %dma_start3A_909 = arith.constant 0 : i32
    %dma_start3A_910 = tpu.memref_slice %arg18[%dma_start3A_902, %dma_start3A_909] : memref<8x128xf32, #tpu.memory_space<vmem>> -> memref<1x128xf32, #tpu.memory_space<vmem>>
    %dma_start3A_911 = tpu.memref_squeeze %dma_start3A_910 : memref<1x128xf32, #tpu.memory_space<vmem>> -> memref<128xf32, #tpu.memory_space<vmem>>
    %dma_start3A_912 = arith.constant 0 : i32
    %dma_start3A_913 = tpu.memref_slice %arg7[%squeeze3A_901, %dma_start3A_912] : memref<8192x128xf32, #tpu.memory_space<hbm>> -> memref<1x128xf32, #tpu.memory_space<hbm>>
    %dma_start3A_914 = tpu.memref_squeeze %dma_start3A_913 : memref<1x128xf32, #tpu.memory_space<hbm>> -> memref<128xf32, #tpu.memory_space<hbm>>
    tpu.enqueue_dma source(%dma_start3A_914 : memref<128xf32, #tpu.memory_space<hbm>>) target(%dma_start3A_911 : memref<128xf32, #tpu.memory_space<vmem>>) target_semaphore(%arg25 : memref<!tpu.dma_semaphore, #tpu.memory_space<semaphore_mem>>)
    %slice3A_915 = vector.extract_strided_slice %add3A_863 {offsets = [3], sizes = [1], strides = [1]} : vector<16xi32> to vector<1xi32>
    %squeeze3A_916 = vector.extract %slice3A_915[0] : i32 from vector<1xi32>
    %dma_start3A_917 = arith.constant 3 : i32
    %dma_start3A_918 = arith.constant 0 : i32
    %dma_start3A_919 = tpu.memref_slice %arg18[%dma_start3A_917, %dma_start3A_918] : memref<8x128xf32, #tpu.memory_space<vmem>> -> memref<1x128xf32, #tpu.memory_space<vmem>>
    %dma_start3A_920 = tpu.memref_squeeze %dma_start3A_919 : memref<1x128xf32, #tpu.memory_space<vmem>> -> memref<128xf32, #tpu.memory_space<vmem>>
    %dma_start3A_921 = arith.constant 0 : i32
    %dma_start3A_922 = tpu.memref_slice %arg7[%squeeze3A_916, %dma_start3A_921] : memref<8192x128xf32, #tpu.memory_space<hbm>> -> memref<1x128xf32, #tpu.memory_space<hbm>>
    %dma_start3A_923 = tpu.memref_squeeze %dma_start3A_922 : memref<1x128xf32, #tpu.memory_space<hbm>> -> memref<128xf32, #tpu.memory_space<hbm>>
    %dma_start3A_924 = arith.constant 0 : i32
    %dma_start3A_925 = tpu.memref_slice %arg18[%dma_start3A_917, %dma_start3A_924] : memref<8x128xf32, #tpu.memory_space<vmem>> -> memref<1x128xf32, #tpu.memory_space<vmem>>
    %dma_start3A_926 = tpu.memref_squeeze %dma_start3A_925 : memref<1x128xf32, #tpu.memory_space<vmem>> -> memref<128xf32, #tpu.memory_space<vmem>>
    %dma_start3A_927 = arith.constant 0 : i32
    %dma_start3A_928 = tpu.memref_slice %arg7[%squeeze3A_916, %dma_start3A_927] : memref<8192x128xf32, #tpu.memory_space<hbm>> -> memref<1x128xf32, #tpu.memory_space<hbm>>
    %dma_start3A_929 = tpu.memref_squeeze %dma_start3A_928 : memref<1x128xf32, #tpu.memory_space<hbm>> -> memref<128xf32, #tpu.memory_space<hbm>>
    tpu.enqueue_dma source(%dma_start3A_929 : memref<128xf32, #tpu.memory_space<hbm>>) target(%dma_start3A_926 : memref<128xf32, #tpu.memory_space<vmem>>) target_semaphore(%arg25 : memref<!tpu.dma_semaphore, #tpu.memory_space<semaphore_mem>>)
    %slice3A_930 = vector.extract_strided_slice %add3A_863 {offsets = [4], sizes = [1], strides = [1]} : vector<16xi32> to vector<1xi32>
    %squeeze3A_931 = vector.extract %slice3A_930[0] : i32 from vector<1xi32>
    %dma_start3A_932 = arith.constant 4 : i32
    %dma_start3A_933 = arith.constant 0 : i32
    %dma_start3A_934 = tpu.memref_slice %arg18[%dma_start3A_932, %dma_start3A_933] : memref<8x128xf32, #tpu.memory_space<vmem>> -> memref<1x128xf32, #tpu.memory_space<vmem>>
    %dma_start3A_935 = tpu.memref_squeeze %dma_start3A_934 : memref<1x128xf32, #tpu.memory_space<vmem>> -> memref<128xf32, #tpu.memory_space<vmem>>
    %dma_start3A_936 = arith.constant 0 : i32
    %dma_start3A_937 = tpu.memref_slice %arg7[%squeeze3A_931, %dma_start3A_936] : memref<8192x128xf32, #tpu.memory_space<hbm>> -> memref<1x128xf32, #tpu.memory_space<hbm>>
    %dma_start3A_938 = tpu.memref_squeeze %dma_start3A_937 : memref<1x128xf32, #tpu.memory_space<hbm>> -> memref<128xf32, #tpu.memory_space<hbm>>
    %dma_start3A_939 = arith.constant 0 : i32
    %dma_start3A_940 = tpu.memref_slice %arg18[%dma_start3A_932, %dma_start3A_939] : memref<8x128xf32, #tpu.memory_space<vmem>> -> memref<1x128xf32, #tpu.memory_space<vmem>>
    %dma_start3A_941 = tpu.memref_squeeze %dma_start3A_940 : memref<1x128xf32, #tpu.memory_space<vmem>> -> memref<128xf32, #tpu.memory_space<vmem>>
    %dma_start3A_942 = arith.constant 0 : i32
    %dma_start3A_943 = tpu.memref_slice %arg7[%squeeze3A_931, %dma_start3A_942] : memref<8192x128xf32, #tpu.memory_space<hbm>> -> memref<1x128xf32, #tpu.memory_space<hbm>>
    %dma_start3A_944 = tpu.memref_squeeze %dma_start3A_943 : memref<1x128xf32, #tpu.memory_space<hbm>> -> memref<128xf32, #tpu.memory_space<hbm>>
    tpu.enqueue_dma source(%dma_start3A_944 : memref<128xf32, #tpu.memory_space<hbm>>) target(%dma_start3A_941 : memref<128xf32, #tpu.memory_space<vmem>>) target_semaphore(%arg25 : memref<!tpu.dma_semaphore, #tpu.memory_space<semaphore_mem>>)
    %slice3A_945 = vector.extract_strided_slice %add3A_863 {offsets = [5], sizes = [1], strides = [1]} : vector<16xi32> to vector<1xi32>
    %squeeze3A_946 = vector.extract %slice3A_945[0] : i32 from vector<1xi32>
    %dma_start3A_947 = arith.constant 5 : i32
    %dma_start3A_948 = arith.constant 0 : i32
    %dma_start3A_949 = tpu.memref_slice %arg18[%dma_start3A_947, %dma_start3A_948] : memref<8x128xf32, #tpu.memory_space<vmem>> -> memref<1x128xf32, #tpu.memory_space<vmem>>
    %dma_start3A_950 = tpu.memref_squeeze %dma_start3A_949 : memref<1x128xf32, #tpu.memory_space<vmem>> -> memref<128xf32, #tpu.memory_space<vmem>>
    %dma_start3A_951 = arith.constant 0 : i32
    %dma_start3A_952 = tpu.memref_slice %arg7[%squeeze3A_946, %dma_start3A_951] : memref<8192x128xf32, #tpu.memory_space<hbm>> -> memref<1x128xf32, #tpu.memory_space<hbm>>
    %dma_start3A_953 = tpu.memref_squeeze %dma_start3A_952 : memref<1x128xf32, #tpu.memory_space<hbm>> -> memref<128xf32, #tpu.memory_space<hbm>>
    %dma_start3A_954 = arith.constant 0 : i32
    %dma_start3A_955 = tpu.memref_slice %arg18[%dma_start3A_947, %dma_start3A_954] : memref<8x128xf32, #tpu.memory_space<vmem>> -> memref<1x128xf32, #tpu.memory_space<vmem>>
    %dma_start3A_956 = tpu.memref_squeeze %dma_start3A_955 : memref<1x128xf32, #tpu.memory_space<vmem>> -> memref<128xf32, #tpu.memory_space<vmem>>
    %dma_start3A_957 = arith.constant 0 : i32
    %dma_start3A_958 = tpu.memref_slice %arg7[%squeeze3A_946, %dma_start3A_957] : memref<8192x128xf32, #tpu.memory_space<hbm>> -> memref<1x128xf32, #tpu.memory_space<hbm>>
    %dma_start3A_959 = tpu.memref_squeeze %dma_start3A_958 : memref<1x128xf32, #tpu.memory_space<hbm>> -> memref<128xf32, #tpu.memory_space<hbm>>
    tpu.enqueue_dma source(%dma_start3A_959 : memref<128xf32, #tpu.memory_space<hbm>>) target(%dma_start3A_956 : memref<128xf32, #tpu.memory_space<vmem>>) target_semaphore(%arg25 : memref<!tpu.dma_semaphore, #tpu.memory_space<semaphore_mem>>)
    %slice3A_960 = vector.extract_strided_slice %add3A_863 {offsets = [6], sizes = [1], strides = [1]} : vector<16xi32> to vector<1xi32>
    %squeeze3A_961 = vector.extract %slice3A_960[0] : i32 from vector<1xi32>
    %dma_start3A_962 = arith.constant 6 : i32
    %dma_start3A_963 = arith.constant 0 : i32
    %dma_start3A_964 = tpu.memref_slice %arg18[%dma_start3A_962, %dma_start3A_963] : memref<8x128xf32, #tpu.memory_space<vmem>> -> memref<1x128xf32, #tpu.memory_space<vmem>>
    %dma_start3A_965 = tpu.memref_squeeze %dma_start3A_964 : memref<1x128xf32, #tpu.memory_space<vmem>> -> memref<128xf32, #tpu.memory_space<vmem>>
    %dma_start3A_966 = arith.constant 0 : i32
    %dma_start3A_967 = tpu.memref_slice %arg7[%squeeze3A_961, %dma_start3A_966] : memref<8192x128xf32, #tpu.memory_space<hbm>> -> memref<1x128xf32, #tpu.memory_space<hbm>>
    %dma_start3A_968 = tpu.memref_squeeze %dma_start3A_967 : memref<1x128xf32, #tpu.memory_space<hbm>> -> memref<128xf32, #tpu.memory_space<hbm>>
    %dma_start3A_969 = arith.constant 0 : i32
    %dma_start3A_970 = tpu.memref_slice %arg18[%dma_start3A_962, %dma_start3A_969] : memref<8x128xf32, #tpu.memory_space<vmem>> -> memref<1x128xf32, #tpu.memory_space<vmem>>
    %dma_start3A_971 = tpu.memref_squeeze %dma_start3A_970 : memref<1x128xf32, #tpu.memory_space<vmem>> -> memref<128xf32, #tpu.memory_space<vmem>>
    %dma_start3A_972 = arith.constant 0 : i32
    %dma_start3A_973 = tpu.memref_slice %arg7[%squeeze3A_961, %dma_start3A_972] : memref<8192x128xf32, #tpu.memory_space<hbm>> -> memref<1x128xf32, #tpu.memory_space<hbm>>
    %dma_start3A_974 = tpu.memref_squeeze %dma_start3A_973 : memref<1x128xf32, #tpu.memory_space<hbm>> -> memref<128xf32, #tpu.memory_space<hbm>>
    tpu.enqueue_dma source(%dma_start3A_974 : memref<128xf32, #tpu.memory_space<hbm>>) target(%dma_start3A_971 : memref<128xf32, #tpu.memory_space<vmem>>) target_semaphore(%arg25 : memref<!tpu.dma_semaphore, #tpu.memory_space<semaphore_mem>>)
    %slice3A_975 = vector.extract_strided_slice %add3A_863 {offsets = [7], sizes = [1], strides = [1]} : vector<16xi32> to vector<1xi32>
    %squeeze3A_976 = vector.extract %slice3A_975[0] : i32 from vector<1xi32>
    %dma_start3A_977 = arith.constant 7 : i32
    %dma_start3A_978 = arith.constant 0 : i32
    %dma_start3A_979 = tpu.memref_slice %arg18[%dma_start3A_977, %dma_start3A_978] : memref<8x128xf32, #tpu.memory_space<vmem>> -> memref<1x128xf32, #tpu.memory_space<vmem>>
    %dma_start3A_980 = tpu.memref_squeeze %dma_start3A_979 : memref<1x128xf32, #tpu.memory_space<vmem>> -> memref<128xf32, #tpu.memory_space<vmem>>
    %dma_start3A_981 = arith.constant 0 : i32
    %dma_start3A_982 = tpu.memref_slice %arg7[%squeeze3A_976, %dma_start3A_981] : memref<8192x128xf32, #tpu.memory_space<hbm>> -> memref<1x128xf32, #tpu.memory_space<hbm>>
    %dma_start3A_983 = tpu.memref_squeeze %dma_start3A_982 : memref<1x128xf32, #tpu.memory_space<hbm>> -> memref<128xf32, #tpu.memory_space<hbm>>
    %dma_start3A_984 = arith.constant 0 : i32
    %dma_start3A_985 = tpu.memref_slice %arg18[%dma_start3A_977, %dma_start3A_984] : memref<8x128xf32, #tpu.memory_space<vmem>> -> memref<1x128xf32, #tpu.memory_space<vmem>>
    %dma_start3A_986 = tpu.memref_squeeze %dma_start3A_985 : memref<1x128xf32, #tpu.memory_space<vmem>> -> memref<128xf32, #tpu.memory_space<vmem>>
    %dma_start3A_987 = arith.constant 0 : i32
    %dma_start3A_988 = tpu.memref_slice %arg7[%squeeze3A_976, %dma_start3A_987] : memref<8192x128xf32, #tpu.memory_space<hbm>> -> memref<1x128xf32, #tpu.memory_space<hbm>>
    %dma_start3A_989 = tpu.memref_squeeze %dma_start3A_988 : memref<1x128xf32, #tpu.memory_space<hbm>> -> memref<128xf32, #tpu.memory_space<hbm>>
    tpu.enqueue_dma source(%dma_start3A_989 : memref<128xf32, #tpu.memory_space<hbm>>) target(%dma_start3A_986 : memref<128xf32, #tpu.memory_space<vmem>>) target_semaphore(%arg25 : memref<!tpu.dma_semaphore, #tpu.memory_space<semaphore_mem>>)
    %dma_wait3A_990 = arith.constant 0 : i32
    %dma_wait3A_991 = arith.constant 0 : i32
    %dma_wait3A_992 = tpu.memref_slice %arg18[%dma_wait3A_990, %dma_wait3A_991] : memref<8x128xf32, #tpu.memory_space<vmem>> -> memref<1x128xf32, #tpu.memory_space<vmem>>
    %dma_wait3A_993 = tpu.memref_squeeze %dma_wait3A_992 : memref<1x128xf32, #tpu.memory_space<vmem>> -> memref<128xf32, #tpu.memory_space<vmem>>
    %dma_wait3A_994 = arith.constant 0 : i32
    %dma_wait3A_995 = tpu.memref_slice %arg7[%squeeze3A_871, %dma_wait3A_994] : memref<8192x128xf32, #tpu.memory_space<hbm>> -> memref<1x128xf32, #tpu.memory_space<hbm>>
    %dma_wait3A_996 = tpu.memref_squeeze %dma_wait3A_995 : memref<1x128xf32, #tpu.memory_space<hbm>> -> memref<128xf32, #tpu.memory_space<hbm>>
    %dma_wait3A_997 = arith.constant 0 : i32
    %dma_wait3A_998 = tpu.memref_slice %arg18[%dma_wait3A_990, %dma_wait3A_997] : memref<8x128xf32, #tpu.memory_space<vmem>> -> memref<1x128xf32, #tpu.memory_space<vmem>>
    %dma_wait3A_999 = tpu.memref_squeeze %dma_wait3A_998 : memref<1x128xf32, #tpu.memory_space<vmem>> -> memref<128xf32, #tpu.memory_space<vmem>>
    %dma_wait3A_1000 = arith.constant 0 : i32
    %dma_wait3A_1001 = tpu.memref_slice %arg7[%squeeze3A_871, %dma_wait3A_1000] : memref<8192x128xf32, #tpu.memory_space<hbm>> -> memref<1x128xf32, #tpu.memory_space<hbm>>
    %dma_wait3A_1002 = tpu.memref_squeeze %dma_wait3A_1001 : memref<1x128xf32, #tpu.memory_space<hbm>> -> memref<128xf32, #tpu.memory_space<hbm>>
    tpu.wait_dma2 semaphore(%arg25 : memref<!tpu.dma_semaphore, #tpu.memory_space<semaphore_mem>>) src(%dma_wait3A_1002 : memref<128xf32, #tpu.memory_space<hbm>>) dst(%dma_wait3A_999 : memref<128xf32, #tpu.memory_space<vmem>>)
    %dma_wait3A_1003 = arith.constant 1 : i32
    %dma_wait3A_1004 = arith.constant 0 : i32
    %dma_wait3A_1005 = tpu.memref_slice %arg18[%dma_wait3A_1003, %dma_wait3A_1004] : memref<8x128xf32, #tpu.memory_space<vmem>> -> memref<1x128xf32, #tpu.memory_space<vmem>>
    %dma_wait3A_1006 = tpu.memref_squeeze %dma_wait3A_1005 : memref<1x128xf32, #tpu.memory_space<vmem>> -> memref<128xf32, #tpu.memory_space<vmem>>
    %dma_wait3A_1007 = arith.constant 0 : i32
    %dma_wait3A_1008 = tpu.memref_slice %arg7[%squeeze3A_886, %dma_wait3A_1007] : memref<8192x128xf32, #tpu.memory_space<hbm>> -> memref<1x128xf32, #tpu.memory_space<hbm>>
    %dma_wait3A_1009 = tpu.memref_squeeze %dma_wait3A_1008 : memref<1x128xf32, #tpu.memory_space<hbm>> -> memref<128xf32, #tpu.memory_space<hbm>>
    %dma_wait3A_1010 = arith.constant 0 : i32
    %dma_wait3A_1011 = tpu.memref_slice %arg18[%dma_wait3A_1003, %dma_wait3A_1010] : memref<8x128xf32, #tpu.memory_space<vmem>> -> memref<1x128xf32, #tpu.memory_space<vmem>>
    %dma_wait3A_1012 = tpu.memref_squeeze %dma_wait3A_1011 : memref<1x128xf32, #tpu.memory_space<vmem>> -> memref<128xf32, #tpu.memory_space<vmem>>
    %dma_wait3A_1013 = arith.constant 0 : i32
    %dma_wait3A_1014 = tpu.memref_slice %arg7[%squeeze3A_886, %dma_wait3A_1013] : memref<8192x128xf32, #tpu.memory_space<hbm>> -> memref<1x128xf32, #tpu.memory_space<hbm>>
    %dma_wait3A_1015 = tpu.memref_squeeze %dma_wait3A_1014 : memref<1x128xf32, #tpu.memory_space<hbm>> -> memref<128xf32, #tpu.memory_space<hbm>>
    tpu.wait_dma2 semaphore(%arg25 : memref<!tpu.dma_semaphore, #tpu.memory_space<semaphore_mem>>) src(%dma_wait3A_1015 : memref<128xf32, #tpu.memory_space<hbm>>) dst(%dma_wait3A_1012 : memref<128xf32, #tpu.memory_space<vmem>>)
    %dma_wait3A_1016 = arith.constant 2 : i32
    %dma_wait3A_1017 = arith.constant 0 : i32
    %dma_wait3A_1018 = tpu.memref_slice %arg18[%dma_wait3A_1016, %dma_wait3A_1017] : memref<8x128xf32, #tpu.memory_space<vmem>> -> memref<1x128xf32, #tpu.memory_space<vmem>>
    %dma_wait3A_1019 = tpu.memref_squeeze %dma_wait3A_1018 : memref<1x128xf32, #tpu.memory_space<vmem>> -> memref<128xf32, #tpu.memory_space<vmem>>
    %dma_wait3A_1020 = arith.constant 0 : i32
    %dma_wait3A_1021 = tpu.memref_slice %arg7[%squeeze3A_901, %dma_wait3A_1020] : memref<8192x128xf32, #tpu.memory_space<hbm>> -> memref<1x128xf32, #tpu.memory_space<hbm>>
    %dma_wait3A_1022 = tpu.memref_squeeze %dma_wait3A_1021 : memref<1x128xf32, #tpu.memory_space<hbm>> -> memref<128xf32, #tpu.memory_space<hbm>>
    %dma_wait3A_1023 = arith.constant 0 : i32
    %dma_wait3A_1024 = tpu.memref_slice %arg18[%dma_wait3A_1016, %dma_wait3A_1023] : memref<8x128xf32, #tpu.memory_space<vmem>> -> memref<1x128xf32, #tpu.memory_space<vmem>>
    %dma_wait3A_1025 = tpu.memref_squeeze %dma_wait3A_1024 : memref<1x128xf32, #tpu.memory_space<vmem>> -> memref<128xf32, #tpu.memory_space<vmem>>
    %dma_wait3A_1026 = arith.constant 0 : i32
    %dma_wait3A_1027 = tpu.memref_slice %arg7[%squeeze3A_901, %dma_wait3A_1026] : memref<8192x128xf32, #tpu.memory_space<hbm>> -> memref<1x128xf32, #tpu.memory_space<hbm>>
    %dma_wait3A_1028 = tpu.memref_squeeze %dma_wait3A_1027 : memref<1x128xf32, #tpu.memory_space<hbm>> -> memref<128xf32, #tpu.memory_space<hbm>>
    tpu.wait_dma2 semaphore(%arg25 : memref<!tpu.dma_semaphore, #tpu.memory_space<semaphore_mem>>) src(%dma_wait3A_1028 : memref<128xf32, #tpu.memory_space<hbm>>) dst(%dma_wait3A_1025 : memref<128xf32, #tpu.memory_space<vmem>>)
    %dma_wait3A_1029 = arith.constant 3 : i32
    %dma_wait3A_1030 = arith.constant 0 : i32
    %dma_wait3A_1031 = tpu.memref_slice %arg18[%dma_wait3A_1029, %dma_wait3A_1030] : memref<8x128xf32, #tpu.memory_space<vmem>> -> memref<1x128xf32, #tpu.memory_space<vmem>>
    %dma_wait3A_1032 = tpu.memref_squeeze %dma_wait3A_1031 : memref<1x128xf32, #tpu.memory_space<vmem>> -> memref<128xf32, #tpu.memory_space<vmem>>
    %dma_wait3A_1033 = arith.constant 0 : i32
    %dma_wait3A_1034 = tpu.memref_slice %arg7[%squeeze3A_916, %dma_wait3A_1033] : memref<8192x128xf32, #tpu.memory_space<hbm>> -> memref<1x128xf32, #tpu.memory_space<hbm>>
    %dma_wait3A_1035 = tpu.memref_squeeze %dma_wait3A_1034 : memref<1x128xf32, #tpu.memory_space<hbm>> -> memref<128xf32, #tpu.memory_space<hbm>>
    %dma_wait3A_1036 = arith.constant 0 : i32
    %dma_wait3A_1037 = tpu.memref_slice %arg18[%dma_wait3A_1029, %dma_wait3A_1036] : memref<8x128xf32, #tpu.memory_space<vmem>> -> memref<1x128xf32, #tpu.memory_space<vmem>>
    %dma_wait3A_1038 = tpu.memref_squeeze %dma_wait3A_1037 : memref<1x128xf32, #tpu.memory_space<vmem>> -> memref<128xf32, #tpu.memory_space<vmem>>
    %dma_wait3A_1039 = arith.constant 0 : i32
    %dma_wait3A_1040 = tpu.memref_slice %arg7[%squeeze3A_916, %dma_wait3A_1039] : memref<8192x128xf32, #tpu.memory_space<hbm>> -> memref<1x128xf32, #tpu.memory_space<hbm>>
    %dma_wait3A_1041 = tpu.memref_squeeze %dma_wait3A_1040 : memref<1x128xf32, #tpu.memory_space<hbm>> -> memref<128xf32, #tpu.memory_space<hbm>>
    tpu.wait_dma2 semaphore(%arg25 : memref<!tpu.dma_semaphore, #tpu.memory_space<semaphore_mem>>) src(%dma_wait3A_1041 : memref<128xf32, #tpu.memory_space<hbm>>) dst(%dma_wait3A_1038 : memref<128xf32, #tpu.memory_space<vmem>>)
    %dma_wait3A_1042 = arith.constant 4 : i32
    %dma_wait3A_1043 = arith.constant 0 : i32
    %dma_wait3A_1044 = tpu.memref_slice %arg18[%dma_wait3A_1042, %dma_wait3A_1043] : memref<8x128xf32, #tpu.memory_space<vmem>> -> memref<1x128xf32, #tpu.memory_space<vmem>>
    %dma_wait3A_1045 = tpu.memref_squeeze %dma_wait3A_1044 : memref<1x128xf32, #tpu.memory_space<vmem>> -> memref<128xf32, #tpu.memory_space<vmem>>
    %dma_wait3A_1046 = arith.constant 0 : i32
    %dma_wait3A_1047 = tpu.memref_slice %arg7[%squeeze3A_931, %dma_wait3A_1046] : memref<8192x128xf32, #tpu.memory_space<hbm>> -> memref<1x128xf32, #tpu.memory_space<hbm>>
    %dma_wait3A_1048 = tpu.memref_squeeze %dma_wait3A_1047 : memref<1x128xf32, #tpu.memory_space<hbm>> -> memref<128xf32, #tpu.memory_space<hbm>>
    %dma_wait3A_1049 = arith.constant 0 : i32
    %dma_wait3A_1050 = tpu.memref_slice %arg18[%dma_wait3A_1042, %dma_wait3A_1049] : memref<8x128xf32, #tpu.memory_space<vmem>> -> memref<1x128xf32, #tpu.memory_space<vmem>>
    %dma_wait3A_1051 = tpu.memref_squeeze %dma_wait3A_1050 : memref<1x128xf32, #tpu.memory_space<vmem>> -> memref<128xf32, #tpu.memory_space<vmem>>
    %dma_wait3A_1052 = arith.constant 0 : i32
    %dma_wait3A_1053 = tpu.memref_slice %arg7[%squeeze3A_931, %dma_wait3A_1052] : memref<8192x128xf32, #tpu.memory_space<hbm>> -> memref<1x128xf32, #tpu.memory_space<hbm>>
    %dma_wait3A_1054 = tpu.memref_squeeze %dma_wait3A_1053 : memref<1x128xf32, #tpu.memory_space<hbm>> -> memref<128xf32, #tpu.memory_space<hbm>>
    tpu.wait_dma2 semaphore(%arg25 : memref<!tpu.dma_semaphore, #tpu.memory_space<semaphore_mem>>) src(%dma_wait3A_1054 : memref<128xf32, #tpu.memory_space<hbm>>) dst(%dma_wait3A_1051 : memref<128xf32, #tpu.memory_space<vmem>>)
    %dma_wait3A_1055 = arith.constant 5 : i32
    %dma_wait3A_1056 = arith.constant 0 : i32
    %dma_wait3A_1057 = tpu.memref_slice %arg18[%dma_wait3A_1055, %dma_wait3A_1056] : memref<8x128xf32, #tpu.memory_space<vmem>> -> memref<1x128xf32, #tpu.memory_space<vmem>>
    %dma_wait3A_1058 = tpu.memref_squeeze %dma_wait3A_1057 : memref<1x128xf32, #tpu.memory_space<vmem>> -> memref<128xf32, #tpu.memory_space<vmem>>
    %dma_wait3A_1059 = arith.constant 0 : i32
    %dma_wait3A_1060 = tpu.memref_slice %arg7[%squeeze3A_946, %dma_wait3A_1059] : memref<8192x128xf32, #tpu.memory_space<hbm>> -> memref<1x128xf32, #tpu.memory_space<hbm>>
    %dma_wait3A_1061 = tpu.memref_squeeze %dma_wait3A_1060 : memref<1x128xf32, #tpu.memory_space<hbm>> -> memref<128xf32, #tpu.memory_space<hbm>>
    %dma_wait3A_1062 = arith.constant 0 : i32
    %dma_wait3A_1063 = tpu.memref_slice %arg18[%dma_wait3A_1055, %dma_wait3A_1062] : memref<8x128xf32, #tpu.memory_space<vmem>> -> memref<1x128xf32, #tpu.memory_space<vmem>>
    %dma_wait3A_1064 = tpu.memref_squeeze %dma_wait3A_1063 : memref<1x128xf32, #tpu.memory_space<vmem>> -> memref<128xf32, #tpu.memory_space<vmem>>
    %dma_wait3A_1065 = arith.constant 0 : i32
    %dma_wait3A_1066 = tpu.memref_slice %arg7[%squeeze3A_946, %dma_wait3A_1065] : memref<8192x128xf32, #tpu.memory_space<hbm>> -> memref<1x128xf32, #tpu.memory_space<hbm>>
    %dma_wait3A_1067 = tpu.memref_squeeze %dma_wait3A_1066 : memref<1x128xf32, #tpu.memory_space<hbm>> -> memref<128xf32, #tpu.memory_space<hbm>>
    tpu.wait_dma2 semaphore(%arg25 : memref<!tpu.dma_semaphore, #tpu.memory_space<semaphore_mem>>) src(%dma_wait3A_1067 : memref<128xf32, #tpu.memory_space<hbm>>) dst(%dma_wait3A_1064 : memref<128xf32, #tpu.memory_space<vmem>>)
    %dma_wait3A_1068 = arith.constant 6 : i32
    %dma_wait3A_1069 = arith.constant 0 : i32
    %dma_wait3A_1070 = tpu.memref_slice %arg18[%dma_wait3A_1068, %dma_wait3A_1069] : memref<8x128xf32, #tpu.memory_space<vmem>> -> memref<1x128xf32, #tpu.memory_space<vmem>>
    %dma_wait3A_1071 = tpu.memref_squeeze %dma_wait3A_1070 : memref<1x128xf32, #tpu.memory_space<vmem>> -> memref<128xf32, #tpu.memory_space<vmem>>
    %dma_wait3A_1072 = arith.constant 0 : i32
    %dma_wait3A_1073 = tpu.memref_slice %arg7[%squeeze3A_961, %dma_wait3A_1072] : memref<8192x128xf32, #tpu.memory_space<hbm>> -> memref<1x128xf32, #tpu.memory_space<hbm>>
    %dma_wait3A_1074 = tpu.memref_squeeze %dma_wait3A_1073 : memref<1x128xf32, #tpu.memory_space<hbm>> -> memref<128xf32, #tpu.memory_space<hbm>>
    %dma_wait3A_1075 = arith.constant 0 : i32
    %dma_wait3A_1076 = tpu.memref_slice %arg18[%dma_wait3A_1068, %dma_wait3A_1075] : memref<8x128xf32, #tpu.memory_space<vmem>> -> memref<1x128xf32, #tpu.memory_space<vmem>>
    %dma_wait3A_1077 = tpu.memref_squeeze %dma_wait3A_1076 : memref<1x128xf32, #tpu.memory_space<vmem>> -> memref<128xf32, #tpu.memory_space<vmem>>
    %dma_wait3A_1078 = arith.constant 0 : i32
    %dma_wait3A_1079 = tpu.memref_slice %arg7[%squeeze3A_961, %dma_wait3A_1078] : memref<8192x128xf32, #tpu.memory_space<hbm>> -> memref<1x128xf32, #tpu.memory_space<hbm>>
    %dma_wait3A_1080 = tpu.memref_squeeze %dma_wait3A_1079 : memref<1x128xf32, #tpu.memory_space<hbm>> -> memref<128xf32, #tpu.memory_space<hbm>>
    tpu.wait_dma2 semaphore(%arg25 : memref<!tpu.dma_semaphore, #tpu.memory_space<semaphore_mem>>) src(%dma_wait3A_1080 : memref<128xf32, #tpu.memory_space<hbm>>) dst(%dma_wait3A_1077 : memref<128xf32, #tpu.memory_space<vmem>>)
    %dma_wait3A_1081 = arith.constant 7 : i32
    %dma_wait3A_1082 = arith.constant 0 : i32
    %dma_wait3A_1083 = tpu.memref_slice %arg18[%dma_wait3A_1081, %dma_wait3A_1082] : memref<8x128xf32, #tpu.memory_space<vmem>> -> memref<1x128xf32, #tpu.memory_space<vmem>>
    %dma_wait3A_1084 = tpu.memref_squeeze %dma_wait3A_1083 : memref<1x128xf32, #tpu.memory_space<vmem>> -> memref<128xf32, #tpu.memory_space<vmem>>
    %dma_wait3A_1085 = arith.constant 0 : i32
    %dma_wait3A_1086 = tpu.memref_slice %arg7[%squeeze3A_976, %dma_wait3A_1085] : memref<8192x128xf32, #tpu.memory_space<hbm>> -> memref<1x128xf32, #tpu.memory_space<hbm>>
    %dma_wait3A_1087 = tpu.memref_squeeze %dma_wait3A_1086 : memref<1x128xf32, #tpu.memory_space<hbm>> -> memref<128xf32, #tpu.memory_space<hbm>>
    %dma_wait3A_1088 = arith.constant 0 : i32
    %dma_wait3A_1089 = tpu.memref_slice %arg18[%dma_wait3A_1081, %dma_wait3A_1088] : memref<8x128xf32, #tpu.memory_space<vmem>> -> memref<1x128xf32, #tpu.memory_space<vmem>>
    %dma_wait3A_1090 = tpu.memref_squeeze %dma_wait3A_1089 : memref<1x128xf32, #tpu.memory_space<vmem>> -> memref<128xf32, #tpu.memory_space<vmem>>
    %dma_wait3A_1091 = arith.constant 0 : i32
    %dma_wait3A_1092 = tpu.memref_slice %arg7[%squeeze3A_976, %dma_wait3A_1091] : memref<8192x128xf32, #tpu.memory_space<hbm>> -> memref<1x128xf32, #tpu.memory_space<hbm>>
    %dma_wait3A_1093 = tpu.memref_squeeze %dma_wait3A_1092 : memref<1x128xf32, #tpu.memory_space<hbm>> -> memref<128xf32, #tpu.memory_space<hbm>>
    tpu.wait_dma2 semaphore(%arg25 : memref<!tpu.dma_semaphore, #tpu.memory_space<semaphore_mem>>) src(%dma_wait3A_1093 : memref<128xf32, #tpu.memory_space<hbm>>) dst(%dma_wait3A_1090 : memref<128xf32, #tpu.memory_space<vmem>>)
    %broadcast_in_dim3A_1094 = arith.constant 0 : i32
    %broadcast_in_dim3A_1095 = vector.broadcast %broadcast_in_dim3A_1094 : i32 to vector<16xi32>
    %broadcast_in_dim3A_1096 = arith.constant 0.000000e+00 : f32
    %broadcast_in_dim3A_1097 = vector.broadcast %broadcast_in_dim3A_1096 : f32 to vector<16xf32>
    %get3A = arith.constant 0 : i32
    %get3A_1098 = arith.index_cast %get3A : i32 to index
    %get3A_1099 = arith.constant 0 : index
    %get3A_1100 = tpu.vector_load %arg18[%get3A_1098, %get3A_1099] {strides = array<i32>} : memref<8x128xf32, #tpu.memory_space<vmem>>, vector<16xf32>,
    %broadcast_in_dim3A_1101 = arith.constant true
    %broadcast_in_dim3A_1102 = vector.broadcast %broadcast_in_dim3A_1101 : i1 to vector<16xi1>
    %masked_cumsum3A = tpu.scan <sum>, %get3A_1100 masked %broadcast_in_dim3A_1102 : vector<16xf32>, vector<16xi1> -> vector<16xf32>
    %add3A_1103 = arith.addf %masked_cumsum3A, %broadcast_in_dim3A_1097 : vector<16xf32>
    %swap3A_1104 = arith.constant 0 : index
    %swap3A_1105 = tpu.vector_load %arg19[%swap3A_1104] {strides = array<i32>} : memref<128xf32, #tpu.memory_space<vmem>>, vector<16xf32>,
    tpu.vector_store %arg19[%swap3A_1104], %add3A_1103 {strides = array<i32>} : memref<128xf32, #tpu.memory_space<vmem>>, vector<16xf32>,
    %broadcast_in_dim3A_1106 = arith.constant 15 : i32
    %broadcast_in_dim3A_1107 = vector.broadcast %broadcast_in_dim3A_1106 : i32 to vector<16xi32>
    %gather3A_1108 = tpu.vector_load_idx %arg19[%broadcast_in_dim3A_1107] : memref<128xf32, #tpu.memory_space<vmem>>[vector<16xi32>], vector<16xf32>,
    %get3A_1109 = arith.constant 0 : i32
    %get3A_1110 = arith.index_cast %get3A_1109 : i32 to index
    %get3A_1111 = arith.constant 16 : index
    %get3A_1112 = tpu.vector_load %arg18[%get3A_1110, %get3A_1111] {strides = array<i32>} : memref<8x128xf32, #tpu.memory_space<vmem>>, vector<16xf32>,
    %broadcast_in_dim3A_1113 = arith.constant true
    %broadcast_in_dim3A_1114 = vector.broadcast %broadcast_in_dim3A_1113 : i1 to vector<16xi1>
    %masked_cumsum3A_1115 = tpu.scan <sum>, %get3A_1112 masked %broadcast_in_dim3A_1114 : vector<16xf32>, vector<16xi1> -> vector<16xf32>
    %add3A_1116 = arith.addf %masked_cumsum3A_1115, %gather3A_1108 : vector<16xf32>
    %swap3A_1117 = arith.constant 16 : index
    %swap3A_1118 = tpu.vector_load %arg19[%swap3A_1117] {strides = array<i32>} : memref<128xf32, #tpu.memory_space<vmem>>, vector<16xf32>,
    tpu.vector_store %arg19[%swap3A_1117], %add3A_1116 {strides = array<i32>} : memref<128xf32, #tpu.memory_space<vmem>>, vector<16xf32>,
    %broadcast_in_dim3A_1119 = arith.constant 31 : i32
    %broadcast_in_dim3A_1120 = vector.broadcast %broadcast_in_dim3A_1119 : i32 to vector<16xi32>
    %gather3A_1121 = tpu.vector_load_idx %arg19[%broadcast_in_dim3A_1120] : memref<128xf32, #tpu.memory_space<vmem>>[vector<16xi32>], vector<16xf32>,
    %get3A_1122 = arith.constant 0 : i32
    %get3A_1123 = arith.index_cast %get3A_1122 : i32 to index
    %get3A_1124 = arith.constant 32 : index
    %get3A_1125 = tpu.vector_load %arg18[%get3A_1123, %get3A_1124] {strides = array<i32>} : memref<8x128xf32, #tpu.memory_space<vmem>>, vector<16xf32>,
    %broadcast_in_dim3A_1126 = arith.constant true
    %broadcast_in_dim3A_1127 = vector.broadcast %broadcast_in_dim3A_1126 : i1 to vector<16xi1>
    %masked_cumsum3A_1128 = tpu.scan <sum>, %get3A_1125 masked %broadcast_in_dim3A_1127 : vector<16xf32>, vector<16xi1> -> vector<16xf32>
    %add3A_1129 = arith.addf %masked_cumsum3A_1128, %gather3A_1121 : vector<16xf32>
    %swap3A_1130 = arith.constant 32 : index
    %swap3A_1131 = tpu.vector_load %arg19[%swap3A_1130] {strides = array<i32>} : memref<128xf32, #tpu.memory_space<vmem>>, vector<16xf32>,
    tpu.vector_store %arg19[%swap3A_1130], %add3A_1129 {strides = array<i32>} : memref<128xf32, #tpu.memory_space<vmem>>, vector<16xf32>,
    %broadcast_in_dim3A_1132 = arith.constant 47 : i32
    %broadcast_in_dim3A_1133 = vector.broadcast %broadcast_in_dim3A_1132 : i32 to vector<16xi32>
    %gather3A_1134 = tpu.vector_load_idx %arg19[%broadcast_in_dim3A_1133] : memref<128xf32, #tpu.memory_space<vmem>>[vector<16xi32>], vector<16xf32>,
    %get3A_1135 = arith.constant 0 : i32
    %get3A_1136 = arith.index_cast %get3A_1135 : i32 to index
    %get3A_1137 = arith.constant 48 : index
    %get3A_1138 = tpu.vector_load %arg18[%get3A_1136, %get3A_1137] {strides = array<i32>} : memref<8x128xf32, #tpu.memory_space<vmem>>, vector<16xf32>,
    %broadcast_in_dim3A_1139 = arith.constant true
    %broadcast_in_dim3A_1140 = vector.broadcast %broadcast_in_dim3A_1139 : i1 to vector<16xi1>
    %masked_cumsum3A_1141 = tpu.scan <sum>, %get3A_1138 masked %broadcast_in_dim3A_1140 : vector<16xf32>, vector<16xi1> -> vector<16xf32>
    %add3A_1142 = arith.addf %masked_cumsum3A_1141, %gather3A_1134 : vector<16xf32>
    %swap3A_1143 = arith.constant 48 : index
    %swap3A_1144 = tpu.vector_load %arg19[%swap3A_1143] {strides = array<i32>} : memref<128xf32, #tpu.memory_space<vmem>>, vector<16xf32>,
    tpu.vector_store %arg19[%swap3A_1143], %add3A_1142 {strides = array<i32>} : memref<128xf32, #tpu.memory_space<vmem>>, vector<16xf32>,
    %broadcast_in_dim3A_1145 = arith.constant 63 : i32
    %broadcast_in_dim3A_1146 = vector.broadcast %broadcast_in_dim3A_1145 : i32 to vector<16xi32>
    %gather3A_1147 = tpu.vector_load_idx %arg19[%broadcast_in_dim3A_1146] : memref<128xf32, #tpu.memory_space<vmem>>[vector<16xi32>], vector<16xf32>,
    %get3A_1148 = arith.constant 0 : i32
    %get3A_1149 = arith.index_cast %get3A_1148 : i32 to index
    %get3A_1150 = arith.constant 64 : index
    %get3A_1151 = tpu.vector_load %arg18[%get3A_1149, %get3A_1150] {strides = array<i32>} : memref<8x128xf32, #tpu.memory_space<vmem>>, vector<16xf32>,
    %broadcast_in_dim3A_1152 = arith.constant true
    %broadcast_in_dim3A_1153 = vector.broadcast %broadcast_in_dim3A_1152 : i1 to vector<16xi1>
    %masked_cumsum3A_1154 = tpu.scan <sum>, %get3A_1151 masked %broadcast_in_dim3A_1153 : vector<16xf32>, vector<16xi1> -> vector<16xf32>
    %add3A_1155 = arith.addf %masked_cumsum3A_1154, %gather3A_1147 : vector<16xf32>
    %swap3A_1156 = arith.constant 64 : index
    %swap3A_1157 = tpu.vector_load %arg19[%swap3A_1156] {strides = array<i32>} : memref<128xf32, #tpu.memory_space<vmem>>, vector<16xf32>,
    tpu.vector_store %arg19[%swap3A_1156], %add3A_1155 {strides = array<i32>} : memref<128xf32, #tpu.memory_space<vmem>>, vector<16xf32>,
    %broadcast_in_dim3A_1158 = arith.constant 79 : i32
    %broadcast_in_dim3A_1159 = vector.broadcast %broadcast_in_dim3A_1158 : i32 to vector<16xi32>
    %gather3A_1160 = tpu.vector_load_idx %arg19[%broadcast_in_dim3A_1159] : memref<128xf32, #tpu.memory_space<vmem>>[vector<16xi32>], vector<16xf32>,
    %get3A_1161 = arith.constant 0 : i32
    %get3A_1162 = arith.index_cast %get3A_1161 : i32 to index
    %get3A_1163 = arith.constant 80 : index
    %get3A_1164 = tpu.vector_load %arg18[%get3A_1162, %get3A_1163] {strides = array<i32>} : memref<8x128xf32, #tpu.memory_space<vmem>>, vector<16xf32>,
    %broadcast_in_dim3A_1165 = arith.constant true
    %broadcast_in_dim3A_1166 = vector.broadcast %broadcast_in_dim3A_1165 : i1 to vector<16xi1>
    %masked_cumsum3A_1167 = tpu.scan <sum>, %get3A_1164 masked %broadcast_in_dim3A_1166 : vector<16xf32>, vector<16xi1> -> vector<16xf32>
    %add3A_1168 = arith.addf %masked_cumsum3A_1167, %gather3A_1160 : vector<16xf32>
    %swap3A_1169 = arith.constant 80 : index
    %swap3A_1170 = tpu.vector_load %arg19[%swap3A_1169] {strides = array<i32>} : memref<128xf32, #tpu.memory_space<vmem>>, vector<16xf32>,
    tpu.vector_store %arg19[%swap3A_1169], %add3A_1168 {strides = array<i32>} : memref<128xf32, #tpu.memory_space<vmem>>, vector<16xf32>,
    %broadcast_in_dim3A_1171 = arith.constant 95 : i32
    %broadcast_in_dim3A_1172 = vector.broadcast %broadcast_in_dim3A_1171 : i32 to vector<16xi32>
    %gather3A_1173 = tpu.vector_load_idx %arg19[%broadcast_in_dim3A_1172] : memref<128xf32, #tpu.memory_space<vmem>>[vector<16xi32>], vector<16xf32>,
    %get3A_1174 = arith.constant 0 : i32
    %get3A_1175 = arith.index_cast %get3A_1174 : i32 to index
    %get3A_1176 = arith.constant 96 : index
    %get3A_1177 = tpu.vector_load %arg18[%get3A_1175, %get3A_1176] {strides = array<i32>} : memref<8x128xf32, #tpu.memory_space<vmem>>, vector<16xf32>,
    %broadcast_in_dim3A_1178 = arith.constant true
    %broadcast_in_dim3A_1179 = vector.broadcast %broadcast_in_dim3A_1178 : i1 to vector<16xi1>
    %masked_cumsum3A_1180 = tpu.scan <sum>, %get3A_1177 masked %broadcast_in_dim3A_1179 : vector<16xf32>, vector<16xi1> -> vector<16xf32>
    %add3A_1181 = arith.addf %masked_cumsum3A_1180, %gather3A_1173 : vector<16xf32>
    %swap3A_1182 = arith.constant 96 : index
    %swap3A_1183 = tpu.vector_load %arg19[%swap3A_1182] {strides = array<i32>} : memref<128xf32, #tpu.memory_space<vmem>>, vector<16xf32>,
    tpu.vector_store %arg19[%swap3A_1182], %add3A_1181 {strides = array<i32>} : memref<128xf32, #tpu.memory_space<vmem>>, vector<16xf32>,
    %broadcast_in_dim3A_1184 = arith.constant 111 : i32
    %broadcast_in_dim3A_1185 = vector.broadcast %broadcast_in_dim3A_1184 : i32 to vector<16xi32>
    %gather3A_1186 = tpu.vector_load_idx %arg19[%broadcast_in_dim3A_1185] : memref<128xf32, #tpu.memory_space<vmem>>[vector<16xi32>], vector<16xf32>,
    %get3A_1187 = arith.constant 0 : i32
    %get3A_1188 = arith.index_cast %get3A_1187 : i32 to index
    %get3A_1189 = arith.constant 112 : index
    %get3A_1190 = tpu.vector_load %arg18[%get3A_1188, %get3A_1189] {strides = array<i32>} : memref<8x128xf32, #tpu.memory_space<vmem>>, vector<16xf32>,
    %broadcast_in_dim3A_1191 = arith.constant true
    %broadcast_in_dim3A_1192 = vector.broadcast %broadcast_in_dim3A_1191 : i1 to vector<16xi1>
    %masked_cumsum3A_1193 = tpu.scan <sum>, %get3A_1190 masked %broadcast_in_dim3A_1192 : vector<16xf32>, vector<16xi1> -> vector<16xf32>
    %add3A_1194 = arith.addf %masked_cumsum3A_1193, %gather3A_1186 : vector<16xf32>
    %swap3A_1195 = arith.constant 112 : index
    %swap3A_1196 = tpu.vector_load %arg19[%swap3A_1195] {strides = array<i32>} : memref<128xf32, #tpu.memory_space<vmem>>, vector<16xf32>,
    tpu.vector_store %arg19[%swap3A_1195], %add3A_1194 {strides = array<i32>} : memref<128xf32, #tpu.memory_space<vmem>>, vector<16xf32>,
    %broadcast_in_dim3A_1197 = arith.constant 127 : i32
    %broadcast_in_dim3A_1198 = vector.broadcast %broadcast_in_dim3A_1197 : i32 to vector<16xi32>
    %gather3A_1199 = tpu.vector_load_idx %arg19[%broadcast_in_dim3A_1198] : memref<128xf32, #tpu.memory_space<vmem>>[vector<16xi32>], vector<16xf32>,
    %add3A_1200 = arith.constant 0 : i32
    %add3A_1201 = arith.addi %mul3A_16, %add3A_1200 : i32
    %broadcast_in_dim3A_1202 = vector.broadcast %add3A_1201 : i32 to vector<16xi32>
    %gather3A_1203 = tpu.vector_load_idx %arg17[%broadcast_in_dim3A_1202] : memref<128xf32, #tpu.memory_space<vmem>>[vector<16xi32>], vector<16xf32>,
    %sub3A_1204 = arith.constant 1.000000e+00 : f32
    %sub3A_1205 = vector.broadcast %sub3A_1204 : f32 to vector<16xf32>
    %sub3A_1206 = arith.subf %sub3A_1205, %gather3A_1203 : vector<16xf32>
    %mul3A_1207 = arith.mulf %gather3A_1199, %sub3A_1206 : vector<16xf32>
    %broadcast_in_dim3A_1208 = arith.constant 0 : i32
    %broadcast_in_dim3A_1209 = vector.broadcast %broadcast_in_dim3A_1208 : i32 to vector<16xi32>
    %get3A_1210 = arith.constant 0 : index
    %get3A_1211 = tpu.vector_load %arg19[%get3A_1210] {strides = array<i32>} : memref<128xf32, #tpu.memory_space<vmem>>, vector<16xf32>,
    %lt3A_1212 = arith.cmpf olt, %get3A_1211, %mul3A_1207 : vector<16xf32>
    %convert_element_type3A = arith.extui %lt3A_1212 : vector<16xi1> to vector<16xi32>
    %add3A_1213 = arith.addi %broadcast_in_dim3A_1209, %convert_element_type3A : vector<16xi32>
    %get3A_1214 = arith.constant 16 : index
    %get3A_1215 = tpu.vector_load %arg19[%get3A_1214] {strides = array<i32>} : memref<128xf32, #tpu.memory_space<vmem>>, vector<16xf32>,
    %lt3A_1216 = arith.cmpf olt, %get3A_1215, %mul3A_1207 : vector<16xf32>
    %convert_element_type3A_1217 = arith.extui %lt3A_1216 : vector<16xi1> to vector<16xi32>
    %add3A_1218 = arith.addi %add3A_1213, %convert_element_type3A_1217 : vector<16xi32>
    %get3A_1219 = arith.constant 32 : index
    %get3A_1220 = tpu.vector_load %arg19[%get3A_1219] {strides = array<i32>} : memref<128xf32, #tpu.memory_space<vmem>>, vector<16xf32>,
    %lt3A_1221 = arith.cmpf olt, %get3A_1220, %mul3A_1207 : vector<16xf32>
    %convert_element_type3A_1222 = arith.extui %lt3A_1221 : vector<16xi1> to vector<16xi32>
    %add3A_1223 = arith.addi %add3A_1218, %convert_element_type3A_1222 : vector<16xi32>
    %get3A_1224 = arith.constant 48 : index
    %get3A_1225 = tpu.vector_load %arg19[%get3A_1224] {strides = array<i32>} : memref<128xf32, #tpu.memory_space<vmem>>, vector<16xf32>,
    %lt3A_1226 = arith.cmpf olt, %get3A_1225, %mul3A_1207 : vector<16xf32>
    %convert_element_type3A_1227 = arith.extui %lt3A_1226 : vector<16xi1> to vector<16xi32>
    %add3A_1228 = arith.addi %add3A_1223, %convert_element_type3A_1227 : vector<16xi32>
    %get3A_1229 = arith.constant 64 : index
    %get3A_1230 = tpu.vector_load %arg19[%get3A_1229] {strides = array<i32>} : memref<128xf32, #tpu.memory_space<vmem>>, vector<16xf32>,
    %lt3A_1231 = arith.cmpf olt, %get3A_1230, %mul3A_1207 : vector<16xf32>
    %convert_element_type3A_1232 = arith.extui %lt3A_1231 : vector<16xi1> to vector<16xi32>
    %add3A_1233 = arith.addi %add3A_1228, %convert_element_type3A_1232 : vector<16xi32>
    %get3A_1234 = arith.constant 80 : index
    %get3A_1235 = tpu.vector_load %arg19[%get3A_1234] {strides = array<i32>} : memref<128xf32, #tpu.memory_space<vmem>>, vector<16xf32>,
    %lt3A_1236 = arith.cmpf olt, %get3A_1235, %mul3A_1207 : vector<16xf32>
    %convert_element_type3A_1237 = arith.extui %lt3A_1236 : vector<16xi1> to vector<16xi32>
    %add3A_1238 = arith.addi %add3A_1233, %convert_element_type3A_1237 : vector<16xi32>
    %get3A_1239 = arith.constant 96 : index
    %get3A_1240 = tpu.vector_load %arg19[%get3A_1239] {strides = array<i32>} : memref<128xf32, #tpu.memory_space<vmem>>, vector<16xf32>,
    %lt3A_1241 = arith.cmpf olt, %get3A_1240, %mul3A_1207 : vector<16xf32>
    %convert_element_type3A_1242 = arith.extui %lt3A_1241 : vector<16xi1> to vector<16xi32>
    %add3A_1243 = arith.addi %add3A_1238, %convert_element_type3A_1242 : vector<16xi32>
    %get3A_1244 = arith.constant 112 : index
    %get3A_1245 = tpu.vector_load %arg19[%get3A_1244] {strides = array<i32>} : memref<128xf32, #tpu.memory_space<vmem>>, vector<16xf32>,
    %lt3A_1246 = arith.cmpf olt, %get3A_1245, %mul3A_1207 : vector<16xf32>
    %convert_element_type3A_1247 = arith.extui %lt3A_1246 : vector<16xi1> to vector<16xi32>
    %add3A_1248 = arith.addi %add3A_1243, %convert_element_type3A_1247 : vector<16xi32>
    %broadcast_in_dim3A_1249 = arith.constant true
    %broadcast_in_dim3A_1250 = vector.broadcast %broadcast_in_dim3A_1249 : i1 to vector<16xi1>
    %masked_cumsum3A_1251 = tpu.scan <sum>, %add3A_1248 masked %broadcast_in_dim3A_1250 : vector<16xi32>, vector<16xi1> -> vector<16xi32>
    %swap3A_1252 = arith.constant 0 : index
    %swap3A_1253 = tpu.vector_load %arg20[%swap3A_1252] {strides = array<i32>} : memref<16xi32, #tpu.memory_space<vmem>>, vector<16xi32>,
    tpu.vector_store %arg20[%swap3A_1252], %masked_cumsum3A_1251 {strides = array<i32>} : memref<16xi32, #tpu.memory_space<vmem>>, vector<16xi32>,
    %broadcast_in_dim3A_1254 = arith.constant 15 : i32
    %broadcast_in_dim3A_1255 = vector.broadcast %broadcast_in_dim3A_1254 : i32 to vector<16xi32>
    %gather3A_1256 = tpu.vector_load_idx %arg20[%broadcast_in_dim3A_1255] : memref<16xi32, #tpu.memory_space<vmem>>[vector<16xi32>], vector<16xi32>,
    %min3A_1257 = arith.constant 127 : i32
    %min3A_1258 = vector.broadcast %min3A_1257 : i32 to vector<16xi32>
    %min3A_1259 = arith.minsi %gather3A_1256, %min3A_1258 : vector<16xi32>
    %eq3A_1260 = arith.constant 0 : i32
    %eq3A_1261 = vector.broadcast %eq3A_1260 : i32 to vector<16xi32>
    %eq3A_1262 = arith.cmpi eq, %iota3A, %eq3A_1261 : vector<16xi32>
    %select_n3A_1263 = arith.select %eq3A_1262, %min3A_1259, %broadcast_in_dim3A_1095 : vector<16xi1>, vector<16xi32>
    %broadcast_in_dim3A_1264 = arith.constant 0.000000e+00 : f32
    %broadcast_in_dim3A_1265 = vector.broadcast %broadcast_in_dim3A_1264 : f32 to vector<16xf32>
    %get3A_1266 = arith.constant 1 : i32
    %get3A_1267 = arith.index_cast %get3A_1266 : i32 to index
    %get3A_1268 = arith.constant 0 : index
    %get3A_1269 = tpu.vector_load %arg18[%get3A_1267, %get3A_1268] {strides = array<i32>} : memref<8x128xf32, #tpu.memory_space<vmem>>, vector<16xf32>,
    %broadcast_in_dim3A_1270 = arith.constant true
    %broadcast_in_dim3A_1271 = vector.broadcast %broadcast_in_dim3A_1270 : i1 to vector<16xi1>
    %masked_cumsum3A_1272 = tpu.scan <sum>, %get3A_1269 masked %broadcast_in_dim3A_1271 : vector<16xf32>, vector<16xi1> -> vector<16xf32>
    %add3A_1273 = arith.addf %masked_cumsum3A_1272, %broadcast_in_dim3A_1265 : vector<16xf32>
    %swap3A_1274 = arith.constant 0 : index
    %swap3A_1275 = tpu.vector_load %arg19[%swap3A_1274] {strides = array<i32>} : memref<128xf32, #tpu.memory_space<vmem>>, vector<16xf32>,
    tpu.vector_store %arg19[%swap3A_1274], %add3A_1273 {strides = array<i32>} : memref<128xf32, #tpu.memory_space<vmem>>, vector<16xf32>,
    %broadcast_in_dim3A_1276 = arith.constant 15 : i32
    %broadcast_in_dim3A_1277 = vector.broadcast %broadcast_in_dim3A_1276 : i32 to vector<16xi32>
    %gather3A_1278 = tpu.vector_load_idx %arg19[%broadcast_in_dim3A_1277] : memref<128xf32, #tpu.memory_space<vmem>>[vector<16xi32>], vector<16xf32>,
    %get3A_1279 = arith.constant 1 : i32
    %get3A_1280 = arith.index_cast %get3A_1279 : i32 to index
    %get3A_1281 = arith.constant 16 : index
    %get3A_1282 = tpu.vector_load %arg18[%get3A_1280, %get3A_1281] {strides = array<i32>} : memref<8x128xf32, #tpu.memory_space<vmem>>, vector<16xf32>,
    %broadcast_in_dim3A_1283 = arith.constant true
    %broadcast_in_dim3A_1284 = vector.broadcast %broadcast_in_dim3A_1283 : i1 to vector<16xi1>
    %masked_cumsum3A_1285 = tpu.scan <sum>, %get3A_1282 masked %broadcast_in_dim3A_1284 : vector<16xf32>, vector<16xi1> -> vector<16xf32>
    %add3A_1286 = arith.addf %masked_cumsum3A_1285, %gather3A_1278 : vector<16xf32>
    %swap3A_1287 = arith.constant 16 : index
    %swap3A_1288 = tpu.vector_load %arg19[%swap3A_1287] {strides = array<i32>} : memref<128xf32, #tpu.memory_space<vmem>>, vector<16xf32>,
    tpu.vector_store %arg19[%swap3A_1287], %add3A_1286 {strides = array<i32>} : memref<128xf32, #tpu.memory_space<vmem>>, vector<16xf32>,
    %broadcast_in_dim3A_1289 = arith.constant 31 : i32
    %broadcast_in_dim3A_1290 = vector.broadcast %broadcast_in_dim3A_1289 : i32 to vector<16xi32>
    %gather3A_1291 = tpu.vector_load_idx %arg19[%broadcast_in_dim3A_1290] : memref<128xf32, #tpu.memory_space<vmem>>[vector<16xi32>], vector<16xf32>,
    %get3A_1292 = arith.constant 1 : i32
    %get3A_1293 = arith.index_cast %get3A_1292 : i32 to index
    %get3A_1294 = arith.constant 32 : index
    %get3A_1295 = tpu.vector_load %arg18[%get3A_1293, %get3A_1294] {strides = array<i32>} : memref<8x128xf32, #tpu.memory_space<vmem>>, vector<16xf32>,
    %broadcast_in_dim3A_1296 = arith.constant true
    %broadcast_in_dim3A_1297 = vector.broadcast %broadcast_in_dim3A_1296 : i1 to vector<16xi1>
    %masked_cumsum3A_1298 = tpu.scan <sum>, %get3A_1295 masked %broadcast_in_dim3A_1297 : vector<16xf32>, vector<16xi1> -> vector<16xf32>
    %add3A_1299 = arith.addf %masked_cumsum3A_1298, %gather3A_1291 : vector<16xf32>
    %swap3A_1300 = arith.constant 32 : index
    %swap3A_1301 = tpu.vector_load %arg19[%swap3A_1300] {strides = array<i32>} : memref<128xf32, #tpu.memory_space<vmem>>, vector<16xf32>,
    tpu.vector_store %arg19[%swap3A_1300], %add3A_1299 {strides = array<i32>} : memref<128xf32, #tpu.memory_space<vmem>>, vector<16xf32>,
    %broadcast_in_dim3A_1302 = arith.constant 47 : i32
    %broadcast_in_dim3A_1303 = vector.broadcast %broadcast_in_dim3A_1302 : i32 to vector<16xi32>
    %gather3A_1304 = tpu.vector_load_idx %arg19[%broadcast_in_dim3A_1303] : memref<128xf32, #tpu.memory_space<vmem>>[vector<16xi32>], vector<16xf32>,
    %get3A_1305 = arith.constant 1 : i32
    %get3A_1306 = arith.index_cast %get3A_1305 : i32 to index
    %get3A_1307 = arith.constant 48 : index
    %get3A_1308 = tpu.vector_load %arg18[%get3A_1306, %get3A_1307] {strides = array<i32>} : memref<8x128xf32, #tpu.memory_space<vmem>>, vector<16xf32>,
    %broadcast_in_dim3A_1309 = arith.constant true
    %broadcast_in_dim3A_1310 = vector.broadcast %broadcast_in_dim3A_1309 : i1 to vector<16xi1>
    %masked_cumsum3A_1311 = tpu.scan <sum>, %get3A_1308 masked %broadcast_in_dim3A_1310 : vector<16xf32>, vector<16xi1> -> vector<16xf32>
    %add3A_1312 = arith.addf %masked_cumsum3A_1311, %gather3A_1304 : vector<16xf32>
    %swap3A_1313 = arith.constant 48 : index
    %swap3A_1314 = tpu.vector_load %arg19[%swap3A_1313] {strides = array<i32>} : memref<128xf32, #tpu.memory_space<vmem>>, vector<16xf32>,
    tpu.vector_store %arg19[%swap3A_1313], %add3A_1312 {strides = array<i32>} : memref<128xf32, #tpu.memory_space<vmem>>, vector<16xf32>,
    %broadcast_in_dim3A_1315 = arith.constant 63 : i32
    %broadcast_in_dim3A_1316 = vector.broadcast %broadcast_in_dim3A_1315 : i32 to vector<16xi32>
    %gather3A_1317 = tpu.vector_load_idx %arg19[%broadcast_in_dim3A_1316] : memref<128xf32, #tpu.memory_space<vmem>>[vector<16xi32>], vector<16xf32>,
    %get3A_1318 = arith.constant 1 : i32
    %get3A_1319 = arith.index_cast %get3A_1318 : i32 to index
    %get3A_1320 = arith.constant 64 : index
    %get3A_1321 = tpu.vector_load %arg18[%get3A_1319, %get3A_1320] {strides = array<i32>} : memref<8x128xf32, #tpu.memory_space<vmem>>, vector<16xf32>,
    %broadcast_in_dim3A_1322 = arith.constant true
    %broadcast_in_dim3A_1323 = vector.broadcast %broadcast_in_dim3A_1322 : i1 to vector<16xi1>
    %masked_cumsum3A_1324 = tpu.scan <sum>, %get3A_1321 masked %broadcast_in_dim3A_1323 : vector<16xf32>, vector<16xi1> -> vector<16xf32>
    %add3A_1325 = arith.addf %masked_cumsum3A_1324, %gather3A_1317 : vector<16xf32>
    %swap3A_1326 = arith.constant 64 : index
    %swap3A_1327 = tpu.vector_load %arg19[%swap3A_1326] {strides = array<i32>} : memref<128xf32, #tpu.memory_space<vmem>>, vector<16xf32>,
    tpu.vector_store %arg19[%swap3A_1326], %add3A_1325 {strides = array<i32>} : memref<128xf32, #tpu.memory_space<vmem>>, vector<16xf32>,
    %broadcast_in_dim3A_1328 = arith.constant 79 : i32
    %broadcast_in_dim3A_1329 = vector.broadcast %broadcast_in_dim3A_1328 : i32 to vector<16xi32>
    %gather3A_1330 = tpu.vector_load_idx %arg19[%broadcast_in_dim3A_1329] : memref<128xf32, #tpu.memory_space<vmem>>[vector<16xi32>], vector<16xf32>,
    %get3A_1331 = arith.constant 1 : i32
    %get3A_1332 = arith.index_cast %get3A_1331 : i32 to index
    %get3A_1333 = arith.constant 80 : index
    %get3A_1334 = tpu.vector_load %arg18[%get3A_1332, %get3A_1333] {strides = array<i32>} : memref<8x128xf32, #tpu.memory_space<vmem>>, vector<16xf32>,
    %broadcast_in_dim3A_1335 = arith.constant true
    %broadcast_in_dim3A_1336 = vector.broadcast %broadcast_in_dim3A_1335 : i1 to vector<16xi1>
    %masked_cumsum3A_1337 = tpu.scan <sum>, %get3A_1334 masked %broadcast_in_dim3A_1336 : vector<16xf32>, vector<16xi1> -> vector<16xf32>
    %add3A_1338 = arith.addf %masked_cumsum3A_1337, %gather3A_1330 : vector<16xf32>
    %swap3A_1339 = arith.constant 80 : index
    %swap3A_1340 = tpu.vector_load %arg19[%swap3A_1339] {strides = array<i32>} : memref<128xf32, #tpu.memory_space<vmem>>, vector<16xf32>,
    tpu.vector_store %arg19[%swap3A_1339], %add3A_1338 {strides = array<i32>} : memref<128xf32, #tpu.memory_space<vmem>>, vector<16xf32>,
    %broadcast_in_dim3A_1341 = arith.constant 95 : i32
    %broadcast_in_dim3A_1342 = vector.broadcast %broadcast_in_dim3A_1341 : i32 to vector<16xi32>
    %gather3A_1343 = tpu.vector_load_idx %arg19[%broadcast_in_dim3A_1342] : memref<128xf32, #tpu.memory_space<vmem>>[vector<16xi32>], vector<16xf32>,
    %get3A_1344 = arith.constant 1 : i32
    %get3A_1345 = arith.index_cast %get3A_1344 : i32 to index
    %get3A_1346 = arith.constant 96 : index
    %get3A_1347 = tpu.vector_load %arg18[%get3A_1345, %get3A_1346] {strides = array<i32>} : memref<8x128xf32, #tpu.memory_space<vmem>>, vector<16xf32>,
    %broadcast_in_dim3A_1348 = arith.constant true
    %broadcast_in_dim3A_1349 = vector.broadcast %broadcast_in_dim3A_1348 : i1 to vector<16xi1>
    %masked_cumsum3A_1350 = tpu.scan <sum>, %get3A_1347 masked %broadcast_in_dim3A_1349 : vector<16xf32>, vector<16xi1> -> vector<16xf32>
    %add3A_1351 = arith.addf %masked_cumsum3A_1350, %gather3A_1343 : vector<16xf32>
    %swap3A_1352 = arith.constant 96 : index
    %swap3A_1353 = tpu.vector_load %arg19[%swap3A_1352] {strides = array<i32>} : memref<128xf32, #tpu.memory_space<vmem>>, vector<16xf32>,
    tpu.vector_store %arg19[%swap3A_1352], %add3A_1351 {strides = array<i32>} : memref<128xf32, #tpu.memory_space<vmem>>, vector<16xf32>,
    %broadcast_in_dim3A_1354 = arith.constant 111 : i32
    %broadcast_in_dim3A_1355 = vector.broadcast %broadcast_in_dim3A_1354 : i32 to vector<16xi32>
    %gather3A_1356 = tpu.vector_load_idx %arg19[%broadcast_in_dim3A_1355] : memref<128xf32, #tpu.memory_space<vmem>>[vector<16xi32>], vector<16xf32>,
    %get3A_1357 = arith.constant 1 : i32
    %get3A_1358 = arith.index_cast %get3A_1357 : i32 to index
    %get3A_1359 = arith.constant 112 : index
    %get3A_1360 = tpu.vector_load %arg18[%get3A_1358, %get3A_1359] {strides = array<i32>} : memref<8x128xf32, #tpu.memory_space<vmem>>, vector<16xf32>,
    %broadcast_in_dim3A_1361 = arith.constant true
    %broadcast_in_dim3A_1362 = vector.broadcast %broadcast_in_dim3A_1361 : i1 to vector<16xi1>
    %masked_cumsum3A_1363 = tpu.scan <sum>, %get3A_1360 masked %broadcast_in_dim3A_1362 : vector<16xf32>, vector<16xi1> -> vector<16xf32>
    %add3A_1364 = arith.addf %masked_cumsum3A_1363, %gather3A_1356 : vector<16xf32>
    %swap3A_1365 = arith.constant 112 : index
    %swap3A_1366 = tpu.vector_load %arg19[%swap3A_1365] {strides = array<i32>} : memref<128xf32, #tpu.memory_space<vmem>>, vector<16xf32>,
    tpu.vector_store %arg19[%swap3A_1365], %add3A_1364 {strides = array<i32>} : memref<128xf32, #tpu.memory_space<vmem>>, vector<16xf32>,
    %broadcast_in_dim3A_1367 = arith.constant 127 : i32
    %broadcast_in_dim3A_1368 = vector.broadcast %broadcast_in_dim3A_1367 : i32 to vector<16xi32>
    %gather3A_1369 = tpu.vector_load_idx %arg19[%broadcast_in_dim3A_1368] : memref<128xf32, #tpu.memory_space<vmem>>[vector<16xi32>], vector<16xf32>,
    %add3A_1370 = arith.constant 1 : i32
    %add3A_1371 = arith.addi %mul3A_16, %add3A_1370 : i32
    %broadcast_in_dim3A_1372 = vector.broadcast %add3A_1371 : i32 to vector<16xi32>
    %gather3A_1373 = tpu.vector_load_idx %arg17[%broadcast_in_dim3A_1372] : memref<128xf32, #tpu.memory_space<vmem>>[vector<16xi32>], vector<16xf32>,
    %sub3A_1374 = arith.constant 1.000000e+00 : f32
    %sub3A_1375 = vector.broadcast %sub3A_1374 : f32 to vector<16xf32>
    %sub3A_1376 = arith.subf %sub3A_1375, %gather3A_1373 : vector<16xf32>
    %mul3A_1377 = arith.mulf %gather3A_1369, %sub3A_1376 : vector<16xf32>
    %broadcast_in_dim3A_1378 = arith.constant 0 : i32
    %broadcast_in_dim3A_1379 = vector.broadcast %broadcast_in_dim3A_1378 : i32 to vector<16xi32>
    %get3A_1380 = arith.constant 0 : index
    %get3A_1381 = tpu.vector_load %arg19[%get3A_1380] {strides = array<i32>} : memref<128xf32, #tpu.memory_space<vmem>>, vector<16xf32>,
    %lt3A_1382 = arith.cmpf olt, %get3A_1381, %mul3A_1377 : vector<16xf32>
    %convert_element_type3A_1383 = arith.extui %lt3A_1382 : vector<16xi1> to vector<16xi32>
    %add3A_1384 = arith.addi %broadcast_in_dim3A_1379, %convert_element_type3A_1383 : vector<16xi32>
    %get3A_1385 = arith.constant 16 : index
    %get3A_1386 = tpu.vector_load %arg19[%get3A_1385] {strides = array<i32>} : memref<128xf32, #tpu.memory_space<vmem>>, vector<16xf32>,
    %lt3A_1387 = arith.cmpf olt, %get3A_1386, %mul3A_1377 : vector<16xf32>
    %convert_element_type3A_1388 = arith.extui %lt3A_1387 : vector<16xi1> to vector<16xi32>
    %add3A_1389 = arith.addi %add3A_1384, %convert_element_type3A_1388 : vector<16xi32>
    %get3A_1390 = arith.constant 32 : index
    %get3A_1391 = tpu.vector_load %arg19[%get3A_1390] {strides = array<i32>} : memref<128xf32, #tpu.memory_space<vmem>>, vector<16xf32>,
    %lt3A_1392 = arith.cmpf olt, %get3A_1391, %mul3A_1377 : vector<16xf32>
    %convert_element_type3A_1393 = arith.extui %lt3A_1392 : vector<16xi1> to vector<16xi32>
    %add3A_1394 = arith.addi %add3A_1389, %convert_element_type3A_1393 : vector<16xi32>
    %get3A_1395 = arith.constant 48 : index
    %get3A_1396 = tpu.vector_load %arg19[%get3A_1395] {strides = array<i32>} : memref<128xf32, #tpu.memory_space<vmem>>, vector<16xf32>,
    %lt3A_1397 = arith.cmpf olt, %get3A_1396, %mul3A_1377 : vector<16xf32>
    %convert_element_type3A_1398 = arith.extui %lt3A_1397 : vector<16xi1> to vector<16xi32>
    %add3A_1399 = arith.addi %add3A_1394, %convert_element_type3A_1398 : vector<16xi32>
    %get3A_1400 = arith.constant 64 : index
    %get3A_1401 = tpu.vector_load %arg19[%get3A_1400] {strides = array<i32>} : memref<128xf32, #tpu.memory_space<vmem>>, vector<16xf32>,
    %lt3A_1402 = arith.cmpf olt, %get3A_1401, %mul3A_1377 : vector<16xf32>
    %convert_element_type3A_1403 = arith.extui %lt3A_1402 : vector<16xi1> to vector<16xi32>
    %add3A_1404 = arith.addi %add3A_1399, %convert_element_type3A_1403 : vector<16xi32>
    %get3A_1405 = arith.constant 80 : index
    %get3A_1406 = tpu.vector_load %arg19[%get3A_1405] {strides = array<i32>} : memref<128xf32, #tpu.memory_space<vmem>>, vector<16xf32>,
    %lt3A_1407 = arith.cmpf olt, %get3A_1406, %mul3A_1377 : vector<16xf32>
    %convert_element_type3A_1408 = arith.extui %lt3A_1407 : vector<16xi1> to vector<16xi32>
    %add3A_1409 = arith.addi %add3A_1404, %convert_element_type3A_1408 : vector<16xi32>
    %get3A_1410 = arith.constant 96 : index
    %get3A_1411 = tpu.vector_load %arg19[%get3A_1410] {strides = array<i32>} : memref<128xf32, #tpu.memory_space<vmem>>, vector<16xf32>,
    %lt3A_1412 = arith.cmpf olt, %get3A_1411, %mul3A_1377 : vector<16xf32>
    %convert_element_type3A_1413 = arith.extui %lt3A_1412 : vector<16xi1> to vector<16xi32>
    %add3A_1414 = arith.addi %add3A_1409, %convert_element_type3A_1413 : vector<16xi32>
    %get3A_1415 = arith.constant 112 : index
    %get3A_1416 = tpu.vector_load %arg19[%get3A_1415] {strides = array<i32>} : memref<128xf32, #tpu.memory_space<vmem>>, vector<16xf32>,
    %lt3A_1417 = arith.cmpf olt, %get3A_1416, %mul3A_1377 : vector<16xf32>
    %convert_element_type3A_1418 = arith.extui %lt3A_1417 : vector<16xi1> to vector<16xi32>
    %add3A_1419 = arith.addi %add3A_1414, %convert_element_type3A_1418 : vector<16xi32>
    %broadcast_in_dim3A_1420 = arith.constant true
    %broadcast_in_dim3A_1421 = vector.broadcast %broadcast_in_dim3A_1420 : i1 to vector<16xi1>
    %masked_cumsum3A_1422 = tpu.scan <sum>, %add3A_1419 masked %broadcast_in_dim3A_1421 : vector<16xi32>, vector<16xi1> -> vector<16xi32>
    %swap3A_1423 = arith.constant 0 : index
    %swap3A_1424 = tpu.vector_load %arg20[%swap3A_1423] {strides = array<i32>} : memref<16xi32, #tpu.memory_space<vmem>>, vector<16xi32>,
    tpu.vector_store %arg20[%swap3A_1423], %masked_cumsum3A_1422 {strides = array<i32>} : memref<16xi32, #tpu.memory_space<vmem>>, vector<16xi32>,
    %broadcast_in_dim3A_1425 = arith.constant 15 : i32
    %broadcast_in_dim3A_1426 = vector.broadcast %broadcast_in_dim3A_1425 : i32 to vector<16xi32>
    %gather3A_1427 = tpu.vector_load_idx %arg20[%broadcast_in_dim3A_1426] : memref<16xi32, #tpu.memory_space<vmem>>[vector<16xi32>], vector<16xi32>,
    %min3A_1428 = arith.constant 127 : i32
    %min3A_1429 = vector.broadcast %min3A_1428 : i32 to vector<16xi32>
    %min3A_1430 = arith.minsi %gather3A_1427, %min3A_1429 : vector<16xi32>
    %eq3A_1431 = arith.constant 1 : i32
    %eq3A_1432 = vector.broadcast %eq3A_1431 : i32 to vector<16xi32>
    %eq3A_1433 = arith.cmpi eq, %iota3A, %eq3A_1432 : vector<16xi32>
    %select_n3A_1434 = arith.select %eq3A_1433, %min3A_1430, %select_n3A_1263 : vector<16xi1>, vector<16xi32>
    %broadcast_in_dim3A_1435 = arith.constant 0.000000e+00 : f32
    %broadcast_in_dim3A_1436 = vector.broadcast %broadcast_in_dim3A_1435 : f32 to vector<16xf32>
    %get3A_1437 = arith.constant 2 : i32
    %get3A_1438 = arith.index_cast %get3A_1437 : i32 to index
    %get3A_1439 = arith.constant 0 : index
    %get3A_1440 = tpu.vector_load %arg18[%get3A_1438, %get3A_1439] {strides = array<i32>} : memref<8x128xf32, #tpu.memory_space<vmem>>, vector<16xf32>,
    %broadcast_in_dim3A_1441 = arith.constant true
    %broadcast_in_dim3A_1442 = vector.broadcast %broadcast_in_dim3A_1441 : i1 to vector<16xi1>
    %masked_cumsum3A_1443 = tpu.scan <sum>, %get3A_1440 masked %broadcast_in_dim3A_1442 : vector<16xf32>, vector<16xi1> -> vector<16xf32>
    %add3A_1444 = arith.addf %masked_cumsum3A_1443, %broadcast_in_dim3A_1436 : vector<16xf32>
    %swap3A_1445 = arith.constant 0 : index
    %swap3A_1446 = tpu.vector_load %arg19[%swap3A_1445] {strides = array<i32>} : memref<128xf32, #tpu.memory_space<vmem>>, vector<16xf32>,
    tpu.vector_store %arg19[%swap3A_1445], %add3A_1444 {strides = array<i32>} : memref<128xf32, #tpu.memory_space<vmem>>, vector<16xf32>,
    %broadcast_in_dim3A_1447 = arith.constant 15 : i32
    %broadcast_in_dim3A_1448 = vector.broadcast %broadcast_in_dim3A_1447 : i32 to vector<16xi32>
    %gather3A_1449 = tpu.vector_load_idx %arg19[%broadcast_in_dim3A_1448] : memref<128xf32, #tpu.memory_space<vmem>>[vector<16xi32>], vector<16xf32>,
    %get3A_1450 = arith.constant 2 : i32
    %get3A_1451 = arith.index_cast %get3A_1450 : i32 to index
    %get3A_1452 = arith.constant 16 : index
    %get3A_1453 = tpu.vector_load %arg18[%get3A_1451, %get3A_1452] {strides = array<i32>} : memref<8x128xf32, #tpu.memory_space<vmem>>, vector<16xf32>,
    %broadcast_in_dim3A_1454 = arith.constant true
    %broadcast_in_dim3A_1455 = vector.broadcast %broadcast_in_dim3A_1454 : i1 to vector<16xi1>
    %masked_cumsum3A_1456 = tpu.scan <sum>, %get3A_1453 masked %broadcast_in_dim3A_1455 : vector<16xf32>, vector<16xi1> -> vector<16xf32>
    %add3A_1457 = arith.addf %masked_cumsum3A_1456, %gather3A_1449 : vector<16xf32>
    %swap3A_1458 = arith.constant 16 : index
    %swap3A_1459 = tpu.vector_load %arg19[%swap3A_1458] {strides = array<i32>} : memref<128xf32, #tpu.memory_space<vmem>>, vector<16xf32>,
    tpu.vector_store %arg19[%swap3A_1458], %add3A_1457 {strides = array<i32>} : memref<128xf32, #tpu.memory_space<vmem>>, vector<16xf32>,
    %broadcast_in_dim3A_1460 = arith.constant 31 : i32
    %broadcast_in_dim3A_1461 = vector.broadcast %broadcast_in_dim3A_1460 : i32 to vector<16xi32>
    %gather3A_1462 = tpu.vector_load_idx %arg19[%broadcast_in_dim3A_1461] : memref<128xf32, #tpu.memory_space<vmem>>[vector<16xi32>], vector<16xf32>,
    %get3A_1463 = arith.constant 2 : i32
    %get3A_1464 = arith.index_cast %get3A_1463 : i32 to index
    %get3A_1465 = arith.constant 32 : index
    %get3A_1466 = tpu.vector_load %arg18[%get3A_1464, %get3A_1465] {strides = array<i32>} : memref<8x128xf32, #tpu.memory_space<vmem>>, vector<16xf32>,
    %broadcast_in_dim3A_1467 = arith.constant true
    %broadcast_in_dim3A_1468 = vector.broadcast %broadcast_in_dim3A_1467 : i1 to vector<16xi1>
    %masked_cumsum3A_1469 = tpu.scan <sum>, %get3A_1466 masked %broadcast_in_dim3A_1468 : vector<16xf32>, vector<16xi1> -> vector<16xf32>
    %add3A_1470 = arith.addf %masked_cumsum3A_1469, %gather3A_1462 : vector<16xf32>
    %swap3A_1471 = arith.constant 32 : index
    %swap3A_1472 = tpu.vector_load %arg19[%swap3A_1471] {strides = array<i32>} : memref<128xf32, #tpu.memory_space<vmem>>, vector<16xf32>,
    tpu.vector_store %arg19[%swap3A_1471], %add3A_1470 {strides = array<i32>} : memref<128xf32, #tpu.memory_space<vmem>>, vector<16xf32>,
    %broadcast_in_dim3A_1473 = arith.constant 47 : i32
    %broadcast_in_dim3A_1474 = vector.broadcast %broadcast_in_dim3A_1473 : i32 to vector<16xi32>
    %gather3A_1475 = tpu.vector_load_idx %arg19[%broadcast_in_dim3A_1474] : memref<128xf32, #tpu.memory_space<vmem>>[vector<16xi32>], vector<16xf32>,
    %get3A_1476 = arith.constant 2 : i32
    %get3A_1477 = arith.index_cast %get3A_1476 : i32 to index
    %get3A_1478 = arith.constant 48 : index
    %get3A_1479 = tpu.vector_load %arg18[%get3A_1477, %get3A_1478] {strides = array<i32>} : memref<8x128xf32, #tpu.memory_space<vmem>>, vector<16xf32>,
    %broadcast_in_dim3A_1480 = arith.constant true
    %broadcast_in_dim3A_1481 = vector.broadcast %broadcast_in_dim3A_1480 : i1 to vector<16xi1>
    %masked_cumsum3A_1482 = tpu.scan <sum>, %get3A_1479 masked %broadcast_in_dim3A_1481 : vector<16xf32>, vector<16xi1> -> vector<16xf32>
    %add3A_1483 = arith.addf %masked_cumsum3A_1482, %gather3A_1475 : vector<16xf32>
    %swap3A_1484 = arith.constant 48 : index
    %swap3A_1485 = tpu.vector_load %arg19[%swap3A_1484] {strides = array<i32>} : memref<128xf32, #tpu.memory_space<vmem>>, vector<16xf32>,
    tpu.vector_store %arg19[%swap3A_1484], %add3A_1483 {strides = array<i32>} : memref<128xf32, #tpu.memory_space<vmem>>, vector<16xf32>,
    %broadcast_in_dim3A_1486 = arith.constant 63 : i32
    %broadcast_in_dim3A_1487 = vector.broadcast %broadcast_in_dim3A_1486 : i32 to vector<16xi32>
    %gather3A_1488 = tpu.vector_load_idx %arg19[%broadcast_in_dim3A_1487] : memref<128xf32, #tpu.memory_space<vmem>>[vector<16xi32>], vector<16xf32>,
    %get3A_1489 = arith.constant 2 : i32
    %get3A_1490 = arith.index_cast %get3A_1489 : i32 to index
    %get3A_1491 = arith.constant 64 : index
    %get3A_1492 = tpu.vector_load %arg18[%get3A_1490, %get3A_1491] {strides = array<i32>} : memref<8x128xf32, #tpu.memory_space<vmem>>, vector<16xf32>,
    %broadcast_in_dim3A_1493 = arith.constant true
    %broadcast_in_dim3A_1494 = vector.broadcast %broadcast_in_dim3A_1493 : i1 to vector<16xi1>
    %masked_cumsum3A_1495 = tpu.scan <sum>, %get3A_1492 masked %broadcast_in_dim3A_1494 : vector<16xf32>, vector<16xi1> -> vector<16xf32>
    %add3A_1496 = arith.addf %masked_cumsum3A_1495, %gather3A_1488 : vector<16xf32>
    %swap3A_1497 = arith.constant 64 : index
    %swap3A_1498 = tpu.vector_load %arg19[%swap3A_1497] {strides = array<i32>} : memref<128xf32, #tpu.memory_space<vmem>>, vector<16xf32>,
    tpu.vector_store %arg19[%swap3A_1497], %add3A_1496 {strides = array<i32>} : memref<128xf32, #tpu.memory_space<vmem>>, vector<16xf32>,
    %broadcast_in_dim3A_1499 = arith.constant 79 : i32
    %broadcast_in_dim3A_1500 = vector.broadcast %broadcast_in_dim3A_1499 : i32 to vector<16xi32>
    %gather3A_1501 = tpu.vector_load_idx %arg19[%broadcast_in_dim3A_1500] : memref<128xf32, #tpu.memory_space<vmem>>[vector<16xi32>], vector<16xf32>,
    %get3A_1502 = arith.constant 2 : i32
    %get3A_1503 = arith.index_cast %get3A_1502 : i32 to index
    %get3A_1504 = arith.constant 80 : index
    %get3A_1505 = tpu.vector_load %arg18[%get3A_1503, %get3A_1504] {strides = array<i32>} : memref<8x128xf32, #tpu.memory_space<vmem>>, vector<16xf32>,
    %broadcast_in_dim3A_1506 = arith.constant true
    %broadcast_in_dim3A_1507 = vector.broadcast %broadcast_in_dim3A_1506 : i1 to vector<16xi1>
    %masked_cumsum3A_1508 = tpu.scan <sum>, %get3A_1505 masked %broadcast_in_dim3A_1507 : vector<16xf32>, vector<16xi1> -> vector<16xf32>
    %add3A_1509 = arith.addf %masked_cumsum3A_1508, %gather3A_1501 : vector<16xf32>
    %swap3A_1510 = arith.constant 80 : index
    %swap3A_1511 = tpu.vector_load %arg19[%swap3A_1510] {strides = array<i32>} : memref<128xf32, #tpu.memory_space<vmem>>, vector<16xf32>,
    tpu.vector_store %arg19[%swap3A_1510], %add3A_1509 {strides = array<i32>} : memref<128xf32, #tpu.memory_space<vmem>>, vector<16xf32>,
    %broadcast_in_dim3A_1512 = arith.constant 95 : i32
    %broadcast_in_dim3A_1513 = vector.broadcast %broadcast_in_dim3A_1512 : i32 to vector<16xi32>
    %gather3A_1514 = tpu.vector_load_idx %arg19[%broadcast_in_dim3A_1513] : memref<128xf32, #tpu.memory_space<vmem>>[vector<16xi32>], vector<16xf32>,
    %get3A_1515 = arith.constant 2 : i32
    %get3A_1516 = arith.index_cast %get3A_1515 : i32 to index
    %get3A_1517 = arith.constant 96 : index
    %get3A_1518 = tpu.vector_load %arg18[%get3A_1516, %get3A_1517] {strides = array<i32>} : memref<8x128xf32, #tpu.memory_space<vmem>>, vector<16xf32>,
    %broadcast_in_dim3A_1519 = arith.constant true
    %broadcast_in_dim3A_1520 = vector.broadcast %broadcast_in_dim3A_1519 : i1 to vector<16xi1>
    %masked_cumsum3A_1521 = tpu.scan <sum>, %get3A_1518 masked %broadcast_in_dim3A_1520 : vector<16xf32>, vector<16xi1> -> vector<16xf32>
    %add3A_1522 = arith.addf %masked_cumsum3A_1521, %gather3A_1514 : vector<16xf32>
    %swap3A_1523 = arith.constant 96 : index
    %swap3A_1524 = tpu.vector_load %arg19[%swap3A_1523] {strides = array<i32>} : memref<128xf32, #tpu.memory_space<vmem>>, vector<16xf32>,
    tpu.vector_store %arg19[%swap3A_1523], %add3A_1522 {strides = array<i32>} : memref<128xf32, #tpu.memory_space<vmem>>, vector<16xf32>,
    %broadcast_in_dim3A_1525 = arith.constant 111 : i32
    %broadcast_in_dim3A_1526 = vector.broadcast %broadcast_in_dim3A_1525 : i32 to vector<16xi32>
    %gather3A_1527 = tpu.vector_load_idx %arg19[%broadcast_in_dim3A_1526] : memref<128xf32, #tpu.memory_space<vmem>>[vector<16xi32>], vector<16xf32>,
    %get3A_1528 = arith.constant 2 : i32
    %get3A_1529 = arith.index_cast %get3A_1528 : i32 to index
    %get3A_1530 = arith.constant 112 : index
    %get3A_1531 = tpu.vector_load %arg18[%get3A_1529, %get3A_1530] {strides = array<i32>} : memref<8x128xf32, #tpu.memory_space<vmem>>, vector<16xf32>,
    %broadcast_in_dim3A_1532 = arith.constant true
    %broadcast_in_dim3A_1533 = vector.broadcast %broadcast_in_dim3A_1532 : i1 to vector<16xi1>
    %masked_cumsum3A_1534 = tpu.scan <sum>, %get3A_1531 masked %broadcast_in_dim3A_1533 : vector<16xf32>, vector<16xi1> -> vector<16xf32>
    %add3A_1535 = arith.addf %masked_cumsum3A_1534, %gather3A_1527 : vector<16xf32>
    %swap3A_1536 = arith.constant 112 : index
    %swap3A_1537 = tpu.vector_load %arg19[%swap3A_1536] {strides = array<i32>} : memref<128xf32, #tpu.memory_space<vmem>>, vector<16xf32>,
    tpu.vector_store %arg19[%swap3A_1536], %add3A_1535 {strides = array<i32>} : memref<128xf32, #tpu.memory_space<vmem>>, vector<16xf32>,
    %broadcast_in_dim3A_1538 = arith.constant 127 : i32
    %broadcast_in_dim3A_1539 = vector.broadcast %broadcast_in_dim3A_1538 : i32 to vector<16xi32>
    %gather3A_1540 = tpu.vector_load_idx %arg19[%broadcast_in_dim3A_1539] : memref<128xf32, #tpu.memory_space<vmem>>[vector<16xi32>], vector<16xf32>,
    %add3A_1541 = arith.constant 2 : i32
    %add3A_1542 = arith.addi %mul3A_16, %add3A_1541 : i32
    %broadcast_in_dim3A_1543 = vector.broadcast %add3A_1542 : i32 to vector<16xi32>
    %gather3A_1544 = tpu.vector_load_idx %arg17[%broadcast_in_dim3A_1543] : memref<128xf32, #tpu.memory_space<vmem>>[vector<16xi32>], vector<16xf32>,
    %sub3A_1545 = arith.constant 1.000000e+00 : f32
    %sub3A_1546 = vector.broadcast %sub3A_1545 : f32 to vector<16xf32>
    %sub3A_1547 = arith.subf %sub3A_1546, %gather3A_1544 : vector<16xf32>
    %mul3A_1548 = arith.mulf %gather3A_1540, %sub3A_1547 : vector<16xf32>
    %broadcast_in_dim3A_1549 = arith.constant 0 : i32
    %broadcast_in_dim3A_1550 = vector.broadcast %broadcast_in_dim3A_1549 : i32 to vector<16xi32>
    %get3A_1551 = arith.constant 0 : index
    %get3A_1552 = tpu.vector_load %arg19[%get3A_1551] {strides = array<i32>} : memref<128xf32, #tpu.memory_space<vmem>>, vector<16xf32>,
    %lt3A_1553 = arith.cmpf olt, %get3A_1552, %mul3A_1548 : vector<16xf32>
    %convert_element_type3A_1554 = arith.extui %lt3A_1553 : vector<16xi1> to vector<16xi32>
    %add3A_1555 = arith.addi %broadcast_in_dim3A_1550, %convert_element_type3A_1554 : vector<16xi32>
    %get3A_1556 = arith.constant 16 : index
    %get3A_1557 = tpu.vector_load %arg19[%get3A_1556] {strides = array<i32>} : memref<128xf32, #tpu.memory_space<vmem>>, vector<16xf32>,
    %lt3A_1558 = arith.cmpf olt, %get3A_1557, %mul3A_1548 : vector<16xf32>
    %convert_element_type3A_1559 = arith.extui %lt3A_1558 : vector<16xi1> to vector<16xi32>
    %add3A_1560 = arith.addi %add3A_1555, %convert_element_type3A_1559 : vector<16xi32>
    %get3A_1561 = arith.constant 32 : index
    %get3A_1562 = tpu.vector_load %arg19[%get3A_1561] {strides = array<i32>} : memref<128xf32, #tpu.memory_space<vmem>>, vector<16xf32>,
    %lt3A_1563 = arith.cmpf olt, %get3A_1562, %mul3A_1548 : vector<16xf32>
    %convert_element_type3A_1564 = arith.extui %lt3A_1563 : vector<16xi1> to vector<16xi32>
    %add3A_1565 = arith.addi %add3A_1560, %convert_element_type3A_1564 : vector<16xi32>
    %get3A_1566 = arith.constant 48 : index
    %get3A_1567 = tpu.vector_load %arg19[%get3A_1566] {strides = array<i32>} : memref<128xf32, #tpu.memory_space<vmem>>, vector<16xf32>,
    %lt3A_1568 = arith.cmpf olt, %get3A_1567, %mul3A_1548 : vector<16xf32>
    %convert_element_type3A_1569 = arith.extui %lt3A_1568 : vector<16xi1> to vector<16xi32>
    %add3A_1570 = arith.addi %add3A_1565, %convert_element_type3A_1569 : vector<16xi32>
    %get3A_1571 = arith.constant 64 : index
    %get3A_1572 = tpu.vector_load %arg19[%get3A_1571] {strides = array<i32>} : memref<128xf32, #tpu.memory_space<vmem>>, vector<16xf32>,
    %lt3A_1573 = arith.cmpf olt, %get3A_1572, %mul3A_1548 : vector<16xf32>
    %convert_element_type3A_1574 = arith.extui %lt3A_1573 : vector<16xi1> to vector<16xi32>
    %add3A_1575 = arith.addi %add3A_1570, %convert_element_type3A_1574 : vector<16xi32>
    %get3A_1576 = arith.constant 80 : index
    %get3A_1577 = tpu.vector_load %arg19[%get3A_1576] {strides = array<i32>} : memref<128xf32, #tpu.memory_space<vmem>>, vector<16xf32>,
    %lt3A_1578 = arith.cmpf olt, %get3A_1577, %mul3A_1548 : vector<16xf32>
    %convert_element_type3A_1579 = arith.extui %lt3A_1578 : vector<16xi1> to vector<16xi32>
    %add3A_1580 = arith.addi %add3A_1575, %convert_element_type3A_1579 : vector<16xi32>
    %get3A_1581 = arith.constant 96 : index
    %get3A_1582 = tpu.vector_load %arg19[%get3A_1581] {strides = array<i32>} : memref<128xf32, #tpu.memory_space<vmem>>, vector<16xf32>,
    %lt3A_1583 = arith.cmpf olt, %get3A_1582, %mul3A_1548 : vector<16xf32>
    %convert_element_type3A_1584 = arith.extui %lt3A_1583 : vector<16xi1> to vector<16xi32>
    %add3A_1585 = arith.addi %add3A_1580, %convert_element_type3A_1584 : vector<16xi32>
    %get3A_1586 = arith.constant 112 : index
    %get3A_1587 = tpu.vector_load %arg19[%get3A_1586] {strides = array<i32>} : memref<128xf32, #tpu.memory_space<vmem>>, vector<16xf32>,
    %lt3A_1588 = arith.cmpf olt, %get3A_1587, %mul3A_1548 : vector<16xf32>
    %convert_element_type3A_1589 = arith.extui %lt3A_1588 : vector<16xi1> to vector<16xi32>
    %add3A_1590 = arith.addi %add3A_1585, %convert_element_type3A_1589 : vector<16xi32>
    %broadcast_in_dim3A_1591 = arith.constant true
    %broadcast_in_dim3A_1592 = vector.broadcast %broadcast_in_dim3A_1591 : i1 to vector<16xi1>
    %masked_cumsum3A_1593 = tpu.scan <sum>, %add3A_1590 masked %broadcast_in_dim3A_1592 : vector<16xi32>, vector<16xi1> -> vector<16xi32>
    %swap3A_1594 = arith.constant 0 : index
    %swap3A_1595 = tpu.vector_load %arg20[%swap3A_1594] {strides = array<i32>} : memref<16xi32, #tpu.memory_space<vmem>>, vector<16xi32>,
    tpu.vector_store %arg20[%swap3A_1594], %masked_cumsum3A_1593 {strides = array<i32>} : memref<16xi32, #tpu.memory_space<vmem>>, vector<16xi32>,
    %broadcast_in_dim3A_1596 = arith.constant 15 : i32
    %broadcast_in_dim3A_1597 = vector.broadcast %broadcast_in_dim3A_1596 : i32 to vector<16xi32>
    %gather3A_1598 = tpu.vector_load_idx %arg20[%broadcast_in_dim3A_1597] : memref<16xi32, #tpu.memory_space<vmem>>[vector<16xi32>], vector<16xi32>,
    %min3A_1599 = arith.constant 127 : i32
    %min3A_1600 = vector.broadcast %min3A_1599 : i32 to vector<16xi32>
    %min3A_1601 = arith.minsi %gather3A_1598, %min3A_1600 : vector<16xi32>
    %eq3A_1602 = arith.constant 2 : i32
    %eq3A_1603 = vector.broadcast %eq3A_1602 : i32 to vector<16xi32>
    %eq3A_1604 = arith.cmpi eq, %iota3A, %eq3A_1603 : vector<16xi32>
    %select_n3A_1605 = arith.select %eq3A_1604, %min3A_1601, %select_n3A_1434 : vector<16xi1>, vector<16xi32>
    %broadcast_in_dim3A_1606 = arith.constant 0.000000e+00 : f32
    %broadcast_in_dim3A_1607 = vector.broadcast %broadcast_in_dim3A_1606 : f32 to vector<16xf32>
    %get3A_1608 = arith.constant 3 : i32
    %get3A_1609 = arith.index_cast %get3A_1608 : i32 to index
    %get3A_1610 = arith.constant 0 : index
    %get3A_1611 = tpu.vector_load %arg18[%get3A_1609, %get3A_1610] {strides = array<i32>} : memref<8x128xf32, #tpu.memory_space<vmem>>, vector<16xf32>,
    %broadcast_in_dim3A_1612 = arith.constant true
    %broadcast_in_dim3A_1613 = vector.broadcast %broadcast_in_dim3A_1612 : i1 to vector<16xi1>
    %masked_cumsum3A_1614 = tpu.scan <sum>, %get3A_1611 masked %broadcast_in_dim3A_1613 : vector<16xf32>, vector<16xi1> -> vector<16xf32>
    %add3A_1615 = arith.addf %masked_cumsum3A_1614, %broadcast_in_dim3A_1607 : vector<16xf32>
    %swap3A_1616 = arith.constant 0 : index
    %swap3A_1617 = tpu.vector_load %arg19[%swap3A_1616] {strides = array<i32>} : memref<128xf32, #tpu.memory_space<vmem>>, vector<16xf32>,
    tpu.vector_store %arg19[%swap3A_1616], %add3A_1615 {strides = array<i32>} : memref<128xf32, #tpu.memory_space<vmem>>, vector<16xf32>,
    %broadcast_in_dim3A_1618 = arith.constant 15 : i32
    %broadcast_in_dim3A_1619 = vector.broadcast %broadcast_in_dim3A_1618 : i32 to vector<16xi32>
    %gather3A_1620 = tpu.vector_load_idx %arg19[%broadcast_in_dim3A_1619] : memref<128xf32, #tpu.memory_space<vmem>>[vector<16xi32>], vector<16xf32>,
    %get3A_1621 = arith.constant 3 : i32
    %get3A_1622 = arith.index_cast %get3A_1621 : i32 to index
    %get3A_1623 = arith.constant 16 : index
    %get3A_1624 = tpu.vector_load %arg18[%get3A_1622, %get3A_1623] {strides = array<i32>} : memref<8x128xf32, #tpu.memory_space<vmem>>, vector<16xf32>,
    %broadcast_in_dim3A_1625 = arith.constant true
    %broadcast_in_dim3A_1626 = vector.broadcast %broadcast_in_dim3A_1625 : i1 to vector<16xi1>
    %masked_cumsum3A_1627 = tpu.scan <sum>, %get3A_1624 masked %broadcast_in_dim3A_1626 : vector<16xf32>, vector<16xi1> -> vector<16xf32>
    %add3A_1628 = arith.addf %masked_cumsum3A_1627, %gather3A_1620 : vector<16xf32>
    %swap3A_1629 = arith.constant 16 : index
    %swap3A_1630 = tpu.vector_load %arg19[%swap3A_1629] {strides = array<i32>} : memref<128xf32, #tpu.memory_space<vmem>>, vector<16xf32>,
    tpu.vector_store %arg19[%swap3A_1629], %add3A_1628 {strides = array<i32>} : memref<128xf32, #tpu.memory_space<vmem>>, vector<16xf32>,
    %broadcast_in_dim3A_1631 = arith.constant 31 : i32
    %broadcast_in_dim3A_1632 = vector.broadcast %broadcast_in_dim3A_1631 : i32 to vector<16xi32>
    %gather3A_1633 = tpu.vector_load_idx %arg19[%broadcast_in_dim3A_1632] : memref<128xf32, #tpu.memory_space<vmem>>[vector<16xi32>], vector<16xf32>,
    %get3A_1634 = arith.constant 3 : i32
    %get3A_1635 = arith.index_cast %get3A_1634 : i32 to index
    %get3A_1636 = arith.constant 32 : index
    %get3A_1637 = tpu.vector_load %arg18[%get3A_1635, %get3A_1636] {strides = array<i32>} : memref<8x128xf32, #tpu.memory_space<vmem>>, vector<16xf32>,
    %broadcast_in_dim3A_1638 = arith.constant true
    %broadcast_in_dim3A_1639 = vector.broadcast %broadcast_in_dim3A_1638 : i1 to vector<16xi1>
    %masked_cumsum3A_1640 = tpu.scan <sum>, %get3A_1637 masked %broadcast_in_dim3A_1639 : vector<16xf32>, vector<16xi1> -> vector<16xf32>
    %add3A_1641 = arith.addf %masked_cumsum3A_1640, %gather3A_1633 : vector<16xf32>
    %swap3A_1642 = arith.constant 32 : index
    %swap3A_1643 = tpu.vector_load %arg19[%swap3A_1642] {strides = array<i32>} : memref<128xf32, #tpu.memory_space<vmem>>, vector<16xf32>,
    tpu.vector_store %arg19[%swap3A_1642], %add3A_1641 {strides = array<i32>} : memref<128xf32, #tpu.memory_space<vmem>>, vector<16xf32>,
    %broadcast_in_dim3A_1644 = arith.constant 47 : i32
    %broadcast_in_dim3A_1645 = vector.broadcast %broadcast_in_dim3A_1644 : i32 to vector<16xi32>
    %gather3A_1646 = tpu.vector_load_idx %arg19[%broadcast_in_dim3A_1645] : memref<128xf32, #tpu.memory_space<vmem>>[vector<16xi32>], vector<16xf32>,
    %get3A_1647 = arith.constant 3 : i32
    %get3A_1648 = arith.index_cast %get3A_1647 : i32 to index
    %get3A_1649 = arith.constant 48 : index
    %get3A_1650 = tpu.vector_load %arg18[%get3A_1648, %get3A_1649] {strides = array<i32>} : memref<8x128xf32, #tpu.memory_space<vmem>>, vector<16xf32>,
    %broadcast_in_dim3A_1651 = arith.constant true
    %broadcast_in_dim3A_1652 = vector.broadcast %broadcast_in_dim3A_1651 : i1 to vector<16xi1>
    %masked_cumsum3A_1653 = tpu.scan <sum>, %get3A_1650 masked %broadcast_in_dim3A_1652 : vector<16xf32>, vector<16xi1> -> vector<16xf32>
    %add3A_1654 = arith.addf %masked_cumsum3A_1653, %gather3A_1646 : vector<16xf32>
    %swap3A_1655 = arith.constant 48 : index
    %swap3A_1656 = tpu.vector_load %arg19[%swap3A_1655] {strides = array<i32>} : memref<128xf32, #tpu.memory_space<vmem>>, vector<16xf32>,
    tpu.vector_store %arg19[%swap3A_1655], %add3A_1654 {strides = array<i32>} : memref<128xf32, #tpu.memory_space<vmem>>, vector<16xf32>,
    %broadcast_in_dim3A_1657 = arith.constant 63 : i32
    %broadcast_in_dim3A_1658 = vector.broadcast %broadcast_in_dim3A_1657 : i32 to vector<16xi32>
    %gather3A_1659 = tpu.vector_load_idx %arg19[%broadcast_in_dim3A_1658] : memref<128xf32, #tpu.memory_space<vmem>>[vector<16xi32>], vector<16xf32>,
    %get3A_1660 = arith.constant 3 : i32
    %get3A_1661 = arith.index_cast %get3A_1660 : i32 to index
    %get3A_1662 = arith.constant 64 : index
    %get3A_1663 = tpu.vector_load %arg18[%get3A_1661, %get3A_1662] {strides = array<i32>} : memref<8x128xf32, #tpu.memory_space<vmem>>, vector<16xf32>,
    %broadcast_in_dim3A_1664 = arith.constant true
    %broadcast_in_dim3A_1665 = vector.broadcast %broadcast_in_dim3A_1664 : i1 to vector<16xi1>
    %masked_cumsum3A_1666 = tpu.scan <sum>, %get3A_1663 masked %broadcast_in_dim3A_1665 : vector<16xf32>, vector<16xi1> -> vector<16xf32>
    %add3A_1667 = arith.addf %masked_cumsum3A_1666, %gather3A_1659 : vector<16xf32>
    %swap3A_1668 = arith.constant 64 : index
    %swap3A_1669 = tpu.vector_load %arg19[%swap3A_1668] {strides = array<i32>} : memref<128xf32, #tpu.memory_space<vmem>>, vector<16xf32>,
    tpu.vector_store %arg19[%swap3A_1668], %add3A_1667 {strides = array<i32>} : memref<128xf32, #tpu.memory_space<vmem>>, vector<16xf32>,
    %broadcast_in_dim3A_1670 = arith.constant 79 : i32
    %broadcast_in_dim3A_1671 = vector.broadcast %broadcast_in_dim3A_1670 : i32 to vector<16xi32>
    %gather3A_1672 = tpu.vector_load_idx %arg19[%broadcast_in_dim3A_1671] : memref<128xf32, #tpu.memory_space<vmem>>[vector<16xi32>], vector<16xf32>,
    %get3A_1673 = arith.constant 3 : i32
    %get3A_1674 = arith.index_cast %get3A_1673 : i32 to index
    %get3A_1675 = arith.constant 80 : index
    %get3A_1676 = tpu.vector_load %arg18[%get3A_1674, %get3A_1675] {strides = array<i32>} : memref<8x128xf32, #tpu.memory_space<vmem>>, vector<16xf32>,
    %broadcast_in_dim3A_1677 = arith.constant true
    %broadcast_in_dim3A_1678 = vector.broadcast %broadcast_in_dim3A_1677 : i1 to vector<16xi1>
    %masked_cumsum3A_1679 = tpu.scan <sum>, %get3A_1676 masked %broadcast_in_dim3A_1678 : vector<16xf32>, vector<16xi1> -> vector<16xf32>
    %add3A_1680 = arith.addf %masked_cumsum3A_1679, %gather3A_1672 : vector<16xf32>
    %swap3A_1681 = arith.constant 80 : index
    %swap3A_1682 = tpu.vector_load %arg19[%swap3A_1681] {strides = array<i32>} : memref<128xf32, #tpu.memory_space<vmem>>, vector<16xf32>,
    tpu.vector_store %arg19[%swap3A_1681], %add3A_1680 {strides = array<i32>} : memref<128xf32, #tpu.memory_space<vmem>>, vector<16xf32>,
    %broadcast_in_dim3A_1683 = arith.constant 95 : i32
    %broadcast_in_dim3A_1684 = vector.broadcast %broadcast_in_dim3A_1683 : i32 to vector<16xi32>
    %gather3A_1685 = tpu.vector_load_idx %arg19[%broadcast_in_dim3A_1684] : memref<128xf32, #tpu.memory_space<vmem>>[vector<16xi32>], vector<16xf32>,
    %get3A_1686 = arith.constant 3 : i32
    %get3A_1687 = arith.index_cast %get3A_1686 : i32 to index
    %get3A_1688 = arith.constant 96 : index
    %get3A_1689 = tpu.vector_load %arg18[%get3A_1687, %get3A_1688] {strides = array<i32>} : memref<8x128xf32, #tpu.memory_space<vmem>>, vector<16xf32>,
    %broadcast_in_dim3A_1690 = arith.constant true
    %broadcast_in_dim3A_1691 = vector.broadcast %broadcast_in_dim3A_1690 : i1 to vector<16xi1>
    %masked_cumsum3A_1692 = tpu.scan <sum>, %get3A_1689 masked %broadcast_in_dim3A_1691 : vector<16xf32>, vector<16xi1> -> vector<16xf32>
    %add3A_1693 = arith.addf %masked_cumsum3A_1692, %gather3A_1685 : vector<16xf32>
    %swap3A_1694 = arith.constant 96 : index
    %swap3A_1695 = tpu.vector_load %arg19[%swap3A_1694] {strides = array<i32>} : memref<128xf32, #tpu.memory_space<vmem>>, vector<16xf32>,
    tpu.vector_store %arg19[%swap3A_1694], %add3A_1693 {strides = array<i32>} : memref<128xf32, #tpu.memory_space<vmem>>, vector<16xf32>,
    %broadcast_in_dim3A_1696 = arith.constant 111 : i32
    %broadcast_in_dim3A_1697 = vector.broadcast %broadcast_in_dim3A_1696 : i32 to vector<16xi32>
    %gather3A_1698 = tpu.vector_load_idx %arg19[%broadcast_in_dim3A_1697] : memref<128xf32, #tpu.memory_space<vmem>>[vector<16xi32>], vector<16xf32>,
    %get3A_1699 = arith.constant 3 : i32
    %get3A_1700 = arith.index_cast %get3A_1699 : i32 to index
    %get3A_1701 = arith.constant 112 : index
    %get3A_1702 = tpu.vector_load %arg18[%get3A_1700, %get3A_1701] {strides = array<i32>} : memref<8x128xf32, #tpu.memory_space<vmem>>, vector<16xf32>,
    %broadcast_in_dim3A_1703 = arith.constant true
    %broadcast_in_dim3A_1704 = vector.broadcast %broadcast_in_dim3A_1703 : i1 to vector<16xi1>
    %masked_cumsum3A_1705 = tpu.scan <sum>, %get3A_1702 masked %broadcast_in_dim3A_1704 : vector<16xf32>, vector<16xi1> -> vector<16xf32>
    %add3A_1706 = arith.addf %masked_cumsum3A_1705, %gather3A_1698 : vector<16xf32>
    %swap3A_1707 = arith.constant 112 : index
    %swap3A_1708 = tpu.vector_load %arg19[%swap3A_1707] {strides = array<i32>} : memref<128xf32, #tpu.memory_space<vmem>>, vector<16xf32>,
    tpu.vector_store %arg19[%swap3A_1707], %add3A_1706 {strides = array<i32>} : memref<128xf32, #tpu.memory_space<vmem>>, vector<16xf32>,
    %broadcast_in_dim3A_1709 = arith.constant 127 : i32
    %broadcast_in_dim3A_1710 = vector.broadcast %broadcast_in_dim3A_1709 : i32 to vector<16xi32>
    %gather3A_1711 = tpu.vector_load_idx %arg19[%broadcast_in_dim3A_1710] : memref<128xf32, #tpu.memory_space<vmem>>[vector<16xi32>], vector<16xf32>,
    %add3A_1712 = arith.constant 3 : i32
    %add3A_1713 = arith.addi %mul3A_16, %add3A_1712 : i32
    %broadcast_in_dim3A_1714 = vector.broadcast %add3A_1713 : i32 to vector<16xi32>
    %gather3A_1715 = tpu.vector_load_idx %arg17[%broadcast_in_dim3A_1714] : memref<128xf32, #tpu.memory_space<vmem>>[vector<16xi32>], vector<16xf32>,
    %sub3A_1716 = arith.constant 1.000000e+00 : f32
    %sub3A_1717 = vector.broadcast %sub3A_1716 : f32 to vector<16xf32>
    %sub3A_1718 = arith.subf %sub3A_1717, %gather3A_1715 : vector<16xf32>
    %mul3A_1719 = arith.mulf %gather3A_1711, %sub3A_1718 : vector<16xf32>
    %broadcast_in_dim3A_1720 = arith.constant 0 : i32
    %broadcast_in_dim3A_1721 = vector.broadcast %broadcast_in_dim3A_1720 : i32 to vector<16xi32>
    %get3A_1722 = arith.constant 0 : index
    %get3A_1723 = tpu.vector_load %arg19[%get3A_1722] {strides = array<i32>} : memref<128xf32, #tpu.memory_space<vmem>>, vector<16xf32>,
    %lt3A_1724 = arith.cmpf olt, %get3A_1723, %mul3A_1719 : vector<16xf32>
    %convert_element_type3A_1725 = arith.extui %lt3A_1724 : vector<16xi1> to vector<16xi32>
    %add3A_1726 = arith.addi %broadcast_in_dim3A_1721, %convert_element_type3A_1725 : vector<16xi32>
    %get3A_1727 = arith.constant 16 : index
    %get3A_1728 = tpu.vector_load %arg19[%get3A_1727] {strides = array<i32>} : memref<128xf32, #tpu.memory_space<vmem>>, vector<16xf32>,
    %lt3A_1729 = arith.cmpf olt, %get3A_1728, %mul3A_1719 : vector<16xf32>
    %convert_element_type3A_1730 = arith.extui %lt3A_1729 : vector<16xi1> to vector<16xi32>
    %add3A_1731 = arith.addi %add3A_1726, %convert_element_type3A_1730 : vector<16xi32>
    %get3A_1732 = arith.constant 32 : index
    %get3A_1733 = tpu.vector_load %arg19[%get3A_1732] {strides = array<i32>} : memref<128xf32, #tpu.memory_space<vmem>>, vector<16xf32>,
    %lt3A_1734 = arith.cmpf olt, %get3A_1733, %mul3A_1719 : vector<16xf32>
    %convert_element_type3A_1735 = arith.extui %lt3A_1734 : vector<16xi1> to vector<16xi32>
    %add3A_1736 = arith.addi %add3A_1731, %convert_element_type3A_1735 : vector<16xi32>
    %get3A_1737 = arith.constant 48 : index
    %get3A_1738 = tpu.vector_load %arg19[%get3A_1737] {strides = array<i32>} : memref<128xf32, #tpu.memory_space<vmem>>, vector<16xf32>,
    %lt3A_1739 = arith.cmpf olt, %get3A_1738, %mul3A_1719 : vector<16xf32>
    %convert_element_type3A_1740 = arith.extui %lt3A_1739 : vector<16xi1> to vector<16xi32>
    %add3A_1741 = arith.addi %add3A_1736, %convert_element_type3A_1740 : vector<16xi32>
    %get3A_1742 = arith.constant 64 : index
    %get3A_1743 = tpu.vector_load %arg19[%get3A_1742] {strides = array<i32>} : memref<128xf32, #tpu.memory_space<vmem>>, vector<16xf32>,
    %lt3A_1744 = arith.cmpf olt, %get3A_1743, %mul3A_1719 : vector<16xf32>
    %convert_element_type3A_1745 = arith.extui %lt3A_1744 : vector<16xi1> to vector<16xi32>
    %add3A_1746 = arith.addi %add3A_1741, %convert_element_type3A_1745 : vector<16xi32>
    %get3A_1747 = arith.constant 80 : index
    %get3A_1748 = tpu.vector_load %arg19[%get3A_1747] {strides = array<i32>} : memref<128xf32, #tpu.memory_space<vmem>>, vector<16xf32>,
    %lt3A_1749 = arith.cmpf olt, %get3A_1748, %mul3A_1719 : vector<16xf32>
    %convert_element_type3A_1750 = arith.extui %lt3A_1749 : vector<16xi1> to vector<16xi32>
    %add3A_1751 = arith.addi %add3A_1746, %convert_element_type3A_1750 : vector<16xi32>
    %get3A_1752 = arith.constant 96 : index
    %get3A_1753 = tpu.vector_load %arg19[%get3A_1752] {strides = array<i32>} : memref<128xf32, #tpu.memory_space<vmem>>, vector<16xf32>,
    %lt3A_1754 = arith.cmpf olt, %get3A_1753, %mul3A_1719 : vector<16xf32>
    %convert_element_type3A_1755 = arith.extui %lt3A_1754 : vector<16xi1> to vector<16xi32>
    %add3A_1756 = arith.addi %add3A_1751, %convert_element_type3A_1755 : vector<16xi32>
    %get3A_1757 = arith.constant 112 : index
    %get3A_1758 = tpu.vector_load %arg19[%get3A_1757] {strides = array<i32>} : memref<128xf32, #tpu.memory_space<vmem>>, vector<16xf32>,
    %lt3A_1759 = arith.cmpf olt, %get3A_1758, %mul3A_1719 : vector<16xf32>
    %convert_element_type3A_1760 = arith.extui %lt3A_1759 : vector<16xi1> to vector<16xi32>
    %add3A_1761 = arith.addi %add3A_1756, %convert_element_type3A_1760 : vector<16xi32>
    %broadcast_in_dim3A_1762 = arith.constant true
    %broadcast_in_dim3A_1763 = vector.broadcast %broadcast_in_dim3A_1762 : i1 to vector<16xi1>
    %masked_cumsum3A_1764 = tpu.scan <sum>, %add3A_1761 masked %broadcast_in_dim3A_1763 : vector<16xi32>, vector<16xi1> -> vector<16xi32>
    %swap3A_1765 = arith.constant 0 : index
    %swap3A_1766 = tpu.vector_load %arg20[%swap3A_1765] {strides = array<i32>} : memref<16xi32, #tpu.memory_space<vmem>>, vector<16xi32>,
    tpu.vector_store %arg20[%swap3A_1765], %masked_cumsum3A_1764 {strides = array<i32>} : memref<16xi32, #tpu.memory_space<vmem>>, vector<16xi32>,
    %broadcast_in_dim3A_1767 = arith.constant 15 : i32
    %broadcast_in_dim3A_1768 = vector.broadcast %broadcast_in_dim3A_1767 : i32 to vector<16xi32>
    %gather3A_1769 = tpu.vector_load_idx %arg20[%broadcast_in_dim3A_1768] : memref<16xi32, #tpu.memory_space<vmem>>[vector<16xi32>], vector<16xi32>,
    %min3A_1770 = arith.constant 127 : i32
    %min3A_1771 = vector.broadcast %min3A_1770 : i32 to vector<16xi32>
    %min3A_1772 = arith.minsi %gather3A_1769, %min3A_1771 : vector<16xi32>
    %eq3A_1773 = arith.constant 3 : i32
    %eq3A_1774 = vector.broadcast %eq3A_1773 : i32 to vector<16xi32>
    %eq3A_1775 = arith.cmpi eq, %iota3A, %eq3A_1774 : vector<16xi32>
    %select_n3A_1776 = arith.select %eq3A_1775, %min3A_1772, %select_n3A_1605 : vector<16xi1>, vector<16xi32>
    %broadcast_in_dim3A_1777 = arith.constant 0.000000e+00 : f32
    %broadcast_in_dim3A_1778 = vector.broadcast %broadcast_in_dim3A_1777 : f32 to vector<16xf32>
    %get3A_1779 = arith.constant 4 : i32
    %get3A_1780 = arith.index_cast %get3A_1779 : i32 to index
    %get3A_1781 = arith.constant 0 : index
    %get3A_1782 = tpu.vector_load %arg18[%get3A_1780, %get3A_1781] {strides = array<i32>} : memref<8x128xf32, #tpu.memory_space<vmem>>, vector<16xf32>,
    %broadcast_in_dim3A_1783 = arith.constant true
    %broadcast_in_dim3A_1784 = vector.broadcast %broadcast_in_dim3A_1783 : i1 to vector<16xi1>
    %masked_cumsum3A_1785 = tpu.scan <sum>, %get3A_1782 masked %broadcast_in_dim3A_1784 : vector<16xf32>, vector<16xi1> -> vector<16xf32>
    %add3A_1786 = arith.addf %masked_cumsum3A_1785, %broadcast_in_dim3A_1778 : vector<16xf32>
    %swap3A_1787 = arith.constant 0 : index
    %swap3A_1788 = tpu.vector_load %arg19[%swap3A_1787] {strides = array<i32>} : memref<128xf32, #tpu.memory_space<vmem>>, vector<16xf32>,
    tpu.vector_store %arg19[%swap3A_1787], %add3A_1786 {strides = array<i32>} : memref<128xf32, #tpu.memory_space<vmem>>, vector<16xf32>,
    %broadcast_in_dim3A_1789 = arith.constant 15 : i32
    %broadcast_in_dim3A_1790 = vector.broadcast %broadcast_in_dim3A_1789 : i32 to vector<16xi32>
    %gather3A_1791 = tpu.vector_load_idx %arg19[%broadcast_in_dim3A_1790] : memref<128xf32, #tpu.memory_space<vmem>>[vector<16xi32>], vector<16xf32>,
    %get3A_1792 = arith.constant 4 : i32
    %get3A_1793 = arith.index_cast %get3A_1792 : i32 to index
    %get3A_1794 = arith.constant 16 : index
    %get3A_1795 = tpu.vector_load %arg18[%get3A_1793, %get3A_1794] {strides = array<i32>} : memref<8x128xf32, #tpu.memory_space<vmem>>, vector<16xf32>,
    %broadcast_in_dim3A_1796 = arith.constant true
    %broadcast_in_dim3A_1797 = vector.broadcast %broadcast_in_dim3A_1796 : i1 to vector<16xi1>
    %masked_cumsum3A_1798 = tpu.scan <sum>, %get3A_1795 masked %broadcast_in_dim3A_1797 : vector<16xf32>, vector<16xi1> -> vector<16xf32>
    %add3A_1799 = arith.addf %masked_cumsum3A_1798, %gather3A_1791 : vector<16xf32>
    %swap3A_1800 = arith.constant 16 : index
    %swap3A_1801 = tpu.vector_load %arg19[%swap3A_1800] {strides = array<i32>} : memref<128xf32, #tpu.memory_space<vmem>>, vector<16xf32>,
    tpu.vector_store %arg19[%swap3A_1800], %add3A_1799 {strides = array<i32>} : memref<128xf32, #tpu.memory_space<vmem>>, vector<16xf32>,
    %broadcast_in_dim3A_1802 = arith.constant 31 : i32
    %broadcast_in_dim3A_1803 = vector.broadcast %broadcast_in_dim3A_1802 : i32 to vector<16xi32>
    %gather3A_1804 = tpu.vector_load_idx %arg19[%broadcast_in_dim3A_1803] : memref<128xf32, #tpu.memory_space<vmem>>[vector<16xi32>], vector<16xf32>,
    %get3A_1805 = arith.constant 4 : i32
    %get3A_1806 = arith.index_cast %get3A_1805 : i32 to index
    %get3A_1807 = arith.constant 32 : index
    %get3A_1808 = tpu.vector_load %arg18[%get3A_1806, %get3A_1807] {strides = array<i32>} : memref<8x128xf32, #tpu.memory_space<vmem>>, vector<16xf32>,
    %broadcast_in_dim3A_1809 = arith.constant true
    %broadcast_in_dim3A_1810 = vector.broadcast %broadcast_in_dim3A_1809 : i1 to vector<16xi1>
    %masked_cumsum3A_1811 = tpu.scan <sum>, %get3A_1808 masked %broadcast_in_dim3A_1810 : vector<16xf32>, vector<16xi1> -> vector<16xf32>
    %add3A_1812 = arith.addf %masked_cumsum3A_1811, %gather3A_1804 : vector<16xf32>
    %swap3A_1813 = arith.constant 32 : index
    %swap3A_1814 = tpu.vector_load %arg19[%swap3A_1813] {strides = array<i32>} : memref<128xf32, #tpu.memory_space<vmem>>, vector<16xf32>,
    tpu.vector_store %arg19[%swap3A_1813], %add3A_1812 {strides = array<i32>} : memref<128xf32, #tpu.memory_space<vmem>>, vector<16xf32>,
    %broadcast_in_dim3A_1815 = arith.constant 47 : i32
    %broadcast_in_dim3A_1816 = vector.broadcast %broadcast_in_dim3A_1815 : i32 to vector<16xi32>
    %gather3A_1817 = tpu.vector_load_idx %arg19[%broadcast_in_dim3A_1816] : memref<128xf32, #tpu.memory_space<vmem>>[vector<16xi32>], vector<16xf32>,
    %get3A_1818 = arith.constant 4 : i32
    %get3A_1819 = arith.index_cast %get3A_1818 : i32 to index
    %get3A_1820 = arith.constant 48 : index
    %get3A_1821 = tpu.vector_load %arg18[%get3A_1819, %get3A_1820] {strides = array<i32>} : memref<8x128xf32, #tpu.memory_space<vmem>>, vector<16xf32>,
    %broadcast_in_dim3A_1822 = arith.constant true
    %broadcast_in_dim3A_1823 = vector.broadcast %broadcast_in_dim3A_1822 : i1 to vector<16xi1>
    %masked_cumsum3A_1824 = tpu.scan <sum>, %get3A_1821 masked %broadcast_in_dim3A_1823 : vector<16xf32>, vector<16xi1> -> vector<16xf32>
    %add3A_1825 = arith.addf %masked_cumsum3A_1824, %gather3A_1817 : vector<16xf32>
    %swap3A_1826 = arith.constant 48 : index
    %swap3A_1827 = tpu.vector_load %arg19[%swap3A_1826] {strides = array<i32>} : memref<128xf32, #tpu.memory_space<vmem>>, vector<16xf32>,
    tpu.vector_store %arg19[%swap3A_1826], %add3A_1825 {strides = array<i32>} : memref<128xf32, #tpu.memory_space<vmem>>, vector<16xf32>,
    %broadcast_in_dim3A_1828 = arith.constant 63 : i32
    %broadcast_in_dim3A_1829 = vector.broadcast %broadcast_in_dim3A_1828 : i32 to vector<16xi32>
    %gather3A_1830 = tpu.vector_load_idx %arg19[%broadcast_in_dim3A_1829] : memref<128xf32, #tpu.memory_space<vmem>>[vector<16xi32>], vector<16xf32>,
    %get3A_1831 = arith.constant 4 : i32
    %get3A_1832 = arith.index_cast %get3A_1831 : i32 to index
    %get3A_1833 = arith.constant 64 : index
    %get3A_1834 = tpu.vector_load %arg18[%get3A_1832, %get3A_1833] {strides = array<i32>} : memref<8x128xf32, #tpu.memory_space<vmem>>, vector<16xf32>,
    %broadcast_in_dim3A_1835 = arith.constant true
    %broadcast_in_dim3A_1836 = vector.broadcast %broadcast_in_dim3A_1835 : i1 to vector<16xi1>
    %masked_cumsum3A_1837 = tpu.scan <sum>, %get3A_1834 masked %broadcast_in_dim3A_1836 : vector<16xf32>, vector<16xi1> -> vector<16xf32>
    %add3A_1838 = arith.addf %masked_cumsum3A_1837, %gather3A_1830 : vector<16xf32>
    %swap3A_1839 = arith.constant 64 : index
    %swap3A_1840 = tpu.vector_load %arg19[%swap3A_1839] {strides = array<i32>} : memref<128xf32, #tpu.memory_space<vmem>>, vector<16xf32>,
    tpu.vector_store %arg19[%swap3A_1839], %add3A_1838 {strides = array<i32>} : memref<128xf32, #tpu.memory_space<vmem>>, vector<16xf32>,
    %broadcast_in_dim3A_1841 = arith.constant 79 : i32
    %broadcast_in_dim3A_1842 = vector.broadcast %broadcast_in_dim3A_1841 : i32 to vector<16xi32>
    %gather3A_1843 = tpu.vector_load_idx %arg19[%broadcast_in_dim3A_1842] : memref<128xf32, #tpu.memory_space<vmem>>[vector<16xi32>], vector<16xf32>,
    %get3A_1844 = arith.constant 4 : i32
    %get3A_1845 = arith.index_cast %get3A_1844 : i32 to index
    %get3A_1846 = arith.constant 80 : index
    %get3A_1847 = tpu.vector_load %arg18[%get3A_1845, %get3A_1846] {strides = array<i32>} : memref<8x128xf32, #tpu.memory_space<vmem>>, vector<16xf32>,
    %broadcast_in_dim3A_1848 = arith.constant true
    %broadcast_in_dim3A_1849 = vector.broadcast %broadcast_in_dim3A_1848 : i1 to vector<16xi1>
    %masked_cumsum3A_1850 = tpu.scan <sum>, %get3A_1847 masked %broadcast_in_dim3A_1849 : vector<16xf32>, vector<16xi1> -> vector<16xf32>
    %add3A_1851 = arith.addf %masked_cumsum3A_1850, %gather3A_1843 : vector<16xf32>
    %swap3A_1852 = arith.constant 80 : index
    %swap3A_1853 = tpu.vector_load %arg19[%swap3A_1852] {strides = array<i32>} : memref<128xf32, #tpu.memory_space<vmem>>, vector<16xf32>,
    tpu.vector_store %arg19[%swap3A_1852], %add3A_1851 {strides = array<i32>} : memref<128xf32, #tpu.memory_space<vmem>>, vector<16xf32>,
    %broadcast_in_dim3A_1854 = arith.constant 95 : i32
    %broadcast_in_dim3A_1855 = vector.broadcast %broadcast_in_dim3A_1854 : i32 to vector<16xi32>
    %gather3A_1856 = tpu.vector_load_idx %arg19[%broadcast_in_dim3A_1855] : memref<128xf32, #tpu.memory_space<vmem>>[vector<16xi32>], vector<16xf32>,
    %get3A_1857 = arith.constant 4 : i32
    %get3A_1858 = arith.index_cast %get3A_1857 : i32 to index
    %get3A_1859 = arith.constant 96 : index
    %get3A_1860 = tpu.vector_load %arg18[%get3A_1858, %get3A_1859] {strides = array<i32>} : memref<8x128xf32, #tpu.memory_space<vmem>>, vector<16xf32>,
    %broadcast_in_dim3A_1861 = arith.constant true
    %broadcast_in_dim3A_1862 = vector.broadcast %broadcast_in_dim3A_1861 : i1 to vector<16xi1>
    %masked_cumsum3A_1863 = tpu.scan <sum>, %get3A_1860 masked %broadcast_in_dim3A_1862 : vector<16xf32>, vector<16xi1> -> vector<16xf32>
    %add3A_1864 = arith.addf %masked_cumsum3A_1863, %gather3A_1856 : vector<16xf32>
    %swap3A_1865 = arith.constant 96 : index
    %swap3A_1866 = tpu.vector_load %arg19[%swap3A_1865] {strides = array<i32>} : memref<128xf32, #tpu.memory_space<vmem>>, vector<16xf32>,
    tpu.vector_store %arg19[%swap3A_1865], %add3A_1864 {strides = array<i32>} : memref<128xf32, #tpu.memory_space<vmem>>, vector<16xf32>,
    %broadcast_in_dim3A_1867 = arith.constant 111 : i32
    %broadcast_in_dim3A_1868 = vector.broadcast %broadcast_in_dim3A_1867 : i32 to vector<16xi32>
    %gather3A_1869 = tpu.vector_load_idx %arg19[%broadcast_in_dim3A_1868] : memref<128xf32, #tpu.memory_space<vmem>>[vector<16xi32>], vector<16xf32>,
    %get3A_1870 = arith.constant 4 : i32
    %get3A_1871 = arith.index_cast %get3A_1870 : i32 to index
    %get3A_1872 = arith.constant 112 : index
    %get3A_1873 = tpu.vector_load %arg18[%get3A_1871, %get3A_1872] {strides = array<i32>} : memref<8x128xf32, #tpu.memory_space<vmem>>, vector<16xf32>,
    %broadcast_in_dim3A_1874 = arith.constant true
    %broadcast_in_dim3A_1875 = vector.broadcast %broadcast_in_dim3A_1874 : i1 to vector<16xi1>
    %masked_cumsum3A_1876 = tpu.scan <sum>, %get3A_1873 masked %broadcast_in_dim3A_1875 : vector<16xf32>, vector<16xi1> -> vector<16xf32>
    %add3A_1877 = arith.addf %masked_cumsum3A_1876, %gather3A_1869 : vector<16xf32>
    %swap3A_1878 = arith.constant 112 : index
    %swap3A_1879 = tpu.vector_load %arg19[%swap3A_1878] {strides = array<i32>} : memref<128xf32, #tpu.memory_space<vmem>>, vector<16xf32>,
    tpu.vector_store %arg19[%swap3A_1878], %add3A_1877 {strides = array<i32>} : memref<128xf32, #tpu.memory_space<vmem>>, vector<16xf32>,
    %broadcast_in_dim3A_1880 = arith.constant 127 : i32
    %broadcast_in_dim3A_1881 = vector.broadcast %broadcast_in_dim3A_1880 : i32 to vector<16xi32>
    %gather3A_1882 = tpu.vector_load_idx %arg19[%broadcast_in_dim3A_1881] : memref<128xf32, #tpu.memory_space<vmem>>[vector<16xi32>], vector<16xf32>,
    %add3A_1883 = arith.constant 4 : i32
    %add3A_1884 = arith.addi %mul3A_16, %add3A_1883 : i32
    %broadcast_in_dim3A_1885 = vector.broadcast %add3A_1884 : i32 to vector<16xi32>
    %gather3A_1886 = tpu.vector_load_idx %arg17[%broadcast_in_dim3A_1885] : memref<128xf32, #tpu.memory_space<vmem>>[vector<16xi32>], vector<16xf32>,
    %sub3A_1887 = arith.constant 1.000000e+00 : f32
    %sub3A_1888 = vector.broadcast %sub3A_1887 : f32 to vector<16xf32>
    %sub3A_1889 = arith.subf %sub3A_1888, %gather3A_1886 : vector<16xf32>
    %mul3A_1890 = arith.mulf %gather3A_1882, %sub3A_1889 : vector<16xf32>
    %broadcast_in_dim3A_1891 = arith.constant 0 : i32
    %broadcast_in_dim3A_1892 = vector.broadcast %broadcast_in_dim3A_1891 : i32 to vector<16xi32>
    %get3A_1893 = arith.constant 0 : index
    %get3A_1894 = tpu.vector_load %arg19[%get3A_1893] {strides = array<i32>} : memref<128xf32, #tpu.memory_space<vmem>>, vector<16xf32>,
    %lt3A_1895 = arith.cmpf olt, %get3A_1894, %mul3A_1890 : vector<16xf32>
    %convert_element_type3A_1896 = arith.extui %lt3A_1895 : vector<16xi1> to vector<16xi32>
    %add3A_1897 = arith.addi %broadcast_in_dim3A_1892, %convert_element_type3A_1896 : vector<16xi32>
    %get3A_1898 = arith.constant 16 : index
    %get3A_1899 = tpu.vector_load %arg19[%get3A_1898] {strides = array<i32>} : memref<128xf32, #tpu.memory_space<vmem>>, vector<16xf32>,
    %lt3A_1900 = arith.cmpf olt, %get3A_1899, %mul3A_1890 : vector<16xf32>
    %convert_element_type3A_1901 = arith.extui %lt3A_1900 : vector<16xi1> to vector<16xi32>
    %add3A_1902 = arith.addi %add3A_1897, %convert_element_type3A_1901 : vector<16xi32>
    %get3A_1903 = arith.constant 32 : index
    %get3A_1904 = tpu.vector_load %arg19[%get3A_1903] {strides = array<i32>} : memref<128xf32, #tpu.memory_space<vmem>>, vector<16xf32>,
    %lt3A_1905 = arith.cmpf olt, %get3A_1904, %mul3A_1890 : vector<16xf32>
    %convert_element_type3A_1906 = arith.extui %lt3A_1905 : vector<16xi1> to vector<16xi32>
    %add3A_1907 = arith.addi %add3A_1902, %convert_element_type3A_1906 : vector<16xi32>
    %get3A_1908 = arith.constant 48 : index
    %get3A_1909 = tpu.vector_load %arg19[%get3A_1908] {strides = array<i32>} : memref<128xf32, #tpu.memory_space<vmem>>, vector<16xf32>,
    %lt3A_1910 = arith.cmpf olt, %get3A_1909, %mul3A_1890 : vector<16xf32>
    %convert_element_type3A_1911 = arith.extui %lt3A_1910 : vector<16xi1> to vector<16xi32>
    %add3A_1912 = arith.addi %add3A_1907, %convert_element_type3A_1911 : vector<16xi32>
    %get3A_1913 = arith.constant 64 : index
    %get3A_1914 = tpu.vector_load %arg19[%get3A_1913] {strides = array<i32>} : memref<128xf32, #tpu.memory_space<vmem>>, vector<16xf32>,
    %lt3A_1915 = arith.cmpf olt, %get3A_1914, %mul3A_1890 : vector<16xf32>
    %convert_element_type3A_1916 = arith.extui %lt3A_1915 : vector<16xi1> to vector<16xi32>
    %add3A_1917 = arith.addi %add3A_1912, %convert_element_type3A_1916 : vector<16xi32>
    %get3A_1918 = arith.constant 80 : index
    %get3A_1919 = tpu.vector_load %arg19[%get3A_1918] {strides = array<i32>} : memref<128xf32, #tpu.memory_space<vmem>>, vector<16xf32>,
    %lt3A_1920 = arith.cmpf olt, %get3A_1919, %mul3A_1890 : vector<16xf32>
    %convert_element_type3A_1921 = arith.extui %lt3A_1920 : vector<16xi1> to vector<16xi32>
    %add3A_1922 = arith.addi %add3A_1917, %convert_element_type3A_1921 : vector<16xi32>
    %get3A_1923 = arith.constant 96 : index
    %get3A_1924 = tpu.vector_load %arg19[%get3A_1923] {strides = array<i32>} : memref<128xf32, #tpu.memory_space<vmem>>, vector<16xf32>,
    %lt3A_1925 = arith.cmpf olt, %get3A_1924, %mul3A_1890 : vector<16xf32>
    %convert_element_type3A_1926 = arith.extui %lt3A_1925 : vector<16xi1> to vector<16xi32>
    %add3A_1927 = arith.addi %add3A_1922, %convert_element_type3A_1926 : vector<16xi32>
    %get3A_1928 = arith.constant 112 : index
    %get3A_1929 = tpu.vector_load %arg19[%get3A_1928] {strides = array<i32>} : memref<128xf32, #tpu.memory_space<vmem>>, vector<16xf32>,
    %lt3A_1930 = arith.cmpf olt, %get3A_1929, %mul3A_1890 : vector<16xf32>
    %convert_element_type3A_1931 = arith.extui %lt3A_1930 : vector<16xi1> to vector<16xi32>
    %add3A_1932 = arith.addi %add3A_1927, %convert_element_type3A_1931 : vector<16xi32>
    %broadcast_in_dim3A_1933 = arith.constant true
    %broadcast_in_dim3A_1934 = vector.broadcast %broadcast_in_dim3A_1933 : i1 to vector<16xi1>
    %masked_cumsum3A_1935 = tpu.scan <sum>, %add3A_1932 masked %broadcast_in_dim3A_1934 : vector<16xi32>, vector<16xi1> -> vector<16xi32>
    %swap3A_1936 = arith.constant 0 : index
    %swap3A_1937 = tpu.vector_load %arg20[%swap3A_1936] {strides = array<i32>} : memref<16xi32, #tpu.memory_space<vmem>>, vector<16xi32>,
    tpu.vector_store %arg20[%swap3A_1936], %masked_cumsum3A_1935 {strides = array<i32>} : memref<16xi32, #tpu.memory_space<vmem>>, vector<16xi32>,
    %broadcast_in_dim3A_1938 = arith.constant 15 : i32
    %broadcast_in_dim3A_1939 = vector.broadcast %broadcast_in_dim3A_1938 : i32 to vector<16xi32>
    %gather3A_1940 = tpu.vector_load_idx %arg20[%broadcast_in_dim3A_1939] : memref<16xi32, #tpu.memory_space<vmem>>[vector<16xi32>], vector<16xi32>,
    %min3A_1941 = arith.constant 127 : i32
    %min3A_1942 = vector.broadcast %min3A_1941 : i32 to vector<16xi32>
    %min3A_1943 = arith.minsi %gather3A_1940, %min3A_1942 : vector<16xi32>
    %eq3A_1944 = arith.constant 4 : i32
    %eq3A_1945 = vector.broadcast %eq3A_1944 : i32 to vector<16xi32>
    %eq3A_1946 = arith.cmpi eq, %iota3A, %eq3A_1945 : vector<16xi32>
    %select_n3A_1947 = arith.select %eq3A_1946, %min3A_1943, %select_n3A_1776 : vector<16xi1>, vector<16xi32>
    %broadcast_in_dim3A_1948 = arith.constant 0.000000e+00 : f32
    %broadcast_in_dim3A_1949 = vector.broadcast %broadcast_in_dim3A_1948 : f32 to vector<16xf32>
    %get3A_1950 = arith.constant 5 : i32
    %get3A_1951 = arith.index_cast %get3A_1950 : i32 to index
    %get3A_1952 = arith.constant 0 : index
    %get3A_1953 = tpu.vector_load %arg18[%get3A_1951, %get3A_1952] {strides = array<i32>} : memref<8x128xf32, #tpu.memory_space<vmem>>, vector<16xf32>,
    %broadcast_in_dim3A_1954 = arith.constant true
    %broadcast_in_dim3A_1955 = vector.broadcast %broadcast_in_dim3A_1954 : i1 to vector<16xi1>
    %masked_cumsum3A_1956 = tpu.scan <sum>, %get3A_1953 masked %broadcast_in_dim3A_1955 : vector<16xf32>, vector<16xi1> -> vector<16xf32>
    %add3A_1957 = arith.addf %masked_cumsum3A_1956, %broadcast_in_dim3A_1949 : vector<16xf32>
    %swap3A_1958 = arith.constant 0 : index
    %swap3A_1959 = tpu.vector_load %arg19[%swap3A_1958] {strides = array<i32>} : memref<128xf32, #tpu.memory_space<vmem>>, vector<16xf32>,
    tpu.vector_store %arg19[%swap3A_1958], %add3A_1957 {strides = array<i32>} : memref<128xf32, #tpu.memory_space<vmem>>, vector<16xf32>,
    %broadcast_in_dim3A_1960 = arith.constant 15 : i32
    %broadcast_in_dim3A_1961 = vector.broadcast %broadcast_in_dim3A_1960 : i32 to vector<16xi32>
    %gather3A_1962 = tpu.vector_load_idx %arg19[%broadcast_in_dim3A_1961] : memref<128xf32, #tpu.memory_space<vmem>>[vector<16xi32>], vector<16xf32>,
    %get3A_1963 = arith.constant 5 : i32
    %get3A_1964 = arith.index_cast %get3A_1963 : i32 to index
    %get3A_1965 = arith.constant 16 : index
    %get3A_1966 = tpu.vector_load %arg18[%get3A_1964, %get3A_1965] {strides = array<i32>} : memref<8x128xf32, #tpu.memory_space<vmem>>, vector<16xf32>,
    %broadcast_in_dim3A_1967 = arith.constant true
    %broadcast_in_dim3A_1968 = vector.broadcast %broadcast_in_dim3A_1967 : i1 to vector<16xi1>
    %masked_cumsum3A_1969 = tpu.scan <sum>, %get3A_1966 masked %broadcast_in_dim3A_1968 : vector<16xf32>, vector<16xi1> -> vector<16xf32>
    %add3A_1970 = arith.addf %masked_cumsum3A_1969, %gather3A_1962 : vector<16xf32>
    %swap3A_1971 = arith.constant 16 : index
    %swap3A_1972 = tpu.vector_load %arg19[%swap3A_1971] {strides = array<i32>} : memref<128xf32, #tpu.memory_space<vmem>>, vector<16xf32>,
    tpu.vector_store %arg19[%swap3A_1971], %add3A_1970 {strides = array<i32>} : memref<128xf32, #tpu.memory_space<vmem>>, vector<16xf32>,
    %broadcast_in_dim3A_1973 = arith.constant 31 : i32
    %broadcast_in_dim3A_1974 = vector.broadcast %broadcast_in_dim3A_1973 : i32 to vector<16xi32>
    %gather3A_1975 = tpu.vector_load_idx %arg19[%broadcast_in_dim3A_1974] : memref<128xf32, #tpu.memory_space<vmem>>[vector<16xi32>], vector<16xf32>,
    %get3A_1976 = arith.constant 5 : i32
    %get3A_1977 = arith.index_cast %get3A_1976 : i32 to index
    %get3A_1978 = arith.constant 32 : index
    %get3A_1979 = tpu.vector_load %arg18[%get3A_1977, %get3A_1978] {strides = array<i32>} : memref<8x128xf32, #tpu.memory_space<vmem>>, vector<16xf32>,
    %broadcast_in_dim3A_1980 = arith.constant true
    %broadcast_in_dim3A_1981 = vector.broadcast %broadcast_in_dim3A_1980 : i1 to vector<16xi1>
    %masked_cumsum3A_1982 = tpu.scan <sum>, %get3A_1979 masked %broadcast_in_dim3A_1981 : vector<16xf32>, vector<16xi1> -> vector<16xf32>
    %add3A_1983 = arith.addf %masked_cumsum3A_1982, %gather3A_1975 : vector<16xf32>
    %swap3A_1984 = arith.constant 32 : index
    %swap3A_1985 = tpu.vector_load %arg19[%swap3A_1984] {strides = array<i32>} : memref<128xf32, #tpu.memory_space<vmem>>, vector<16xf32>,
    tpu.vector_store %arg19[%swap3A_1984], %add3A_1983 {strides = array<i32>} : memref<128xf32, #tpu.memory_space<vmem>>, vector<16xf32>,
    %broadcast_in_dim3A_1986 = arith.constant 47 : i32
    %broadcast_in_dim3A_1987 = vector.broadcast %broadcast_in_dim3A_1986 : i32 to vector<16xi32>
    %gather3A_1988 = tpu.vector_load_idx %arg19[%broadcast_in_dim3A_1987] : memref<128xf32, #tpu.memory_space<vmem>>[vector<16xi32>], vector<16xf32>,
    %get3A_1989 = arith.constant 5 : i32
    %get3A_1990 = arith.index_cast %get3A_1989 : i32 to index
    %get3A_1991 = arith.constant 48 : index
    %get3A_1992 = tpu.vector_load %arg18[%get3A_1990, %get3A_1991] {strides = array<i32>} : memref<8x128xf32, #tpu.memory_space<vmem>>, vector<16xf32>,
    %broadcast_in_dim3A_1993 = arith.constant true
    %broadcast_in_dim3A_1994 = vector.broadcast %broadcast_in_dim3A_1993 : i1 to vector<16xi1>
    %masked_cumsum3A_1995 = tpu.scan <sum>, %get3A_1992 masked %broadcast_in_dim3A_1994 : vector<16xf32>, vector<16xi1> -> vector<16xf32>
    %add3A_1996 = arith.addf %masked_cumsum3A_1995, %gather3A_1988 : vector<16xf32>
    %swap3A_1997 = arith.constant 48 : index
    %swap3A_1998 = tpu.vector_load %arg19[%swap3A_1997] {strides = array<i32>} : memref<128xf32, #tpu.memory_space<vmem>>, vector<16xf32>,
    tpu.vector_store %arg19[%swap3A_1997], %add3A_1996 {strides = array<i32>} : memref<128xf32, #tpu.memory_space<vmem>>, vector<16xf32>,
    %broadcast_in_dim3A_1999 = arith.constant 63 : i32
    %broadcast_in_dim3A_2000 = vector.broadcast %broadcast_in_dim3A_1999 : i32 to vector<16xi32>
    %gather3A_2001 = tpu.vector_load_idx %arg19[%broadcast_in_dim3A_2000] : memref<128xf32, #tpu.memory_space<vmem>>[vector<16xi32>], vector<16xf32>,
    %get3A_2002 = arith.constant 5 : i32
    %get3A_2003 = arith.index_cast %get3A_2002 : i32 to index
    %get3A_2004 = arith.constant 64 : index
    %get3A_2005 = tpu.vector_load %arg18[%get3A_2003, %get3A_2004] {strides = array<i32>} : memref<8x128xf32, #tpu.memory_space<vmem>>, vector<16xf32>,
    %broadcast_in_dim3A_2006 = arith.constant true
    %broadcast_in_dim3A_2007 = vector.broadcast %broadcast_in_dim3A_2006 : i1 to vector<16xi1>
    %masked_cumsum3A_2008 = tpu.scan <sum>, %get3A_2005 masked %broadcast_in_dim3A_2007 : vector<16xf32>, vector<16xi1> -> vector<16xf32>
    %add3A_2009 = arith.addf %masked_cumsum3A_2008, %gather3A_2001 : vector<16xf32>
    %swap3A_2010 = arith.constant 64 : index
    %swap3A_2011 = tpu.vector_load %arg19[%swap3A_2010] {strides = array<i32>} : memref<128xf32, #tpu.memory_space<vmem>>, vector<16xf32>,
    tpu.vector_store %arg19[%swap3A_2010], %add3A_2009 {strides = array<i32>} : memref<128xf32, #tpu.memory_space<vmem>>, vector<16xf32>,
    %broadcast_in_dim3A_2012 = arith.constant 79 : i32
    %broadcast_in_dim3A_2013 = vector.broadcast %broadcast_in_dim3A_2012 : i32 to vector<16xi32>
    %gather3A_2014 = tpu.vector_load_idx %arg19[%broadcast_in_dim3A_2013] : memref<128xf32, #tpu.memory_space<vmem>>[vector<16xi32>], vector<16xf32>,
    %get3A_2015 = arith.constant 5 : i32
    %get3A_2016 = arith.index_cast %get3A_2015 : i32 to index
    %get3A_2017 = arith.constant 80 : index
    %get3A_2018 = tpu.vector_load %arg18[%get3A_2016, %get3A_2017] {strides = array<i32>} : memref<8x128xf32, #tpu.memory_space<vmem>>, vector<16xf32>,
    %broadcast_in_dim3A_2019 = arith.constant true
    %broadcast_in_dim3A_2020 = vector.broadcast %broadcast_in_dim3A_2019 : i1 to vector<16xi1>
    %masked_cumsum3A_2021 = tpu.scan <sum>, %get3A_2018 masked %broadcast_in_dim3A_2020 : vector<16xf32>, vector<16xi1> -> vector<16xf32>
    %add3A_2022 = arith.addf %masked_cumsum3A_2021, %gather3A_2014 : vector<16xf32>
    %swap3A_2023 = arith.constant 80 : index
    %swap3A_2024 = tpu.vector_load %arg19[%swap3A_2023] {strides = array<i32>} : memref<128xf32, #tpu.memory_space<vmem>>, vector<16xf32>,
    tpu.vector_store %arg19[%swap3A_2023], %add3A_2022 {strides = array<i32>} : memref<128xf32, #tpu.memory_space<vmem>>, vector<16xf32>,
    %broadcast_in_dim3A_2025 = arith.constant 95 : i32
    %broadcast_in_dim3A_2026 = vector.broadcast %broadcast_in_dim3A_2025 : i32 to vector<16xi32>
    %gather3A_2027 = tpu.vector_load_idx %arg19[%broadcast_in_dim3A_2026] : memref<128xf32, #tpu.memory_space<vmem>>[vector<16xi32>], vector<16xf32>,
    %get3A_2028 = arith.constant 5 : i32
    %get3A_2029 = arith.index_cast %get3A_2028 : i32 to index
    %get3A_2030 = arith.constant 96 : index
    %get3A_2031 = tpu.vector_load %arg18[%get3A_2029, %get3A_2030] {strides = array<i32>} : memref<8x128xf32, #tpu.memory_space<vmem>>, vector<16xf32>,
    %broadcast_in_dim3A_2032 = arith.constant true
    %broadcast_in_dim3A_2033 = vector.broadcast %broadcast_in_dim3A_2032 : i1 to vector<16xi1>
    %masked_cumsum3A_2034 = tpu.scan <sum>, %get3A_2031 masked %broadcast_in_dim3A_2033 : vector<16xf32>, vector<16xi1> -> vector<16xf32>
    %add3A_2035 = arith.addf %masked_cumsum3A_2034, %gather3A_2027 : vector<16xf32>
    %swap3A_2036 = arith.constant 96 : index
    %swap3A_2037 = tpu.vector_load %arg19[%swap3A_2036] {strides = array<i32>} : memref<128xf32, #tpu.memory_space<vmem>>, vector<16xf32>,
    tpu.vector_store %arg19[%swap3A_2036], %add3A_2035 {strides = array<i32>} : memref<128xf32, #tpu.memory_space<vmem>>, vector<16xf32>,
    %broadcast_in_dim3A_2038 = arith.constant 111 : i32
    %broadcast_in_dim3A_2039 = vector.broadcast %broadcast_in_dim3A_2038 : i32 to vector<16xi32>
    %gather3A_2040 = tpu.vector_load_idx %arg19[%broadcast_in_dim3A_2039] : memref<128xf32, #tpu.memory_space<vmem>>[vector<16xi32>], vector<16xf32>,
    %get3A_2041 = arith.constant 5 : i32
    %get3A_2042 = arith.index_cast %get3A_2041 : i32 to index
    %get3A_2043 = arith.constant 112 : index
    %get3A_2044 = tpu.vector_load %arg18[%get3A_2042, %get3A_2043] {strides = array<i32>} : memref<8x128xf32, #tpu.memory_space<vmem>>, vector<16xf32>,
    %broadcast_in_dim3A_2045 = arith.constant true
    %broadcast_in_dim3A_2046 = vector.broadcast %broadcast_in_dim3A_2045 : i1 to vector<16xi1>
    %masked_cumsum3A_2047 = tpu.scan <sum>, %get3A_2044 masked %broadcast_in_dim3A_2046 : vector<16xf32>, vector<16xi1> -> vector<16xf32>
    %add3A_2048 = arith.addf %masked_cumsum3A_2047, %gather3A_2040 : vector<16xf32>
    %swap3A_2049 = arith.constant 112 : index
    %swap3A_2050 = tpu.vector_load %arg19[%swap3A_2049] {strides = array<i32>} : memref<128xf32, #tpu.memory_space<vmem>>, vector<16xf32>,
    tpu.vector_store %arg19[%swap3A_2049], %add3A_2048 {strides = array<i32>} : memref<128xf32, #tpu.memory_space<vmem>>, vector<16xf32>,
    %broadcast_in_dim3A_2051 = arith.constant 127 : i32
    %broadcast_in_dim3A_2052 = vector.broadcast %broadcast_in_dim3A_2051 : i32 to vector<16xi32>
    %gather3A_2053 = tpu.vector_load_idx %arg19[%broadcast_in_dim3A_2052] : memref<128xf32, #tpu.memory_space<vmem>>[vector<16xi32>], vector<16xf32>,
    %add3A_2054 = arith.constant 5 : i32
    %add3A_2055 = arith.addi %mul3A_16, %add3A_2054 : i32
    %broadcast_in_dim3A_2056 = vector.broadcast %add3A_2055 : i32 to vector<16xi32>
    %gather3A_2057 = tpu.vector_load_idx %arg17[%broadcast_in_dim3A_2056] : memref<128xf32, #tpu.memory_space<vmem>>[vector<16xi32>], vector<16xf32>,
    %sub3A_2058 = arith.constant 1.000000e+00 : f32
    %sub3A_2059 = vector.broadcast %sub3A_2058 : f32 to vector<16xf32>
    %sub3A_2060 = arith.subf %sub3A_2059, %gather3A_2057 : vector<16xf32>
    %mul3A_2061 = arith.mulf %gather3A_2053, %sub3A_2060 : vector<16xf32>
    %broadcast_in_dim3A_2062 = arith.constant 0 : i32
    %broadcast_in_dim3A_2063 = vector.broadcast %broadcast_in_dim3A_2062 : i32 to vector<16xi32>
    %get3A_2064 = arith.constant 0 : index
    %get3A_2065 = tpu.vector_load %arg19[%get3A_2064] {strides = array<i32>} : memref<128xf32, #tpu.memory_space<vmem>>, vector<16xf32>,
    %lt3A_2066 = arith.cmpf olt, %get3A_2065, %mul3A_2061 : vector<16xf32>
    %convert_element_type3A_2067 = arith.extui %lt3A_2066 : vector<16xi1> to vector<16xi32>
    %add3A_2068 = arith.addi %broadcast_in_dim3A_2063, %convert_element_type3A_2067 : vector<16xi32>
    %get3A_2069 = arith.constant 16 : index
    %get3A_2070 = tpu.vector_load %arg19[%get3A_2069] {strides = array<i32>} : memref<128xf32, #tpu.memory_space<vmem>>, vector<16xf32>,
    %lt3A_2071 = arith.cmpf olt, %get3A_2070, %mul3A_2061 : vector<16xf32>
    %convert_element_type3A_2072 = arith.extui %lt3A_2071 : vector<16xi1> to vector<16xi32>
    %add3A_2073 = arith.addi %add3A_2068, %convert_element_type3A_2072 : vector<16xi32>
    %get3A_2074 = arith.constant 32 : index
    %get3A_2075 = tpu.vector_load %arg19[%get3A_2074] {strides = array<i32>} : memref<128xf32, #tpu.memory_space<vmem>>, vector<16xf32>,
    %lt3A_2076 = arith.cmpf olt, %get3A_2075, %mul3A_2061 : vector<16xf32>
    %convert_element_type3A_2077 = arith.extui %lt3A_2076 : vector<16xi1> to vector<16xi32>
    %add3A_2078 = arith.addi %add3A_2073, %convert_element_type3A_2077 : vector<16xi32>
    %get3A_2079 = arith.constant 48 : index
    %get3A_2080 = tpu.vector_load %arg19[%get3A_2079] {strides = array<i32>} : memref<128xf32, #tpu.memory_space<vmem>>, vector<16xf32>,
    %lt3A_2081 = arith.cmpf olt, %get3A_2080, %mul3A_2061 : vector<16xf32>
    %convert_element_type3A_2082 = arith.extui %lt3A_2081 : vector<16xi1> to vector<16xi32>
    %add3A_2083 = arith.addi %add3A_2078, %convert_element_type3A_2082 : vector<16xi32>
    %get3A_2084 = arith.constant 64 : index
    %get3A_2085 = tpu.vector_load %arg19[%get3A_2084] {strides = array<i32>} : memref<128xf32, #tpu.memory_space<vmem>>, vector<16xf32>,
    %lt3A_2086 = arith.cmpf olt, %get3A_2085, %mul3A_2061 : vector<16xf32>
    %convert_element_type3A_2087 = arith.extui %lt3A_2086 : vector<16xi1> to vector<16xi32>
    %add3A_2088 = arith.addi %add3A_2083, %convert_element_type3A_2087 : vector<16xi32>
    %get3A_2089 = arith.constant 80 : index
    %get3A_2090 = tpu.vector_load %arg19[%get3A_2089] {strides = array<i32>} : memref<128xf32, #tpu.memory_space<vmem>>, vector<16xf32>,
    %lt3A_2091 = arith.cmpf olt, %get3A_2090, %mul3A_2061 : vector<16xf32>
    %convert_element_type3A_2092 = arith.extui %lt3A_2091 : vector<16xi1> to vector<16xi32>
    %add3A_2093 = arith.addi %add3A_2088, %convert_element_type3A_2092 : vector<16xi32>
    %get3A_2094 = arith.constant 96 : index
    %get3A_2095 = tpu.vector_load %arg19[%get3A_2094] {strides = array<i32>} : memref<128xf32, #tpu.memory_space<vmem>>, vector<16xf32>,
    %lt3A_2096 = arith.cmpf olt, %get3A_2095, %mul3A_2061 : vector<16xf32>
    %convert_element_type3A_2097 = arith.extui %lt3A_2096 : vector<16xi1> to vector<16xi32>
    %add3A_2098 = arith.addi %add3A_2093, %convert_element_type3A_2097 : vector<16xi32>
    %get3A_2099 = arith.constant 112 : index
    %get3A_2100 = tpu.vector_load %arg19[%get3A_2099] {strides = array<i32>} : memref<128xf32, #tpu.memory_space<vmem>>, vector<16xf32>,
    %lt3A_2101 = arith.cmpf olt, %get3A_2100, %mul3A_2061 : vector<16xf32>
    %convert_element_type3A_2102 = arith.extui %lt3A_2101 : vector<16xi1> to vector<16xi32>
    %add3A_2103 = arith.addi %add3A_2098, %convert_element_type3A_2102 : vector<16xi32>
    %broadcast_in_dim3A_2104 = arith.constant true
    %broadcast_in_dim3A_2105 = vector.broadcast %broadcast_in_dim3A_2104 : i1 to vector<16xi1>
    %masked_cumsum3A_2106 = tpu.scan <sum>, %add3A_2103 masked %broadcast_in_dim3A_2105 : vector<16xi32>, vector<16xi1> -> vector<16xi32>
    %swap3A_2107 = arith.constant 0 : index
    %swap3A_2108 = tpu.vector_load %arg20[%swap3A_2107] {strides = array<i32>} : memref<16xi32, #tpu.memory_space<vmem>>, vector<16xi32>,
    tpu.vector_store %arg20[%swap3A_2107], %masked_cumsum3A_2106 {strides = array<i32>} : memref<16xi32, #tpu.memory_space<vmem>>, vector<16xi32>,
    %broadcast_in_dim3A_2109 = arith.constant 15 : i32
    %broadcast_in_dim3A_2110 = vector.broadcast %broadcast_in_dim3A_2109 : i32 to vector<16xi32>
    %gather3A_2111 = tpu.vector_load_idx %arg20[%broadcast_in_dim3A_2110] : memref<16xi32, #tpu.memory_space<vmem>>[vector<16xi32>], vector<16xi32>,
    %min3A_2112 = arith.constant 127 : i32
    %min3A_2113 = vector.broadcast %min3A_2112 : i32 to vector<16xi32>
    %min3A_2114 = arith.minsi %gather3A_2111, %min3A_2113 : vector<16xi32>
    %eq3A_2115 = arith.constant 5 : i32
    %eq3A_2116 = vector.broadcast %eq3A_2115 : i32 to vector<16xi32>
    %eq3A_2117 = arith.cmpi eq, %iota3A, %eq3A_2116 : vector<16xi32>
    %select_n3A_2118 = arith.select %eq3A_2117, %min3A_2114, %select_n3A_1947 : vector<16xi1>, vector<16xi32>
    %broadcast_in_dim3A_2119 = arith.constant 0.000000e+00 : f32
    %broadcast_in_dim3A_2120 = vector.broadcast %broadcast_in_dim3A_2119 : f32 to vector<16xf32>
    %get3A_2121 = arith.constant 6 : i32
    %get3A_2122 = arith.index_cast %get3A_2121 : i32 to index
    %get3A_2123 = arith.constant 0 : index
    %get3A_2124 = tpu.vector_load %arg18[%get3A_2122, %get3A_2123] {strides = array<i32>} : memref<8x128xf32, #tpu.memory_space<vmem>>, vector<16xf32>,
    %broadcast_in_dim3A_2125 = arith.constant true
    %broadcast_in_dim3A_2126 = vector.broadcast %broadcast_in_dim3A_2125 : i1 to vector<16xi1>
    %masked_cumsum3A_2127 = tpu.scan <sum>, %get3A_2124 masked %broadcast_in_dim3A_2126 : vector<16xf32>, vector<16xi1> -> vector<16xf32>
    %add3A_2128 = arith.addf %masked_cumsum3A_2127, %broadcast_in_dim3A_2120 : vector<16xf32>
    %swap3A_2129 = arith.constant 0 : index
    %swap3A_2130 = tpu.vector_load %arg19[%swap3A_2129] {strides = array<i32>} : memref<128xf32, #tpu.memory_space<vmem>>, vector<16xf32>,
    tpu.vector_store %arg19[%swap3A_2129], %add3A_2128 {strides = array<i32>} : memref<128xf32, #tpu.memory_space<vmem>>, vector<16xf32>,
    %broadcast_in_dim3A_2131 = arith.constant 15 : i32
    %broadcast_in_dim3A_2132 = vector.broadcast %broadcast_in_dim3A_2131 : i32 to vector<16xi32>
    %gather3A_2133 = tpu.vector_load_idx %arg19[%broadcast_in_dim3A_2132] : memref<128xf32, #tpu.memory_space<vmem>>[vector<16xi32>], vector<16xf32>,
    %get3A_2134 = arith.constant 6 : i32
    %get3A_2135 = arith.index_cast %get3A_2134 : i32 to index
    %get3A_2136 = arith.constant 16 : index
    %get3A_2137 = tpu.vector_load %arg18[%get3A_2135, %get3A_2136] {strides = array<i32>} : memref<8x128xf32, #tpu.memory_space<vmem>>, vector<16xf32>,
    %broadcast_in_dim3A_2138 = arith.constant true
    %broadcast_in_dim3A_2139 = vector.broadcast %broadcast_in_dim3A_2138 : i1 to vector<16xi1>
    %masked_cumsum3A_2140 = tpu.scan <sum>, %get3A_2137 masked %broadcast_in_dim3A_2139 : vector<16xf32>, vector<16xi1> -> vector<16xf32>
    %add3A_2141 = arith.addf %masked_cumsum3A_2140, %gather3A_2133 : vector<16xf32>
    %swap3A_2142 = arith.constant 16 : index
    %swap3A_2143 = tpu.vector_load %arg19[%swap3A_2142] {strides = array<i32>} : memref<128xf32, #tpu.memory_space<vmem>>, vector<16xf32>,
    tpu.vector_store %arg19[%swap3A_2142], %add3A_2141 {strides = array<i32>} : memref<128xf32, #tpu.memory_space<vmem>>, vector<16xf32>,
    %broadcast_in_dim3A_2144 = arith.constant 31 : i32
    %broadcast_in_dim3A_2145 = vector.broadcast %broadcast_in_dim3A_2144 : i32 to vector<16xi32>
    %gather3A_2146 = tpu.vector_load_idx %arg19[%broadcast_in_dim3A_2145] : memref<128xf32, #tpu.memory_space<vmem>>[vector<16xi32>], vector<16xf32>,
    %get3A_2147 = arith.constant 6 : i32
    %get3A_2148 = arith.index_cast %get3A_2147 : i32 to index
    %get3A_2149 = arith.constant 32 : index
    %get3A_2150 = tpu.vector_load %arg18[%get3A_2148, %get3A_2149] {strides = array<i32>} : memref<8x128xf32, #tpu.memory_space<vmem>>, vector<16xf32>,
    %broadcast_in_dim3A_2151 = arith.constant true
    %broadcast_in_dim3A_2152 = vector.broadcast %broadcast_in_dim3A_2151 : i1 to vector<16xi1>
    %masked_cumsum3A_2153 = tpu.scan <sum>, %get3A_2150 masked %broadcast_in_dim3A_2152 : vector<16xf32>, vector<16xi1> -> vector<16xf32>
    %add3A_2154 = arith.addf %masked_cumsum3A_2153, %gather3A_2146 : vector<16xf32>
    %swap3A_2155 = arith.constant 32 : index
    %swap3A_2156 = tpu.vector_load %arg19[%swap3A_2155] {strides = array<i32>} : memref<128xf32, #tpu.memory_space<vmem>>, vector<16xf32>,
    tpu.vector_store %arg19[%swap3A_2155], %add3A_2154 {strides = array<i32>} : memref<128xf32, #tpu.memory_space<vmem>>, vector<16xf32>,
    %broadcast_in_dim3A_2157 = arith.constant 47 : i32
    %broadcast_in_dim3A_2158 = vector.broadcast %broadcast_in_dim3A_2157 : i32 to vector<16xi32>
    %gather3A_2159 = tpu.vector_load_idx %arg19[%broadcast_in_dim3A_2158] : memref<128xf32, #tpu.memory_space<vmem>>[vector<16xi32>], vector<16xf32>,
    %get3A_2160 = arith.constant 6 : i32
    %get3A_2161 = arith.index_cast %get3A_2160 : i32 to index
    %get3A_2162 = arith.constant 48 : index
    %get3A_2163 = tpu.vector_load %arg18[%get3A_2161, %get3A_2162] {strides = array<i32>} : memref<8x128xf32, #tpu.memory_space<vmem>>, vector<16xf32>,
    %broadcast_in_dim3A_2164 = arith.constant true
    %broadcast_in_dim3A_2165 = vector.broadcast %broadcast_in_dim3A_2164 : i1 to vector<16xi1>
    %masked_cumsum3A_2166 = tpu.scan <sum>, %get3A_2163 masked %broadcast_in_dim3A_2165 : vector<16xf32>, vector<16xi1> -> vector<16xf32>
    %add3A_2167 = arith.addf %masked_cumsum3A_2166, %gather3A_2159 : vector<16xf32>
    %swap3A_2168 = arith.constant 48 : index
    %swap3A_2169 = tpu.vector_load %arg19[%swap3A_2168] {strides = array<i32>} : memref<128xf32, #tpu.memory_space<vmem>>, vector<16xf32>,
    tpu.vector_store %arg19[%swap3A_2168], %add3A_2167 {strides = array<i32>} : memref<128xf32, #tpu.memory_space<vmem>>, vector<16xf32>,
    %broadcast_in_dim3A_2170 = arith.constant 63 : i32
    %broadcast_in_dim3A_2171 = vector.broadcast %broadcast_in_dim3A_2170 : i32 to vector<16xi32>
    %gather3A_2172 = tpu.vector_load_idx %arg19[%broadcast_in_dim3A_2171] : memref<128xf32, #tpu.memory_space<vmem>>[vector<16xi32>], vector<16xf32>,
    %get3A_2173 = arith.constant 6 : i32
    %get3A_2174 = arith.index_cast %get3A_2173 : i32 to index
    %get3A_2175 = arith.constant 64 : index
    %get3A_2176 = tpu.vector_load %arg18[%get3A_2174, %get3A_2175] {strides = array<i32>} : memref<8x128xf32, #tpu.memory_space<vmem>>, vector<16xf32>,
    %broadcast_in_dim3A_2177 = arith.constant true
    %broadcast_in_dim3A_2178 = vector.broadcast %broadcast_in_dim3A_2177 : i1 to vector<16xi1>
    %masked_cumsum3A_2179 = tpu.scan <sum>, %get3A_2176 masked %broadcast_in_dim3A_2178 : vector<16xf32>, vector<16xi1> -> vector<16xf32>
    %add3A_2180 = arith.addf %masked_cumsum3A_2179, %gather3A_2172 : vector<16xf32>
    %swap3A_2181 = arith.constant 64 : index
    %swap3A_2182 = tpu.vector_load %arg19[%swap3A_2181] {strides = array<i32>} : memref<128xf32, #tpu.memory_space<vmem>>, vector<16xf32>,
    tpu.vector_store %arg19[%swap3A_2181], %add3A_2180 {strides = array<i32>} : memref<128xf32, #tpu.memory_space<vmem>>, vector<16xf32>,
    %broadcast_in_dim3A_2183 = arith.constant 79 : i32
    %broadcast_in_dim3A_2184 = vector.broadcast %broadcast_in_dim3A_2183 : i32 to vector<16xi32>
    %gather3A_2185 = tpu.vector_load_idx %arg19[%broadcast_in_dim3A_2184] : memref<128xf32, #tpu.memory_space<vmem>>[vector<16xi32>], vector<16xf32>,
    %get3A_2186 = arith.constant 6 : i32
    %get3A_2187 = arith.index_cast %get3A_2186 : i32 to index
    %get3A_2188 = arith.constant 80 : index
    %get3A_2189 = tpu.vector_load %arg18[%get3A_2187, %get3A_2188] {strides = array<i32>} : memref<8x128xf32, #tpu.memory_space<vmem>>, vector<16xf32>,
    %broadcast_in_dim3A_2190 = arith.constant true
    %broadcast_in_dim3A_2191 = vector.broadcast %broadcast_in_dim3A_2190 : i1 to vector<16xi1>
    %masked_cumsum3A_2192 = tpu.scan <sum>, %get3A_2189 masked %broadcast_in_dim3A_2191 : vector<16xf32>, vector<16xi1> -> vector<16xf32>
    %add3A_2193 = arith.addf %masked_cumsum3A_2192, %gather3A_2185 : vector<16xf32>
    %swap3A_2194 = arith.constant 80 : index
    %swap3A_2195 = tpu.vector_load %arg19[%swap3A_2194] {strides = array<i32>} : memref<128xf32, #tpu.memory_space<vmem>>, vector<16xf32>,
    tpu.vector_store %arg19[%swap3A_2194], %add3A_2193 {strides = array<i32>} : memref<128xf32, #tpu.memory_space<vmem>>, vector<16xf32>,
    %broadcast_in_dim3A_2196 = arith.constant 95 : i32
    %broadcast_in_dim3A_2197 = vector.broadcast %broadcast_in_dim3A_2196 : i32 to vector<16xi32>
    %gather3A_2198 = tpu.vector_load_idx %arg19[%broadcast_in_dim3A_2197] : memref<128xf32, #tpu.memory_space<vmem>>[vector<16xi32>], vector<16xf32>,
    %get3A_2199 = arith.constant 6 : i32
    %get3A_2200 = arith.index_cast %get3A_2199 : i32 to index
    %get3A_2201 = arith.constant 96 : index
    %get3A_2202 = tpu.vector_load %arg18[%get3A_2200, %get3A_2201] {strides = array<i32>} : memref<8x128xf32, #tpu.memory_space<vmem>>, vector<16xf32>,
    %broadcast_in_dim3A_2203 = arith.constant true
    %broadcast_in_dim3A_2204 = vector.broadcast %broadcast_in_dim3A_2203 : i1 to vector<16xi1>
    %masked_cumsum3A_2205 = tpu.scan <sum>, %get3A_2202 masked %broadcast_in_dim3A_2204 : vector<16xf32>, vector<16xi1> -> vector<16xf32>
    %add3A_2206 = arith.addf %masked_cumsum3A_2205, %gather3A_2198 : vector<16xf32>
    %swap3A_2207 = arith.constant 96 : index
    %swap3A_2208 = tpu.vector_load %arg19[%swap3A_2207] {strides = array<i32>} : memref<128xf32, #tpu.memory_space<vmem>>, vector<16xf32>,
    tpu.vector_store %arg19[%swap3A_2207], %add3A_2206 {strides = array<i32>} : memref<128xf32, #tpu.memory_space<vmem>>, vector<16xf32>,
    %broadcast_in_dim3A_2209 = arith.constant 111 : i32
    %broadcast_in_dim3A_2210 = vector.broadcast %broadcast_in_dim3A_2209 : i32 to vector<16xi32>
    %gather3A_2211 = tpu.vector_load_idx %arg19[%broadcast_in_dim3A_2210] : memref<128xf32, #tpu.memory_space<vmem>>[vector<16xi32>], vector<16xf32>,
    %get3A_2212 = arith.constant 6 : i32
    %get3A_2213 = arith.index_cast %get3A_2212 : i32 to index
    %get3A_2214 = arith.constant 112 : index
    %get3A_2215 = tpu.vector_load %arg18[%get3A_2213, %get3A_2214] {strides = array<i32>} : memref<8x128xf32, #tpu.memory_space<vmem>>, vector<16xf32>,
    %broadcast_in_dim3A_2216 = arith.constant true
    %broadcast_in_dim3A_2217 = vector.broadcast %broadcast_in_dim3A_2216 : i1 to vector<16xi1>
    %masked_cumsum3A_2218 = tpu.scan <sum>, %get3A_2215 masked %broadcast_in_dim3A_2217 : vector<16xf32>, vector<16xi1> -> vector<16xf32>
    %add3A_2219 = arith.addf %masked_cumsum3A_2218, %gather3A_2211 : vector<16xf32>
    %swap3A_2220 = arith.constant 112 : index
    %swap3A_2221 = tpu.vector_load %arg19[%swap3A_2220] {strides = array<i32>} : memref<128xf32, #tpu.memory_space<vmem>>, vector<16xf32>,
    tpu.vector_store %arg19[%swap3A_2220], %add3A_2219 {strides = array<i32>} : memref<128xf32, #tpu.memory_space<vmem>>, vector<16xf32>,
    %broadcast_in_dim3A_2222 = arith.constant 127 : i32
    %broadcast_in_dim3A_2223 = vector.broadcast %broadcast_in_dim3A_2222 : i32 to vector<16xi32>
    %gather3A_2224 = tpu.vector_load_idx %arg19[%broadcast_in_dim3A_2223] : memref<128xf32, #tpu.memory_space<vmem>>[vector<16xi32>], vector<16xf32>,
    %add3A_2225 = arith.constant 6 : i32
    %add3A_2226 = arith.addi %mul3A_16, %add3A_2225 : i32
    %broadcast_in_dim3A_2227 = vector.broadcast %add3A_2226 : i32 to vector<16xi32>
    %gather3A_2228 = tpu.vector_load_idx %arg17[%broadcast_in_dim3A_2227] : memref<128xf32, #tpu.memory_space<vmem>>[vector<16xi32>], vector<16xf32>,
    %sub3A_2229 = arith.constant 1.000000e+00 : f32
    %sub3A_2230 = vector.broadcast %sub3A_2229 : f32 to vector<16xf32>
    %sub3A_2231 = arith.subf %sub3A_2230, %gather3A_2228 : vector<16xf32>
    %mul3A_2232 = arith.mulf %gather3A_2224, %sub3A_2231 : vector<16xf32>
    %broadcast_in_dim3A_2233 = arith.constant 0 : i32
    %broadcast_in_dim3A_2234 = vector.broadcast %broadcast_in_dim3A_2233 : i32 to vector<16xi32>
    %get3A_2235 = arith.constant 0 : index
    %get3A_2236 = tpu.vector_load %arg19[%get3A_2235] {strides = array<i32>} : memref<128xf32, #tpu.memory_space<vmem>>, vector<16xf32>,
    %lt3A_2237 = arith.cmpf olt, %get3A_2236, %mul3A_2232 : vector<16xf32>
    %convert_element_type3A_2238 = arith.extui %lt3A_2237 : vector<16xi1> to vector<16xi32>
    %add3A_2239 = arith.addi %broadcast_in_dim3A_2234, %convert_element_type3A_2238 : vector<16xi32>
    %get3A_2240 = arith.constant 16 : index
    %get3A_2241 = tpu.vector_load %arg19[%get3A_2240] {strides = array<i32>} : memref<128xf32, #tpu.memory_space<vmem>>, vector<16xf32>,
    %lt3A_2242 = arith.cmpf olt, %get3A_2241, %mul3A_2232 : vector<16xf32>
    %convert_element_type3A_2243 = arith.extui %lt3A_2242 : vector<16xi1> to vector<16xi32>
    %add3A_2244 = arith.addi %add3A_2239, %convert_element_type3A_2243 : vector<16xi32>
    %get3A_2245 = arith.constant 32 : index
    %get3A_2246 = tpu.vector_load %arg19[%get3A_2245] {strides = array<i32>} : memref<128xf32, #tpu.memory_space<vmem>>, vector<16xf32>,
    %lt3A_2247 = arith.cmpf olt, %get3A_2246, %mul3A_2232 : vector<16xf32>
    %convert_element_type3A_2248 = arith.extui %lt3A_2247 : vector<16xi1> to vector<16xi32>
    %add3A_2249 = arith.addi %add3A_2244, %convert_element_type3A_2248 : vector<16xi32>
    %get3A_2250 = arith.constant 48 : index
    %get3A_2251 = tpu.vector_load %arg19[%get3A_2250] {strides = array<i32>} : memref<128xf32, #tpu.memory_space<vmem>>, vector<16xf32>,
    %lt3A_2252 = arith.cmpf olt, %get3A_2251, %mul3A_2232 : vector<16xf32>
    %convert_element_type3A_2253 = arith.extui %lt3A_2252 : vector<16xi1> to vector<16xi32>
    %add3A_2254 = arith.addi %add3A_2249, %convert_element_type3A_2253 : vector<16xi32>
    %get3A_2255 = arith.constant 64 : index
    %get3A_2256 = tpu.vector_load %arg19[%get3A_2255] {strides = array<i32>} : memref<128xf32, #tpu.memory_space<vmem>>, vector<16xf32>,
    %lt3A_2257 = arith.cmpf olt, %get3A_2256, %mul3A_2232 : vector<16xf32>
    %convert_element_type3A_2258 = arith.extui %lt3A_2257 : vector<16xi1> to vector<16xi32>
    %add3A_2259 = arith.addi %add3A_2254, %convert_element_type3A_2258 : vector<16xi32>
    %get3A_2260 = arith.constant 80 : index
    %get3A_2261 = tpu.vector_load %arg19[%get3A_2260] {strides = array<i32>} : memref<128xf32, #tpu.memory_space<vmem>>, vector<16xf32>,
    %lt3A_2262 = arith.cmpf olt, %get3A_2261, %mul3A_2232 : vector<16xf32>
    %convert_element_type3A_2263 = arith.extui %lt3A_2262 : vector<16xi1> to vector<16xi32>
    %add3A_2264 = arith.addi %add3A_2259, %convert_element_type3A_2263 : vector<16xi32>
    %get3A_2265 = arith.constant 96 : index
    %get3A_2266 = tpu.vector_load %arg19[%get3A_2265] {strides = array<i32>} : memref<128xf32, #tpu.memory_space<vmem>>, vector<16xf32>,
    %lt3A_2267 = arith.cmpf olt, %get3A_2266, %mul3A_2232 : vector<16xf32>
    %convert_element_type3A_2268 = arith.extui %lt3A_2267 : vector<16xi1> to vector<16xi32>
    %add3A_2269 = arith.addi %add3A_2264, %convert_element_type3A_2268 : vector<16xi32>
    %get3A_2270 = arith.constant 112 : index
    %get3A_2271 = tpu.vector_load %arg19[%get3A_2270] {strides = array<i32>} : memref<128xf32, #tpu.memory_space<vmem>>, vector<16xf32>,
    %lt3A_2272 = arith.cmpf olt, %get3A_2271, %mul3A_2232 : vector<16xf32>
    %convert_element_type3A_2273 = arith.extui %lt3A_2272 : vector<16xi1> to vector<16xi32>
    %add3A_2274 = arith.addi %add3A_2269, %convert_element_type3A_2273 : vector<16xi32>
    %broadcast_in_dim3A_2275 = arith.constant true
    %broadcast_in_dim3A_2276 = vector.broadcast %broadcast_in_dim3A_2275 : i1 to vector<16xi1>
    %masked_cumsum3A_2277 = tpu.scan <sum>, %add3A_2274 masked %broadcast_in_dim3A_2276 : vector<16xi32>, vector<16xi1> -> vector<16xi32>
    %swap3A_2278 = arith.constant 0 : index
    %swap3A_2279 = tpu.vector_load %arg20[%swap3A_2278] {strides = array<i32>} : memref<16xi32, #tpu.memory_space<vmem>>, vector<16xi32>,
    tpu.vector_store %arg20[%swap3A_2278], %masked_cumsum3A_2277 {strides = array<i32>} : memref<16xi32, #tpu.memory_space<vmem>>, vector<16xi32>,
    %broadcast_in_dim3A_2280 = arith.constant 15 : i32
    %broadcast_in_dim3A_2281 = vector.broadcast %broadcast_in_dim3A_2280 : i32 to vector<16xi32>
    %gather3A_2282 = tpu.vector_load_idx %arg20[%broadcast_in_dim3A_2281] : memref<16xi32, #tpu.memory_space<vmem>>[vector<16xi32>], vector<16xi32>,
    %min3A_2283 = arith.constant 127 : i32
    %min3A_2284 = vector.broadcast %min3A_2283 : i32 to vector<16xi32>
    %min3A_2285 = arith.minsi %gather3A_2282, %min3A_2284 : vector<16xi32>
    %eq3A_2286 = arith.constant 6 : i32
    %eq3A_2287 = vector.broadcast %eq3A_2286 : i32 to vector<16xi32>
    %eq3A_2288 = arith.cmpi eq, %iota3A, %eq3A_2287 : vector<16xi32>
    %select_n3A_2289 = arith.select %eq3A_2288, %min3A_2285, %select_n3A_2118 : vector<16xi1>, vector<16xi32>
    %broadcast_in_dim3A_2290 = arith.constant 0.000000e+00 : f32
    %broadcast_in_dim3A_2291 = vector.broadcast %broadcast_in_dim3A_2290 : f32 to vector<16xf32>
    %get3A_2292 = arith.constant 7 : i32
    %get3A_2293 = arith.index_cast %get3A_2292 : i32 to index
    %get3A_2294 = arith.constant 0 : index
    %get3A_2295 = tpu.vector_load %arg18[%get3A_2293, %get3A_2294] {strides = array<i32>} : memref<8x128xf32, #tpu.memory_space<vmem>>, vector<16xf32>,
    %broadcast_in_dim3A_2296 = arith.constant true
    %broadcast_in_dim3A_2297 = vector.broadcast %broadcast_in_dim3A_2296 : i1 to vector<16xi1>
    %masked_cumsum3A_2298 = tpu.scan <sum>, %get3A_2295 masked %broadcast_in_dim3A_2297 : vector<16xf32>, vector<16xi1> -> vector<16xf32>
    %add3A_2299 = arith.addf %masked_cumsum3A_2298, %broadcast_in_dim3A_2291 : vector<16xf32>
    %swap3A_2300 = arith.constant 0 : index
    %swap3A_2301 = tpu.vector_load %arg19[%swap3A_2300] {strides = array<i32>} : memref<128xf32, #tpu.memory_space<vmem>>, vector<16xf32>,
    tpu.vector_store %arg19[%swap3A_2300], %add3A_2299 {strides = array<i32>} : memref<128xf32, #tpu.memory_space<vmem>>, vector<16xf32>,
    %broadcast_in_dim3A_2302 = arith.constant 15 : i32
    %broadcast_in_dim3A_2303 = vector.broadcast %broadcast_in_dim3A_2302 : i32 to vector<16xi32>
    %gather3A_2304 = tpu.vector_load_idx %arg19[%broadcast_in_dim3A_2303] : memref<128xf32, #tpu.memory_space<vmem>>[vector<16xi32>], vector<16xf32>,
    %get3A_2305 = arith.constant 7 : i32
    %get3A_2306 = arith.index_cast %get3A_2305 : i32 to index
    %get3A_2307 = arith.constant 16 : index
    %get3A_2308 = tpu.vector_load %arg18[%get3A_2306, %get3A_2307] {strides = array<i32>} : memref<8x128xf32, #tpu.memory_space<vmem>>, vector<16xf32>,
    %broadcast_in_dim3A_2309 = arith.constant true
    %broadcast_in_dim3A_2310 = vector.broadcast %broadcast_in_dim3A_2309 : i1 to vector<16xi1>
    %masked_cumsum3A_2311 = tpu.scan <sum>, %get3A_2308 masked %broadcast_in_dim3A_2310 : vector<16xf32>, vector<16xi1> -> vector<16xf32>
    %add3A_2312 = arith.addf %masked_cumsum3A_2311, %gather3A_2304 : vector<16xf32>
    %swap3A_2313 = arith.constant 16 : index
    %swap3A_2314 = tpu.vector_load %arg19[%swap3A_2313] {strides = array<i32>} : memref<128xf32, #tpu.memory_space<vmem>>, vector<16xf32>,
    tpu.vector_store %arg19[%swap3A_2313], %add3A_2312 {strides = array<i32>} : memref<128xf32, #tpu.memory_space<vmem>>, vector<16xf32>,
    %broadcast_in_dim3A_2315 = arith.constant 31 : i32
    %broadcast_in_dim3A_2316 = vector.broadcast %broadcast_in_dim3A_2315 : i32 to vector<16xi32>
    %gather3A_2317 = tpu.vector_load_idx %arg19[%broadcast_in_dim3A_2316] : memref<128xf32, #tpu.memory_space<vmem>>[vector<16xi32>], vector<16xf32>,
    %get3A_2318 = arith.constant 7 : i32
    %get3A_2319 = arith.index_cast %get3A_2318 : i32 to index
    %get3A_2320 = arith.constant 32 : index
    %get3A_2321 = tpu.vector_load %arg18[%get3A_2319, %get3A_2320] {strides = array<i32>} : memref<8x128xf32, #tpu.memory_space<vmem>>, vector<16xf32>,
    %broadcast_in_dim3A_2322 = arith.constant true
    %broadcast_in_dim3A_2323 = vector.broadcast %broadcast_in_dim3A_2322 : i1 to vector<16xi1>
    %masked_cumsum3A_2324 = tpu.scan <sum>, %get3A_2321 masked %broadcast_in_dim3A_2323 : vector<16xf32>, vector<16xi1> -> vector<16xf32>
    %add3A_2325 = arith.addf %masked_cumsum3A_2324, %gather3A_2317 : vector<16xf32>
    %swap3A_2326 = arith.constant 32 : index
    %swap3A_2327 = tpu.vector_load %arg19[%swap3A_2326] {strides = array<i32>} : memref<128xf32, #tpu.memory_space<vmem>>, vector<16xf32>,
    tpu.vector_store %arg19[%swap3A_2326], %add3A_2325 {strides = array<i32>} : memref<128xf32, #tpu.memory_space<vmem>>, vector<16xf32>,
    %broadcast_in_dim3A_2328 = arith.constant 47 : i32
    %broadcast_in_dim3A_2329 = vector.broadcast %broadcast_in_dim3A_2328 : i32 to vector<16xi32>
    %gather3A_2330 = tpu.vector_load_idx %arg19[%broadcast_in_dim3A_2329] : memref<128xf32, #tpu.memory_space<vmem>>[vector<16xi32>], vector<16xf32>,
    %get3A_2331 = arith.constant 7 : i32
    %get3A_2332 = arith.index_cast %get3A_2331 : i32 to index
    %get3A_2333 = arith.constant 48 : index
    %get3A_2334 = tpu.vector_load %arg18[%get3A_2332, %get3A_2333] {strides = array<i32>} : memref<8x128xf32, #tpu.memory_space<vmem>>, vector<16xf32>,
    %broadcast_in_dim3A_2335 = arith.constant true
    %broadcast_in_dim3A_2336 = vector.broadcast %broadcast_in_dim3A_2335 : i1 to vector<16xi1>
    %masked_cumsum3A_2337 = tpu.scan <sum>, %get3A_2334 masked %broadcast_in_dim3A_2336 : vector<16xf32>, vector<16xi1> -> vector<16xf32>
    %add3A_2338 = arith.addf %masked_cumsum3A_2337, %gather3A_2330 : vector<16xf32>
    %swap3A_2339 = arith.constant 48 : index
    %swap3A_2340 = tpu.vector_load %arg19[%swap3A_2339] {strides = array<i32>} : memref<128xf32, #tpu.memory_space<vmem>>, vector<16xf32>,
    tpu.vector_store %arg19[%swap3A_2339], %add3A_2338 {strides = array<i32>} : memref<128xf32, #tpu.memory_space<vmem>>, vector<16xf32>,
    %broadcast_in_dim3A_2341 = arith.constant 63 : i32
    %broadcast_in_dim3A_2342 = vector.broadcast %broadcast_in_dim3A_2341 : i32 to vector<16xi32>
    %gather3A_2343 = tpu.vector_load_idx %arg19[%broadcast_in_dim3A_2342] : memref<128xf32, #tpu.memory_space<vmem>>[vector<16xi32>], vector<16xf32>,
    %get3A_2344 = arith.constant 7 : i32
    %get3A_2345 = arith.index_cast %get3A_2344 : i32 to index
    %get3A_2346 = arith.constant 64 : index
    %get3A_2347 = tpu.vector_load %arg18[%get3A_2345, %get3A_2346] {strides = array<i32>} : memref<8x128xf32, #tpu.memory_space<vmem>>, vector<16xf32>,
    %broadcast_in_dim3A_2348 = arith.constant true
    %broadcast_in_dim3A_2349 = vector.broadcast %broadcast_in_dim3A_2348 : i1 to vector<16xi1>
    %masked_cumsum3A_2350 = tpu.scan <sum>, %get3A_2347 masked %broadcast_in_dim3A_2349 : vector<16xf32>, vector<16xi1> -> vector<16xf32>
    %add3A_2351 = arith.addf %masked_cumsum3A_2350, %gather3A_2343 : vector<16xf32>
    %swap3A_2352 = arith.constant 64 : index
    %swap3A_2353 = tpu.vector_load %arg19[%swap3A_2352] {strides = array<i32>} : memref<128xf32, #tpu.memory_space<vmem>>, vector<16xf32>,
    tpu.vector_store %arg19[%swap3A_2352], %add3A_2351 {strides = array<i32>} : memref<128xf32, #tpu.memory_space<vmem>>, vector<16xf32>,
    %broadcast_in_dim3A_2354 = arith.constant 79 : i32
    %broadcast_in_dim3A_2355 = vector.broadcast %broadcast_in_dim3A_2354 : i32 to vector<16xi32>
    %gather3A_2356 = tpu.vector_load_idx %arg19[%broadcast_in_dim3A_2355] : memref<128xf32, #tpu.memory_space<vmem>>[vector<16xi32>], vector<16xf32>,
    %get3A_2357 = arith.constant 7 : i32
    %get3A_2358 = arith.index_cast %get3A_2357 : i32 to index
    %get3A_2359 = arith.constant 80 : index
    %get3A_2360 = tpu.vector_load %arg18[%get3A_2358, %get3A_2359] {strides = array<i32>} : memref<8x128xf32, #tpu.memory_space<vmem>>, vector<16xf32>,
    %broadcast_in_dim3A_2361 = arith.constant true
    %broadcast_in_dim3A_2362 = vector.broadcast %broadcast_in_dim3A_2361 : i1 to vector<16xi1>
    %masked_cumsum3A_2363 = tpu.scan <sum>, %get3A_2360 masked %broadcast_in_dim3A_2362 : vector<16xf32>, vector<16xi1> -> vector<16xf32>
    %add3A_2364 = arith.addf %masked_cumsum3A_2363, %gather3A_2356 : vector<16xf32>
    %swap3A_2365 = arith.constant 80 : index
    %swap3A_2366 = tpu.vector_load %arg19[%swap3A_2365] {strides = array<i32>} : memref<128xf32, #tpu.memory_space<vmem>>, vector<16xf32>,
    tpu.vector_store %arg19[%swap3A_2365], %add3A_2364 {strides = array<i32>} : memref<128xf32, #tpu.memory_space<vmem>>, vector<16xf32>,
    %broadcast_in_dim3A_2367 = arith.constant 95 : i32
    %broadcast_in_dim3A_2368 = vector.broadcast %broadcast_in_dim3A_2367 : i32 to vector<16xi32>
    %gather3A_2369 = tpu.vector_load_idx %arg19[%broadcast_in_dim3A_2368] : memref<128xf32, #tpu.memory_space<vmem>>[vector<16xi32>], vector<16xf32>,
    %get3A_2370 = arith.constant 7 : i32
    %get3A_2371 = arith.index_cast %get3A_2370 : i32 to index
    %get3A_2372 = arith.constant 96 : index
    %get3A_2373 = tpu.vector_load %arg18[%get3A_2371, %get3A_2372] {strides = array<i32>} : memref<8x128xf32, #tpu.memory_space<vmem>>, vector<16xf32>,
    %broadcast_in_dim3A_2374 = arith.constant true
    %broadcast_in_dim3A_2375 = vector.broadcast %broadcast_in_dim3A_2374 : i1 to vector<16xi1>
    %masked_cumsum3A_2376 = tpu.scan <sum>, %get3A_2373 masked %broadcast_in_dim3A_2375 : vector<16xf32>, vector<16xi1> -> vector<16xf32>
    %add3A_2377 = arith.addf %masked_cumsum3A_2376, %gather3A_2369 : vector<16xf32>
    %swap3A_2378 = arith.constant 96 : index
    %swap3A_2379 = tpu.vector_load %arg19[%swap3A_2378] {strides = array<i32>} : memref<128xf32, #tpu.memory_space<vmem>>, vector<16xf32>,
    tpu.vector_store %arg19[%swap3A_2378], %add3A_2377 {strides = array<i32>} : memref<128xf32, #tpu.memory_space<vmem>>, vector<16xf32>,
    %broadcast_in_dim3A_2380 = arith.constant 111 : i32
    %broadcast_in_dim3A_2381 = vector.broadcast %broadcast_in_dim3A_2380 : i32 to vector<16xi32>
    %gather3A_2382 = tpu.vector_load_idx %arg19[%broadcast_in_dim3A_2381] : memref<128xf32, #tpu.memory_space<vmem>>[vector<16xi32>], vector<16xf32>,
    %get3A_2383 = arith.constant 7 : i32
    %get3A_2384 = arith.index_cast %get3A_2383 : i32 to index
    %get3A_2385 = arith.constant 112 : index
    %get3A_2386 = tpu.vector_load %arg18[%get3A_2384, %get3A_2385] {strides = array<i32>} : memref<8x128xf32, #tpu.memory_space<vmem>>, vector<16xf32>,
    %broadcast_in_dim3A_2387 = arith.constant true
    %broadcast_in_dim3A_2388 = vector.broadcast %broadcast_in_dim3A_2387 : i1 to vector<16xi1>
    %masked_cumsum3A_2389 = tpu.scan <sum>, %get3A_2386 masked %broadcast_in_dim3A_2388 : vector<16xf32>, vector<16xi1> -> vector<16xf32>
    %add3A_2390 = arith.addf %masked_cumsum3A_2389, %gather3A_2382 : vector<16xf32>
    %swap3A_2391 = arith.constant 112 : index
    %swap3A_2392 = tpu.vector_load %arg19[%swap3A_2391] {strides = array<i32>} : memref<128xf32, #tpu.memory_space<vmem>>, vector<16xf32>,
    tpu.vector_store %arg19[%swap3A_2391], %add3A_2390 {strides = array<i32>} : memref<128xf32, #tpu.memory_space<vmem>>, vector<16xf32>,
    %broadcast_in_dim3A_2393 = arith.constant 127 : i32
    %broadcast_in_dim3A_2394 = vector.broadcast %broadcast_in_dim3A_2393 : i32 to vector<16xi32>
    %gather3A_2395 = tpu.vector_load_idx %arg19[%broadcast_in_dim3A_2394] : memref<128xf32, #tpu.memory_space<vmem>>[vector<16xi32>], vector<16xf32>,
    %add3A_2396 = arith.constant 7 : i32
    %add3A_2397 = arith.addi %mul3A_16, %add3A_2396 : i32
    %broadcast_in_dim3A_2398 = vector.broadcast %add3A_2397 : i32 to vector<16xi32>
    %gather3A_2399 = tpu.vector_load_idx %arg17[%broadcast_in_dim3A_2398] : memref<128xf32, #tpu.memory_space<vmem>>[vector<16xi32>], vector<16xf32>,
    %sub3A_2400 = arith.constant 1.000000e+00 : f32
    %sub3A_2401 = vector.broadcast %sub3A_2400 : f32 to vector<16xf32>
    %sub3A_2402 = arith.subf %sub3A_2401, %gather3A_2399 : vector<16xf32>
    %mul3A_2403 = arith.mulf %gather3A_2395, %sub3A_2402 : vector<16xf32>
    %broadcast_in_dim3A_2404 = arith.constant 0 : i32
    %broadcast_in_dim3A_2405 = vector.broadcast %broadcast_in_dim3A_2404 : i32 to vector<16xi32>
    %get3A_2406 = arith.constant 0 : index
    %get3A_2407 = tpu.vector_load %arg19[%get3A_2406] {strides = array<i32>} : memref<128xf32, #tpu.memory_space<vmem>>, vector<16xf32>,
    %lt3A_2408 = arith.cmpf olt, %get3A_2407, %mul3A_2403 : vector<16xf32>
    %convert_element_type3A_2409 = arith.extui %lt3A_2408 : vector<16xi1> to vector<16xi32>
    %add3A_2410 = arith.addi %broadcast_in_dim3A_2405, %convert_element_type3A_2409 : vector<16xi32>
    %get3A_2411 = arith.constant 16 : index
    %get3A_2412 = tpu.vector_load %arg19[%get3A_2411] {strides = array<i32>} : memref<128xf32, #tpu.memory_space<vmem>>, vector<16xf32>,
    %lt3A_2413 = arith.cmpf olt, %get3A_2412, %mul3A_2403 : vector<16xf32>
    %convert_element_type3A_2414 = arith.extui %lt3A_2413 : vector<16xi1> to vector<16xi32>
    %add3A_2415 = arith.addi %add3A_2410, %convert_element_type3A_2414 : vector<16xi32>
    %get3A_2416 = arith.constant 32 : index
    %get3A_2417 = tpu.vector_load %arg19[%get3A_2416] {strides = array<i32>} : memref<128xf32, #tpu.memory_space<vmem>>, vector<16xf32>,
    %lt3A_2418 = arith.cmpf olt, %get3A_2417, %mul3A_2403 : vector<16xf32>
    %convert_element_type3A_2419 = arith.extui %lt3A_2418 : vector<16xi1> to vector<16xi32>
    %add3A_2420 = arith.addi %add3A_2415, %convert_element_type3A_2419 : vector<16xi32>
    %get3A_2421 = arith.constant 48 : index
    %get3A_2422 = tpu.vector_load %arg19[%get3A_2421] {strides = array<i32>} : memref<128xf32, #tpu.memory_space<vmem>>, vector<16xf32>,
    %lt3A_2423 = arith.cmpf olt, %get3A_2422, %mul3A_2403 : vector<16xf32>
    %convert_element_type3A_2424 = arith.extui %lt3A_2423 : vector<16xi1> to vector<16xi32>
    %add3A_2425 = arith.addi %add3A_2420, %convert_element_type3A_2424 : vector<16xi32>
    %get3A_2426 = arith.constant 64 : index
    %get3A_2427 = tpu.vector_load %arg19[%get3A_2426] {strides = array<i32>} : memref<128xf32, #tpu.memory_space<vmem>>, vector<16xf32>,
    %lt3A_2428 = arith.cmpf olt, %get3A_2427, %mul3A_2403 : vector<16xf32>
    %convert_element_type3A_2429 = arith.extui %lt3A_2428 : vector<16xi1> to vector<16xi32>
    %add3A_2430 = arith.addi %add3A_2425, %convert_element_type3A_2429 : vector<16xi32>
    %get3A_2431 = arith.constant 80 : index
    %get3A_2432 = tpu.vector_load %arg19[%get3A_2431] {strides = array<i32>} : memref<128xf32, #tpu.memory_space<vmem>>, vector<16xf32>,
    %lt3A_2433 = arith.cmpf olt, %get3A_2432, %mul3A_2403 : vector<16xf32>
    %convert_element_type3A_2434 = arith.extui %lt3A_2433 : vector<16xi1> to vector<16xi32>
    %add3A_2435 = arith.addi %add3A_2430, %convert_element_type3A_2434 : vector<16xi32>
    %get3A_2436 = arith.constant 96 : index
    %get3A_2437 = tpu.vector_load %arg19[%get3A_2436] {strides = array<i32>} : memref<128xf32, #tpu.memory_space<vmem>>, vector<16xf32>,
    %lt3A_2438 = arith.cmpf olt, %get3A_2437, %mul3A_2403 : vector<16xf32>
    %convert_element_type3A_2439 = arith.extui %lt3A_2438 : vector<16xi1> to vector<16xi32>
    %add3A_2440 = arith.addi %add3A_2435, %convert_element_type3A_2439 : vector<16xi32>
    %get3A_2441 = arith.constant 112 : index
    %get3A_2442 = tpu.vector_load %arg19[%get3A_2441] {strides = array<i32>} : memref<128xf32, #tpu.memory_space<vmem>>, vector<16xf32>,
    %lt3A_2443 = arith.cmpf olt, %get3A_2442, %mul3A_2403 : vector<16xf32>
    %convert_element_type3A_2444 = arith.extui %lt3A_2443 : vector<16xi1> to vector<16xi32>
    %add3A_2445 = arith.addi %add3A_2440, %convert_element_type3A_2444 : vector<16xi32>
    %broadcast_in_dim3A_2446 = arith.constant true
    %broadcast_in_dim3A_2447 = vector.broadcast %broadcast_in_dim3A_2446 : i1 to vector<16xi1>
    %masked_cumsum3A_2448 = tpu.scan <sum>, %add3A_2445 masked %broadcast_in_dim3A_2447 : vector<16xi32>, vector<16xi1> -> vector<16xi32>
    %swap3A_2449 = arith.constant 0 : index
    %swap3A_2450 = tpu.vector_load %arg20[%swap3A_2449] {strides = array<i32>} : memref<16xi32, #tpu.memory_space<vmem>>, vector<16xi32>,
    tpu.vector_store %arg20[%swap3A_2449], %masked_cumsum3A_2448 {strides = array<i32>} : memref<16xi32, #tpu.memory_space<vmem>>, vector<16xi32>,
    %broadcast_in_dim3A_2451 = arith.constant 15 : i32
    %broadcast_in_dim3A_2452 = vector.broadcast %broadcast_in_dim3A_2451 : i32 to vector<16xi32>
    %gather3A_2453 = tpu.vector_load_idx %arg20[%broadcast_in_dim3A_2452] : memref<16xi32, #tpu.memory_space<vmem>>[vector<16xi32>], vector<16xi32>,
    %min3A_2454 = arith.constant 127 : i32
    %min3A_2455 = vector.broadcast %min3A_2454 : i32 to vector<16xi32>
    %min3A_2456 = arith.minsi %gather3A_2453, %min3A_2455 : vector<16xi32>
    %eq3A_2457 = arith.constant 7 : i32
    %eq3A_2458 = vector.broadcast %eq3A_2457 : i32 to vector<16xi32>
    %eq3A_2459 = arith.cmpi eq, %iota3A, %eq3A_2458 : vector<16xi32>
    %select_n3A_2460 = arith.select %eq3A_2459, %min3A_2456, %select_n3A_2289 : vector<16xi1>, vector<16xi32>
    %eq3A_2461 = arith.constant 0 : i32
    %eq3A_2462 = arith.cmpi eq, %arg0, %eq3A_2461 : i32
    %convert_element_type3A_2463 = arith.extui %eq3A_2462 : i1 to i32
    %cond3A = arith.constant 0 : i32
    %cond3A_2464 = arith.cmpi ne, %convert_element_type3A_2463, %cond3A : i32
    scf.if %cond3A_2464 {
      %swap3A_2465 = arith.constant 0 : index
      %swap3A_2466 = tpu.vector_load %arg21[%swap3A_2465] {strides = array<i32>} : memref<16xf32, #tpu.memory_space<vmem>>, vector<16xf32>,
      tpu.vector_store %arg21[%swap3A_2465], %select_n3A_603 {strides = array<i32>} : memref<16xf32, #tpu.memory_space<vmem>>, vector<16xf32>,
      %swap3A_2467 = arith.constant 0 : index
      %swap3A_2468 = tpu.vector_load %arg22[%swap3A_2467] {strides = array<i32>} : memref<16xf32, #tpu.memory_space<vmem>>, vector<16xf32>,
      tpu.vector_store %arg22[%swap3A_2467], %select_n3A_608 {strides = array<i32>} : memref<16xf32, #tpu.memory_space<vmem>>, vector<16xf32>,
      %swap3A_2469 = arith.constant 0 : index
      %swap3A_2470 = tpu.vector_load %arg23[%swap3A_2469] {strides = array<i32>} : memref<16xi32, #tpu.memory_space<vmem>>, vector<16xi32>,
      tpu.vector_store %arg23[%swap3A_2469], %select_n3A_869 {strides = array<i32>} : memref<16xi32, #tpu.memory_space<vmem>>, vector<16xi32>,
      %swap3A_2471 = arith.constant 0 : index
      %swap3A_2472 = tpu.vector_load %arg24[%swap3A_2471] {strides = array<i32>} : memref<16xi32, #tpu.memory_space<vmem>>, vector<16xi32>,
      tpu.vector_store %arg24[%swap3A_2471], %select_n3A_2460 {strides = array<i32>} : memref<16xi32, #tpu.memory_space<vmem>>, vector<16xi32>,
      %dma_start3A_2473 = arith.constant 0 : i32
      %dma_start3A_2474 = tpu.memref_slice %arg21[%dma_start3A_2473] : memref<16xf32, #tpu.memory_space<vmem>> -> memref<8xf32, #tpu.memory_space<vmem>>
      %dma_start3A_2475 = tpu.memref_slice %arg8[%mul3A_16] : memref<128xf32, #tpu.memory_space<hbm>> -> memref<8xf32, #tpu.memory_space<hbm>>
      %dma_start3A_2476 = tpu.memref_slice %arg8[%mul3A_16] : memref<128xf32, #tpu.memory_space<hbm>> -> memref<8xf32, #tpu.memory_space<hbm>>
      %dma_start3A_2477 = arith.constant 0 : i32
      %dma_start3A_2478 = tpu.memref_slice %arg21[%dma_start3A_2477] : memref<16xf32, #tpu.memory_space<vmem>> -> memref<8xf32, #tpu.memory_space<vmem>>
      tpu.enqueue_dma source(%dma_start3A_2478 : memref<8xf32, #tpu.memory_space<vmem>>) target(%dma_start3A_2476 : memref<8xf32, #tpu.memory_space<hbm>>) target_semaphore(%arg25 : memref<!tpu.dma_semaphore, #tpu.memory_space<semaphore_mem>>)
      %dma_start3A_2479 = arith.constant 0 : i32
      %dma_start3A_2480 = tpu.memref_slice %arg22[%dma_start3A_2479] : memref<16xf32, #tpu.memory_space<vmem>> -> memref<8xf32, #tpu.memory_space<vmem>>
      %dma_start3A_2481 = tpu.memref_slice %arg9[%mul3A_16] : memref<128xf32, #tpu.memory_space<hbm>> -> memref<8xf32, #tpu.memory_space<hbm>>
      %dma_start3A_2482 = tpu.memref_slice %arg9[%mul3A_16] : memref<128xf32, #tpu.memory_space<hbm>> -> memref<8xf32, #tpu.memory_space<hbm>>
      %dma_start3A_2483 = arith.constant 0 : i32
      %dma_start3A_2484 = tpu.memref_slice %arg22[%dma_start3A_2483] : memref<16xf32, #tpu.memory_space<vmem>> -> memref<8xf32, #tpu.memory_space<vmem>>
      tpu.enqueue_dma source(%dma_start3A_2484 : memref<8xf32, #tpu.memory_space<vmem>>) target(%dma_start3A_2482 : memref<8xf32, #tpu.memory_space<hbm>>) target_semaphore(%arg25 : memref<!tpu.dma_semaphore, #tpu.memory_space<semaphore_mem>>)
      %dma_start3A_2485 = arith.constant 0 : i32
      %dma_start3A_2486 = tpu.memref_slice %arg23[%dma_start3A_2485] : memref<16xi32, #tpu.memory_space<vmem>> -> memref<8xi32, #tpu.memory_space<vmem>>
      %dma_start3A_2487 = tpu.memref_slice %arg10[%mul3A_16] : memref<128xi32, #tpu.memory_space<hbm>> -> memref<8xi32, #tpu.memory_space<hbm>>
      %dma_start3A_2488 = tpu.memref_slice %arg10[%mul3A_16] : memref<128xi32, #tpu.memory_space<hbm>> -> memref<8xi32, #tpu.memory_space<hbm>>
      %dma_start3A_2489 = arith.constant 0 : i32
      %dma_start3A_2490 = tpu.memref_slice %arg23[%dma_start3A_2489] : memref<16xi32, #tpu.memory_space<vmem>> -> memref<8xi32, #tpu.memory_space<vmem>>
      tpu.enqueue_dma source(%dma_start3A_2490 : memref<8xi32, #tpu.memory_space<vmem>>) target(%dma_start3A_2488 : memref<8xi32, #tpu.memory_space<hbm>>) target_semaphore(%arg25 : memref<!tpu.dma_semaphore, #tpu.memory_space<semaphore_mem>>)
      %dma_start3A_2491 = arith.constant 0 : i32
      %dma_start3A_2492 = tpu.memref_slice %arg24[%dma_start3A_2491] : memref<16xi32, #tpu.memory_space<vmem>> -> memref<8xi32, #tpu.memory_space<vmem>>
      %dma_start3A_2493 = tpu.memref_slice %arg11[%mul3A_16] : memref<128xi32, #tpu.memory_space<hbm>> -> memref<8xi32, #tpu.memory_space<hbm>>
      %dma_start3A_2494 = tpu.memref_slice %arg11[%mul3A_16] : memref<128xi32, #tpu.memory_space<hbm>> -> memref<8xi32, #tpu.memory_space<hbm>>
      %dma_start3A_2495 = arith.constant 0 : i32
      %dma_start3A_2496 = tpu.memref_slice %arg24[%dma_start3A_2495] : memref<16xi32, #tpu.memory_space<vmem>> -> memref<8xi32, #tpu.memory_space<vmem>>
      tpu.enqueue_dma source(%dma_start3A_2496 : memref<8xi32, #tpu.memory_space<vmem>>) target(%dma_start3A_2494 : memref<8xi32, #tpu.memory_space<hbm>>) target_semaphore(%arg25 : memref<!tpu.dma_semaphore, #tpu.memory_space<semaphore_mem>>)
      %dma_wait3A_2497 = arith.constant 0 : i32
      %dma_wait3A_2498 = tpu.memref_slice %arg21[%dma_wait3A_2497] : memref<16xf32, #tpu.memory_space<vmem>> -> memref<8xf32, #tpu.memory_space<vmem>>
      %dma_wait3A_2499 = tpu.memref_slice %arg8[%mul3A_16] : memref<128xf32, #tpu.memory_space<hbm>> -> memref<8xf32, #tpu.memory_space<hbm>>
      %dma_wait3A_2500 = tpu.memref_slice %arg8[%mul3A_16] : memref<128xf32, #tpu.memory_space<hbm>> -> memref<8xf32, #tpu.memory_space<hbm>>
      %dma_wait3A_2501 = arith.constant 0 : i32
      %dma_wait3A_2502 = tpu.memref_slice %arg21[%dma_wait3A_2501] : memref<16xf32, #tpu.memory_space<vmem>> -> memref<8xf32, #tpu.memory_space<vmem>>
      tpu.wait_dma2 semaphore(%arg25 : memref<!tpu.dma_semaphore, #tpu.memory_space<semaphore_mem>>) src(%dma_wait3A_2502 : memref<8xf32, #tpu.memory_space<vmem>>) dst(%dma_wait3A_2500 : memref<8xf32, #tpu.memory_space<hbm>>)
      %dma_wait3A_2503 = arith.constant 0 : i32
      %dma_wait3A_2504 = tpu.memref_slice %arg22[%dma_wait3A_2503] : memref<16xf32, #tpu.memory_space<vmem>> -> memref<8xf32, #tpu.memory_space<vmem>>
      %dma_wait3A_2505 = tpu.memref_slice %arg9[%mul3A_16] : memref<128xf32, #tpu.memory_space<hbm>> -> memref<8xf32, #tpu.memory_space<hbm>>
      %dma_wait3A_2506 = tpu.memref_slice %arg9[%mul3A_16] : memref<128xf32, #tpu.memory_space<hbm>> -> memref<8xf32, #tpu.memory_space<hbm>>
      %dma_wait3A_2507 = arith.constant 0 : i32
      %dma_wait3A_2508 = tpu.memref_slice %arg22[%dma_wait3A_2507] : memref<16xf32, #tpu.memory_space<vmem>> -> memref<8xf32, #tpu.memory_space<vmem>>
      tpu.wait_dma2 semaphore(%arg25 : memref<!tpu.dma_semaphore, #tpu.memory_space<semaphore_mem>>) src(%dma_wait3A_2508 : memref<8xf32, #tpu.memory_space<vmem>>) dst(%dma_wait3A_2506 : memref<8xf32, #tpu.memory_space<hbm>>)
      %dma_wait3A_2509 = arith.constant 0 : i32
      %dma_wait3A_2510 = tpu.memref_slice %arg23[%dma_wait3A_2509] : memref<16xi32, #tpu.memory_space<vmem>> -> memref<8xi32, #tpu.memory_space<vmem>>
      %dma_wait3A_2511 = tpu.memref_slice %arg10[%mul3A_16] : memref<128xi32, #tpu.memory_space<hbm>> -> memref<8xi32, #tpu.memory_space<hbm>>
      %dma_wait3A_2512 = tpu.memref_slice %arg10[%mul3A_16] : memref<128xi32, #tpu.memory_space<hbm>> -> memref<8xi32, #tpu.memory_space<hbm>>
      %dma_wait3A_2513 = arith.constant 0 : i32
      %dma_wait3A_2514 = tpu.memref_slice %arg23[%dma_wait3A_2513] : memref<16xi32, #tpu.memory_space<vmem>> -> memref<8xi32, #tpu.memory_space<vmem>>
      tpu.wait_dma2 semaphore(%arg25 : memref<!tpu.dma_semaphore, #tpu.memory_space<semaphore_mem>>) src(%dma_wait3A_2514 : memref<8xi32, #tpu.memory_space<vmem>>) dst(%dma_wait3A_2512 : memref<8xi32, #tpu.memory_space<hbm>>)
      %dma_wait3A_2515 = arith.constant 0 : i32
      %dma_wait3A_2516 = tpu.memref_slice %arg24[%dma_wait3A_2515] : memref<16xi32, #tpu.memory_space<vmem>> -> memref<8xi32, #tpu.memory_space<vmem>>
      %dma_wait3A_2517 = tpu.memref_slice %arg11[%mul3A_16] : memref<128xi32, #tpu.memory_space<hbm>> -> memref<8xi32, #tpu.memory_space<hbm>>
      %dma_wait3A_2518 = tpu.memref_slice %arg11[%mul3A_16] : memref<128xi32, #tpu.memory_space<hbm>> -> memref<8xi32, #tpu.memory_space<hbm>>
      %dma_wait3A_2519 = arith.constant 0 : i32
      %dma_wait3A_2520 = tpu.memref_slice %arg24[%dma_wait3A_2519] : memref<16xi32, #tpu.memory_space<vmem>> -> memref<8xi32, #tpu.memory_space<vmem>>
      tpu.wait_dma2 semaphore(%arg25 : memref<!tpu.dma_semaphore, #tpu.memory_space<semaphore_mem>>) src(%dma_wait3A_2520 : memref<8xi32, #tpu.memory_space<vmem>>) dst(%dma_wait3A_2518 : memref<8xi32, #tpu.memory_space<hbm>>)
    } else {
    }
    return
  }
}

module attributes {stable_mosaic.version = 14 : i64} {
  func.func @_mlp_body(%arg0: i32, %arg1: memref<2048x1024xf32, #tpu.memory_space<vmem>>, %arg2: memref<1024x1024xf32, #tpu.memory_space<vmem>>, %arg3: memref<1x1024xf32, #tpu.memory_space<vmem>>, %arg4: memref<1024x1024xf32, #tpu.memory_space<vmem>>, %arg5: memref<1x1024xf32, #tpu.memory_space<vmem>>, %arg6: memref<1024x128xf32, #tpu.memory_space<vmem>>, %arg7: memref<1x128xf32, #tpu.memory_space<vmem>>, %arg8: memref<2048x128xf32, #tpu.memory_space<vmem>>, %arg9: memref<2048x1xf32, #tpu.memory_space<vmem>>) attributes {dimension_semantics = [#tpu.dimension_semantics<arbitrary>], iteration_bounds = array<i64: 4>, scalar_prefetch = 0 : i64, scratch_operands = 0 : i64, tpu.core_type = #tpu.core_type<tc>, window_params = [{transform_indices = @transform_0, window_bounds = array<i64: 2048, 1024>}, {pipeline_mode = #tpu.pipeline_mode<synchronous>, transform_indices = @transform_1, window_bounds = array<i64: 1024, 1024>}, {pipeline_mode = #tpu.pipeline_mode<synchronous>, transform_indices = @transform_2, window_bounds = array<i64: 1, 1024>}, {pipeline_mode = #tpu.pipeline_mode<synchronous>, transform_indices = @transform_3, window_bounds = array<i64: 1024, 1024>}, {pipeline_mode = #tpu.pipeline_mode<synchronous>, transform_indices = @transform_4, window_bounds = array<i64: 1, 1024>}, {pipeline_mode = #tpu.pipeline_mode<synchronous>, transform_indices = @transform_5, window_bounds = array<i64: 1024, 128>}, {pipeline_mode = #tpu.pipeline_mode<synchronous>, transform_indices = @transform_6, window_bounds = array<i64: 1, 128>}, {transform_indices = @transform_7, window_bounds = array<i64: 2048, 128>}, {transform_indices = @transform_8, window_bounds = array<i64: 2048, 1>}]} {
    %get3A = arith.constant 0 : index
    %get3A_0 = arith.constant 0 : index
    %get3A_1 = vector.load %arg1[%get3A, %get3A_0] : memref<2048x1024xf32, #tpu.memory_space<vmem>>, vector<2048x1024xf32>
    %get3A_2 = arith.constant 0 : index
    %get3A_3 = arith.constant 0 : index
    %get3A_4 = vector.load %arg2[%get3A_2, %get3A_3] : memref<1024x1024xf32, #tpu.memory_space<vmem>>, vector<1024x1024xf32>
    %dot_general3A = arith.constant dense<0.000000e+00> : vector<2048x1024xf32>
    %dot_general3A_5 = tpu.matmul %get3A_1, %get3A_4, %dot_general3A {dimension_numbers = #tpu.dot_dimension_numbers<[1], [0], [0], [1], [0, 0, 1, 1], [], []>, transpose_lhs_hint = false} : vector<2048x1024xf32>, vector<1024x1024xf32>, vector<2048x1024xf32> -> vector<2048x1024xf32>
    %get3A_6 = arith.constant 0 : index
    %get3A_7 = arith.constant 0 : index
    %get3A_8 = vector.load %arg3[%get3A_6, %get3A_7] : memref<1x1024xf32, #tpu.memory_space<vmem>>, vector<1x1024xf32>
    %add3A = vector.broadcast %get3A_8 : vector<1x1024xf32> to vector<2048x1024xf32>
    %add3A_9 = arith.addf %dot_general3A_5, %add3A : vector<2048x1024xf32>
    %max3A = arith.constant 0.000000e+00 : f32
    %max3A_10 = vector.broadcast %max3A : f32 to vector<2048x1024xf32>
    %max3A_11 = arith.maximumf %add3A_9, %max3A_10 : vector<2048x1024xf32>
    %get3A_12 = arith.constant 0 : index
    %get3A_13 = arith.constant 0 : index
    %get3A_14 = vector.load %arg4[%get3A_12, %get3A_13] : memref<1024x1024xf32, #tpu.memory_space<vmem>>, vector<1024x1024xf32>
    %dot_general3A_15 = arith.constant dense<0.000000e+00> : vector<2048x1024xf32>
    %dot_general3A_16 = tpu.matmul %max3A_11, %get3A_14, %dot_general3A_15 {dimension_numbers = #tpu.dot_dimension_numbers<[1], [0], [0], [1], [0, 0, 1, 1], [], []>, transpose_lhs_hint = false} : vector<2048x1024xf32>, vector<1024x1024xf32>, vector<2048x1024xf32> -> vector<2048x1024xf32>
    %get3A_17 = arith.constant 0 : index
    %get3A_18 = arith.constant 0 : index
    %get3A_19 = vector.load %arg5[%get3A_17, %get3A_18] : memref<1x1024xf32, #tpu.memory_space<vmem>>, vector<1x1024xf32>
    %add3A_20 = vector.broadcast %get3A_19 : vector<1x1024xf32> to vector<2048x1024xf32>
    %add3A_21 = arith.addf %dot_general3A_16, %add3A_20 : vector<2048x1024xf32>
    %max3A_22 = arith.constant 0.000000e+00 : f32
    %max3A_23 = vector.broadcast %max3A_22 : f32 to vector<2048x1024xf32>
    %max3A_24 = arith.maximumf %add3A_21, %max3A_23 : vector<2048x1024xf32>
    %get3A_25 = arith.constant 0 : index
    %get3A_26 = arith.constant 0 : index
    %get3A_27 = vector.load %arg6[%get3A_25, %get3A_26] : memref<1024x128xf32, #tpu.memory_space<vmem>>, vector<1024x128xf32>
    %dot_general3A_28 = arith.constant dense<0.000000e+00> : vector<2048x128xf32>
    %dot_general3A_29 = tpu.matmul %max3A_24, %get3A_27, %dot_general3A_28 {dimension_numbers = #tpu.dot_dimension_numbers<[1], [0], [0], [1], [0, 0, 1, 1], [], []>, transpose_lhs_hint = false} : vector<2048x1024xf32>, vector<1024x128xf32>, vector<2048x128xf32> -> vector<2048x128xf32>
    %get3A_30 = arith.constant 0 : index
    %get3A_31 = arith.constant 0 : index
    %get3A_32 = vector.load %arg7[%get3A_30, %get3A_31] : memref<1x128xf32, #tpu.memory_space<vmem>>, vector<1x128xf32>
    %add3A_33 = vector.broadcast %get3A_32 : vector<1x128xf32> to vector<2048x128xf32>
    %add3A_34 = arith.addf %dot_general3A_29, %add3A_33 : vector<2048x128xf32>
    %exp3A = math.exp %add3A_34 : vector<2048x128xf32>
    %swap3A = arith.constant 0 : index
    %swap3A_35 = arith.constant 0 : index
    %swap3A_36 = vector.load %arg8[%swap3A, %swap3A_35] : memref<2048x128xf32, #tpu.memory_space<vmem>>, vector<2048x128xf32>
    tpu.vector_store %arg8[%swap3A, %swap3A_35], %exp3A {strides = array<i32>} : memref<2048x128xf32, #tpu.memory_space<vmem>>, vector<2048x128xf32>,
    %reduce_sum3A = arith.constant dense<0.000000e+00> : vector<2048xf32>
    %reduce_sum3A_37 = vector.multi_reduction <add>, %exp3A, %reduce_sum3A [1] : vector<2048x128xf32> to vector<2048xf32>
    %broadcast_in_dim3A = vector.shape_cast %reduce_sum3A_37 : vector<2048xf32> to vector<2048x1xf32>
    %swap3A_38 = arith.constant 0 : index
    %swap3A_39 = arith.constant 0 : index
    %swap3A_40 = vector.load %arg9[%swap3A_38, %swap3A_39] : memref<2048x1xf32, #tpu.memory_space<vmem>>, vector<2048x1xf32>
    tpu.vector_store %arg9[%swap3A_38, %swap3A_39], %broadcast_in_dim3A {strides = array<i32>} : memref<2048x1xf32, #tpu.memory_space<vmem>>, vector<2048x1xf32>,
    return
  }
  func.func @transform_0(%arg0: i32) -> (i32, i32) {
    %c0_i32 = arith.constant 0 : i32
    %c0_i32_0 = arith.constant 0 : i32
    return %arg0, %c0_i32 : i32, i32
  }
  func.func @transform_1(%arg0: i32) -> (i32, i32) {
    %c0_i32 = arith.constant 0 : i32
    %c0_i32_0 = arith.constant 0 : i32
    %c0_i32_1 = arith.constant 0 : i32
    return %c0_i32, %c0_i32_0 : i32, i32
  }
  func.func @transform_2(%arg0: i32) -> (i32, i32) {
    %c0_i32 = arith.constant 0 : i32
    %c0_i32_0 = arith.constant 0 : i32
    %c0_i32_1 = arith.constant 0 : i32
    return %c0_i32, %c0_i32_0 : i32, i32
  }
  func.func @transform_3(%arg0: i32) -> (i32, i32) {
    %c0_i32 = arith.constant 0 : i32
    %c0_i32_0 = arith.constant 0 : i32
    %c0_i32_1 = arith.constant 0 : i32
    return %c0_i32, %c0_i32_0 : i32, i32
  }
  func.func @transform_4(%arg0: i32) -> (i32, i32) {
    %c0_i32 = arith.constant 0 : i32
    %c0_i32_0 = arith.constant 0 : i32
    %c0_i32_1 = arith.constant 0 : i32
    return %c0_i32, %c0_i32_0 : i32, i32
  }
  func.func @transform_5(%arg0: i32) -> (i32, i32) {
    %c0_i32 = arith.constant 0 : i32
    %c0_i32_0 = arith.constant 0 : i32
    %c0_i32_1 = arith.constant 0 : i32
    return %c0_i32, %c0_i32_0 : i32, i32
  }
  func.func @transform_6(%arg0: i32) -> (i32, i32) {
    %c0_i32 = arith.constant 0 : i32
    %c0_i32_0 = arith.constant 0 : i32
    %c0_i32_1 = arith.constant 0 : i32
    return %c0_i32, %c0_i32_0 : i32, i32
  }
  func.func @transform_7(%arg0: i32) -> (i32, i32) {
    %c0_i32 = arith.constant 0 : i32
    %c0_i32_0 = arith.constant 0 : i32
    return %arg0, %c0_i32 : i32, i32
  }
  func.func @transform_8(%arg0: i32) -> (i32, i32) {
    %c0_i32 = arith.constant 0 : i32
    %c0_i32_0 = arith.constant 0 : i32
    return %arg0, %c0_i32 : i32, i32
  }
}

module attributes {stable_mosaic.version = 14 : i64} {
  func.func @_probs_body(%arg0: i32, %arg1: memref<4096x128xf32, #tpu.memory_space<vmem>>, %arg2: memref<4096x1xi32, #tpu.memory_space<vmem>>, %arg3: memref<1x128xf32, #tpu.memory_space<vmem>>, %arg4: memref<4096x128xf32, #tpu.memory_space<vmem>>) attributes {dimension_semantics = [#tpu.dimension_semantics<arbitrary>], iteration_bounds = array<i64: 2>, scalar_prefetch = 0 : i64, scratch_operands = 0 : i64, tpu.core_type = #tpu.core_type<tc>, window_params = [{transform_indices = @transform_0, window_bounds = array<i64: 4096, 128>}, {transform_indices = @transform_1, window_bounds = array<i64: 4096, 1>}, {pipeline_mode = #tpu.pipeline_mode<synchronous>, transform_indices = @transform_2, window_bounds = array<i64: 1, 128>}, {transform_indices = @transform_3, window_bounds = array<i64: 4096, 128>}]} {
    %get3A = arith.constant 0 : index
    %get3A_0 = arith.constant 0 : index
    %get3A_1 = vector.load %arg2[%get3A, %get3A_0] : memref<4096x1xi32, #tpu.memory_space<vmem>>, vector<4096x1xi32>
    %iota3A = tpu.iota {dimensions = array<i32: 1>} : vector<1x128xi32>
    %eq3A = vector.broadcast %get3A_1 : vector<4096x1xi32> to vector<4096x128xi32>
    %eq3A_2 = vector.broadcast %iota3A : vector<1x128xi32> to vector<4096x128xi32>
    %eq3A_3 = arith.cmpi eq, %eq3A, %eq3A_2 : vector<4096x128xi32>
    %convert_element_type3A = arith.extui %eq3A_3 : vector<4096x128xi1> to vector<4096x128xi32>
    %convert_element_type3A_4 = arith.sitofp %convert_element_type3A : vector<4096x128xi32> to vector<4096x128xf32>
    %get3A_5 = arith.constant 0 : index
    %get3A_6 = arith.constant 0 : index
    %get3A_7 = vector.load %arg3[%get3A_5, %get3A_6] : memref<1x128xf32, #tpu.memory_space<vmem>>, vector<1x128xf32>
    %transpose3A = tpu.transpose %get3A_7, [1, 0] : vector<1x128xf32> -> vector<128x1xf32>
    %dot_general3A = arith.constant dense<0.000000e+00> : vector<4096x1xf32>
    %dot_general3A_8 = tpu.matmul %convert_element_type3A_4, %transpose3A, %dot_general3A {dimension_numbers = #tpu.dot_dimension_numbers<[1], [0], [0], [1], [0, 0, 1, 1], [], []>, transpose_lhs_hint = false} : vector<4096x128xf32>, vector<128x1xf32>, vector<4096x1xf32> -> vector<4096x1xf32>
    %get3A_9 = arith.constant 0 : index
    %get3A_10 = arith.constant 0 : index
    %get3A_11 = vector.load %arg1[%get3A_9, %get3A_10] : memref<4096x128xf32, #tpu.memory_space<vmem>>, vector<4096x128xf32>
    %mul3A = vector.broadcast %dot_general3A_8 : vector<4096x1xf32> to vector<4096x128xf32>
    %mul3A_12 = arith.mulf %get3A_11, %mul3A : vector<4096x128xf32>
    %swap3A = arith.constant 0 : index
    %swap3A_13 = arith.constant 0 : index
    %swap3A_14 = vector.load %arg4[%swap3A, %swap3A_13] : memref<4096x128xf32, #tpu.memory_space<vmem>>, vector<4096x128xf32>
    tpu.vector_store %arg4[%swap3A, %swap3A_13], %mul3A_12 {strides = array<i32>} : memref<4096x128xf32, #tpu.memory_space<vmem>>, vector<4096x128xf32>,
    return
  }
  func.func @transform_0(%arg0: i32) -> (i32, i32) {
    %c0_i32 = arith.constant 0 : i32
    %c0_i32_0 = arith.constant 0 : i32
    return %arg0, %c0_i32 : i32, i32
  }
  func.func @transform_1(%arg0: i32) -> (i32, i32) {
    %c0_i32 = arith.constant 0 : i32
    %c0_i32_0 = arith.constant 0 : i32
    return %arg0, %c0_i32 : i32, i32
  }
  func.func @transform_2(%arg0: i32) -> (i32, i32) {
    %c0_i32 = arith.constant 0 : i32
    %c0_i32_0 = arith.constant 0 : i32
    %c0_i32_1 = arith.constant 0 : i32
    return %c0_i32, %c0_i32_0 : i32, i32
  }
  func.func @transform_3(%arg0: i32) -> (i32, i32) {
    %c0_i32 = arith.constant 0 : i32
    %c0_i32_0 = arith.constant 0 : i32
    return %arg0, %c0_i32 : i32, i32
  }
}

</mosaic_0001>

<sc_bundles>
// kernel: kernel.5.cloned.1.call-start
scs
__scs_entry_jumppad:
0x0: {  	(pc) =	sbr.rel $0x88, $3  }
0x1: {  	(tag) =	ssettag $0x0;
	lr =	simm.s32 $0x1  }
0x2: {  	[smem:$0x3F98] =	sst lr;
	_ =	strace $0xD0000000  }
0x3: {  	_ = 	snop  }
0x4: {  	_ = 	snop  }
0x5: {  	_ = 	snop  }
0x6: {  	_ = 	snop  }
0x7: {  	_ = 	snop  }
__scs_overlays_trampoline_lowered:
0x8: {  	[smem:$0x3FA7] =	sst s0  }
0x9: {  	[smem:$0x3FA8] =	sst s1  }
0xa: {  	[smem:$0x3FA9] =	sst s2  }
0xb: {  	[smem:$0x3FAA] =	sst s3  }
0xc: {  	[smem:$0x3FAB] =	sst s4  }
0xd: {  	[smem:$0x3FAC] =	sst s5  }
0xe: {  	[smem:$0x3FAD] =	sst s6  }
0xf: {  	[smem:$0x3FAE] =	sst s7  }
0x10: {  	[smem:$0x3FAF] =	sst s8  }
0x11: {  	[smem:$0x3FB0] =	sst s9;
	s0 =	simm.s32 @!p0 $0x0  }
0x12: {  	s1 =	sld [smem:$0x3F96];
	s0 =	simm.s32 @p0 $0x1  }
0x13: {  	[smem:$0x3FB1] =	sst s0;
	s0 =	simm.s32 @!p1 $0x0  }
0x14: {  	s2 =	sld [smem:$0x3F95];
	s0 =	simm.s32 @p1 $0x1  }
0x15: {  	[smem:$0x3FB2] =	sst s0;
	s0 =	simm.s32 @!p2 $0x0  }
0x16: {  	s3 =	sld [smem:$0x3FDB];
	s0 =	simm.s32 @p2 $0x1  }
0x17: {  	s4 =	simm.s32 $0x1BF5;
	[smem:$0x3FB4] =	sst s0  }
0x18: {  	s0 =	sld [smem:$0x3F97];
	_ =	swait.ge [sflag:s4], $0x0  }
0x19: {  	s7 =	sld [smem:$0x3F98]  }
0x1a: {  	s8 =	sadd.s32 $0xFFFFE003, lr  }
0x1b: {  	s9 =	sadd.s32 $0xFFFFFEF7, lr;
	s5 =	simm.s32 $0xFFFFFFFF;
	p2 =	slt.u32 s8, $0xFFFFF086  }
0x1c: {  	p1 =	slt.u32 s9, $0xF7A;
	s5 =	simm.s32 @!p2 $0x0  }
0x1d: {  	s5 =	simm.s32 @p1 $0x1;
	p0 =	seq.s32 s7, s2  }
0x1e: {  	s7 =	smul.u32 @!p0 $0xF7A, s2;
	p2 =	seq.s32 @!p0 s5, $0x0  }
0x1f: {  	s9 =	smul.u32 $0xF7A, s1;
	s8 =	simm.s32 @!p0 $0x1BF5;
	p2 =	por !p2, p0  }
0x20: {  	[sflag:s8] =	ssyncset.s32 @!p0 $0xFFFFF086;
	s6 =	sadd.s32 @!p0 s3, s7;
	s7 =	simm.s32 @!p0 $0x108  }
0x21: {  	s3 =	sadd.s32 s3, s9;
	s6 =	sadd.s32 @!p0 $0x88, s6;
	s7 =	simm.s32 @p2 $0x1082  }
0x22: {  	[simem:s7], [sflag:s8] =	dma.local @!p0 [hbm:s6], $0xF7A  }
0x23: {  	s9 =	sor.u32 $0xD0000000, s2;
	s6 =	simm.s32 $0x108;
	_ =	swait.ge @!p0 [sflag:s8], $0x0  }
0x24: {  	s3 =	sadd.s32 $0x88, s3;
	s6 =	simm.s32 @!p1 $0x1082;
	[sflag:s4] =	ssyncset.s32 $0xFFFFF086  }
0x25: {  	[simem:s6], [sflag:s4] =	dma.local [hbm:s3], $0xF7A  }
0x26: {  	[smem:$0x3F98] =	sst s1;
	(tag) =	ssettag s2;
	_ =	strace s9  }
0x27: {  	s1 =	sld [smem:$0x3FA8]  }
0x28: {  	s2 =	sld [smem:$0x3FA9]  }
0x29: {  	s4 =	sld [smem:$0x3FAB]  }
0x2a: {  	p0 =	seq.s32 s5, $0x0;
	s5 =	sld [smem:$0x3FAC]  }
0x2b: {  	s6 =	sld [smem:$0x3FAD]  }
0x2c: {  	s7 =	sld [smem:$0x3FAE]  }
0x2d: {  	s3 =	simm.s32 $0x108;
	s8 =	sld [smem:$0x3FAF]  }
0x2e: {  	s3 =	simm.s32 @!p0 $0x1082;
	s9 =	sld [smem:$0x3FB0]  }
0x2f: {  	lr =	sadd.s32 s0, s3;
	s0 =	sld [smem:$0x3FA7]  }
0x30: {  	s3 =	sld [smem:$0x3FAA]  }
0x31: {  	[smem:$0x3FB3] =	sst s10  }
0x32: {  	s10 =	sld [smem:$0x3FB1];
	_ =	sdelay $0x3  }
0x33: {  	p0 =	seq.s32 s10, $0x1;
	s10 =	sld [smem:$0x3FB3];
	_ =	sdelay $0x3  }
0x34: {  	[smem:$0x3FB3] =	sst s10  }
0x35: {  	s10 =	sld [smem:$0x3FB2];
	_ =	sdelay $0x3  }
0x36: {  	p1 =	seq.s32 s10, $0x1;
	s10 =	sld [smem:$0x3FB3];
	_ =	sdelay $0x3  }
0x37: {  	[smem:$0x3FB3] =	sst s10  }
0x38: {  	s10 =	sld [smem:$0x3FB4]  }
0x39: {  	_ = 	snop;
	(pc) =	sbr.ind lr, $3  }
0x3a: {  	_ = 	snop  }
0x3b: {  	_ = 	snop  }
0x3c: {  	p2 =	seq.s32 s10, $0x1;
	s10 =	sld [smem:$0x3FB3]  }
0x3d: {  	_ =	shalt  }
0x3e: {  	_ =	shalt  }
0x3f: {  	_ =	shalt  }
0x40: {  	_ =	shalt  }
0x41: {  	_ =	shalt  }
0x42: {  	_ =	shalt  }
0x43: {  	_ =	shalt  }
0x44: {  	_ =	shalt  }
0x45: {  	_ =	shalt  }
0x46: {  	_ =	shalt  }
0x47: {  	_ =	shalt  }
0x48: {  	_ =	shalt  }
0x49: {  	_ =	shalt  }
0x4a: {  	_ =	shalt  }
0x4b: {  	_ =	shalt  }
0x4c: {  	_ =	shalt  }
0x4d: {  	_ =	shalt  }
0x4e: {  	_ =	shalt  }
0x4f: {  	_ =	shalt  }
0x50: {  	_ =	shalt  }
0x51: {  	_ =	shalt  }
0x52: {  	_ =	shalt  }
0x53: {  	_ =	shalt  }
0x54: {  	_ =	shalt  }
0x55: {  	_ =	shalt  }
0x56: {  	_ =	shalt  }
0x57: {  	_ =	shalt  }
0x58: {  	_ =	shalt  }
0x59: {  	_ =	shalt  }
0x5a: {  	_ =	shalt  }
0x5b: {  	_ =	shalt  }
0x5c: {  	_ =	shalt  }
0x5d: {  	_ =	shalt  }
0x5e: {  	_ =	shalt  }
0x5f: {  	_ =	shalt  }
0x60: {  	_ =	shalt  }
0x61: {  	_ =	shalt  }
0x62: {  	_ =	shalt  }
0x63: {  	_ =	shalt  }
0x64: {  	_ =	shalt  }
0x65: {  	_ =	shalt  }
0x66: {  	_ =	shalt  }
0x67: {  	_ =	shalt  }
0x68: {  	_ =	shalt  }
0x69: {  	_ =	shalt  }
0x6a: {  	_ =	shalt  }
0x6b: {  	_ =	shalt  }
0x6c: {  	_ =	shalt  }
0x6d: {  	_ =	shalt  }
0x6e: {  	_ =	shalt  }
0x6f: {  	_ =	shalt  }
0x70: {  	_ =	shalt  }
0x71: {  	_ =	shalt  }
0x72: {  	_ =	shalt  }
0x73: {  	_ =	shalt  }
0x74: {  	_ =	shalt  }
0x75: {  	_ =	shalt  }
0x76: {  	_ =	shalt  }
0x77: {  	_ =	shalt  }
0x78: {  	_ =	shalt  }
0x79: {  	_ =	shalt  }
0x7a: {  	_ =	shalt  }
0x7b: {  	_ =	shalt  }
0x7c: {  	_ =	shalt  }
0x7d: {  	_ =	shalt  }
0x7e: {  	_ =	shalt  }
0x7f: {  	_ =	shalt  }
0x80: {  	_ =	shalt  }
0x81: {  	_ =	shalt  }
0x82: {  	_ =	shalt  }
0x83: {  	_ =	shalt  }
0x84: {  	_ =	shalt  }
0x85: {  	_ =	shalt  }
0x86: {  	_ =	shalt  }
0x87: {  	_ =	shalt  }
.Lfunc_end0:
.L_simem_size_0:
called_computation_lowered:
.L_overlay_start_0:
0x88: {  	s2 =	sld [smem:$0x3FD9]  }
0x89: {  	s3 =	sld [smem:$0x3FFE];
	_ =	sdelay $0x1  }
0x8a: {  	s1 =	srdreg.scid  }
0x8b: {  	s0 =	sand.u32 $0x1, s1  }
0x8c: {  	s14 =	sshll.u32 s0, $0xA;
	s2 =	sadd.s32 s3, s2  }
0x8d: {  	s2 =	sadd.s32 s2, s14  }
0x8e: {  	[smem:$0x3FBF] =	sst s2  }
0x8f: {  	_ = 	snop  }
0x90: {  	s2 =	sld [smem:$0x3FD0];
	_ =	sdelay $0x1  }
0x91: {  	s15 =	sld [smem:$0x3FC8]  }
0x92: {  	s5 =	simm.s32 $0xA;
	s6 =	simm.s32 $0x10;
	s4 =	sld [smem:$0x3FC7]  }
0x93: {  	[smem:s6], [sflag:s5] =	dma.local [hbm:s2], $0x1  }
0x94: {  	_ =	swait.eq [sflag:s5], $0x1  }
0x95: {  	s16 =	sld [smem:$0x10]  }
0x96: {  	s17 =	sld [smem:$0x11];
	[sflag:s5] =	ssyncset.done $0x0  }
0x97: {  	s7 =	sld [smem:$0x12];
	[sflag:s5] =	ssyncadd.s32 $0xFFFFFFFF  }
0x98: {  	s18 =	sld [smem:$0x13];
	(tm) =	ssettm $0x1  }
0x99: {  	s8 =	sld [smem:$0x3FFB];
	_ =	sdelay $0x3  }
0x9a: {  	_ =	strace s8  }
0x9b: {  	s8 =	sld [smem:$0x3FFC];
	_ =	sdelay $0x3  }
0x9c: {  	_ =	strace s8  }
0x9d: {  	s8 =	sld [smem:$0x3FFD];
	_ =	sdelay $0x3  }
0x9e: {  	_ =	strace s8  }
0x9f: {  	_ =	strace $0x8FFFFFFF  }
0xa0: {  	s19 =	sld [smem:$0x3FDB];
	_ =	sdelay $0x1  }
0xa1: {  	s9 =	simm.s32 $_scs_section_size  }
0xa2: {  	s10 =	simm.s32 $_size__tile_overlayer_lowered;
	s11 =	simm.s32 $_tile_overlayer_lowered  }
0xa3: {  	s22 =	simm.s32 $0x1BFF;
	s21 =	sshll.u32 s11, $0x1;
	s8 =	sadd.s32 s9, s19  }
0xa4: {  	s12 =	simm.s32 $0x0;
	s20 =	sshll.u32 s10, $0x1;
	s10 =	sadd.s32 s21, s8  }
0xa5: {  	[timem:s12], [sflag:s22] =	dma.local [hbm:s10], s20  }
0xa6: {  	_ =	swait.ge [sflag:s22], s20  }
0xa7: {  	s9 =	ssub.s32 $0x0, s20;
	[sflag:s22] =	ssyncset.done $0x0  }
0xa8: {  	[sflag:s22] =	ssyncadd.s32 s9;
	_ =	sdelay $0x1  }
0xa9: {  	s23 =	simm.s32 $0x1B8B  }
0xaa: {  	_ =	swait.ge [sflag:s23], $0x1  }
0xab: {  	[sflag:s23] =	ssyncset.done $0x0  }
0xac: {  	s25 =	simm.s32 $0x1B8E;
	s24 =	sld [smem:$0x3FFE];
	[sflag:s23] =	ssyncadd.s32 $0xFFFFFFFF  }
0xad: {  	s26 =	simm.s32 $execute0_lowered;
	[smem:$0x3FD2] =	sst s25  }
0xae: {  	s10 =	sshll.u32 s26, $0x1;
	_ =	strace $0x80000046;
	[dreg:$0x1] =	wrdreg $0xFFFFFFFF  }
0xaf: {  	s28 =	simm.s32 $_size_execute0_lowered;
	s8 =	sadd.s32 s8, s10;
	[dreg:$0x0] =	wrdreg $0x0  }
0xb0: {  	s10 =	sshll.u32 s28, $0x1;
	[dreg:$0x2] =	wrdreg s8  }
0xb1: {  	[dreg:$0x3] =	wrdreg s10  }
0xb2: {  	[dreg:$0x4] =	wrdreg $0xC0  }
0xb3: {  	_ =	task [dreg:s12], $0x5FFFF  }
0xb4: {  	[dreg:$0x1] =	wrdreg $0xFFFFFFFF  }
0xb5: {  	[dreg:$0x0] =	wrdreg $0x60  }
0xb6: {  	[dreg:$0x2] =	wrdreg s24  }
0xb7: {  	[dreg:$0x3] =	wrdreg s4  }
0xb8: {  	[dreg:$0x4] =	wrdreg s15  }
0xb9: {  	[dreg:$0x5] =	wrdreg s16  }
0xba: {  	[dreg:$0x6] =	wrdreg s17  }
0xbb: {  	[dreg:$0x7] =	wrdreg s7  }
0xbc: {  	[dreg:$0x8] =	wrdreg s18  }
0xbd: {  	[dreg:$0x9] =	wrdreg $0x9  }
0xbe: {  	_ =	task.clear_ibuf [dreg:s12], $0xAFFFF;
	_ =	strace $0x90000046  }
0xbf: {  	s29 =	simm.s32 $0x9;
	_ =	strace $0x80000048  }
0xc0: {  	_ =	swait.ge [sflag:s29], $0x1  }
0xc1: {  	[sflag:s29] =	ssyncadd.s32 $0xFFFFFFFF  }
0xc2: {  	_ =	strace $0x90000048  }
0xc3: {  	_ =	sfence  }
0xc4: {  	s30 =	sld [smem:$0x0];
	_ =	sdelay $0x2  }
0xc5: {  	s31 =	sshll.u32 s1, $0xD;
	s1 =	sshrl.u32 s1, $0x2  }
0xc6: {  	s3 =	sand.u32 $0x4000, s31;
	s1 =	sadd.s32 s1, s30  }
0xc7: {  	s0 =	sor.u32 s3, s0;
	s1 =	sshll.u32 s1, $0x11  }
0xc8: {  	s0 =	sor.u32 s1, s0  }
0xc9: {  	s0 =	sadd.s32 $0x8F2B, s0  }
0xca: {  	[sflag:s0] =	ssyncadd.remote.s32 $0x1  }
0xcb: {  	_ =	sfence.sel $0xFFFF  }
0xcc: {  	[dreg:$0x0] =	wrdreg $0xFFFFFFFF;
	(pc) =	sbr.abs _section_cstart, $3  }
0xcd: {  	[dreg:$0x1] =	wrdreg $0xFFFFFFFF  }
0xce: {  	_ =	task.clear_ibuf [dreg:s12], $0x2FFFF;
	_ =	strace $0x9FFFFFFF  }
0xcf: {  	(tm) =	ssettm $0x7FFFFFFF  }
tec
execute0_lowered:
.L_overlay_start_1:
0x0: {  	(tag) =	ssettag $0x1  }
0x1: {  	s0 =	rddreg [dreg:$0x0]  }
0x2: {  	s28 =	rddreg [dreg:$0x1]  }
0x3: {  	s3 =	rddreg [dreg:$0x3]  }
0x4: {  	s1 =	rddreg [dreg:$0x4]  }
0x5: {  	s2 =	rddreg [dreg:$0x5]  }
0x6: {  	s5 =	rddreg [dreg:$0x6]  }
0x7: {  	s4 =	simm.s32 $0x0;
	v0 =	vimm.s32 $0x76543210;
	s15 =	stileid.u32;
	s9 =	srdreg.scid;
	vm0 =	vcmask $0x1F00  }
0x8: {  	s16 =	simm.s32 $0x6200;
	s17 =	simm.s32 $0x6280;
	s18 =	simm.s32 $0x2;
	v9 =	vimm.s32 $0xFFF;
	v10 =	vimm.s32 $0x0;
	v11 =	vlaneseq.u32  }
0x9: {  	vm1 =	vmmov $0x1;
	vm2 =	vcmask $0x320;
	vm3 =	vcmask $0x720;
	s29 =	simm.s32 $0x1;
	s30 =	simm.s32 $0x6700;
	s31 =	simm.s32 $0x6780  }
0xa: {  	vm4 =	vcmask $0xB20;
	vm5 =	vcmask $0xF20;
	vm6 =	vcmask $0x1320;
	[smem:$0x7FF] =	sst s4;
	s6 =	sadd.s32 $0x1E00, s0;
	s7 =	sadd.s32 $0x2200, s0  }
0xb: {  	vm7 =	vcmask $0x1720;
	vm8 =	vcmask $0x1B20;
	v12 =	vimm.s32 $0xF;
	s8 =	sadd.s32 $0x2400, s0;
	s9 =	sand.u32 $0x1, s9;
	s10 =	sshll.u32 s15, $0x3  }
0xc: {  	v13 =	vimm.s32 $0x1F;
	v14 =	vimm.s32 $0x2F;
	v15 =	vimm.s32 $0x3F;
	s0 =	sadd.s32 s15, s0;
	s23 =	sshllo.u32 s15, $0x3;
	s24 =	sadd.s32 s1, s15  }
0xd: {  	v16 =	vimm.s32 $0x4F;
	v17 =	vimm.s32 $0x5F;
	v0 =	vunpack.c.l.s4.s8 v0;
	s25 =	sadd.s32 s2, s15;
	s26 =	sadd.s32 s5, s15;
	s15 =	simm.s32 $0x6180  }
0xe: {  	v18 =	vimm.s32 $0x6F;
	v19 =	vimm.s32 $0x7F;
	_ =	strace $0x80000047;
	s19 =	sor.u32 $0x2, s10;
	s14 =	sor.u32 $0x3, s10;
	v8 =	vmov s23  }
0xf: {  	s20 =	sor.u32 $0x4, s10;
	s21 =	sor.u32 $0x5, s10;
	s22 =	sor.u32 $0x6, s10;
	v0 =	vunpack.c.0.s8.s32 v0;
	v2 =	vmov s19;
	v3 =	vmov s14  }
.Ltmp0:
0x10: {  	s11 =	ssub.s32 $0x2, s9;
	[dreg:$0x9] =	wrdreg s24;
	v4 =	vmov s20;
	v6 =	vmov s21;
	v7 =	vmov s22;
	(pc) =	sbr.rel .LBB2_1-.Ltmp0, $4  }
0x11: {  	s12 =	sor.u32 $0x1, s10;
	s0 =	sadd.s32 $0x2600, s0;
	[dreg:$0xa] =	wrdreg s25;
	v2 =	vbroadcast v2, $0x0;
	v3 =	vbroadcast v3, $0x0;
	v1 =	vand.u32 $0xF, v0  }
0x12: {  	[dreg:$0xb] =	wrdreg s26;
	p0 =	sne.s32 s9, $0x0;
	s13 =	sshrl.u32 s11, $0x1;
	v4 =	vbroadcast v4, $0x0;
	v6 =	vbroadcast v6, $0x0;
	v5 =	vnsel vm0, $0x8, v1  }
0x13: {  	[dreg:$0x8] =	wrdreg s0;
	s19 =	simm.s32 $0x4100;
	s13 =	ssub.s32 s11, s13;
	v7 =	vbroadcast v7, $0x0;
	v1 =	vmov s12;
	v5 =	vadd.s32 s10, v5  }
0x14: {  	s0 =	simm.s32 $0x0;
	v0 =	vmov s10;
	s13 =	smax.u32 s13, $0x1;
	s12 =	simm.s32 $0x2080;
	v1 =	vbroadcast v1, $0x0;
	vm0 =	vgt.u32 v5, $0x7F  }
.LBB2_59:
0x15: {  	s0 =	sadd.s32 $0x1, s0  }
0x16: {  	p1 =	sne.s32 s0, s13  }
.Ltmp1:
0x17: {  	_ = 	snop;
	(pc) =	sbr.rel @!p1 .LBB2_60-.Ltmp1, $1  }
0x18: {  	_ =	sdelay $0x3  }
.LBB2_1:
0x19: {  	[tilespmem:s4], [sflag:$0x2] =	stream.linear.gather [hbm4b:s28+s4], $0x2000, $0x38;
	[tilespmem:$0x6A00] =	vst v63  }
0x1a: {  	_ = 	snop  }
0x1b: {  	[tilespmem:s12], [sflag:$0x2] =	stream.linear.gather [hbm4b:s6+s4], $0x2000, $0x38;
	[tilespmem:$0x6A00] =	vst v63  }
0x1c: {  	s1 =	rddreg [dreg:$0x2]  }
0x1d: {  	[tilespmem:s15], [sflag:$0x2] =	stream.linear.gather [hbm4b:s1+s4], $0x80, $0x38;
	[tilespmem:$0x6A00] =	vst v63  }
0x1e: {  	_ = 	snop  }
0x1f: {  	[tilespmem:s16], [sflag:$0x2] =	stream.linear.gather [hbm4b:s7+s4], $0x80, $0x38;
	[tilespmem:$0x6A00] =	vst v63  }
0x20: {  	_ = 	snop  }
0x21: {  	[tilespmem:s17], [sflag:$0x2] =	stream.linear.gather [hbm4b:s8+s4], $0x80, $0x38;
	[tilespmem:$0x6A00] =	vst v63  }
0x22: {  	_ =	swait.ge [sflag:s18], $0x2000  }
0x23: {  	[sflag:s18] =	ssyncset.done $0x0  }
0x24: {  	[sflag:s18] =	ssyncadd.s32 $0xFFFFE000  }
0x25: {  	_ =	swait.ge [sflag:s18], $0x2000  }
0x26: {  	[sflag:s18] =	ssyncset.done $0x0  }
0x27: {  	[sflag:s18] =	ssyncadd.s32 $0xFFFFE000  }
0x28: {  	_ =	swait.ge [sflag:s18], $0x80  }
0x29: {  	[sflag:s18] =	ssyncset.done $0x0  }
0x2a: {  	[sflag:s18] =	ssyncadd.s32 $0xFFFFFF80  }
0x2b: {  	_ =	swait.ge [sflag:s18], $0x80  }
0x2c: {  	[sflag:s18] =	ssyncset.done $0x0  }
0x2d: {  	[sflag:s18] =	ssyncadd.s32 $0xFFFFFF80  }
0x2e: {  	_ =	swait.ge [sflag:s18], $0x80  }
0x2f: {  	[sflag:s18] =	ssyncset.done $0x0  }
0x30: {  	v35 =	vimm.f32 $0.0e+00;
	[sflag:s18] =	ssyncadd.s32 $0xFFFFFF80  }
0x31: {  	[tilespmem:$0x4080] =	vst v35  }
0x32: {  	v20 =	vld.idx.msk [tilespmem:v9+s4+$0x0], $0xffff;
	_ =	sdelay $0x4  }
0x33: {  	vm9 =	vlt.s32 v20, v5  }
0x34: {  	v20 =	vsel vm9, $0x1000, v10  }
0x35: {  	v21 =	vor.u32 $0x7FF, v20;
	_ =	sdelay $0x4  }
0x36: {  	v21 =	vld.idx.msk [tilespmem:v21+s4+$0x0], $0xffff;
	_ =	sdelay $0x4  }
0x37: {  	v53 =	vor.u32 $0x800, v20;
	vm9 =	vlt.s32 v21, v5  }
0x38: {  	v20 =	vsel vm9, v53, v20  }
0x39: {  	v21 =	vor.u32 $0x3FF, v20;
	_ =	sdelay $0x4  }
0x3a: {  	v21 =	vld.idx.msk [tilespmem:v21+s4+$0x0], $0xffff;
	_ =	sdelay $0x4  }
0x3b: {  	v54 =	vor.u32 $0x400, v20;
	vm9 =	vlt.s32 v21, v5  }
0x3c: {  	v20 =	vsel vm9, v54, v20  }
0x3d: {  	v21 =	vor.u32 $0x1FF, v20;
	_ =	sdelay $0x4  }
0x3e: {  	v21 =	vld.idx.msk [tilespmem:v21+s4+$0x0], $0xffff;
	_ =	sdelay $0x4  }
0x3f: {  	v55 =	vor.u32 $0x200, v20;
	vm9 =	vlt.s32 v21, v5  }
0x40: {  	v20 =	vsel vm9, v55, v20  }
0x41: {  	v21 =	vadd.s32 $0xFF, v20;
	_ =	sdelay $0x4  }
0x42: {  	v21 =	vld.idx.msk [tilespmem:v21+s4+$0x0], $0xffff;
	_ =	sdelay $0x4  }
0x43: {  	v56 =	vadd.s32 $0x100, v20;
	vm9 =	vlt.s32 v21, v5  }
0x44: {  	v20 =	vsel vm9, v56, v20  }
0x45: {  	v21 =	vadd.s32 $0x7F, v20;
	_ =	sdelay $0x4  }
0x46: {  	v21 =	vld.idx.msk [tilespmem:v21+s4+$0x0], $0xffff;
	_ =	sdelay $0x4  }
0x47: {  	v57 =	vadd.s32 $0x80, v20;
	vm9 =	vlt.s32 v21, v5  }
0x48: {  	v20 =	vsel vm9, v57, v20  }
0x49: {  	v21 =	vadd.s32 $0x3F, v20;
	_ =	sdelay $0x4  }
0x4a: {  	v21 =	vld.idx.msk [tilespmem:v21+s4+$0x0], $0xffff;
	_ =	sdelay $0x4  }
0x4b: {  	v58 =	vadd.s32 $0x40, v20;
	vm9 =	vlt.s32 v21, v5  }
0x4c: {  	v20 =	vsel vm9, v58, v20  }
0x4d: {  	v21 =	vadd.s32 $0x1F, v20;
	_ =	sdelay $0x4  }
0x4e: {  	v21 =	vld.idx.msk [tilespmem:v21+s4+$0x0], $0xffff;
	_ =	sdelay $0x4  }
0x4f: {  	v59 =	vadd.s32 $0x20, v20;
	vm9 =	vlt.s32 v21, v5  }
0x50: {  	v20 =	vsel vm9, v59, v20  }
0x51: {  	v21 =	vadd.s32 $0xF, v20;
	_ =	sdelay $0x4  }
0x52: {  	v21 =	vld.idx.msk [tilespmem:v21+s4+$0x0], $0xffff;
	_ =	sdelay $0x4  }
0x53: {  	v60 =	vadd.s32 $0x10, v20;
	vm9 =	vlt.s32 v21, v5  }
0x54: {  	v20 =	vsel vm9, v60, v20  }
0x55: {  	v21 =	vadd.s32 $0x7, v20;
	_ =	sdelay $0x4  }
0x56: {  	v21 =	vld.idx.msk [tilespmem:v21+s4+$0x0], $0xffff;
	_ =	sdelay $0x4  }
0x57: {  	v61 =	vadd.s32 $0x8, v20;
	vm9 =	vlt.s32 v21, v5  }
0x58: {  	v20 =	vsel vm9, v61, v20  }
0x59: {  	v21 =	vadd.s32 $0x3, v20;
	_ =	sdelay $0x4  }
0x5a: {  	v21 =	vld.idx.msk [tilespmem:v21+s4+$0x0], $0xffff;
	_ =	sdelay $0x4  }
0x5b: {  	v62 =	vadd.s32 $0x4, v20;
	vm9 =	vlt.s32 v21, v5  }
0x5c: {  	v20 =	vsel vm9, v62, v20  }
0x5d: {  	v21 =	vadd.s32 $0x1, v20;
	_ =	sdelay $0x4  }
0x5e: {  	v21 =	vld.idx.msk [tilespmem:v21+s4+$0x0], $0xffff;
	_ =	sdelay $0x4  }
0x5f: {  	v63 =	vadd.s32 $0x2, v20;
	vm9 =	vlt.s32 v21, v5  }
0x60: {  	v20 =	vsel vm9, v63, v20;
	_ =	sdelay $0x4  }
0x61: {  	v21 =	vld.idx.msk [tilespmem:v20+s4+$0x0], $0xffff;
	_ =	sdelay $0x4  }
0x62: {  	vm9 =	vlt.s32 v21, v5  }
0x63: {  	v21 =	vsel vm9, $0x1, v10  }
0x64: {  	v20 =	vadd.s32 v21, v20  }
0x65: {  	v32 =	vsel vm0, $0x2000, v20  }
0x66: {  	(v2sf) =	vpush v32, $0x0  }
0x67: {  	(v2sf) =	vpush v32, $0x1;
	_ =	sdelay $0x1  }
0x68: {  	(v2sf) =	vpush v32, $0x2  }
0x69: {  	(v2sf) =	vpush v32, $0x3  }
0x6a: {  	(v2sf) =	vpush v32, $0x4  }
0x6b: {  	(v2sf) =	vpush v32, $0x5  }
0x6c: {  	(v2sf) =	vpush v32, $0x6  }
0x6d: {  	(v2sf) =	vpush v32, $0x7  }
0x6e: {  	(v2sf) =	vpush v32, $0x8;
	_ =	sdelay $0x5  }
0x6f: {  	s9 =	spop (v2sf)  }
0x70: {  	s23 =	spop (v2sf)  }
0x71: {  	s26 =	ssub.s32 s23, s9  }
0x72: {  	s22 =	spop (v2sf);
	s10 =	sadd.s32 $0xF, s26  }
0x73: {  	s21 =	spop (v2sf);
	p1 =	slt.s32 s10, $0x10  }
.Ltmp2:
0x74: {  	s20 =	spop (v2sf);
	(pc) =	sbr.rel @p1 .LBB2_8-.Ltmp2, $4  }
0x75: {  	s14 =	spop (v2sf)  }
0x76: {  	s2 =	spop (v2sf)  }
0x77: {  	s5 =	spop (v2sf)  }
0x78: {  	v38 =	vimm.f32 $0.0e+00;
	v36 =	vbroadcast v32, $0x1;
	s1 =	spop (v2sf)  }
0x79: {  	s24 =	sshra.s32 s10, $0x1F  }
0x7a: {  	s24 =	sshrl.u32 s24, $0x1C  }
0x7b: {  	s25 =	sadd.s32 s24, s10  }
0x7c: {  	s25 =	sshra.s32 s25, $0x4  }
0x7d: {  	p2 =	sne.s32 s25, $0x1  }
.Ltmp3:
0x7e: {  	_ = 	snop;
	(pc) =	sbr.rel @!p2 .LBB2_3-.Ltmp3, $4  }
0x7f: {  	s26 =	sshll.u32 s9, $0x2  }
0x80: {  	s24 =	sshra.s32 s26, $0x2  }
0x81: {  	s12 =	smov.u32 s28;
	s28 =	sadd.s32 $0xF, s9;
	s10 =	sadd.s32 $0x2080, s24  }
0x82: {  	v20 =	vimm.f32 $0.0e+00;
	p1 =	por $0x0, $0x0;
	s26 =	sadd.s32 $0x4100, s24;
	v21 =	vld [tilespmem:s10+$0x0];
	s24 =	sadd.s32 $0xFFFFFFFF, s25  }
0x83: {  	_ = 	snop  }
0x84: {  	s9 =	sadd.s32 $0xFFFFFFF1, s28  }
0x85: {  	v22 =	vadd.s32 s9, v11  }
0x86: {  	vm9 =	vlt.s32 v22, v36  }
0x87: {  	v21 =	vnsel vm9, $0x0, v21  }
0x88: {  	(xrf2) =	vadd.scan.msk.f32 $0xffff, v21;
	_ =	sdelay $0x8  }
0x89: {  	p2 =	sne.s32 s24, $0x1  }
.Ltmp4:
0x8a: {  	v22 =	vmov s28;
	v21, _, _ =	vpop (xrf2);
	(pc) =	sbr.rel @!p2 .LBB2_5-.Ltmp4, $3  }
0x8b: {  	v21 =	vadd.f32 v21, v20;
	_ =	sdelay $0x1  }
0x8c: {  	p1 =	por $0x1, $0x1;
	s9 =	sadd.s32 $0x10, s10;
	[tilespmem:s26+$0x0] =	vst v21  }
0x8d: {  	s25 =	smov.u32 s28;
	s10 =	sadd.s32 $0xFFFFFFFF, s24;
	s24 =	smov.u32 s26;
	v21 =	vld [tilespmem:s9+$0x0]  }
.LBB2_6:
0x8e: {  	p2 =	sne.s32 s10, $0x1;
	v23 =	vld.idx.msk [tilespmem:v22+s19+$0x0], $0xffff;
	s25 =	sadd.s32 $0x10, s25  }
0x8f: {  	s11 =	sadd.s32 $0xFFFFFFF1, s25  }
0x90: {  	v22 =	vadd.s32 s11, v11  }
0x91: {  	vm9 =	vlt.s32 v22, v36  }
0x92: {  	v21 =	vnsel vm9, $0x0, v21  }
0x93: {  	(xrf2) =	vadd.scan.msk.f32 $0xffff, v21;
	_ =	sdelay $0x9  }
.Ltmp5:
0x94: {  	v22 =	vmov s25;
	v21, _, _ =	vpop (xrf2);
	(pc) =	sbr.rel @p2 .LBB2_6-.Ltmp5, $4  }
0x95: {  	v21 =	vadd.f32 v21, v23  }
0x96: {  	s24 =	sadd.s32 $0x10, s24  }
0x97: {  	s9 =	sadd.s32 $0x10, s9;
	[tilespmem:s24+$0x0] =	vst v21  }
0x98: {  	s10 =	sadd.s32 $0xFFFFFFFF, s10;
	v21 =	vld [tilespmem:s9+$0x0]  }
.LBB2_7:
0x99: {  	s9 =	sadd.s32 @p1 $0x10, s25  }
0x9a: {  	s28 =	smov.u32 @p1 s9  }
0x9b: {  	s9 =	sadd.s32 $0xFFFFFFF1, s28  }
0x9c: {  	v23 =	vadd.s32 s9, v11  }
0x9d: {  	vm9 =	vlt.s32 v23, v36  }
0x9e: {  	v21 =	vnsel vm9, $0x0, v21  }
0x9f: {  	(xrf2) =	vadd.scan.msk.f32 $0xffff, v21;
	_ =	sdelay $0x4  }
0xa0: {  	v21 =	vld.idx.msk @p1 [tilespmem:v22+s19+$0x0], $0xffff;
	_ =	sdelay $0x3  }
0xa1: {  	v62 =	vmov s28  }
0xa2: {  	v20 =	vpsel p1, v21, v20;
	v63, _, _ =	vpop (xrf2)  }
0xa3: {  	s9 =	sadd.s32 @p1 $0x10, s24;
	v20 =	vadd.f32 v63, v20  }
0xa4: {  	s26 =	smov.u32 @p1 s9  }
0xa5: {  	[tilespmem:s26+$0x0] =	vst v20  }
0xa6: {  	s28 =	smov.u32 s12;
	s12 =	simm.s32 $0x2080;
	v38 =	vld.idx.msk [tilespmem:v62+s19+$0x0], $0xffff  }
.LBB2_8:
0xa7: {  	_ =	sdelay $0x3  }
0xa8: {  	v20 =	vld.idx.msk [tilespmem:v0+s15+$0x0], $0xffff;
	_ =	sdelay $0x4  }
0xa9: {  	v20 =	vmul.f32 $1.442695020e+00, v20;
	_ =	sdelay $0x1  }
0xaa: {  	(erf) = vpow2.f32 v20;
	_ =	sdelay $0x8  }
0xab: {  	v20 =	vpop (erf)  }
0xac: {  	v21 =	vadd.f32 v20, v38;
	_ =	sdelay $0x1  }
0xad: {  	(erf) = vrcp.f32 v21;
	_ =	sdelay $0x1  }
0xae: {  	s9 =	ssub.s32 s22, s23  }
0xaf: {  	s9 =	sadd.s32 $0xF, s9  }
0xb0: {  	p1 =	slt.s32 s9, $0x10  }
.Ltmp6:
0xb1: {  	_ = 	snop;
	(pc) =	sbr.rel @p1 .LBB2_15-.Ltmp6, $2  }
0xb2: {  	_ =	sdelay $0x2  }
0xb3: {  	v40 =	vld.idx.msk [tilespmem:v0+s16+$0x0], $0xffff;
	v37 =	vbroadcast v32, $0x2;
	v21 =	vpop (erf)  }
0xb4: {  	s10 =	sshra.s32 s9, $0x1F  }
0xb5: {  	s10 =	sshrl.u32 s10, $0x1C  }
0xb6: {  	s25 =	sadd.s32 s10, s9  }
0xb7: {  	s11 =	sshra.s32 s25, $0x4  }
0xb8: {  	p2 =	sne.s32 s11, $0x1  }
.Ltmp7:
0xb9: {  	_ = 	snop;
	(pc) =	sbr.rel @!p2 .LBB2_10-.Ltmp7, $4  }
0xba: {  	s26 =	sshll.u32 s23, $0x2  }
0xbb: {  	s10 =	sshra.s32 s26, $0x2  }
0xbc: {  	s23 =	sadd.s32 $0xF, s23;
	s9 =	sadd.s32 $0x2080, s10  }
0xbd: {  	v22 =	vimm.f32 $0.0e+00;
	p1 =	por $0x0, $0x0;
	s24 =	sadd.s32 $0x4100, s10;
	v23 =	vld [tilespmem:s9+$0x0];
	s10 =	sadd.s32 $0xFFFFFFFF, s11  }
0xbe: {  	_ = 	snop  }
0xbf: {  	s11 =	sadd.s32 $0xFFFFFFF1, s23  }
0xc0: {  	v24 =	vadd.s32 s11, v11  }
0xc1: {  	vm9 =	vlt.s32 v24, v37  }
0xc2: {  	v23 =	vnsel vm9, $0x0, v23  }
0xc3: {  	(xrf2) =	vadd.scan.msk.f32 $0xffff, v23;
	_ =	sdelay $0x8  }
0xc4: {  	p2 =	sne.s32 s10, $0x1  }
.Ltmp8:
0xc5: {  	v24 =	vmov s23;
	v23, _, _ =	vpop (xrf2);
	(pc) =	sbr.rel @!p2 .LBB2_12-.Ltmp8, $3  }
0xc6: {  	v23 =	vadd.f32 v23, v22;
	_ =	sdelay $0x1  }
0xc7: {  	s9 =	sadd.s32 $0x10, s9;
	s10 =	sadd.s32 $0xFFFFFFFF, s10;
	[tilespmem:s24+$0x0] =	vst v23  }
0xc8: {  	p1 =	por $0x1, $0x1;
	s26 =	smov.u32 s23;
	s25 =	smov.u32 s24;
	v23 =	vld [tilespmem:s9+$0x0]  }
.LBB2_13:
0xc9: {  	p2 =	sne.s32 s10, $0x1;
	v25 =	vld.idx.msk [tilespmem:v24+s19+$0x0], $0xffff;
	s26 =	sadd.s32 $0x10, s26  }
0xca: {  	s11 =	sadd.s32 $0xFFFFFFF1, s26  }
0xcb: {  	v24 =	vadd.s32 s11, v11  }
0xcc: {  	vm9 =	vlt.s32 v24, v37  }
0xcd: {  	v23 =	vnsel vm9, $0x0, v23  }
0xce: {  	(xrf2) =	vadd.scan.msk.f32 $0xffff, v23;
	_ =	sdelay $0x9  }
.Ltmp9:
0xcf: {  	v24 =	vmov s26;
	v23, _, _ =	vpop (xrf2);
	(pc) =	sbr.rel @p2 .LBB2_13-.Ltmp9, $4  }
0xd0: {  	v23 =	vadd.f32 v23, v25  }
0xd1: {  	s25 =	sadd.s32 $0x10, s25  }
0xd2: {  	s9 =	sadd.s32 $0x10, s9;
	[tilespmem:s25+$0x0] =	vst v23  }
0xd3: {  	s10 =	sadd.s32 $0xFFFFFFFF, s10;
	v23 =	vld [tilespmem:s9+$0x0]  }
.LBB2_14:
0xd4: {  	s9 =	sadd.s32 @p1 $0x10, s26  }
0xd5: {  	s23 =	smov.u32 @p1 s9  }
0xd6: {  	s9 =	sadd.s32 $0xFFFFFFF1, s23  }
0xd7: {  	v25 =	vadd.s32 s9, v11  }
0xd8: {  	vm9 =	vlt.s32 v25, v37  }
0xd9: {  	v23 =	vnsel vm9, $0x0, v23  }
0xda: {  	(xrf2) =	vadd.scan.msk.f32 $0xffff, v23;
	_ =	sdelay $0x4  }
0xdb: {  	v23 =	vld.idx.msk @p1 [tilespmem:v24+s19+$0x0], $0xffff;
	_ =	sdelay $0x3  }
0xdc: {  	v62 =	vmov s23  }
0xdd: {  	v22 =	vpsel p1, v23, v22;
	v63, _, _ =	vpop (xrf2)  }
0xde: {  	s9 =	sadd.s32 @p1 $0x10, s25;
	v22 =	vadd.f32 v63, v22  }
0xdf: {  	s24 =	smov.u32 @p1 s9  }
0xe0: {  	[tilespmem:s24+$0x0] =	vst v22  }
0xe1: {  	v35 =	vld.idx.msk [tilespmem:v62+s19+$0x0], $0xffff  }
.LBB2_15:
0xe2: {  	_ =	sdelay $0x3  }
0xe3: {  	v22 =	vld.idx.msk [tilespmem:v1+s15+$0x0], $0xffff;
	_ =	sdelay $0x4  }
0xe4: {  	v22 =	vmul.f32 $1.442695020e+00, v22;
	_ =	sdelay $0x1  }
0xe5: {  	(erf) = vpow2.f32 v22;
	_ =	sdelay $0x8  }
0xe6: {  	v22 =	vpop (erf)  }
0xe7: {  	v23 =	vadd.f32 v22, v35;
	_ =	sdelay $0x1  }
0xe8: {  	(erf) = vrcp.f32 v23;
	_ =	sdelay $0x1  }
0xe9: {  	s9 =	ssub.s32 s21, s22  }
0xea: {  	s9 =	sadd.s32 $0xF, s9  }
0xeb: {  	p1 =	slt.s32 s9, $0x10  }
.Ltmp10:
0xec: {  	_ = 	snop;
	(pc) =	sbr.rel @p1 .LBB2_22-.Ltmp10, $2  }
0xed: {  	_ =	sdelay $0x2  }
0xee: {  	v42 =	vld.idx.msk [tilespmem:v1+s16+$0x0], $0xffff;
	v43 =	vimm.f32 $0.0e+00;
	v39 =	vbroadcast v32, $0x3;
	v44 =	vimm.f32 $0.0e+00;
	v23 =	vpop (erf)  }
0xef: {  	s10 =	sshra.s32 s9, $0x1F  }
0xf0: {  	s10 =	sshrl.u32 s10, $0x1C  }
0xf1: {  	s25 =	sadd.s32 s10, s9  }
0xf2: {  	s11 =	sshra.s32 s25, $0x4  }
0xf3: {  	p2 =	sne.s32 s11, $0x1  }
.Ltmp11:
0xf4: {  	_ = 	snop;
	(pc) =	sbr.rel @!p2 .LBB2_17-.Ltmp11, $4  }
0xf5: {  	s26 =	sshll.u32 s22, $0x2  }
0xf6: {  	s10 =	sshra.s32 s26, $0x2  }
0xf7: {  	s22 =	sadd.s32 $0xF, s22;
	s9 =	sadd.s32 $0x2080, s10  }
0xf8: {  	v24 =	vimm.f32 $0.0e+00;
	p1 =	por $0x0, $0x0;
	s23 =	sadd.s32 $0x4100, s10;
	v25 =	vld [tilespmem:s9+$0x0];
	s10 =	sadd.s32 $0xFFFFFFFF, s11  }
0xf9: {  	_ = 	snop  }
0xfa: {  	s11 =	sadd.s32 $0xFFFFFFF1, s22  }
0xfb: {  	v26 =	vadd.s32 s11, v11  }
0xfc: {  	vm9 =	vlt.s32 v26, v39  }
0xfd: {  	v25 =	vnsel vm9, $0x0, v25  }
0xfe: {  	(xrf2) =	vadd.scan.msk.f32 $0xffff, v25;
	_ =	sdelay $0x8  }
0xff: {  	p2 =	sne.s32 s10, $0x1  }
.Ltmp12:
0x100: {  	v26 =	vmov s22;
	v25, _, _ =	vpop (xrf2);
	(pc) =	sbr.rel @!p2 .LBB2_19-.Ltmp12, $3  }
0x101: {  	v25 =	vadd.f32 v25, v24;
	_ =	sdelay $0x1  }
0x102: {  	s9 =	sadd.s32 $0x10, s9;
	s10 =	sadd.s32 $0xFFFFFFFF, s10;
	[tilespmem:s23+$0x0] =	vst v25  }
0x103: {  	p1 =	por $0x1, $0x1;
	s25 =	smov.u32 s22;
	s24 =	smov.u32 s23;
	v25 =	vld [tilespmem:s9+$0x0]  }
.LBB2_20:
0x104: {  	p2 =	sne.s32 s10, $0x1;
	v27 =	vld.idx.msk [tilespmem:v26+s19+$0x0], $0xffff;
	s25 =	sadd.s32 $0x10, s25  }
0x105: {  	s11 =	sadd.s32 $0xFFFFFFF1, s25  }
0x106: {  	v26 =	vadd.s32 s11, v11  }
0x107: {  	vm9 =	vlt.s32 v26, v39  }
0x108: {  	v25 =	vnsel vm9, $0x0, v25  }
0x109: {  	(xrf2) =	vadd.scan.msk.f32 $0xffff, v25;
	_ =	sdelay $0x9  }
.Ltmp13:
0x10a: {  	v26 =	vmov s25;
	v25, _, _ =	vpop (xrf2);
	(pc) =	sbr.rel @p2 .LBB2_20-.Ltmp13, $4  }
0x10b: {  	v25 =	vadd.f32 v25, v27  }
0x10c: {  	s24 =	sadd.s32 $0x10, s24  }
0x10d: {  	s9 =	sadd.s32 $0x10, s9;
	[tilespmem:s24+$0x0] =	vst v25  }
0x10e: {  	s10 =	sadd.s32 $0xFFFFFFFF, s10;
	v25 =	vld [tilespmem:s9+$0x0]  }
.LBB2_21:
0x10f: {  	s9 =	sadd.s32 @p1 $0x10, s25  }
0x110: {  	s22 =	smov.u32 @p1 s9  }
0x111: {  	s9 =	sadd.s32 $0xFFFFFFF1, s22  }
0x112: {  	v27 =	vadd.s32 s9, v11  }
0x113: {  	vm9 =	vlt.s32 v27, v39  }
0x114: {  	v25 =	vnsel vm9, $0x0, v25  }
0x115: {  	(xrf2) =	vadd.scan.msk.f32 $0xffff, v25;
	_ =	sdelay $0x4  }
0x116: {  	v25 =	vld.idx.msk @p1 [tilespmem:v26+s19+$0x0], $0xffff;
	_ =	sdelay $0x3  }
0x117: {  	v62 =	vmov s22  }
0x118: {  	v24 =	vpsel p1, v25, v24;
	v63, _, _ =	vpop (xrf2)  }
0x119: {  	s9 =	sadd.s32 @p1 $0x10, s24;
	v24 =	vadd.f32 v63, v24  }
0x11a: {  	s23 =	smov.u32 @p1 s9  }
0x11b: {  	[tilespmem:s23+$0x0] =	vst v24  }
0x11c: {  	v44 =	vld.idx.msk [tilespmem:v62+s19+$0x0], $0xffff  }
.LBB2_22:
0x11d: {  	_ =	sdelay $0x3  }
0x11e: {  	v24 =	vld.idx.msk [tilespmem:v2+s15+$0x0], $0xffff;
	_ =	sdelay $0x4  }
0x11f: {  	v24 =	vmul.f32 $1.442695020e+00, v24;
	_ =	sdelay $0x1  }
0x120: {  	(erf) = vpow2.f32 v24;
	_ =	sdelay $0x8  }
0x121: {  	v24 =	vpop (erf)  }
0x122: {  	v25 =	vadd.f32 v24, v44;
	_ =	sdelay $0x1  }
0x123: {  	(erf) = vrcp.f32 v25;
	_ =	sdelay $0x1  }
0x124: {  	s9 =	ssub.s32 s20, s21  }
0x125: {  	s9 =	sadd.s32 $0xF, s9  }
0x126: {  	p1 =	slt.s32 s9, $0x10  }
.Ltmp14:
0x127: {  	_ = 	snop;
	(pc) =	sbr.rel @p1 .LBB2_29-.Ltmp14, $2  }
0x128: {  	_ =	sdelay $0x2  }
0x129: {  	v46 =	vld.idx.msk [tilespmem:v2+s16+$0x0], $0xffff;
	v41 =	vbroadcast v32, $0x4;
	v25 =	vpop (erf)  }
0x12a: {  	s10 =	sshra.s32 s9, $0x1F  }
0x12b: {  	s10 =	sshrl.u32 s10, $0x1C  }
0x12c: {  	s25 =	sadd.s32 s10, s9  }
0x12d: {  	s11 =	sshra.s32 s25, $0x4  }
0x12e: {  	p2 =	sne.s32 s11, $0x1  }
.Ltmp15:
0x12f: {  	_ = 	snop;
	(pc) =	sbr.rel @!p2 .LBB2_24-.Ltmp15, $4  }
0x130: {  	s26 =	sshll.u32 s21, $0x2  }
0x131: {  	s10 =	sshra.s32 s26, $0x2  }
0x132: {  	s21 =	sadd.s32 $0xF, s21;
	s9 =	sadd.s32 $0x2080, s10  }
0x133: {  	v26 =	vimm.f32 $0.0e+00;
	p1 =	por $0x0, $0x0;
	s22 =	sadd.s32 $0x4100, s10;
	v27 =	vld [tilespmem:s9+$0x0];
	s10 =	sadd.s32 $0xFFFFFFFF, s11  }
0x134: {  	_ = 	snop  }
0x135: {  	s11 =	sadd.s32 $0xFFFFFFF1, s21  }
0x136: {  	v28 =	vadd.s32 s11, v11  }
0x137: {  	vm9 =	vlt.s32 v28, v41  }
0x138: {  	v27 =	vnsel vm9, $0x0, v27  }
0x139: {  	(xrf2) =	vadd.scan.msk.f32 $0xffff, v27;
	_ =	sdelay $0x8  }
0x13a: {  	p2 =	sne.s32 s10, $0x1  }
.Ltmp16:
0x13b: {  	v28 =	vmov s21;
	v27, _, _ =	vpop (xrf2);
	(pc) =	sbr.rel @!p2 .LBB2_26-.Ltmp16, $3  }
0x13c: {  	v27 =	vadd.f32 v27, v26;
	_ =	sdelay $0x1  }
0x13d: {  	s9 =	sadd.s32 $0x10, s9;
	s10 =	sadd.s32 $0xFFFFFFFF, s10;
	[tilespmem:s22+$0x0] =	vst v27  }
0x13e: {  	p1 =	por $0x1, $0x1;
	s24 =	smov.u32 s21;
	s23 =	smov.u32 s22;
	v27 =	vld [tilespmem:s9+$0x0]  }
.LBB2_27:
0x13f: {  	p2 =	sne.s32 s10, $0x1;
	v29 =	vld.idx.msk [tilespmem:v28+s19+$0x0], $0xffff;
	s24 =	sadd.s32 $0x10, s24  }
0x140: {  	s11 =	sadd.s32 $0xFFFFFFF1, s24  }
0x141: {  	v28 =	vadd.s32 s11, v11  }
0x142: {  	vm9 =	vlt.s32 v28, v41  }
0x143: {  	v27 =	vnsel vm9, $0x0, v27  }
0x144: {  	(xrf2) =	vadd.scan.msk.f32 $0xffff, v27;
	_ =	sdelay $0x9  }
.Ltmp17:
0x145: {  	v28 =	vmov s24;
	v27, _, _ =	vpop (xrf2);
	(pc) =	sbr.rel @p2 .LBB2_27-.Ltmp17, $4  }
0x146: {  	v27 =	vadd.f32 v27, v29  }
0x147: {  	s23 =	sadd.s32 $0x10, s23  }
0x148: {  	s9 =	sadd.s32 $0x10, s9;
	[tilespmem:s23+$0x0] =	vst v27  }
0x149: {  	s10 =	sadd.s32 $0xFFFFFFFF, s10;
	v27 =	vld [tilespmem:s9+$0x0]  }
.LBB2_28:
0x14a: {  	s9 =	sadd.s32 @p1 $0x10, s24  }
0x14b: {  	s21 =	smov.u32 @p1 s9  }
0x14c: {  	s9 =	sadd.s32 $0xFFFFFFF1, s21  }
0x14d: {  	v29 =	vadd.s32 s9, v11  }
0x14e: {  	vm9 =	vlt.s32 v29, v41  }
0x14f: {  	v27 =	vnsel vm9, $0x0, v27  }
0x150: {  	(xrf2) =	vadd.scan.msk.f32 $0xffff, v27;
	_ =	sdelay $0x4  }
0x151: {  	v27 =	vld.idx.msk @p1 [tilespmem:v28+s19+$0x0], $0xffff;
	_ =	sdelay $0x3  }
0x152: {  	v62 =	vmov s21  }
0x153: {  	v26 =	vpsel p1, v27, v26;
	v63, _, _ =	vpop (xrf2)  }
0x154: {  	s9 =	sadd.s32 @p1 $0x10, s23;
	v26 =	vadd.f32 v63, v26  }
0x155: {  	s22 =	smov.u32 @p1 s9  }
0x156: {  	[tilespmem:s22+$0x0] =	vst v26  }
0x157: {  	v43 =	vld.idx.msk [tilespmem:v62+s19+$0x0], $0xffff  }
.LBB2_29:
0x158: {  	_ =	sdelay $0x3  }
0x159: {  	v26 =	vld.idx.msk [tilespmem:v3+s15+$0x0], $0xffff;
	_ =	sdelay $0x4  }
0x15a: {  	v26 =	vmul.f32 $1.442695020e+00, v26;
	_ =	sdelay $0x1  }
0x15b: {  	(erf) = vpow2.f32 v26;
	_ =	sdelay $0x8  }
0x15c: {  	v26 =	vpop (erf)  }
0x15d: {  	v27 =	vadd.f32 v26, v43;
	_ =	sdelay $0x1  }
0x15e: {  	(erf) = vrcp.f32 v27;
	_ =	sdelay $0x1  }
0x15f: {  	s9 =	ssub.s32 s14, s20  }
0x160: {  	s9 =	sadd.s32 $0xF, s9  }
0x161: {  	p1 =	slt.s32 s9, $0x10  }
.Ltmp18:
0x162: {  	_ = 	snop;
	(pc) =	sbr.rel @p1 .LBB2_36-.Ltmp18, $2  }
0x163: {  	_ =	sdelay $0x2  }
0x164: {  	v48 =	vld.idx.msk [tilespmem:v3+s16+$0x0], $0xffff;
	v49 =	vimm.f32 $0.0e+00;
	v45 =	vbroadcast v32, $0x5;
	v50 =	vimm.f32 $0.0e+00;
	v27 =	vpop (erf)  }
0x165: {  	s10 =	sshra.s32 s9, $0x1F  }
0x166: {  	s10 =	sshrl.u32 s10, $0x1C  }
0x167: {  	s25 =	sadd.s32 s10, s9  }
0x168: {  	s11 =	sshra.s32 s25, $0x4  }
0x169: {  	p2 =	sne.s32 s11, $0x1  }
.Ltmp19:
0x16a: {  	_ = 	snop;
	(pc) =	sbr.rel @!p2 .LBB2_31-.Ltmp19, $4  }
0x16b: {  	s26 =	sshll.u32 s20, $0x2  }
0x16c: {  	s10 =	sshra.s32 s26, $0x2  }
0x16d: {  	s20 =	sadd.s32 $0xF, s20;
	s9 =	sadd.s32 $0x2080, s10  }
0x16e: {  	v28 =	vimm.f32 $0.0e+00;
	p1 =	por $0x0, $0x0;
	s21 =	sadd.s32 $0x4100, s10;
	v29 =	vld [tilespmem:s9+$0x0];
	s10 =	sadd.s32 $0xFFFFFFFF, s11  }
0x16f: {  	_ = 	snop  }
0x170: {  	s11 =	sadd.s32 $0xFFFFFFF1, s20  }
0x171: {  	v30 =	vadd.s32 s11, v11  }
0x172: {  	vm9 =	vlt.s32 v30, v45  }
0x173: {  	v29 =	vnsel vm9, $0x0, v29  }
0x174: {  	(xrf2) =	vadd.scan.msk.f32 $0xffff, v29;
	_ =	sdelay $0x8  }
0x175: {  	p2 =	sne.s32 s10, $0x1  }
.Ltmp20:
0x176: {  	v30 =	vmov s20;
	v29, _, _ =	vpop (xrf2);
	(pc) =	sbr.rel @!p2 .LBB2_33-.Ltmp20, $3  }
0x177: {  	v29 =	vadd.f32 v29, v28;
	_ =	sdelay $0x1  }
0x178: {  	s9 =	sadd.s32 $0x10, s9;
	s10 =	sadd.s32 $0xFFFFFFFF, s10;
	[tilespmem:s21+$0x0] =	vst v29  }
0x179: {  	p1 =	por $0x1, $0x1;
	s23 =	smov.u32 s20;
	s22 =	smov.u32 s21;
	v29 =	vld [tilespmem:s9+$0x0]  }
.LBB2_34:
0x17a: {  	p2 =	sne.s32 s10, $0x1;
	v31 =	vld.idx.msk [tilespmem:v30+s19+$0x0], $0xffff;
	s23 =	sadd.s32 $0x10, s23  }
0x17b: {  	s11 =	sadd.s32 $0xFFFFFFF1, s23  }
0x17c: {  	v30 =	vadd.s32 s11, v11  }
0x17d: {  	vm9 =	vlt.s32 v30, v45  }
0x17e: {  	v29 =	vnsel vm9, $0x0, v29  }
0x17f: {  	(xrf2) =	vadd.scan.msk.f32 $0xffff, v29;
	_ =	sdelay $0x9  }
.Ltmp21:
0x180: {  	v30 =	vmov s23;
	v29, _, _ =	vpop (xrf2);
	(pc) =	sbr.rel @p2 .LBB2_34-.Ltmp21, $4  }
0x181: {  	v29 =	vadd.f32 v29, v31  }
0x182: {  	s22 =	sadd.s32 $0x10, s22  }
0x183: {  	s9 =	sadd.s32 $0x10, s9;
	[tilespmem:s22+$0x0] =	vst v29  }
0x184: {  	s10 =	sadd.s32 $0xFFFFFFFF, s10;
	v29 =	vld [tilespmem:s9+$0x0]  }
.LBB2_35:
0x185: {  	s9 =	sadd.s32 @p1 $0x10, s23  }
0x186: {  	s20 =	smov.u32 @p1 s9  }
0x187: {  	s9 =	sadd.s32 $0xFFFFFFF1, s20  }
0x188: {  	v31 =	vadd.s32 s9, v11  }
0x189: {  	vm9 =	vlt.s32 v31, v45  }
0x18a: {  	v29 =	vnsel vm9, $0x0, v29  }
0x18b: {  	(xrf2) =	vadd.scan.msk.f32 $0xffff, v29;
	_ =	sdelay $0x4  }
0x18c: {  	v29 =	vld.idx.msk @p1 [tilespmem:v30+s19+$0x0], $0xffff;
	_ =	sdelay $0x3  }
0x18d: {  	v62 =	vmov s20  }
0x18e: {  	v28 =	vpsel p1, v29, v28;
	v63, _, _ =	vpop (xrf2)  }
0x18f: {  	s9 =	sadd.s32 @p1 $0x10, s22;
	v28 =	vadd.f32 v63, v28  }
0x190: {  	s21 =	smov.u32 @p1 s9  }
0x191: {  	[tilespmem:s21+$0x0] =	vst v28  }
0x192: {  	v50 =	vld.idx.msk [tilespmem:v62+s19+$0x0], $0xffff  }
.LBB2_36:
0x193: {  	_ =	sdelay $0x3  }
0x194: {  	v28 =	vld.idx.msk [tilespmem:v4+s15+$0x0], $0xffff;
	_ =	sdelay $0x4  }
0x195: {  	v28 =	vmul.f32 $1.442695020e+00, v28;
	_ =	sdelay $0x1  }
0x196: {  	(erf) = vpow2.f32 v28;
	_ =	sdelay $0x8  }
0x197: {  	v28 =	vpop (erf)  }
0x198: {  	v29 =	vadd.f32 v28, v50;
	_ =	sdelay $0x1  }
0x199: {  	(erf) = vrcp.f32 v29;
	_ =	sdelay $0x1  }
0x19a: {  	s9 =	ssub.s32 s2, s14  }
0x19b: {  	s9 =	sadd.s32 $0xF, s9  }
0x19c: {  	p1 =	slt.s32 s9, $0x10  }
.Ltmp22:
0x19d: {  	_ = 	snop;
	(pc) =	sbr.rel @p1 .LBB2_43-.Ltmp22, $2  }
0x19e: {  	_ =	sdelay $0x2  }
0x19f: {  	v52 =	vld.idx.msk [tilespmem:v4+s16+$0x0], $0xffff;
	v47 =	vbroadcast v32, $0x6;
	v29 =	vpop (erf)  }
0x1a0: {  	s10 =	sshra.s32 s9, $0x1F  }
0x1a1: {  	s10 =	sshrl.u32 s10, $0x1C  }
0x1a2: {  	s25 =	sadd.s32 s10, s9  }
0x1a3: {  	s11 =	sshra.s32 s25, $0x4  }
0x1a4: {  	p2 =	sne.s32 s11, $0x1  }
.Ltmp23:
0x1a5: {  	_ = 	snop;
	(pc) =	sbr.rel @!p2 .LBB2_38-.Ltmp23, $4  }
0x1a6: {  	s26 =	sshll.u32 s14, $0x2  }
0x1a7: {  	s10 =	sshra.s32 s26, $0x2  }
0x1a8: {  	s14 =	sadd.s32 $0xF, s14;
	s9 =	sadd.s32 $0x2080, s10  }
0x1a9: {  	v30 =	vimm.f32 $0.0e+00;
	p1 =	por $0x0, $0x0;
	s20 =	sadd.s32 $0x4100, s10;
	v31 =	vld [tilespmem:s9+$0x0];
	s10 =	sadd.s32 $0xFFFFFFFF, s11  }
0x1aa: {  	_ = 	snop  }
0x1ab: {  	s11 =	sadd.s32 $0xFFFFFFF1, s14  }
0x1ac: {  	v33 =	vadd.s32 s11, v11  }
0x1ad: {  	vm9 =	vlt.s32 v33, v47  }
0x1ae: {  	v31 =	vnsel vm9, $0x0, v31  }
0x1af: {  	(xrf2) =	vadd.scan.msk.f32 $0xffff, v31;
	_ =	sdelay $0x8  }
0x1b0: {  	p2 =	sne.s32 s10, $0x1  }
.Ltmp24:
0x1b1: {  	v33 =	vmov s14;
	v31, _, _ =	vpop (xrf2);
	(pc) =	sbr.rel @!p2 .LBB2_40-.Ltmp24, $3  }
0x1b2: {  	v31 =	vadd.f32 v31, v30;
	_ =	sdelay $0x1  }
0x1b3: {  	s9 =	sadd.s32 $0x10, s9;
	s10 =	sadd.s32 $0xFFFFFFFF, s10;
	[tilespmem:s20+$0x0] =	vst v31  }
0x1b4: {  	p1 =	por $0x1, $0x1;
	s22 =	smov.u32 s14;
	s21 =	smov.u32 s20;
	v31 =	vld [tilespmem:s9+$0x0]  }
.LBB2_41:
0x1b5: {  	p2 =	sne.s32 s10, $0x1;
	v34 =	vld.idx.msk [tilespmem:v33+s19+$0x0], $0xffff;
	s22 =	sadd.s32 $0x10, s22  }
0x1b6: {  	s11 =	sadd.s32 $0xFFFFFFF1, s22  }
0x1b7: {  	v33 =	vadd.s32 s11, v11  }
0x1b8: {  	vm9 =	vlt.s32 v33, v47  }
0x1b9: {  	v31 =	vnsel vm9, $0x0, v31  }
0x1ba: {  	(xrf2) =	vadd.scan.msk.f32 $0xffff, v31;
	_ =	sdelay $0x9  }
.Ltmp25:
0x1bb: {  	v33 =	vmov s22;
	v31, _, _ =	vpop (xrf2);
	(pc) =	sbr.rel @p2 .LBB2_41-.Ltmp25, $4  }
0x1bc: {  	v31 =	vadd.f32 v31, v34  }
0x1bd: {  	s21 =	sadd.s32 $0x10, s21  }
0x1be: {  	s9 =	sadd.s32 $0x10, s9;
	[tilespmem:s21+$0x0] =	vst v31  }
0x1bf: {  	s10 =	sadd.s32 $0xFFFFFFFF, s10;
	v31 =	vld [tilespmem:s9+$0x0]  }
.LBB2_42:
0x1c0: {  	s9 =	sadd.s32 @p1 $0x10, s22  }
0x1c1: {  	s14 =	smov.u32 @p1 s9  }
0x1c2: {  	s9 =	sadd.s32 $0xFFFFFFF1, s14  }
0x1c3: {  	v34 =	vadd.s32 s9, v11  }
0x1c4: {  	vm9 =	vlt.s32 v34, v47  }
0x1c5: {  	v31 =	vnsel vm9, $0x0, v31  }
0x1c6: {  	(xrf2) =	vadd.scan.msk.f32 $0xffff, v31;
	_ =	sdelay $0x4  }
0x1c7: {  	v31 =	vld.idx.msk @p1 [tilespmem:v33+s19+$0x0], $0xffff;
	_ =	sdelay $0x3  }
0x1c8: {  	v62 =	vmov s14  }
0x1c9: {  	v30 =	vpsel p1, v31, v30;
	v63, _, _ =	vpop (xrf2)  }
0x1ca: {  	s9 =	sadd.s32 @p1 $0x10, s21;
	v30 =	vadd.f32 v63, v30  }
0x1cb: {  	s20 =	smov.u32 @p1 s9  }
0x1cc: {  	[tilespmem:s20+$0x0] =	vst v30  }
0x1cd: {  	v49 =	vld.idx.msk [tilespmem:v62+s19+$0x0], $0xffff  }
.LBB2_43:
0x1ce: {  	_ =	sdelay $0x3  }
0x1cf: {  	v30 =	vld.idx.msk [tilespmem:v6+s15+$0x0], $0xffff;
	_ =	sdelay $0x4  }
0x1d0: {  	v30 =	vmul.f32 $1.442695020e+00, v30;
	_ =	sdelay $0x1  }
0x1d1: {  	(erf) = vpow2.f32 v30;
	_ =	sdelay $0x8  }
0x1d2: {  	v30 =	vpop (erf)  }
0x1d3: {  	v31 =	vadd.f32 v30, v49;
	_ =	sdelay $0x1  }
0x1d4: {  	(erf) = vrcp.f32 v31;
	_ =	sdelay $0x1  }
0x1d5: {  	s9 =	ssub.s32 s5, s2  }
0x1d6: {  	s9 =	sadd.s32 $0xF, s9  }
0x1d7: {  	p1 =	slt.s32 s9, $0x10  }
.Ltmp26:
0x1d8: {  	_ = 	snop;
	(pc) =	sbr.rel @p1 .LBB2_50-.Ltmp26, $2  }
0x1d9: {  	_ =	sdelay $0x2  }
0x1da: {  	v53 =	vld.idx.msk [tilespmem:v6+s16+$0x0], $0xffff;
	v34 =	vimm.f32 $0.0e+00;
	v51 =	vbroadcast v32, $0x7;
	v54 =	vimm.f32 $0.0e+00;
	v31 =	vpop (erf)  }
0x1db: {  	s10 =	sshra.s32 s9, $0x1F  }
0x1dc: {  	s10 =	sshrl.u32 s10, $0x1C  }
0x1dd: {  	s25 =	sadd.s32 s10, s9  }
0x1de: {  	s11 =	sshra.s32 s25, $0x4  }
0x1df: {  	p2 =	sne.s32 s11, $0x1  }
.Ltmp27:
0x1e0: {  	_ = 	snop;
	(pc) =	sbr.rel @!p2 .LBB2_45-.Ltmp27, $4  }
0x1e1: {  	s26 =	sshll.u32 s2, $0x2  }
0x1e2: {  	s10 =	sshra.s32 s26, $0x2  }
0x1e3: {  	s2 =	sadd.s32 $0xF, s2;
	s9 =	sadd.s32 $0x2080, s10  }
0x1e4: {  	v33 =	vimm.f32 $0.0e+00;
	p1 =	por $0x0, $0x0;
	s14 =	sadd.s32 $0x4100, s10;
	v54 =	vld [tilespmem:s9+$0x0];
	s10 =	sadd.s32 $0xFFFFFFFF, s11  }
0x1e5: {  	_ = 	snop  }
0x1e6: {  	s11 =	sadd.s32 $0xFFFFFFF1, s2  }
0x1e7: {  	v55 =	vadd.s32 s11, v11  }
0x1e8: {  	vm9 =	vlt.s32 v55, v51  }
0x1e9: {  	v54 =	vnsel vm9, $0x0, v54  }
0x1ea: {  	(xrf2) =	vadd.scan.msk.f32 $0xffff, v54;
	_ =	sdelay $0x8  }
0x1eb: {  	p2 =	sne.s32 s10, $0x1  }
.Ltmp28:
0x1ec: {  	v55 =	vmov s2;
	v54, _, _ =	vpop (xrf2);
	(pc) =	sbr.rel @!p2 .LBB2_47-.Ltmp28, $3  }
0x1ed: {  	v54 =	vadd.f32 v54, v33;
	_ =	sdelay $0x1  }
0x1ee: {  	s9 =	sadd.s32 $0x10, s9;
	s10 =	sadd.s32 $0xFFFFFFFF, s10;
	[tilespmem:s14+$0x0] =	vst v54  }
0x1ef: {  	p1 =	por $0x1, $0x1;
	s21 =	smov.u32 s2;
	s20 =	smov.u32 s14;
	v54 =	vld [tilespmem:s9+$0x0]  }
.LBB2_48:
0x1f0: {  	p2 =	sne.s32 s10, $0x1;
	v56 =	vld.idx.msk [tilespmem:v55+s19+$0x0], $0xffff;
	s21 =	sadd.s32 $0x10, s21  }
0x1f1: {  	s11 =	sadd.s32 $0xFFFFFFF1, s21  }
0x1f2: {  	v55 =	vadd.s32 s11, v11  }
0x1f3: {  	vm9 =	vlt.s32 v55, v51  }
0x1f4: {  	v54 =	vnsel vm9, $0x0, v54  }
0x1f5: {  	(xrf2) =	vadd.scan.msk.f32 $0xffff, v54;
	_ =	sdelay $0x9  }
.Ltmp29:
0x1f6: {  	v55 =	vmov s21;
	v54, _, _ =	vpop (xrf2);
	(pc) =	sbr.rel @p2 .LBB2_48-.Ltmp29, $4  }
0x1f7: {  	v54 =	vadd.f32 v54, v56  }
0x1f8: {  	s20 =	sadd.s32 $0x10, s20  }
0x1f9: {  	s9 =	sadd.s32 $0x10, s9;
	[tilespmem:s20+$0x0] =	vst v54  }
0x1fa: {  	s10 =	sadd.s32 $0xFFFFFFFF, s10;
	v54 =	vld [tilespmem:s9+$0x0]  }
.LBB2_49:
0x1fb: {  	s9 =	sadd.s32 @p1 $0x10, s21  }
0x1fc: {  	s2 =	smov.u32 @p1 s9  }
0x1fd: {  	s9 =	sadd.s32 $0xFFFFFFF1, s2  }
0x1fe: {  	v56 =	vadd.s32 s9, v11  }
0x1ff: {  	vm9 =	vlt.s32 v56, v51  }
0x200: {  	v54 =	vnsel vm9, $0x0, v54  }
0x201: {  	(xrf2) =	vadd.scan.msk.f32 $0xffff, v54;
	_ =	sdelay $0x4  }
0x202: {  	v54 =	vld.idx.msk @p1 [tilespmem:v55+s19+$0x0], $0xffff;
	_ =	sdelay $0x3  }
0x203: {  	v62 =	vmov s2  }
0x204: {  	v33 =	vpsel p1, v54, v33;
	v63, _, _ =	vpop (xrf2)  }
0x205: {  	s2 =	sadd.s32 @p1 $0x10, s20;
	v33 =	vadd.f32 v63, v33  }
0x206: {  	s14 =	smov.u32 @p1 s2  }
0x207: {  	[tilespmem:s14+$0x0] =	vst v33  }
0x208: {  	v54 =	vld.idx.msk [tilespmem:v62+s19+$0x0], $0xffff  }
.LBB2_50:
0x209: {  	_ =	sdelay $0x3  }
0x20a: {  	v33 =	vld.idx.msk [tilespmem:v7+s15+$0x0], $0xffff;
	_ =	sdelay $0x4  }
0x20b: {  	v33 =	vmul.f32 $1.442695020e+00, v33;
	_ =	sdelay $0x1  }
0x20c: {  	(erf) = vpow2.f32 v33;
	_ =	sdelay $0x8  }
0x20d: {  	v33 =	vpop (erf)  }
0x20e: {  	v40 =	vsub.f32 $1.000000000e+00, v40;
	v55 =	vadd.f32 v33, v54  }
0x20f: {  	v42 =	vsub.f32 $1.000000000e+00, v42  }
0x210: {  	v63 =	vld.idx.msk [tilespmem:v7+s16+$0x0], $0xffff;
	v46 =	vsub.f32 $1.000000000e+00, v46;
	v38 =	vmul.f32 v40, v38;
	(erf) = vrcp.f32 v55  }
0x211: {  	v56 =	vsub.f32 $1.000000000e+00, v48;
	v35 =	vmul.f32 v42, v35  }
0x212: {  	v57 =	vsub.f32 $1.000000000e+00, v52;
	s1 =	ssub.s32 s1, s5;
	v40 =	vmul.f32 v46, v44;
	v38 =	vnsel vm1, $0x0, v38  }
0x213: {  	s1 =	sadd.s32 $0xF, s1;
	v58 =	vmul.f32 v56, v43;
	v35 =	vsel vm2, v38, v35  }
0x214: {  	v60 =	vmul.f32 v57, v50;
	p1 =	slt.s32 s1, $0x10;
	v59 =	vsub.f32 $1.000000000e+00, v53;
	v35 =	vsel vm3, v35, v40  }
.Ltmp30:
0x215: {  	v61 =	vsub.f32 $1.000000000e+00, v63;
	v35 =	vsel vm4, v35, v58;
	(pc) =	sbr.rel @p1 .LBB2_57-.Ltmp30, $4  }
0x216: {  	v62 =	vmul.f32 v59, v49;
	v35 =	vsel vm5, v35, v60  }
0x217: {  	v63 =	vmul.f32 v61, v54  }
0x218: {  	v38 =	vsel vm6, v35, v62  }
0x219: {  	v40 =	vbroadcast v32, $0x8;
	v38 =	vsel vm7, v38, v63;
	v35 =	vpop (erf)  }
0x21a: {  	s2 =	sshra.s32 s1, $0x1F  }
0x21b: {  	s2 =	sshrl.u32 s2, $0x1C  }
0x21c: {  	s24 =	sadd.s32 s2, s1  }
0x21d: {  	s10 =	sshra.s32 s24, $0x4  }
0x21e: {  	p2 =	sne.s32 s10, $0x1  }
.Ltmp31:
0x21f: {  	_ = 	snop;
	(pc) =	sbr.rel @!p2 .LBB2_52-.Ltmp31, $4  }
0x220: {  	s25 =	sshll.u32 s5, $0x2  }
0x221: {  	s26 =	sshra.s32 s25, $0x2  }
0x222: {  	p1 =	por $0x0, $0x0;
	s9 =	sadd.s32 $0x2080, s26  }
0x223: {  	v34 =	vimm.f32 $0.0e+00;
	s1 =	sadd.s32 $0x4100, s26;
	s2 =	sadd.s32 $0xF, s5;
	v42 =	vld [tilespmem:s9+$0x0];
	s5 =	sadd.s32 $0xFFFFFFFF, s10  }
0x224: {  	_ = 	snop  }
0x225: {  	s10 =	sadd.s32 $0xFFFFFFF1, s2  }
0x226: {  	v43 =	vadd.s32 s10, v11  }
0x227: {  	vm9 =	vlt.s32 v43, v40  }
0x228: {  	v42 =	vnsel vm9, $0x0, v42  }
0x229: {  	(xrf2) =	vadd.scan.msk.f32 $0xffff, v42;
	_ =	sdelay $0x8  }
0x22a: {  	p2 =	sne.s32 s5, $0x1  }
.Ltmp32:
0x22b: {  	v43 =	vmov s2;
	v42, _, _ =	vpop (xrf2);
	(pc) =	sbr.rel @!p2 .LBB2_54-.Ltmp32, $3  }
0x22c: {  	v42 =	vadd.f32 v42, v34;
	_ =	sdelay $0x1  }
0x22d: {  	s9 =	sadd.s32 $0x10, s9;
	p1 =	por $0x1, $0x1;
	[tilespmem:s1+$0x0] =	vst v42  }
0x22e: {  	s14 =	smov.u32 s2;
	s10 =	sadd.s32 $0xFFFFFFFF, s5;
	s5 =	smov.u32 s1;
	v42 =	vld [tilespmem:s9+$0x0]  }
.LBB2_55:
0x22f: {  	p2 =	sne.s32 s10, $0x1;
	v44 =	vld.idx.msk [tilespmem:v43+s19+$0x0], $0xffff;
	s14 =	sadd.s32 $0x10, s14  }
0x230: {  	s11 =	sadd.s32 $0xFFFFFFF1, s14  }
0x231: {  	v43 =	vadd.s32 s11, v11  }
0x232: {  	vm9 =	vlt.s32 v43, v40  }
0x233: {  	v42 =	vnsel vm9, $0x0, v42  }
0x234: {  	(xrf2) =	vadd.scan.msk.f32 $0xffff, v42;
	_ =	sdelay $0x9  }
.Ltmp33:
0x235: {  	v43 =	vmov s14;
	v42, _, _ =	vpop (xrf2);
	(pc) =	sbr.rel @p2 .LBB2_55-.Ltmp33, $4  }
0x236: {  	v42 =	vadd.f32 v42, v44  }
0x237: {  	s5 =	sadd.s32 $0x10, s5  }
0x238: {  	s9 =	sadd.s32 $0x10, s9;
	[tilespmem:s5+$0x0] =	vst v42  }
0x239: {  	s10 =	sadd.s32 $0xFFFFFFFF, s10;
	v42 =	vld [tilespmem:s9+$0x0]  }
.LBB2_56:
0x23a: {  	s9 =	sadd.s32 @p1 $0x10, s14  }
0x23b: {  	s2 =	smov.u32 @p1 s9  }
0x23c: {  	s9 =	sadd.s32 $0xFFFFFFF1, s2  }
0x23d: {  	v44 =	vadd.s32 s9, v11  }
0x23e: {  	vm9 =	vlt.s32 v44, v40  }
0x23f: {  	v42 =	vnsel vm9, $0x0, v42  }
0x240: {  	(xrf2) =	vadd.scan.msk.f32 $0xffff, v42;
	_ =	sdelay $0x4  }
0x241: {  	v42 =	vld.idx.msk @p1 [tilespmem:v43+s19+$0x0], $0xffff;
	_ =	sdelay $0x3  }
0x242: {  	v62 =	vmov s2  }
0x243: {  	v34 =	vpsel p1, v42, v34;
	v63, _, _ =	vpop (xrf2)  }
0x244: {  	s2 =	sadd.s32 @p1 $0x10, s5;
	v34 =	vadd.f32 v63, v34  }
0x245: {  	s1 =	smov.u32 @p1 s2  }
0x246: {  	[tilespmem:s1+$0x0] =	vst v34  }
0x247: {  	v34 =	vld.idx.msk [tilespmem:v62+s19+$0x0], $0xffff  }
.LBB2_57:
0x248: {  	_ =	sdelay $0x2  }
0x249: {  	v42 =	vmin.u32 v32, $0x1000  }
0x24a: {  	v43 =	vld.idx.msk [tilespmem:v8+s16+$0x0], $0xffff;
	v42 =	vadd.s32 $0xFFF, v42  }
0x24b: {  	v36 =	vnsel vm1, $0x0, v36  }
0x24c: {  	v36 =	vsel vm2, v36, v37  }
0x24d: {  	v36 =	vsel vm3, v36, v39  }
0x24e: {  	v36 =	vsel vm4, v36, v41  }
0x24f: {  	v36 =	vsel vm5, v36, v45;
	v44 =	vsub.f32 $1.000000000e+00, v43;
	v45 =	vld.idx.msk [tilespmem:v42+s19+$0x0], $0xffff  }
0x250: {  	v36 =	vsel vm6, v36, v47  }
0x251: {  	v36 =	vsel vm7, v36, v51;
	v37 =	vmul.f32 v44, v34  }
0x252: {  	v36 =	vsel vm8, v36, v40  }
0x253: {  	v36 =	vsub.s32 v36, v32;
	v37 =	vsel vm8, v38, v37  }
0x254: {  	vm9 =	vgt.s32 v36, $0xFFF;
	vm10 =	vlt.f32 v45, v37  }
0x255: {  	vm9 =	vmand vm9, vm10  }
0x256: {  	v46 =	vsel vm9, $0x1000, v10  }
0x257: {  	v47 =	vor.u32 $0x800, v46  }
0x258: {  	v48 =	vadd.s32 v32, v47  }
0x259: {  	v40 =	vmin.u32 v48, $0x2000  }
0x25a: {  	v40 =	vadd.s32 $0xFFFFFFFF, v40;
	_ =	sdelay $0x4  }
0x25b: {  	v40 =	vld.idx.msk [tilespmem:v40+s19+$0x0], $0xffff;
	_ =	sdelay $0x4  }
0x25c: {  	vm9 =	vle.s32 v47, v36;
	vm10 =	vlt.f32 v40, v37  }
0x25d: {  	vm9 =	vmand vm10, vm9  }
0x25e: {  	v38 =	vsel vm9, v47, v46  }
0x25f: {  	v39 =	vor.u32 $0x400, v38  }
0x260: {  	v49 =	vadd.s32 v32, v39  }
0x261: {  	v40 =	vmin.u32 v49, $0x2000  }
0x262: {  	v40 =	vadd.s32 $0xFFFFFFFF, v40;
	_ =	sdelay $0x4  }
0x263: {  	v40 =	vld.idx.msk [tilespmem:v40+s19+$0x0], $0xffff;
	_ =	sdelay $0x4  }
0x264: {  	vm9 =	vle.s32 v39, v36;
	vm10 =	vlt.f32 v40, v37  }
0x265: {  	vm9 =	vmand vm10, vm9  }
0x266: {  	v38 =	vsel vm9, v39, v38  }
0x267: {  	v39 =	vor.u32 $0x200, v38  }
0x268: {  	v50 =	vadd.s32 v32, v39  }
0x269: {  	v40 =	vmin.u32 v50, $0x2000  }
0x26a: {  	v40 =	vadd.s32 $0xFFFFFFFF, v40;
	_ =	sdelay $0x4  }
0x26b: {  	v40 =	vld.idx.msk [tilespmem:v40+s19+$0x0], $0xffff;
	_ =	sdelay $0x4  }
0x26c: {  	vm9 =	vle.s32 v39, v36;
	vm10 =	vlt.f32 v40, v37  }
0x26d: {  	vm9 =	vmand vm10, vm9  }
0x26e: {  	v38 =	vsel vm9, v39, v38  }
0x26f: {  	v39 =	vadd.s32 $0x100, v38  }
0x270: {  	v51 =	vadd.s32 v32, v39  }
0x271: {  	v40 =	vmin.u32 v51, $0x2000  }
0x272: {  	v40 =	vadd.s32 $0xFFFFFFFF, v40;
	_ =	sdelay $0x4  }
0x273: {  	v40 =	vld.idx.msk [tilespmem:v40+s19+$0x0], $0xffff;
	_ =	sdelay $0x4  }
0x274: {  	vm9 =	vle.s32 v39, v36;
	vm10 =	vlt.f32 v40, v37  }
0x275: {  	vm9 =	vmand vm10, vm9  }
0x276: {  	v38 =	vsel vm9, v39, v38  }
0x277: {  	v39 =	vadd.s32 $0x80, v38  }
0x278: {  	v52 =	vadd.s32 v32, v39  }
0x279: {  	v40 =	vmin.u32 v52, $0x2000  }
0x27a: {  	v40 =	vadd.s32 $0xFFFFFFFF, v40;
	_ =	sdelay $0x4  }
0x27b: {  	v40 =	vld.idx.msk [tilespmem:v40+s19+$0x0], $0xffff;
	_ =	sdelay $0x4  }
0x27c: {  	vm9 =	vle.s32 v39, v36;
	vm10 =	vlt.f32 v40, v37  }
0x27d: {  	vm9 =	vmand vm10, vm9  }
0x27e: {  	v38 =	vsel vm9, v39, v38  }
0x27f: {  	v39 =	vadd.s32 $0x40, v38  }
0x280: {  	v53 =	vadd.s32 v32, v39  }
0x281: {  	v40 =	vmin.u32 v53, $0x2000  }
0x282: {  	v40 =	vadd.s32 $0xFFFFFFFF, v40;
	_ =	sdelay $0x4  }
0x283: {  	v40 =	vld.idx.msk [tilespmem:v40+s19+$0x0], $0xffff;
	_ =	sdelay $0x4  }
0x284: {  	vm9 =	vle.s32 v39, v36;
	vm10 =	vlt.f32 v40, v37  }
0x285: {  	vm9 =	vmand vm10, vm9  }
0x286: {  	v38 =	vsel vm9, v39, v38  }
0x287: {  	v39 =	vadd.s32 $0x20, v38  }
0x288: {  	v54 =	vadd.s32 v32, v39  }
0x289: {  	v40 =	vmin.u32 v54, $0x2000  }
0x28a: {  	v40 =	vadd.s32 $0xFFFFFFFF, v40;
	_ =	sdelay $0x4  }
0x28b: {  	v40 =	vld.idx.msk [tilespmem:v40+s19+$0x0], $0xffff;
	_ =	sdelay $0x4  }
0x28c: {  	vm9 =	vle.s32 v39, v36;
	vm10 =	vlt.f32 v40, v37  }
0x28d: {  	vm9 =	vmand vm10, vm9  }
0x28e: {  	v38 =	vsel vm9, v39, v38  }
0x28f: {  	v39 =	vadd.s32 $0x10, v38  }
0x290: {  	v55 =	vadd.s32 v32, v39  }
0x291: {  	v40 =	vmin.u32 v55, $0x2000  }
0x292: {  	v40 =	vadd.s32 $0xFFFFFFFF, v40;
	_ =	sdelay $0x4  }
0x293: {  	v40 =	vld.idx.msk [tilespmem:v40+s19+$0x0], $0xffff;
	_ =	sdelay $0x4  }
0x294: {  	vm9 =	vle.s32 v39, v36;
	vm10 =	vlt.f32 v40, v37  }
0x295: {  	vm9 =	vmand vm10, vm9  }
0x296: {  	v38 =	vsel vm9, v39, v38  }
0x297: {  	v39 =	vadd.s32 $0x8, v38  }
0x298: {  	v56 =	vadd.s32 v32, v39  }
0x299: {  	v40 =	vmin.u32 v56, $0x2000  }
0x29a: {  	v40 =	vadd.s32 $0xFFFFFFFF, v40;
	_ =	sdelay $0x4  }
0x29b: {  	v40 =	vld.idx.msk [tilespmem:v40+s19+$0x0], $0xffff;
	_ =	sdelay $0x4  }
0x29c: {  	vm9 =	vle.s32 v39, v36;
	vm10 =	vlt.f32 v40, v37  }
0x29d: {  	vm9 =	vmand vm10, vm9  }
0x29e: {  	v38 =	vsel vm9, v39, v38  }
0x29f: {  	v39 =	vadd.s32 $0x4, v38  }
0x2a0: {  	v57 =	vadd.s32 v32, v39  }
0x2a1: {  	v40 =	vmin.u32 v57, $0x2000  }
0x2a2: {  	v40 =	vadd.s32 $0xFFFFFFFF, v40;
	_ =	sdelay $0x4  }
0x2a3: {  	v40 =	vld.idx.msk [tilespmem:v40+s19+$0x0], $0xffff;
	_ =	sdelay $0x4  }
0x2a4: {  	vm9 =	vle.s32 v39, v36;
	vm10 =	vlt.f32 v40, v37  }
0x2a5: {  	vm9 =	vmand vm10, vm9  }
0x2a6: {  	v38 =	vsel vm9, v39, v38  }
0x2a7: {  	v39 =	vadd.s32 $0x2, v38  }
0x2a8: {  	v58 =	vadd.s32 v32, v39  }
0x2a9: {  	v40 =	vmin.u32 v58, $0x2000  }
0x2aa: {  	v40 =	vadd.s32 $0xFFFFFFFF, v40;
	_ =	sdelay $0x4  }
0x2ab: {  	v40 =	vld.idx.msk [tilespmem:v40+s19+$0x0], $0xffff;
	_ =	sdelay $0x4  }
0x2ac: {  	vm9 =	vle.s32 v39, v36;
	vm10 =	vlt.f32 v40, v37  }
0x2ad: {  	vm9 =	vmand vm10, vm9  }
0x2ae: {  	v38 =	vsel vm9, v39, v38  }
0x2af: {  	v39 =	vadd.s32 v32, v38  }
0x2b0: {  	v39 =	vmin.u32 v39, $0x1FFF;
	_ =	sdelay $0x4  }
0x2b1: {  	v39 =	vld.idx.msk [tilespmem:v39+s19+$0x0], $0xffff;
	_ =	sdelay $0x4  }
0x2b2: {  	vm9 =	vlt.s32 v38, v36;
	vm10 =	vlt.f32 v39, v37  }
0x2b3: {  	vm9 =	vmand vm10, vm9  }
0x2b4: {  	v59 =	vsel vm9, $0x1, v10  }
0x2b5: {  	v36 =	vadd.s32 $0xFFFFFFFF, v36;
	v37 =	vadd.s32 v59, v38  }
0x2b6: {  	vm9 =	vlt.s32 v37, v36  }
0x2b7: {  	v36 =	vsel vm9, v37, v36  }
0x2b8: {  	v32 =	vadd.s32 v32, v36  }
0x2b9: {  	v60 =	vshll.u32 v32, $0x4  }
0x2ba: {  	(v2sf) =	vpush v60, $0x0;
	_ =	sdelay $0x1  }
0x2bb: {  	(v2sf) =	vpush v60, $0x1;
	_ =	sdelay $0x1  }
0x2bc: {  	(v2sf) =	vpush v60, $0x2;
	_ =	sdelay $0x2  }
0x2bd: {  	(v2sf) =	vpush v60, $0x3;
	_ =	sdelay $0x7  }
0x2be: {  	s1 =	spop (v2sf);
	(v2sf) =	vpush v60, $0x4;
	_ =	sdelay $0x1  }
0x2bf: {  	s25 =	spop (v2sf);
	(v2sf) =	vpush v60, $0x5  }
0x2c0: {  	s1 =	sand.u32 $0x1FFFFFF0, s1  }
0x2c1: {  	s2 =	simm.s32 $0x6300;
	s1 =	sadd.s32 s3, s1;
	s5 =	spop (v2sf)  }
0x2c2: {  	v36 =	vld.idx.msk [tilespmem:v8+s15+$0x0], $0xffff;
	(v2sf) =	vpush v60, $0x6;
	[tilespmem:s2], [sflag:$0x1] =	stream.linear.gather [hbm4b:s1+s4], $0x80, $0x38  }
0x2c3: {  	s1 =	sand.u32 $0x1FFFFFF0, s25  }
0x2c4: {  	s26 =	simm.s32 $0x6380;
	s10 =	spop (v2sf);
	s1 =	sadd.s32 s3, s1  }
0x2c5: {  	(v2sf) =	vpush v60, $0x7;
	[tilespmem:s26], [sflag:$0x1] =	stream.linear.gather [hbm4b:s1+s4], $0x80, $0x38;
	[tilespmem:$0x6A00] =	vst v63  }
0x2c6: {  	s1 =	sand.u32 $0x1FFFFFF0, s5  }
0x2c7: {  	s9 =	simm.s32 $0x6400;
	s1 =	sadd.s32 s3, s1  }
0x2c8: {  	[tilespmem:s9], [sflag:$0x1] =	stream.linear.gather [hbm4b:s1+s4], $0x80, $0x38;
	[tilespmem:$0x6A00] =	vst v63  }
0x2c9: {  	s1 =	sand.u32 $0x1FFFFFF0, s10  }
0x2ca: {  	s11 =	simm.s32 $0x6480;
	s1 =	sadd.s32 s3, s1  }
0x2cb: {  	[tilespmem:s11], [sflag:$0x1] =	stream.linear.gather [hbm4b:s1+s4], $0x80, $0x38;
	[tilespmem:$0x6A00] =	vst v63  }
0x2cc: {  	s14 =	spop (v2sf)  }
0x2cd: {  	s1 =	sand.u32 $0x1FFFFFF0, s14  }
0x2ce: {  	s20 =	simm.s32 $0x6500;
	s21 =	spop (v2sf);
	s1 =	sadd.s32 s3, s1  }
0x2cf: {  	[tilespmem:s20], [sflag:$0x1] =	stream.linear.gather [hbm4b:s1+s4], $0x80, $0x38;
	[tilespmem:$0x6A00] =	vst v63  }
0x2d0: {  	s1 =	sand.u32 $0x1FFFFFF0, s21  }
0x2d1: {  	s22 =	simm.s32 $0x6580;
	s23 =	spop (v2sf);
	s1 =	sadd.s32 s3, s1  }
0x2d2: {  	[tilespmem:s22], [sflag:$0x1] =	stream.linear.gather [hbm4b:s1+s4], $0x80, $0x38;
	[tilespmem:$0x6A00] =	vst v63  }
0x2d3: {  	s1 =	sand.u32 $0x1FFFFFF0, s23  }
0x2d4: {  	s24 =	simm.s32 $0x6600;
	s25 =	spop (v2sf);
	s1 =	sadd.s32 s3, s1  }
0x2d5: {  	[tilespmem:s24], [sflag:$0x1] =	stream.linear.gather [hbm4b:s1+s4], $0x80, $0x38;
	[tilespmem:$0x6A00] =	vst v63  }
0x2d6: {  	s1 =	sand.u32 $0x1FFFFFF0, s25  }
0x2d7: {  	s26 =	simm.s32 $0x6680;
	s1 =	sadd.s32 s3, s1  }
0x2d8: {  	[tilespmem:s26], [sflag:$0x1] =	stream.linear.gather [hbm4b:s1+s4], $0x80, $0x38;
	[tilespmem:$0x6A00] =	vst v63  }
0x2d9: {  	_ =	swait.ge [sflag:s29], $0x80  }
0x2da: {  	[sflag:s29] =	ssyncset.done $0x0  }
0x2db: {  	[sflag:s29] =	ssyncadd.s32 $0xFFFFFF80  }
0x2dc: {  	_ =	swait.ge [sflag:s29], $0x80  }
0x2dd: {  	[sflag:s29] =	ssyncset.done $0x0  }
0x2de: {  	[sflag:s29] =	ssyncadd.s32 $0xFFFFFF80  }
0x2df: {  	_ =	swait.ge [sflag:s29], $0x80  }
0x2e0: {  	[sflag:s29] =	ssyncset.done $0x0  }
0x2e1: {  	[sflag:s29] =	ssyncadd.s32 $0xFFFFFF80  }
0x2e2: {  	_ =	swait.ge [sflag:s29], $0x80  }
0x2e3: {  	[sflag:s29] =	ssyncset.done $0x0  }
0x2e4: {  	[sflag:s29] =	ssyncadd.s32 $0xFFFFFF80  }
0x2e5: {  	_ =	swait.ge [sflag:s29], $0x80  }
0x2e6: {  	[sflag:s29] =	ssyncset.done $0x0  }
0x2e7: {  	[sflag:s29] =	ssyncadd.s32 $0xFFFFFF80  }
0x2e8: {  	_ =	swait.ge [sflag:s29], $0x80  }
0x2e9: {  	[sflag:s29] =	ssyncset.done $0x0  }
0x2ea: {  	[sflag:s29] =	ssyncadd.s32 $0xFFFFFF80  }
0x2eb: {  	_ =	swait.ge [sflag:s29], $0x80  }
0x2ec: {  	[sflag:s29] =	ssyncset.done $0x0  }
0x2ed: {  	[sflag:s29] =	ssyncadd.s32 $0xFFFFFF80  }
0x2ee: {  	_ =	swait.ge [sflag:s29], $0x80  }
0x2ef: {  	[sflag:s29] =	ssyncset.done $0x0  }
0x2f0: {  	[sflag:s29] =	ssyncadd.s32 $0xFFFFFF80  }
0x2f1: {  	v61 =	vld [tilespmem:$0x6300];
	_ =	sdelay $0x4  }
0x2f2: {  	(xrf2) =	vadd.scan.msk.f32 $0xffff, v61;
	_ =	sdelay $0x2  }
0x2f3: {  	v62 =	vld [tilespmem:$0x6310];
	_ =	sdelay $0x4  }
0x2f4: {  	(xrf2) =	vadd.scan.msk.f32 $0xffff, v62;
	_ =	sdelay $0x1  }
0x2f5: {  	v63, _, _ =	vpop (xrf2)  }
0x2f6: {  	v43 =	vld [tilespmem:$0x6320];
	v42 =	vadd.f32 $0.0e+00, v63;
	_ =	sdelay $0x1  }
0x2f7: {  	[tilespmem:$0x6700] =	vst v42  }
0x2f8: {  	v38 =	vld.idx.msk [tilespmem:v12+s30+$0x0], $0xffff;
	_ =	sdelay $0x1  }
0x2f9: {  	(xrf2) =	vadd.scan.msk.f32 $0xffff, v43;
	_ =	sdelay $0x1  }
0x2fa: {  	v44, _, _ =	vpop (xrf2)  }
0x2fb: {  	v45 =	vld [tilespmem:$0x6330];
	v38 =	vadd.f32 v44, v38;
	_ =	sdelay $0x1  }
0x2fc: {  	[tilespmem:$0x6710] =	vst v38  }
0x2fd: {  	v46 =	vld.idx.msk [tilespmem:v13+s30+$0x0], $0xffff;
	_ =	sdelay $0x1  }
0x2fe: {  	(xrf2) =	vadd.scan.msk.f32 $0xffff, v45;
	_ =	sdelay $0x1  }
0x2ff: {  	v47, _, _ =	vpop (xrf2)  }
0x300: {  	v48 =	vld [tilespmem:$0x6340];
	v39 =	vadd.f32 v47, v46;
	_ =	sdelay $0x1  }
0x301: {  	[tilespmem:$0x6720] =	vst v39  }
0x302: {  	v49 =	vld.idx.msk [tilespmem:v14+s30+$0x0], $0xffff;
	_ =	sdelay $0x1  }
0x303: {  	(xrf2) =	vadd.scan.msk.f32 $0xffff, v48;
	_ =	sdelay $0x1  }
0x304: {  	v50, _, _ =	vpop (xrf2)  }
0x305: {  	v51 =	vld [tilespmem:$0x6350];
	v40 =	vadd.f32 v50, v49;
	_ =	sdelay $0x1  }
0x306: {  	[tilespmem:$0x6730] =	vst v40  }
0x307: {  	v52 =	vld.idx.msk [tilespmem:v15+s30+$0x0], $0xffff;
	_ =	sdelay $0x1  }
0x308: {  	(xrf2) =	vadd.scan.msk.f32 $0xffff, v51;
	_ =	sdelay $0x1  }
0x309: {  	v53, _, _ =	vpop (xrf2)  }
0x30a: {  	v54 =	vld [tilespmem:$0x6360];
	v41 =	vadd.f32 v53, v52;
	_ =	sdelay $0x1  }
0x30b: {  	[tilespmem:$0x6740] =	vst v41  }
0x30c: {  	v55 =	vld.idx.msk [tilespmem:v16+s30+$0x0], $0xffff;
	_ =	sdelay $0x1  }
0x30d: {  	(xrf2) =	vadd.scan.msk.f32 $0xffff, v54;
	_ =	sdelay $0x1  }
0x30e: {  	v56, _, _ =	vpop (xrf2)  }
0x30f: {  	v57 =	vld [tilespmem:$0x6370];
	v42 =	vadd.f32 v56, v55;
	_ =	sdelay $0x1  }
0x310: {  	[tilespmem:$0x6750] =	vst v42  }
0x311: {  	v44 =	vld.idx.msk [tilespmem:v17+s30+$0x0], $0xffff;
	_ =	sdelay $0x1  }
0x312: {  	(xrf2) =	vadd.scan.msk.f32 $0xffff, v57;
	_ =	sdelay $0x1  }
0x313: {  	v58, _, _ =	vpop (xrf2)  }
0x314: {  	v43 =	vadd.f32 v58, v44;
	_ =	sdelay $0x1  }
0x315: {  	[tilespmem:$0x6760] =	vst v43  }
0x316: {  	v59 =	vld.idx.msk [tilespmem:v18+s30+$0x0], $0xffff;
	_ =	sdelay $0x3  }
0x317: {  	v60, _, _ =	vpop (xrf2)  }
0x318: {  	v44 =	vadd.f32 v60, v59;
	_ =	sdelay $0x1  }
0x319: {  	[tilespmem:$0x6770] =	vst v44  }
0x31a: {  	v61 =	vld.idx.msk [tilespmem:v0+s17+$0x0], $0xffff;
	_ =	sdelay $0x1  }
0x31b: {  	v46 =	vld.idx.msk [tilespmem:v19+s30+$0x0], $0xffff;
	_ =	sdelay $0x2  }
0x31c: {  	v45 =	vsub.f32 $1.000000000e+00, v61;
	_ =	sdelay $0x1  }
0x31d: {  	v45 =	vmul.f32 v45, v46  }
0x31e: {  	v62 =	vld [tilespmem:$0x6380]  }
0x31f: {  	vm9 =	vlt.f32 v63, v45;
	vm10 =	vlt.f32 v38, v45  }
0x320: {  	v37 =	vsel vm9, $0x1, v10;
	v38 =	vsel vm10, $0x1, v10;
	vm9 =	vlt.f32 v39, v45  }
0x321: {  	v37 =	vadd.s32 v38, v37;
	v63 =	vsel vm9, $0x1, v10;
	vm9 =	vlt.f32 v40, v45  }
0x322: {  	v37 =	vadd.s32 v63, v37;
	v40 =	vsel vm9, $0x1, v10;
	vm9 =	vlt.f32 v41, v45  }
0x323: {  	(xrf2) =	vadd.scan.msk.f32 $0xffff, v62;
	v37 =	vadd.s32 v40, v37;
	v41 =	vsel vm9, $0x1, v10;
	vm9 =	vlt.f32 v42, v45  }
0x324: {  	v37 =	vadd.s32 v41, v37;
	v42 =	vsel vm9, $0x1, v10;
	vm9 =	vlt.f32 v43, v45  }
0x325: {  	v37 =	vadd.s32 v42, v37;
	v43 =	vsel vm9, $0x1, v10;
	vm9 =	vlt.f32 v44, v45  }
0x326: {  	v46 =	vld [tilespmem:$0x6390];
	v37 =	vadd.s32 v43, v37;
	v45 =	vsel vm9, $0x1, v10  }
0x327: {  	v37 =	vadd.s32 v45, v37  }
0x328: {  	(xrf0) =	vadd.scan.msk.s32 $0xffff, v37;
	_ =	sdelay $0x2  }
0x329: {  	(xrf2) =	vadd.scan.msk.f32 $0xffff, v46;
	_ =	sdelay $0x1  }
0x32a: {  	v38, _, _ =	vpop (xrf2)  }
0x32b: {  	v49 =	vld [tilespmem:$0x63A0];
	v48 =	vadd.f32 $0.0e+00, v38;
	v47, _, _ =	vpop (xrf0)  }
0x32c: {  	[tilespmem:$0x6780] =	vst v47  }
0x32d: {  	v37 =	vld.idx.msk [tilespmem:v12+s31+$0x0], $0xffff;
	[tilespmem:$0x6700] =	vst v48  }
0x32e: {  	v39 =	vld.idx.msk [tilespmem:v12+s30+$0x0], $0xffff;
	_ =	sdelay $0x1  }
0x32f: {  	(xrf2) =	vadd.scan.msk.f32 $0xffff, v49;
	_ =	sdelay $0x1  }
0x330: {  	v50, _, _ =	vpop (xrf2)  }
0x331: {  	v51 =	vld [tilespmem:$0x63B0];
	v39 =	vadd.f32 v50, v39;
	_ =	sdelay $0x1  }
0x332: {  	[tilespmem:$0x6710] =	vst v39  }
0x333: {  	v52 =	vld.idx.msk [tilespmem:v13+s30+$0x0], $0xffff;
	_ =	sdelay $0x1  }
0x334: {  	(xrf2) =	vadd.scan.msk.f32 $0xffff, v51;
	_ =	sdelay $0x1  }
0x335: {  	v53, _, _ =	vpop (xrf2)  }
0x336: {  	v54 =	vld [tilespmem:$0x63C0];
	v40 =	vadd.f32 v53, v52;
	_ =	sdelay $0x1  }
0x337: {  	[tilespmem:$0x6720] =	vst v40  }
0x338: {  	v55 =	vld.idx.msk [tilespmem:v14+s30+$0x0], $0xffff;
	_ =	sdelay $0x1  }
0x339: {  	(xrf2) =	vadd.scan.msk.f32 $0xffff, v54;
	_ =	sdelay $0x1  }
0x33a: {  	v56, _, _ =	vpop (xrf2)  }
0x33b: {  	v57 =	vld [tilespmem:$0x63D0];
	v41 =	vadd.f32 v56, v55;
	_ =	sdelay $0x1  }
0x33c: {  	[tilespmem:$0x6730] =	vst v41  }
0x33d: {  	v58 =	vld.idx.msk [tilespmem:v15+s30+$0x0], $0xffff;
	_ =	sdelay $0x1  }
0x33e: {  	(xrf2) =	vadd.scan.msk.f32 $0xffff, v57;
	_ =	sdelay $0x1  }
0x33f: {  	v59, _, _ =	vpop (xrf2)  }
0x340: {  	v60 =	vld [tilespmem:$0x63E0];
	v42 =	vadd.f32 v59, v58;
	_ =	sdelay $0x1  }
0x341: {  	[tilespmem:$0x6740] =	vst v42  }
0x342: {  	v61 =	vld.idx.msk [tilespmem:v16+s30+$0x0], $0xffff;
	_ =	sdelay $0x1  }
0x343: {  	(xrf2) =	vadd.scan.msk.f32 $0xffff, v60;
	_ =	sdelay $0x1  }
0x344: {  	v62, _, _ =	vpop (xrf2)  }
0x345: {  	v63 =	vld [tilespmem:$0x63F0];
	v43 =	vadd.f32 v62, v61;
	_ =	sdelay $0x1  }
0x346: {  	[tilespmem:$0x6750] =	vst v43  }
0x347: {  	v48 =	vld.idx.msk [tilespmem:v17+s30+$0x0], $0xffff;
	_ =	sdelay $0x1  }
0x348: {  	(xrf2) =	vadd.scan.msk.f32 $0xffff, v63;
	_ =	sdelay $0x1  }
0x349: {  	v49, _, _ =	vpop (xrf2)  }
0x34a: {  	v44 =	vadd.f32 v49, v48;
	_ =	sdelay $0x1  }
0x34b: {  	[tilespmem:$0x6760] =	vst v44  }
0x34c: {  	v50 =	vld.idx.msk [tilespmem:v18+s30+$0x0], $0xffff;
	_ =	sdelay $0x3  }
0x34d: {  	v51, _, _ =	vpop (xrf2)  }
0x34e: {  	v45 =	vadd.f32 v51, v50;
	_ =	sdelay $0x1  }
0x34f: {  	[tilespmem:$0x6770] =	vst v45  }
0x350: {  	v52 =	vld.idx.msk [tilespmem:v1+s17+$0x0], $0xffff;
	_ =	sdelay $0x1  }
0x351: {  	v53 =	vld.idx.msk [tilespmem:v19+s30+$0x0], $0xffff;
	_ =	sdelay $0x2  }
0x352: {  	v46 =	vsub.f32 $1.000000000e+00, v52;
	_ =	sdelay $0x1  }
0x353: {  	v46 =	vmul.f32 v46, v53  }
0x354: {  	v54 =	vld [tilespmem:$0x6400]  }
0x355: {  	vm9 =	vlt.f32 v38, v46;
	vm10 =	vlt.f32 v39, v46  }
0x356: {  	v38 =	vsel vm9, $0x1, v10;
	v39 =	vsel vm10, $0x1, v10;
	vm9 =	vlt.f32 v40, v46  }
0x357: {  	v38 =	vadd.s32 v39, v38;
	v55 =	vsel vm9, $0x1, v10;
	vm9 =	vlt.f32 v41, v46  }
0x358: {  	v38 =	vadd.s32 v55, v38;
	v56 =	vsel vm9, $0x1, v10;
	vm9 =	vlt.f32 v42, v46  }
0x359: {  	(xrf2) =	vadd.scan.msk.f32 $0xffff, v54;
	v38 =	vadd.s32 v56, v38;
	v57 =	vsel vm9, $0x1, v10;
	vm9 =	vlt.f32 v43, v46  }
0x35a: {  	v38 =	vadd.s32 v57, v38;
	v58 =	vsel vm9, $0x1, v10;
	vm9 =	vlt.f32 v44, v46  }
0x35b: {  	v38 =	vadd.s32 v58, v38;
	v59 =	vsel vm9, $0x1, v10;
	vm9 =	vlt.f32 v45, v46  }
0x35c: {  	v61 =	vld [tilespmem:$0x6410];
	v38 =	vadd.s32 v59, v38;
	v60 =	vsel vm9, $0x1, v10  }
0x35d: {  	v38 =	vadd.s32 v60, v38  }
0x35e: {  	(xrf0) =	vadd.scan.msk.s32 $0xffff, v38;
	_ =	sdelay $0x2  }
0x35f: {  	(xrf2) =	vadd.scan.msk.f32 $0xffff, v61;
	_ =	sdelay $0x1  }
0x360: {  	v39, _, _ =	vpop (xrf2)  }
0x361: {  	v63 =	vadd.f32 $0.0e+00, v39;
	v44 =	vld [tilespmem:$0x6420];
	v62, _, _ =	vpop (xrf0)  }
0x362: {  	[tilespmem:$0x6780] =	vst v62  }
0x363: {  	v38 =	vld.idx.msk [tilespmem:v12+s31+$0x0], $0xffff;
	[tilespmem:$0x6700] =	vst v63  }
0x364: {  	v40 =	vld.idx.msk [tilespmem:v12+s30+$0x0], $0xffff;
	_ =	sdelay $0x1  }
0x365: {  	(xrf2) =	vadd.scan.msk.f32 $0xffff, v44;
	_ =	sdelay $0x1  }
0x366: {  	v45, _, _ =	vpop (xrf2)  }
0x367: {  	v46 =	vld [tilespmem:$0x6430];
	v40 =	vadd.f32 v45, v40;
	_ =	sdelay $0x1  }
0x368: {  	[tilespmem:$0x6710] =	vst v40  }
0x369: {  	v47 =	vld.idx.msk [tilespmem:v13+s30+$0x0], $0xffff;
	_ =	sdelay $0x1  }
0x36a: {  	(xrf2) =	vadd.scan.msk.f32 $0xffff, v46;
	_ =	sdelay $0x1  }
0x36b: {  	v48, _, _ =	vpop (xrf2)  }
0x36c: {  	v49 =	vld [tilespmem:$0x6440];
	v41 =	vadd.f32 v48, v47;
	_ =	sdelay $0x1  }
0x36d: {  	[tilespmem:$0x6720] =	vst v41  }
0x36e: {  	v50 =	vld.idx.msk [tilespmem:v14+s30+$0x0], $0xffff;
	_ =	sdelay $0x1  }
0x36f: {  	(xrf2) =	vadd.scan.msk.f32 $0xffff, v49;
	_ =	sdelay $0x1  }
0x370: {  	v51, _, _ =	vpop (xrf2)  }
0x371: {  	v52 =	vld [tilespmem:$0x6450];
	v42 =	vadd.f32 v51, v50;
	_ =	sdelay $0x1  }
0x372: {  	[tilespmem:$0x6730] =	vst v42  }
0x373: {  	v53 =	vld.idx.msk [tilespmem:v15+s30+$0x0], $0xffff;
	_ =	sdelay $0x1  }
0x374: {  	(xrf2) =	vadd.scan.msk.f32 $0xffff, v52;
	_ =	sdelay $0x1  }
0x375: {  	v54, _, _ =	vpop (xrf2)  }
0x376: {  	v55 =	vld [tilespmem:$0x6460];
	v43 =	vadd.f32 v54, v53;
	_ =	sdelay $0x1  }
0x377: {  	[tilespmem:$0x6740] =	vst v43  }
0x378: {  	v56 =	vld.idx.msk [tilespmem:v16+s30+$0x0], $0xffff;
	_ =	sdelay $0x1  }
0x379: {  	(xrf2) =	vadd.scan.msk.f32 $0xffff, v55;
	_ =	sdelay $0x1  }
0x37a: {  	v57, _, _ =	vpop (xrf2)  }
0x37b: {  	v58 =	vld [tilespmem:$0x6470];
	v44 =	vadd.f32 v57, v56;
	_ =	sdelay $0x1  }
0x37c: {  	[tilespmem:$0x6750] =	vst v44  }
0x37d: {  	v59 =	vld.idx.msk [tilespmem:v17+s30+$0x0], $0xffff;
	_ =	sdelay $0x1  }
0x37e: {  	(xrf2) =	vadd.scan.msk.f32 $0xffff, v58;
	_ =	sdelay $0x1  }
0x37f: {  	v60, _, _ =	vpop (xrf2)  }
0x380: {  	v45 =	vadd.f32 v60, v59;
	_ =	sdelay $0x1  }
0x381: {  	[tilespmem:$0x6760] =	vst v45  }
0x382: {  	v61 =	vld.idx.msk [tilespmem:v18+s30+$0x0], $0xffff;
	_ =	sdelay $0x3  }
0x383: {  	v62, _, _ =	vpop (xrf2)  }
0x384: {  	v46 =	vadd.f32 v62, v61;
	_ =	sdelay $0x1  }
0x385: {  	[tilespmem:$0x6770] =	vst v46  }
0x386: {  	v63 =	vld.idx.msk [tilespmem:v2+s17+$0x0], $0xffff;
	_ =	sdelay $0x1  }
0x387: {  	v48 =	vld.idx.msk [tilespmem:v19+s30+$0x0], $0xffff;
	_ =	sdelay $0x2  }
0x388: {  	v47 =	vsub.f32 $1.000000000e+00, v63;
	_ =	sdelay $0x1  }
0x389: {  	v47 =	vmul.f32 v47, v48  }
0x38a: {  	v48 =	vld [tilespmem:$0x6480]  }
0x38b: {  	vm9 =	vlt.f32 v39, v47;
	vm10 =	vlt.f32 v40, v47  }
0x38c: {  	v39 =	vsel vm9, $0x1, v10;
	v40 =	vsel vm10, $0x1, v10;
	vm9 =	vlt.f32 v41, v47  }
0x38d: {  	v39 =	vadd.s32 v40, v39;
	v49 =	vsel vm9, $0x1, v10;
	vm9 =	vlt.f32 v42, v47  }
0x38e: {  	v39 =	vadd.s32 v49, v39;
	v50 =	vsel vm9, $0x1, v10;
	vm9 =	vlt.f32 v43, v47  }
0x38f: {  	(xrf2) =	vadd.scan.msk.f32 $0xffff, v48;
	v39 =	vadd.s32 v50, v39;
	v51 =	vsel vm9, $0x1, v10;
	vm9 =	vlt.f32 v44, v47  }
0x390: {  	v39 =	vadd.s32 v51, v39;
	v52 =	vsel vm9, $0x1, v10;
	vm9 =	vlt.f32 v45, v47  }
0x391: {  	v39 =	vadd.s32 v52, v39;
	v53 =	vsel vm9, $0x1, v10;
	vm9 =	vlt.f32 v46, v47  }
0x392: {  	v55 =	vld [tilespmem:$0x6490];
	v39 =	vadd.s32 v53, v39;
	v54 =	vsel vm9, $0x1, v10  }
0x393: {  	v39 =	vadd.s32 v54, v39  }
0x394: {  	(xrf0) =	vadd.scan.msk.s32 $0xffff, v39;
	_ =	sdelay $0x2  }
0x395: {  	(xrf2) =	vadd.scan.msk.f32 $0xffff, v55;
	_ =	sdelay $0x1  }
0x396: {  	v40, _, _ =	vpop (xrf2)  }
0x397: {  	v58 =	vld [tilespmem:$0x64A0];
	v57 =	vadd.f32 $0.0e+00, v40;
	v56, _, _ =	vpop (xrf0)  }
0x398: {  	[tilespmem:$0x6780] =	vst v56  }
0x399: {  	v39 =	vld.idx.msk [tilespmem:v12+s31+$0x0], $0xffff;
	[tilespmem:$0x6700] =	vst v57  }
0x39a: {  	v41 =	vld.idx.msk [tilespmem:v12+s30+$0x0], $0xffff;
	_ =	sdelay $0x1  }
0x39b: {  	(xrf2) =	vadd.scan.msk.f32 $0xffff, v58;
	_ =	sdelay $0x1  }
0x39c: {  	v59, _, _ =	vpop (xrf2)  }
0x39d: {  	v60 =	vld [tilespmem:$0x64B0];
	v41 =	vadd.f32 v59, v41;
	_ =	sdelay $0x1  }
0x39e: {  	[tilespmem:$0x6710] =	vst v41  }
0x39f: {  	v61 =	vld.idx.msk [tilespmem:v13+s30+$0x0], $0xffff;
	_ =	sdelay $0x1  }
0x3a0: {  	(xrf2) =	vadd.scan.msk.f32 $0xffff, v60;
	_ =	sdelay $0x1  }
0x3a1: {  	v62, _, _ =	vpop (xrf2)  }
0x3a2: {  	v63 =	vld [tilespmem:$0x64C0];
	v42 =	vadd.f32 v62, v61;
	_ =	sdelay $0x1  }
0x3a3: {  	[tilespmem:$0x6720] =	vst v42  }
0x3a4: {  	v48 =	vld.idx.msk [tilespmem:v14+s30+$0x0], $0xffff;
	_ =	sdelay $0x1  }
0x3a5: {  	(xrf2) =	vadd.scan.msk.f32 $0xffff, v63;
	_ =	sdelay $0x1  }
0x3a6: {  	v49, _, _ =	vpop (xrf2)  }
0x3a7: {  	v50 =	vld [tilespmem:$0x64D0];
	v43 =	vadd.f32 v49, v48;
	_ =	sdelay $0x1  }
0x3a8: {  	[tilespmem:$0x6730] =	vst v43  }
0x3a9: {  	v51 =	vld.idx.msk [tilespmem:v15+s30+$0x0], $0xffff;
	_ =	sdelay $0x1  }
0x3aa: {  	(xrf2) =	vadd.scan.msk.f32 $0xffff, v50;
	_ =	sdelay $0x1  }
0x3ab: {  	v52, _, _ =	vpop (xrf2)  }
0x3ac: {  	v53 =	vld [tilespmem:$0x64E0];
	v44 =	vadd.f32 v52, v51;
	_ =	sdelay $0x1  }
0x3ad: {  	[tilespmem:$0x6740] =	vst v44  }
0x3ae: {  	v54 =	vld.idx.msk [tilespmem:v16+s30+$0x0], $0xffff;
	_ =	sdelay $0x1  }
0x3af: {  	(xrf2) =	vadd.scan.msk.f32 $0xffff, v53;
	_ =	sdelay $0x1  }
0x3b0: {  	v55, _, _ =	vpop (xrf2)  }
0x3b1: {  	v56 =	vld [tilespmem:$0x64F0];
	v45 =	vadd.f32 v55, v54;
	_ =	sdelay $0x1  }
0x3b2: {  	[tilespmem:$0x6750] =	vst v45  }
0x3b3: {  	v57 =	vld.idx.msk [tilespmem:v17+s30+$0x0], $0xffff;
	_ =	sdelay $0x1  }
0x3b4: {  	(xrf2) =	vadd.scan.msk.f32 $0xffff, v56;
	_ =	sdelay $0x1  }
0x3b5: {  	v58, _, _ =	vpop (xrf2)  }
0x3b6: {  	v46 =	vadd.f32 v58, v57;
	_ =	sdelay $0x1  }
0x3b7: {  	[tilespmem:$0x6760] =	vst v46  }
0x3b8: {  	v59 =	vld.idx.msk [tilespmem:v18+s30+$0x0], $0xffff;
	_ =	sdelay $0x3  }
0x3b9: {  	v60, _, _ =	vpop (xrf2)  }
0x3ba: {  	v47 =	vadd.f32 v60, v59;
	_ =	sdelay $0x1  }
0x3bb: {  	[tilespmem:$0x6770] =	vst v47  }
0x3bc: {  	v61 =	vld.idx.msk [tilespmem:v3+s17+$0x0], $0xffff;
	_ =	sdelay $0x1  }
0x3bd: {  	v49 =	vld.idx.msk [tilespmem:v19+s30+$0x0], $0xffff;
	_ =	sdelay $0x2  }
0x3be: {  	v48 =	vsub.f32 $1.000000000e+00, v61;
	_ =	sdelay $0x1  }
0x3bf: {  	v48 =	vmul.f32 v48, v49  }
0x3c0: {  	v62 =	vld [tilespmem:$0x6500]  }
0x3c1: {  	vm9 =	vlt.f32 v40, v48;
	vm10 =	vlt.f32 v41, v48  }
0x3c2: {  	v40 =	vsel vm9, $0x1, v10;
	v41 =	vsel vm10, $0x1, v10;
	vm9 =	vlt.f32 v42, v48  }
0x3c3: {  	v40 =	vadd.s32 v41, v40;
	v63 =	vsel vm9, $0x1, v10;
	vm9 =	vlt.f32 v43, v48  }
0x3c4: {  	v40 =	vadd.s32 v63, v40;
	v49 =	vsel vm9, $0x1, v10;
	vm9 =	vlt.f32 v44, v48  }
0x3c5: {  	(xrf2) =	vadd.scan.msk.f32 $0xffff, v62;
	v40 =	vadd.s32 v49, v40;
	v50 =	vsel vm9, $0x1, v10;
	vm9 =	vlt.f32 v45, v48  }
0x3c6: {  	v40 =	vadd.s32 v50, v40;
	v51 =	vsel vm9, $0x1, v10;
	vm9 =	vlt.f32 v46, v48  }
0x3c7: {  	v40 =	vadd.s32 v51, v40;
	v52 =	vsel vm9, $0x1, v10;
	vm9 =	vlt.f32 v47, v48  }
0x3c8: {  	v54 =	vld [tilespmem:$0x6510];
	v40 =	vadd.s32 v52, v40;
	v53 =	vsel vm9, $0x1, v10  }
0x3c9: {  	v40 =	vadd.s32 v53, v40  }
0x3ca: {  	(xrf0) =	vadd.scan.msk.s32 $0xffff, v40;
	_ =	sdelay $0x2  }
0x3cb: {  	(xrf2) =	vadd.scan.msk.f32 $0xffff, v54;
	_ =	sdelay $0x1  }
0x3cc: {  	v41, _, _ =	vpop (xrf2)  }
0x3cd: {  	v57 =	vld [tilespmem:$0x6520];
	v56 =	vadd.f32 $0.0e+00, v41;
	v55, _, _ =	vpop (xrf0)  }
0x3ce: {  	[tilespmem:$0x6780] =	vst v55  }
0x3cf: {  	v40 =	vld.idx.msk [tilespmem:v12+s31+$0x0], $0xffff;
	[tilespmem:$0x6700] =	vst v56  }
0x3d0: {  	v42 =	vld.idx.msk [tilespmem:v12+s30+$0x0], $0xffff;
	_ =	sdelay $0x1  }
0x3d1: {  	(xrf2) =	vadd.scan.msk.f32 $0xffff, v57;
	_ =	sdelay $0x1  }
0x3d2: {  	v58, _, _ =	vpop (xrf2)  }
0x3d3: {  	v59 =	vld [tilespmem:$0x6530];
	v42 =	vadd.f32 v58, v42;
	_ =	sdelay $0x1  }
0x3d4: {  	[tilespmem:$0x6710] =	vst v42  }
0x3d5: {  	v60 =	vld.idx.msk [tilespmem:v13+s30+$0x0], $0xffff;
	_ =	sdelay $0x1  }
0x3d6: {  	(xrf2) =	vadd.scan.msk.f32 $0xffff, v59;
	_ =	sdelay $0x1  }
0x3d7: {  	v61, _, _ =	vpop (xrf2)  }
0x3d8: {  	v62 =	vld [tilespmem:$0x6540];
	v43 =	vadd.f32 v61, v60;
	_ =	sdelay $0x1  }
0x3d9: {  	[tilespmem:$0x6720] =	vst v43  }
0x3da: {  	v63 =	vld.idx.msk [tilespmem:v14+s30+$0x0], $0xffff;
	_ =	sdelay $0x1  }
0x3db: {  	(xrf2) =	vadd.scan.msk.f32 $0xffff, v62;
	_ =	sdelay $0x1  }
0x3dc: {  	v48, _, _ =	vpop (xrf2)  }
0x3dd: {  	v49 =	vld [tilespmem:$0x6550];
	v44 =	vadd.f32 v48, v63;
	_ =	sdelay $0x1  }
0x3de: {  	[tilespmem:$0x6730] =	vst v44  }
0x3df: {  	v50 =	vld.idx.msk [tilespmem:v15+s30+$0x0], $0xffff;
	_ =	sdelay $0x1  }
0x3e0: {  	(xrf2) =	vadd.scan.msk.f32 $0xffff, v49;
	_ =	sdelay $0x1  }
0x3e1: {  	v51, _, _ =	vpop (xrf2)  }
0x3e2: {  	v52 =	vld [tilespmem:$0x6560];
	v45 =	vadd.f32 v51, v50;
	_ =	sdelay $0x1  }
0x3e3: {  	[tilespmem:$0x6740] =	vst v45  }
0x3e4: {  	v53 =	vld.idx.msk [tilespmem:v16+s30+$0x0], $0xffff;
	_ =	sdelay $0x1  }
0x3e5: {  	(xrf2) =	vadd.scan.msk.f32 $0xffff, v52;
	_ =	sdelay $0x1  }
0x3e6: {  	v54, _, _ =	vpop (xrf2)  }
0x3e7: {  	v55 =	vld [tilespmem:$0x6570];
	v46 =	vadd.f32 v54, v53;
	_ =	sdelay $0x1  }
0x3e8: {  	[tilespmem:$0x6750] =	vst v46  }
0x3e9: {  	v56 =	vld.idx.msk [tilespmem:v17+s30+$0x0], $0xffff;
	_ =	sdelay $0x1  }
0x3ea: {  	(xrf2) =	vadd.scan.msk.f32 $0xffff, v55;
	_ =	sdelay $0x1  }
0x3eb: {  	v57, _, _ =	vpop (xrf2)  }
0x3ec: {  	v47 =	vadd.f32 v57, v56;
	_ =	sdelay $0x1  }
0x3ed: {  	[tilespmem:$0x6760] =	vst v47  }
0x3ee: {  	v58 =	vld.idx.msk [tilespmem:v18+s30+$0x0], $0xffff;
	_ =	sdelay $0x3  }
0x3ef: {  	v59, _, _ =	vpop (xrf2)  }
0x3f0: {  	v48 =	vadd.f32 v59, v58;
	_ =	sdelay $0x1  }
0x3f1: {  	[tilespmem:$0x6770] =	vst v48  }
0x3f2: {  	v60 =	vld.idx.msk [tilespmem:v4+s17+$0x0], $0xffff;
	_ =	sdelay $0x1  }
0x3f3: {  	v50 =	vld.idx.msk [tilespmem:v19+s30+$0x0], $0xffff;
	_ =	sdelay $0x2  }
0x3f4: {  	v49 =	vsub.f32 $1.000000000e+00, v60;
	_ =	sdelay $0x1  }
0x3f5: {  	v49 =	vmul.f32 v49, v50  }
0x3f6: {  	v61 =	vld [tilespmem:$0x6580]  }
0x3f7: {  	vm9 =	vlt.f32 v41, v49;
	vm10 =	vlt.f32 v42, v49  }
0x3f8: {  	v41 =	vsel vm9, $0x1, v10;
	v42 =	vsel vm10, $0x1, v10;
	vm9 =	vlt.f32 v43, v49  }
0x3f9: {  	v41 =	vadd.s32 v42, v41;
	v62 =	vsel vm9, $0x1, v10;
	vm9 =	vlt.f32 v44, v49  }
0x3fa: {  	v41 =	vadd.s32 v62, v41;
	v63 =	vsel vm9, $0x1, v10;
	vm9 =	vlt.f32 v45, v49  }
0x3fb: {  	(xrf2) =	vadd.scan.msk.f32 $0xffff, v61;
	v41 =	vadd.s32 v63, v41;
	v45 =	vsel vm9, $0x1, v10;
	vm9 =	vlt.f32 v46, v49  }
0x3fc: {  	v41 =	vadd.s32 v45, v41;
	v46 =	vsel vm9, $0x1, v10;
	vm9 =	vlt.f32 v47, v49  }
0x3fd: {  	v41 =	vadd.s32 v46, v41;
	v47 =	vsel vm9, $0x1, v10;
	vm9 =	vlt.f32 v48, v49  }
0x3fe: {  	v49 =	vld [tilespmem:$0x6590];
	v41 =	vadd.s32 v47, v41;
	v48 =	vsel vm9, $0x1, v10  }
0x3ff: {  	v41 =	vadd.s32 v48, v41  }
0x400: {  	(xrf0) =	vadd.scan.msk.s32 $0xffff, v41;
	_ =	sdelay $0x2  }
0x401: {  	(xrf2) =	vadd.scan.msk.f32 $0xffff, v49;
	_ =	sdelay $0x1  }
0x402: {  	v42, _, _ =	vpop (xrf2)  }
0x403: {  	v52 =	vld [tilespmem:$0x65A0];
	v51 =	vadd.f32 $0.0e+00, v42;
	v50, _, _ =	vpop (xrf0)  }
0x404: {  	[tilespmem:$0x6780] =	vst v50  }
0x405: {  	v41 =	vld.idx.msk [tilespmem:v12+s31+$0x0], $0xffff;
	[tilespmem:$0x6700] =	vst v51  }
0x406: {  	v43 =	vld.idx.msk [tilespmem:v12+s30+$0x0], $0xffff;
	_ =	sdelay $0x1  }
0x407: {  	(xrf2) =	vadd.scan.msk.f32 $0xffff, v52;
	_ =	sdelay $0x1  }
0x408: {  	v53, _, _ =	vpop (xrf2)  }
0x409: {  	v54 =	vld [tilespmem:$0x65B0];
	v43 =	vadd.f32 v53, v43;
	_ =	sdelay $0x1  }
0x40a: {  	[tilespmem:$0x6710] =	vst v43  }
0x40b: {  	v55 =	vld.idx.msk [tilespmem:v13+s30+$0x0], $0xffff;
	_ =	sdelay $0x1  }
0x40c: {  	(xrf2) =	vadd.scan.msk.f32 $0xffff, v54;
	_ =	sdelay $0x1  }
0x40d: {  	v56, _, _ =	vpop (xrf2)  }
0x40e: {  	v57 =	vld [tilespmem:$0x65C0];
	v44 =	vadd.f32 v56, v55;
	_ =	sdelay $0x1  }
0x40f: {  	[tilespmem:$0x6720] =	vst v44  }
0x410: {  	v58 =	vld.idx.msk [tilespmem:v14+s30+$0x0], $0xffff;
	_ =	sdelay $0x1  }
0x411: {  	(xrf2) =	vadd.scan.msk.f32 $0xffff, v57;
	_ =	sdelay $0x1  }
0x412: {  	v59, _, _ =	vpop (xrf2)  }
0x413: {  	v60 =	vld [tilespmem:$0x65D0];
	v45 =	vadd.f32 v59, v58;
	_ =	sdelay $0x1  }
0x414: {  	[tilespmem:$0x6730] =	vst v45  }
0x415: {  	v61 =	vld.idx.msk [tilespmem:v15+s30+$0x0], $0xffff;
	_ =	sdelay $0x1  }
0x416: {  	(xrf2) =	vadd.scan.msk.f32 $0xffff, v60;
	_ =	sdelay $0x1  }
0x417: {  	v62, _, _ =	vpop (xrf2)  }
0x418: {  	v63 =	vld [tilespmem:$0x65E0];
	v46 =	vadd.f32 v62, v61;
	_ =	sdelay $0x1  }
0x419: {  	[tilespmem:$0x6740] =	vst v46  }
0x41a: {  	v52 =	vld.idx.msk [tilespmem:v16+s30+$0x0], $0xffff;
	_ =	sdelay $0x1  }
0x41b: {  	(xrf2) =	vadd.scan.msk.f32 $0xffff, v63;
	_ =	sdelay $0x1  }
0x41c: {  	v53, _, _ =	vpop (xrf2)  }
0x41d: {  	v54 =	vld [tilespmem:$0x65F0];
	v47 =	vadd.f32 v53, v52;
	_ =	sdelay $0x1  }
0x41e: {  	[tilespmem:$0x6750] =	vst v47  }
0x41f: {  	v55 =	vld.idx.msk [tilespmem:v17+s30+$0x0], $0xffff;
	_ =	sdelay $0x1  }
0x420: {  	(xrf2) =	vadd.scan.msk.f32 $0xffff, v54;
	_ =	sdelay $0x1  }
0x421: {  	v56, _, _ =	vpop (xrf2)  }
0x422: {  	v48 =	vadd.f32 v56, v55;
	_ =	sdelay $0x1  }
0x423: {  	[tilespmem:$0x6760] =	vst v48  }
0x424: {  	v57 =	vld.idx.msk [tilespmem:v18+s30+$0x0], $0xffff;
	_ =	sdelay $0x3  }
0x425: {  	v58, _, _ =	vpop (xrf2)  }
0x426: {  	v49 =	vadd.f32 v58, v57;
	_ =	sdelay $0x1  }
0x427: {  	[tilespmem:$0x6770] =	vst v49  }
0x428: {  	v59 =	vld.idx.msk [tilespmem:v6+s17+$0x0], $0xffff;
	_ =	sdelay $0x1  }
0x429: {  	v60 =	vld.idx.msk [tilespmem:v19+s30+$0x0], $0xffff;
	_ =	sdelay $0x2  }
0x42a: {  	v50 =	vsub.f32 $1.000000000e+00, v59;
	_ =	sdelay $0x1  }
0x42b: {  	v50 =	vmul.f32 v50, v60  }
0x42c: {  	v61 =	vld [tilespmem:$0x6600]  }
0x42d: {  	vm9 =	vlt.f32 v42, v50;
	vm10 =	vlt.f32 v43, v50  }
0x42e: {  	v42 =	vsel vm9, $0x1, v10;
	v43 =	vsel vm10, $0x1, v10;
	vm9 =	vlt.f32 v44, v50  }
0x42f: {  	v42 =	vadd.s32 v43, v42;
	v62 =	vsel vm9, $0x1, v10;
	vm9 =	vlt.f32 v45, v50  }
0x430: {  	v42 =	vadd.s32 v62, v42;
	v63 =	vsel vm9, $0x1, v10;
	vm9 =	vlt.f32 v46, v50  }
0x431: {  	(xrf2) =	vadd.scan.msk.f32 $0xffff, v61;
	v42 =	vadd.s32 v63, v42;
	v45 =	vsel vm9, $0x1, v10;
	vm9 =	vlt.f32 v47, v50  }
0x432: {  	v42 =	vadd.s32 v45, v42;
	v46 =	vsel vm9, $0x1, v10;
	vm9 =	vlt.f32 v48, v50  }
0x433: {  	v42 =	vadd.s32 v46, v42;
	v47 =	vsel vm9, $0x1, v10;
	vm9 =	vlt.f32 v49, v50  }
0x434: {  	v49 =	vld [tilespmem:$0x6610];
	v42 =	vadd.s32 v47, v42;
	v48 =	vsel vm9, $0x1, v10  }
0x435: {  	v42 =	vadd.s32 v48, v42  }
0x436: {  	(xrf0) =	vadd.scan.msk.s32 $0xffff, v42;
	_ =	sdelay $0x2  }
0x437: {  	(xrf2) =	vadd.scan.msk.f32 $0xffff, v49;
	_ =	sdelay $0x1  }
0x438: {  	v43, _, _ =	vpop (xrf2)  }
0x439: {  	v52 =	vld [tilespmem:$0x6620];
	v51 =	vadd.f32 $0.0e+00, v43;
	v50, _, _ =	vpop (xrf0)  }
0x43a: {  	[tilespmem:$0x6780] =	vst v50  }
0x43b: {  	v42 =	vld.idx.msk [tilespmem:v12+s31+$0x0], $0xffff;
	[tilespmem:$0x6700] =	vst v51  }
0x43c: {  	v44 =	vld.idx.msk [tilespmem:v12+s30+$0x0], $0xffff;
	_ =	sdelay $0x1  }
0x43d: {  	(xrf2) =	vadd.scan.msk.f32 $0xffff, v52;
	_ =	sdelay $0x1  }
0x43e: {  	v53, _, _ =	vpop (xrf2)  }
0x43f: {  	v54 =	vld [tilespmem:$0x6630];
	v44 =	vadd.f32 v53, v44;
	_ =	sdelay $0x1  }
0x440: {  	[tilespmem:$0x6710] =	vst v44  }
0x441: {  	v55 =	vld.idx.msk [tilespmem:v13+s30+$0x0], $0xffff;
	_ =	sdelay $0x1  }
0x442: {  	(xrf2) =	vadd.scan.msk.f32 $0xffff, v54;
	_ =	sdelay $0x1  }
0x443: {  	v56, _, _ =	vpop (xrf2)  }
0x444: {  	v57 =	vld [tilespmem:$0x6640];
	v45 =	vadd.f32 v56, v55;
	_ =	sdelay $0x1  }
0x445: {  	[tilespmem:$0x6720] =	vst v45  }
0x446: {  	v58 =	vld.idx.msk [tilespmem:v14+s30+$0x0], $0xffff;
	_ =	sdelay $0x1  }
0x447: {  	(xrf2) =	vadd.scan.msk.f32 $0xffff, v57;
	_ =	sdelay $0x1  }
0x448: {  	v59, _, _ =	vpop (xrf2)  }
0x449: {  	v60 =	vld [tilespmem:$0x6650];
	v46 =	vadd.f32 v59, v58;
	_ =	sdelay $0x1  }
0x44a: {  	[tilespmem:$0x6730] =	vst v46  }
0x44b: {  	v61 =	vld.idx.msk [tilespmem:v15+s30+$0x0], $0xffff;
	_ =	sdelay $0x1  }
0x44c: {  	(xrf2) =	vadd.scan.msk.f32 $0xffff, v60;
	_ =	sdelay $0x1  }
0x44d: {  	v62, _, _ =	vpop (xrf2)  }
0x44e: {  	v63 =	vld [tilespmem:$0x6660];
	v47 =	vadd.f32 v62, v61;
	_ =	sdelay $0x1  }
0x44f: {  	[tilespmem:$0x6740] =	vst v47  }
0x450: {  	v52 =	vld.idx.msk [tilespmem:v16+s30+$0x0], $0xffff;
	_ =	sdelay $0x1  }
0x451: {  	(xrf2) =	vadd.scan.msk.f32 $0xffff, v63;
	_ =	sdelay $0x1  }
0x452: {  	v53, _, _ =	vpop (xrf2)  }
0x453: {  	v54 =	vld [tilespmem:$0x6670];
	v48 =	vadd.f32 v53, v52;
	_ =	sdelay $0x1  }
0x454: {  	[tilespmem:$0x6750] =	vst v48  }
0x455: {  	v55 =	vld.idx.msk [tilespmem:v17+s30+$0x0], $0xffff;
	_ =	sdelay $0x1  }
0x456: {  	(xrf2) =	vadd.scan.msk.f32 $0xffff, v54;
	_ =	sdelay $0x1  }
0x457: {  	v56, _, _ =	vpop (xrf2)  }
0x458: {  	v49 =	vadd.f32 v56, v55;
	_ =	sdelay $0x1  }
0x459: {  	[tilespmem:$0x6760] =	vst v49  }
0x45a: {  	v57 =	vld.idx.msk [tilespmem:v18+s30+$0x0], $0xffff;
	_ =	sdelay $0x3  }
0x45b: {  	v58, _, _ =	vpop (xrf2)  }
0x45c: {  	v50 =	vadd.f32 v58, v57;
	_ =	sdelay $0x1  }
0x45d: {  	[tilespmem:$0x6770] =	vst v50  }
0x45e: {  	v59 =	vld.idx.msk [tilespmem:v7+s17+$0x0], $0xffff;
	_ =	sdelay $0x1  }
0x45f: {  	v52 =	vld.idx.msk [tilespmem:v19+s30+$0x0], $0xffff;
	_ =	sdelay $0x2  }
0x460: {  	v51 =	vsub.f32 $1.000000000e+00, v59;
	_ =	sdelay $0x1  }
0x461: {  	v51 =	vmul.f32 v51, v52  }
0x462: {  	v60 =	vld [tilespmem:$0x6680]  }
0x463: {  	vm9 =	vlt.f32 v43, v51;
	vm10 =	vlt.f32 v44, v51  }
0x464: {  	v43 =	vsel vm9, $0x1, v10;
	v44 =	vsel vm10, $0x1, v10;
	vm9 =	vlt.f32 v45, v51  }
0x465: {  	v43 =	vadd.s32 v44, v43;
	v61 =	vsel vm9, $0x1, v10;
	vm9 =	vlt.f32 v46, v51  }
0x466: {  	v43 =	vadd.s32 v61, v43;
	v62 =	vsel vm9, $0x1, v10;
	vm9 =	vlt.f32 v47, v51  }
0x467: {  	(xrf2) =	vadd.scan.msk.f32 $0xffff, v60;
	v43 =	vadd.s32 v62, v43;
	v63 =	vsel vm9, $0x1, v10;
	vm9 =	vlt.f32 v48, v51  }
0x468: {  	v43 =	vadd.s32 v63, v43;
	v52 =	vsel vm9, $0x1, v10;
	vm9 =	vlt.f32 v49, v51  }
0x469: {  	v43 =	vadd.s32 v52, v43;
	v53 =	vsel vm9, $0x1, v10;
	vm9 =	vlt.f32 v50, v51  }
0x46a: {  	v55 =	vld [tilespmem:$0x6690];
	v43 =	vadd.s32 v53, v43;
	v54 =	vsel vm9, $0x1, v10  }
0x46b: {  	v43 =	vadd.s32 v54, v43  }
0x46c: {  	(xrf0) =	vadd.scan.msk.s32 $0xffff, v43;
	_ =	sdelay $0x2  }
0x46d: {  	(xrf2) =	vadd.scan.msk.f32 $0xffff, v55;
	_ =	sdelay $0x1  }
0x46e: {  	v44, _, _ =	vpop (xrf2)  }
0x46f: {  	v58 =	vld [tilespmem:$0x66A0];
	v57 =	vadd.f32 $0.0e+00, v44;
	v56, _, _ =	vpop (xrf0)  }
0x470: {  	[tilespmem:$0x6780] =	vst v56  }
0x471: {  	v43 =	vld.idx.msk [tilespmem:v12+s31+$0x0], $0xffff;
	[tilespmem:$0x6700] =	vst v57  }
0x472: {  	v45 =	vld.idx.msk [tilespmem:v12+s30+$0x0], $0xffff;
	_ =	sdelay $0x1  }
0x473: {  	(xrf2) =	vadd.scan.msk.f32 $0xffff, v58;
	_ =	sdelay $0x1  }
0x474: {  	v59, _, _ =	vpop (xrf2)  }
0x475: {  	v60 =	vld [tilespmem:$0x66B0];
	v45 =	vadd.f32 v59, v45;
	_ =	sdelay $0x1  }
0x476: {  	[tilespmem:$0x6710] =	vst v45  }
0x477: {  	v61 =	vld.idx.msk [tilespmem:v13+s30+$0x0], $0xffff;
	_ =	sdelay $0x1  }
0x478: {  	(xrf2) =	vadd.scan.msk.f32 $0xffff, v60;
	_ =	sdelay $0x1  }
0x479: {  	v62, _, _ =	vpop (xrf2)  }
0x47a: {  	v63 =	vld [tilespmem:$0x66C0];
	v46 =	vadd.f32 v62, v61;
	_ =	sdelay $0x1  }
0x47b: {  	[tilespmem:$0x6720] =	vst v46  }
0x47c: {  	v52 =	vld.idx.msk [tilespmem:v14+s30+$0x0], $0xffff;
	_ =	sdelay $0x1  }
0x47d: {  	(xrf2) =	vadd.scan.msk.f32 $0xffff, v63;
	_ =	sdelay $0x1  }
0x47e: {  	v53, _, _ =	vpop (xrf2)  }
0x47f: {  	v54 =	vld [tilespmem:$0x66D0];
	v47 =	vadd.f32 v53, v52;
	_ =	sdelay $0x1  }
0x480: {  	[tilespmem:$0x6730] =	vst v47  }
0x481: {  	v55 =	vld.idx.msk [tilespmem:v15+s30+$0x0], $0xffff;
	_ =	sdelay $0x1  }
0x482: {  	(xrf2) =	vadd.scan.msk.f32 $0xffff, v54;
	_ =	sdelay $0x1  }
0x483: {  	v56, _, _ =	vpop (xrf2)  }
0x484: {  	v57 =	vld [tilespmem:$0x66E0];
	v48 =	vadd.f32 v56, v55;
	_ =	sdelay $0x1  }
0x485: {  	[tilespmem:$0x6740] =	vst v48  }
0x486: {  	v58 =	vld.idx.msk [tilespmem:v16+s30+$0x0], $0xffff;
	_ =	sdelay $0x1  }
0x487: {  	(xrf2) =	vadd.scan.msk.f32 $0xffff, v57;
	_ =	sdelay $0x1  }
0x488: {  	v59, _, _ =	vpop (xrf2)  }
0x489: {  	v60 =	vld [tilespmem:$0x66F0];
	v49 =	vadd.f32 v59, v58;
	_ =	sdelay $0x1  }
0x48a: {  	[tilespmem:$0x6750] =	vst v49  }
0x48b: {  	v61 =	vld.idx.msk [tilespmem:v17+s30+$0x0], $0xffff;
	_ =	sdelay $0x1  }
0x48c: {  	(xrf2) =	vadd.scan.msk.f32 $0xffff, v60;
	_ =	sdelay $0x1  }
0x48d: {  	v62, _, _ =	vpop (xrf2)  }
0x48e: {  	v50 =	vadd.f32 v62, v61;
	_ =	sdelay $0x1  }
0x48f: {  	[tilespmem:$0x6760] =	vst v50  }
0x490: {  	v63 =	vld.idx.msk [tilespmem:v18+s30+$0x0], $0xffff;
	_ =	sdelay $0x3  }
0x491: {  	v56, _, _ =	vpop (xrf2)  }
0x492: {  	v51 =	vadd.f32 v56, v63;
	_ =	sdelay $0x1  }
0x493: {  	[tilespmem:$0x6770] =	vst v51  }
0x494: {  	v57 =	vld.idx.msk [tilespmem:v8+s17+$0x0], $0xffff;
	_ =	sdelay $0x1  }
0x495: {  	v53 =	vld.idx.msk [tilespmem:v19+s30+$0x0], $0xffff;
	_ =	sdelay $0x2  }
0x496: {  	v52 =	vsub.f32 $1.000000000e+00, v57;
	_ =	sdelay $0x1  }
0x497: {  	v52 =	vmul.f32 v52, v53;
	_ =	sdelay $0x1  }
0x498: {  	vm9 =	vlt.f32 v44, v52;
	vm10 =	vlt.f32 v45, v52  }
0x499: {  	v44 =	vsel vm9, $0x1, v10;
	v45 =	vsel vm10, $0x1, v10;
	vm9 =	vlt.f32 v46, v52  }
0x49a: {  	v44 =	vadd.s32 v45, v44;
	v58 =	vsel vm9, $0x1, v10;
	vm9 =	vlt.f32 v47, v52  }
0x49b: {  	v44 =	vadd.s32 v58, v44;
	v59 =	vsel vm9, $0x1, v10;
	vm9 =	vlt.f32 v48, v52  }
0x49c: {  	v44 =	vadd.s32 v59, v44;
	v60 =	vsel vm9, $0x1, v10;
	vm9 =	vlt.f32 v49, v52  }
0x49d: {  	v44 =	vadd.s32 v60, v44;
	v61 =	vsel vm9, $0x1, v10;
	vm9 =	vlt.f32 v50, v52  }
0x49e: {  	v44 =	vadd.s32 v61, v44;
	v62 =	vsel vm9, $0x1, v10;
	vm9 =	vlt.f32 v51, v52  }
0x49f: {  	v44 =	vadd.s32 v62, v44;
	v63 =	vsel vm9, $0x1, v10  }
0x4a0: {  	v44 =	vadd.s32 v63, v44  }
0x4a1: {  	(xrf0) =	vadd.scan.msk.s32 $0xffff, v44;
	_ =	sdelay $0x2  }
.Ltmp34:
0x4a2: {  	_ = 	snop;
	(pc) =	sbr.rel @p0 .LBB2_59-.Ltmp34, $3  }
0x4a3: {  	_ =	sdelay $0x1  }
0x4a4: {  	v44, _, _ =	vpop (xrf0)  }
0x4a5: {  	[tilespmem:$0x6780] =	vst v44  }
0x4a6: {  	v36 =	vmul.f32 $1.442695020e+00, v36;
	_ =	sdelay $0x1  }
0x4a7: {  	(erf) = vpow2.f32 v36;
	_ =	sdelay $0x6  }
0x4a8: {  	v20 =	vmul.f32 v21, v20  }
0x4a9: {  	v22 =	vmul.f32 v23, v22;
	v24 =	vmul.f32 v25, v24  }
0x4aa: {  	v48 =	vnsel vm1, $0x0, v21;
	v49 =	vmul.f32 v27, v26;
	v50 =	vmul.f32 v29, v28;
	v36 =	vpop (erf)  }
0x4ab: {  	v51 =	vmul.f32 v31, v30;
	v52 =	vmul.f32 v35, v33;
	v34 =	vadd.f32 v36, v34  }
0x4ac: {  	vm9 =	vmmov $0xff;
	vm10 =	vlt.s32 v37, $0x7F;
	v21 =	vsel vm2, v48, v23  }
0x4ad: {  	v55 =	vnsel vm10, $0x7F, v37;
	vm10 =	vlt.s32 v38, $0x7F;
	(erf) = vrcp.f32 v34  }
0x4ae: {  	v63 =	vnsel vm9, $0x0, v32;
	v20 =	vnsel vm1, $0x0, v20;
	v21 =	vsel vm3, v21, v25  }
0x4af: {  	v57 =	vnsel vm10, $0x7F, v38;
	vm10 =	vlt.s32 v39, $0x7F;
	v20 =	vsel vm2, v20, v22  }
0x4b0: {  	v21 =	vsel vm4, v21, v27;
	v22 =	vnsel vm1, $0x0, v55;
	v58 =	vnsel vm10, $0x7F, v39  }
0x4b1: {  	vm10 =	vlt.s32 v40, $0x7F;
	v20 =	vsel vm3, v20, v24;
	v21 =	vsel vm5, v21, v29  }
0x4b2: {  	v56 =	vld.idx.msk [tilespmem:v12+s31+$0x0], $0xffff;
	v22 =	vsel vm2, v22, v57;
	v59 =	vnsel vm10, $0x7F, v40;
	vm10 =	vlt.s32 v41, $0x7F  }
0x4b3: {  	v20 =	vsel vm4, v20, v49;
	v21 =	vsel vm6, v21, v31;
	v22 =	vsel vm3, v22, v58  }
0x4b4: {  	v60 =	vnsel vm10, $0x7F, v41;
	vm10 =	vlt.s32 v42, $0x7F;
	v20 =	vsel vm5, v20, v50  }
0x4b5: {  	v21 =	vsel vm7, v21, v35;
	v22 =	vsel vm4, v22, v59;
	v61 =	vnsel vm10, $0x7F, v42  }
0x4b6: {  	vm10 =	vlt.s32 v43, $0x7F;
	v20 =	vsel vm6, v20, v51;
	v22 =	vsel vm5, v22, v60;
	v53 =	vpop (erf)  }
0x4b7: {  	v62 =	vnsel vm10, $0x7F, v43;
	vm10 =	vlt.s32 v56, $0x7F;
	v54 =	vmul.f32 v53, v36  }
0x4b8: {  	[tilespmem:$0x6900] =	vst v63;
	v20 =	vsel vm7, v20, v52;
	v22 =	vsel vm6, v22, v61;
	v21 =	vsel vm8, v21, v53  }
0x4b9: {  	v23 =	vnsel vm10, $0x7F, v56;
	v22 =	vsel vm7, v22, v62;
	[tilespmem:$0x6800] =	vst v21;
	v20 =	vsel vm8, v20, v54  }
0x4ba: {  	[tilespmem:$0x6880] =	vst v20;
	v20 =	vsel vm8, v22, v23  }
0x4bb: {  	s1 =	rddreg [dreg:$0x8];
	s2 =	simm.s32 $0x6800;
	[tilespmem:$0x6980] =	vst v20  }
0x4bc: {  	[hbm4b:s1+s4] =	stream.linear.scatter [tilespmem:s2], [sflag:$0x1], $0x8, $0x38;
	[tilespmem:$0x6A00] =	vst v63  }
0x4bd: {  	s21 =	rddreg [dreg:$0x9];
	s22 =	simm.s32 $0x6880  }
0x4be: {  	[hbm4b:s21+s4] =	stream.linear.scatter [tilespmem:s22], [sflag:$0x1], $0x8, $0x38;
	[tilespmem:$0x6A00] =	vst v63  }
0x4bf: {  	s23 =	rddreg [dreg:$0xa];
	s24 =	simm.s32 $0x6900  }
0x4c0: {  	[hbm4b:s23+s4] =	stream.linear.scatter [tilespmem:s24], [sflag:$0x1], $0x8, $0x38;
	[tilespmem:$0x6A00] =	vst v63  }
0x4c1: {  	s25 =	rddreg [dreg:$0xb];
	s26 =	simm.s32 $0x6980  }
0x4c2: {  	[hbm4b:s25+s4] =	stream.linear.scatter [tilespmem:s26], [sflag:$0x1], $0x8, $0x38;
	[tilespmem:$0x6A00] =	vst v63  }
0x4c3: {  	_ =	swait.ge [sflag:s29], $0x8  }
0x4c4: {  	[sflag:s29] =	ssyncset.done $0x0  }
0x4c5: {  	[sflag:s29] =	ssyncadd.s32 $0xFFFFFFF8  }
0x4c6: {  	_ =	swait.ge [sflag:s29], $0x8  }
0x4c7: {  	[sflag:s29] =	ssyncset.done $0x0  }
0x4c8: {  	[sflag:s29] =	ssyncadd.s32 $0xFFFFFFF8  }
0x4c9: {  	_ =	swait.ge [sflag:s29], $0x8  }
.Ltmp35:
0x4ca: {  	[sflag:s29] =	ssyncset.done $0x0;
	(pc) =	sbr.rel .LBB2_59-.Ltmp35, $4  }
0x4cb: {  	[sflag:s29] =	ssyncadd.s32 $0xFFFFFFF8  }
0x4cc: {  	_ =	swait.ge [sflag:s29], $0x8  }
0x4cd: {  	[sflag:s29] =	ssyncset.done $0x0  }
0x4ce: {  	[sflag:s29] =	ssyncadd.s32 $0xFFFFFFF8  }
.LBB2_3:
.Ltmp36:
0x4cf: {  	(pc) =	sbr.rel .LBB2_7-.Ltmp36, $2  }
0x4d0: {  	_ =	sdelay $0x2  }
0x4d1: {  	s25 =	smov.u32 s28;
	s24 =	smov.u32 s26  }
.LBB2_10:
.Ltmp37:
0x4d2: {  	(pc) =	sbr.rel .LBB2_14-.Ltmp37, $2  }
0x4d3: {  	_ =	sdelay $0x2  }
0x4d4: {  	s26 =	smov.u32 s23;
	s25 =	smov.u32 s24  }
.LBB2_17:
.Ltmp38:
0x4d5: {  	(pc) =	sbr.rel .LBB2_21-.Ltmp38, $2  }
0x4d6: {  	_ =	sdelay $0x2  }
0x4d7: {  	s25 =	smov.u32 s22;
	s24 =	smov.u32 s23  }
.LBB2_24:
.Ltmp39:
0x4d8: {  	(pc) =	sbr.rel .LBB2_28-.Ltmp39, $2  }
0x4d9: {  	_ =	sdelay $0x2  }
0x4da: {  	s24 =	smov.u32 s21;
	s23 =	smov.u32 s22  }
.LBB2_31:
.Ltmp40:
0x4db: {  	(pc) =	sbr.rel .LBB2_35-.Ltmp40, $2  }
0x4dc: {  	_ =	sdelay $0x2  }
0x4dd: {  	s23 =	smov.u32 s20;
	s22 =	smov.u32 s21  }
.LBB2_38:
.Ltmp41:
0x4de: {  	(pc) =	sbr.rel .LBB2_42-.Ltmp41, $2  }
0x4df: {  	_ =	sdelay $0x2  }
0x4e0: {  	s22 =	smov.u32 s14;
	s21 =	smov.u32 s20  }
.LBB2_45:
.Ltmp42:
0x4e1: {  	(pc) =	sbr.rel .LBB2_49-.Ltmp42, $2  }
0x4e2: {  	_ =	sdelay $0x2  }
0x4e3: {  	s21 =	smov.u32 s2;
	s20 =	smov.u32 s14  }
.LBB2_52:
.Ltmp43:
0x4e4: {  	(pc) =	sbr.rel .LBB2_56-.Ltmp43, $2  }
0x4e5: {  	_ =	sdelay $0x2  }
0x4e6: {  	s14 =	smov.u32 s2;
	s5 =	smov.u32 s1  }
.LBB2_5:
.Ltmp44:
0x4e7: {  	(pc) =	sbr.rel .LBB2_7-.Ltmp44, $2  }
0x4e8: {  	_ =	sdelay $0x2  }
0x4e9: {  	s25 =	smov.u32 s28;
	s24 =	smov.u32 s26  }
.LBB2_12:
.Ltmp45:
0x4ea: {  	(pc) =	sbr.rel .LBB2_14-.Ltmp45, $2  }
0x4eb: {  	_ =	sdelay $0x2  }
0x4ec: {  	s26 =	smov.u32 s23;
	s25 =	smov.u32 s24  }
.LBB2_19:
.Ltmp46:
0x4ed: {  	(pc) =	sbr.rel .LBB2_21-.Ltmp46, $2  }
0x4ee: {  	_ =	sdelay $0x2  }
0x4ef: {  	s25 =	smov.u32 s22;
	s24 =	smov.u32 s23  }
.LBB2_26:
.Ltmp47:
0x4f0: {  	(pc) =	sbr.rel .LBB2_28-.Ltmp47, $2  }
0x4f1: {  	_ =	sdelay $0x2  }
0x4f2: {  	s24 =	smov.u32 s21;
	s23 =	smov.u32 s22  }
.LBB2_33:
.Ltmp48:
0x4f3: {  	(pc) =	sbr.rel .LBB2_35-.Ltmp48, $2  }
0x4f4: {  	_ =	sdelay $0x2  }
0x4f5: {  	s23 =	smov.u32 s20;
	s22 =	smov.u32 s21  }
.LBB2_40:
.Ltmp49:
0x4f6: {  	(pc) =	sbr.rel .LBB2_42-.Ltmp49, $2  }
0x4f7: {  	_ =	sdelay $0x2  }
0x4f8: {  	s22 =	smov.u32 s14;
	s21 =	smov.u32 s20  }
.LBB2_47:
.Ltmp50:
0x4f9: {  	(pc) =	sbr.rel .LBB2_49-.Ltmp50, $2  }
0x4fa: {  	_ =	sdelay $0x2  }
0x4fb: {  	s21 =	smov.u32 s2;
	s20 =	smov.u32 s14  }
.LBB2_54:
.Ltmp51:
0x4fc: {  	(pc) =	sbr.rel .LBB2_56-.Ltmp51, $2  }
0x4fd: {  	_ =	sdelay $0x2  }
0x4fe: {  	s14 =	smov.u32 s2;
	s5 =	smov.u32 s1  }
.LBB2_60:
0x4ff: {  	_ =	sfence.sel $0x180000  }
0x500: {  	[bflag:$0x0] =	sbarrier.arrive $0xFFFF  }
0x501: {  	_ =	strace $0x90000047  }
0x502: {  	s0 =	stileid.u32;
	[bflag:$0x2] =	sbarrier.arrive $0xFFFF  }
0x503: {  	p0 =	sne.s32 s0, $0x0;
	s0 =	rddreg [dreg:$0x7]  }
0x504: {  	s0 =	sadd.s32 @!p0 $0x100000, s0  }
0x505: {  	[sflag:s0] =	ssyncadd.tile.s32 @!p0 $0x1;
	_ =	shalt  }
.Lfunc_end2:
_tile_overlayer_lowered:
.L_overlay_start_2:
0x506: {  	(tag) =	ssettag $0x2  }
0x507: {  	s0 =	rddreg [dreg:$0x0];
	s2 =	stileid.u32  }
0x508: {  	s1 =	rddreg [dreg:$0x1];
	p0 =	sne.s32 s2, $0x0  }
0x509: {  	s3 =	rddreg [dreg:$0x2];
	[bflag:$0x3] =	sbarrier.arrive $0xFFFF;
	s2 =	simm.s32 @!p0 $0x1C03  }
0x50a: {  	[timem:s3], [sflag:s2] =	dma.local @!p0 [hbm:s0], s1  }
0x50b: {  	s0 =	simm.s32 @!p0 $0x3  }
0x50c: {  	_ =	swait.ge @!p0 [sflag:s0], s1  }
0x50d: {  	s1 =	ssub.s32 @!p0 $0x0, s1;
	[sflag:s0] =	ssyncset.done @!p0 $0x0  }
0x50e: {  	[sflag:s0] =	ssyncadd.s32 @!p0 s1  }
0x50f: {  	[bflag:$0x3] =	sbarrier.arrive $0xFFFF  }
0x510: {  	_ =	shalt  }

</sc_bundles>
